<compile_context>
chip_gen: v7x
topology: tpu7x:2x2x1
jax: 0.10.2.dev20260603
libtpu: 0.0.44.dev20260713+nightly
codegen_flags: <defaults>
</compile_context>

<pallas_src>
import functools
import math

import jax
import jax.numpy as jnp
from jax import lax
from jax.experimental import pallas as pl
from jax.experimental.pallas import tpu as pltpu
from jax.experimental.pallas import tpu_sc as plsc

NP_NODES = 100352
NWORKERS = 32
F32 = jnp.float32


def _mesh():
    return plsc.VectorSubcoreMesh(core_axis_name="c", subcore_axis_name="s")


def _wid():
    return lax.axis_index("s") * 2 + lax.axis_index("c")


def _sc_scatter(payload, w, idx, E, B=1000):
    epw = E // NWORKERS
    assert epw % B == 0
    n_chunks = epw // B
    rows_per_tile = NP_NODES // 16

    @functools.partial(
        pl.kernel,
        out_type=[
            jax.ShapeDtypeStruct((2 * NP_NODES, 16), F32),
            jax.ShapeDtypeStruct((2 * NP_NODES,), F32),
        ],
        scratch_types=[
            pltpu.VMEM_SHARED((NP_NODES, 16), F32),
            pltpu.VMEM_SHARED((NP_NODES,), F32),
            pltpu.VMEM((B, 16), F32),
            pltpu.VMEM((B,), F32),
            pltpu.VMEM((B,), jnp.int32),
        ],
        mesh=_mesh(),
        compiler_params=pltpu.CompilerParams(use_tc_tiling_on_sc=False),
    )
    def body(payload_hbm, w_hbm, idx_hbm, s_out, w_out,
             acc, accw, pbuf, wbuf, ibuf):
        cid = lax.axis_index("c")
        sid = lax.axis_index("s")
        wid = sid * 2 + cid

        def zrow(i, _):
            pbuf[i] = jnp.zeros((16,), F32)
            return 0
        lax.fori_loop(0, B, zrow, 0)

        def zrow2(i, _):
            wbuf[pl.ds(i * 16, 16)] = jnp.zeros((16,), F32)
            return 0
        lax.fori_loop(0, B // 8 // 2, zrow2, 0)
        wbuf[pl.ds(B - 16, 16)] = jnp.zeros((16,), F32)

        r0 = sid * rows_per_tile
        for z0 in (0, B, 2 * B, 3 * B, 4 * B, 5 * B, rows_per_tile - B):
            pltpu.sync_copy(pbuf, acc.at[pl.ds(r0 + z0, B)])
            pltpu.sync_copy(wbuf, accw.at[pl.ds(r0 + z0, B)])
        plsc.subcore_barrier()

        def chunk(j, _):
            off = wid * epw + j * B
            pltpu.sync_copy(payload_hbm.at[pl.ds(off, B)], pbuf)
            pltpu.sync_copy(w_hbm.at[pl.ds(off, B)], wbuf)
            pltpu.sync_copy(idx_hbm.at[pl.ds(off, B)], ibuf)
            pltpu.sync_copy(pbuf, acc.at[ibuf], add=True)
            pltpu.sync_copy(wbuf, accw.at[ibuf], add=True)
            return 0
        lax.fori_loop(0, n_chunks, chunk, 0)

        plsc.subcore_barrier()
        o0 = cid * NP_NODES + r0
        pltpu.sync_copy(acc.at[pl.ds(r0, rows_per_tile)],
                        s_out.at[pl.ds(o0, rows_per_tile)])
        pltpu.sync_copy(accw.at[pl.ds(r0, rows_per_tile)],
                        w_out.at[pl.ds(o0, rows_per_tile)])

    s2, w2 = body(payload, w, idx)
    return s2.reshape(2, NP_NODES, 16), w2.reshape(2, NP_NODES)


def _sc_gather(table, idx, B=1000):
    E = idx.shape[0]
    N, D = table.shape
    epw = E // NWORKERS
    assert epw % B == 0
    n_chunks = epw // B

    @functools.partial(
        pl.kernel,
        out_type=jax.ShapeDtypeStruct((E, D), F32),
        scratch_types=[
            pltpu.VMEM((B,), jnp.int32),
            pltpu.VMEM((B, D), F32),
            pltpu.SemaphoreType.DMA,
        ],
        mesh=_mesh(),
        compiler_params=pltpu.CompilerParams(use_tc_tiling_on_sc=False),
    )
    def body(table_hbm, idx_hbm, out_hbm, ibuf, rbuf, sem):
        wid = _wid()

        def chunk(j, _):
            off = wid * epw + j * B
            pltpu.sync_copy(idx_hbm.at[pl.ds(off, B)], ibuf)
            pltpu.async_copy(table_hbm.at[ibuf], rbuf, sem).wait()
            pltpu.sync_copy(rbuf, out_hbm.at[pl.ds(off, B)])
            return 0
        lax.fori_loop(0, n_chunks, chunk, 0)

    return body(table, idx)


def _sc_counts(vi, ci, E, B=2000):
    epw = E // NWORKERS
    assert epw % B == 0
    n_chunks = epw // B
    rows_per_tile = NP_NODES // 16

    @functools.partial(
        pl.kernel,
        out_type=[
            jax.ShapeDtypeStruct((2 * NP_NODES,), F32),
            jax.ShapeDtypeStruct((2 * NP_NODES,), F32),
        ],
        scratch_types=[
            pltpu.VMEM_SHARED((NP_NODES,), F32),
            pltpu.VMEM_SHARED((NP_NODES,), F32),
            pltpu.VMEM((B,), F32),
            pltpu.VMEM((B,), F32),
            pltpu.VMEM((B,), jnp.int32),
            pltpu.VMEM((B,), jnp.int32),
        ],
        mesh=_mesh(),
        compiler_params=pltpu.CompilerParams(use_tc_tiling_on_sc=False),
    )
    def body(vi_hbm, ci_hbm, cv_out, cc_out,
             accv, accc, zeros_b, ones, ivbuf, icbuf):
        cid = lax.axis_index("c")
        sid = lax.axis_index("s")
        wid = sid * 2 + cid

        def zrow(i, _):
            zeros_b[pl.ds(i * 16, 16)] = jnp.zeros((16,), F32)
            ones[pl.ds(i * 16, 16)] = jnp.ones((16,), F32)
            return 0
        lax.fori_loop(0, B // 16, zrow, 0)

        r0 = sid * rows_per_tile
        for z0 in (0, B, 2 * B, rows_per_tile - B):
            pltpu.sync_copy(zeros_b, accv.at[pl.ds(r0 + z0, B)])
            pltpu.sync_copy(zeros_b, accc.at[pl.ds(r0 + z0, B)])
        plsc.subcore_barrier()

        def chunk(j, _):
            off = wid * epw + j * B
            pltpu.sync_copy(vi_hbm.at[pl.ds(off, B)], ivbuf)
            pltpu.sync_copy(ci_hbm.at[pl.ds(off, B)], icbuf)
            pltpu.sync_copy(ones, accv.at[ivbuf], add=True)
            pltpu.sync_copy(ones, accc.at[icbuf], add=True)
            return 0
        lax.fori_loop(0, n_chunks, chunk, 0)

        plsc.subcore_barrier()
        o0 = cid * NP_NODES + r0
        pltpu.sync_copy(accv.at[pl.ds(r0, rows_per_tile)],
                        cv_out.at[pl.ds(o0, rows_per_tile)])
        pltpu.sync_copy(accc.at[pl.ds(r0, rows_per_tile)],
                        cc_out.at[pl.ds(o0, rows_per_tile)])

    cv2, cc2 = body(vi, ci)
    return cv2.reshape(2, NP_NODES), cc2.reshape(2, NP_NODES)


_DEBUG_XLA_SCATTER = False


def _linear(x, W, b):
    return x @ W + b


def _tc_edge_conv(kjf, vjf, qdf, el8, elp8, p):
    R = kjf.shape[0]
    BR = 4000
    assert R % BR == 0
    eye8 = jnp.eye(8, dtype=F32)
    WeL = jnp.kron(eye8, p['We'][:8])
    WeP = jnp.kron(eye8, p['We'][8:12])
    be8 = jnp.tile(p['be'], 8)[None, :]
    Gsum = jnp.repeat(eye8, 16, axis=0)
    Gbc = jnp.repeat(eye8, 16, axis=1)
    scale = 0.25

    def body(kj_r, vj_r, qd_r, el_r, elp_r, wel_r, wep_r, be_r, gs_r, gb_r,
             pay_r, w_r):
        e1 = jnp.dot(el_r[...], wel_r[...], preferred_element_type=F32)
        e1 += jnp.dot(elp_r[...], wep_r[...], preferred_element_type=F32)
        e1 += be_r[...]
        tq = qd_r[...] * (kj_r[...] + e1)
        alpha = jnp.dot(tq, gs_r[...], preferred_element_type=F32) * scale
        w = jnp.exp(alpha)
        wb = jnp.dot(w, gb_r[...], preferred_element_type=F32)
        pay_r[...] = wb * (vj_r[...] + e1)
        w_r[...] = w

    full = lambda shape: pl.BlockSpec(shape, lambda i: (0, 0))
    rows = lambda w_: pl.BlockSpec((BR, w_), lambda i: (i, 0))
    return pl.pallas_call(
        body,
        grid=(R // BR,),
        in_specs=[rows(128), rows(128), rows(128), rows(64), rows(32),
                  full((64, 128)), full((32, 128)), full((1, 128)),
                  full((128, 8)), full((8, 128))],
        out_specs=[rows(128), rows(8)],
        out_shape=[jax.ShapeDtypeStruct((R, 128), F32),
                   jax.ShapeDtypeStruct((R, 8), F32)],
    )(kjf, vjf, qdf, el8, elp8, WeL, WeP, be8, Gsum, Gbc)


def _tc_edge_mlp(pvf, pcf, el8, elp8, ep):
    R = pvf.shape[0]
    BR = 4000
    assert R % BR == 0
    eye8 = jnp.eye(8, dtype=F32)
    W1 = ep['edge_mlp']['W1']
    W1L = jnp.kron(eye8, W1[:8])
    W1P = jnp.kron(eye8, W1[8:12])
    i8 = jnp.eye(8, dtype=F32)
    Wpp = jnp.kron(eye8, jnp.concatenate([i8, i8], axis=0))
    b1 = jnp.tile(ep['edge_mlp']['b1'], 8)[None, :]
    W2 = jnp.kron(eye8, ep['edge_mlp']['W2'])
    b2 = jnp.tile(ep['edge_mlp']['b2'], 8)[None, :]

    def body(pv_r, pc_r, el_r, elp_r, w1l_r, w1p_r, wpp_r, b1_r, w2_r, b2_r,
             o_r):
        h = jnp.dot(el_r[...], w1l_r[...], preferred_element_type=F32)
        h += jnp.dot(elp_r[...], w1p_r[...], preferred_element_type=F32)
        pp = pv_r[...] + pc_r[...]
        h += jnp.dot(pp, wpp_r[...], preferred_element_type=F32)
        h = jnp.maximum(h + b1_r[...], 0.0)
        o = jnp.dot(h, w2_r[...], preferred_element_type=F32) + b2_r[...]
        o_r[...] = jnp.maximum(o, 0.0)

    full = lambda shape: pl.BlockSpec(shape, lambda i: (0, 0))
    rows = lambda w_: pl.BlockSpec((BR, w_), lambda i: (i, 0))
    return pl.pallas_call(
        body,
        grid=(R // BR,),
        in_specs=[rows(128), rows(128), rows(64), rows(32),
                  full((64, 64)), full((32, 64)), full((128, 64)),
                  full((1, 64)), full((64, 64)), full((1, 64))],
        out_specs=rows(64),
        out_shape=jax.ShapeDtypeStruct((R, 64), F32),
    )(pvf, pcf, el8, elp8, W1L, W1P, Wpp, b1, W2, b2)


def _conv(p, x_src, x_dst, e_src, e_dst, el8, elp8, winv_den):
    E = e_src.shape[0]
    q = _linear(x_dst, p['Wq'], p['bq'])
    k = _linear(x_src, p['Wk'], p['bk'])
    v = _linear(x_src, p['Wv'], p['bv'])
    kjf = _sc_gather(k, e_src).reshape(E // 8, 128)
    vjf = _sc_gather(v, e_src).reshape(E // 8, 128)
    qdf = _sc_gather(q, e_dst).reshape(E // 8, 128)
    pay, w8 = _tc_edge_conv(kjf, vjf, qdf, el8, elp8, p)

    Sp, Wp = _sc_scatter(pay.reshape(E, 16), w8.reshape(E), e_dst, E)
    n_dst = x_dst.shape[0]
    S = (Sp[0] + Sp[1])[:n_dst]
    Wd = (Wp[0] + Wp[1])[:n_dst]
    out = S / (jnp.maximum(Wd, 1e-16) * winv_den[:n_dst])[:, None]
    out = out + _linear(x_dst, p['Ws'], p['bs'])
    return jax.nn.relu(out)


def _mlp2(x, p):
    h = jax.nn.relu(_linear(x, p['W1'], p['b1']))
    return jax.nn.relu(_linear(h, p['W2'], p['b2']))


def kernel(var_learned_f, var_lp_f, con_learned_f, con_lp_f, edge_learned_f,
           solver_state, edge_lp_f_wo_ss, edge_index_var_con, params):
    ei = edge_index_var_con
    vi, ci = ei[0], ei[1]

    E = vi.shape[0]

    var_comb = jnp.concatenate([var_learned_f, var_lp_f], axis=1)
    con_comb = jnp.concatenate([con_learned_f, con_lp_f], axis=1)
    el8 = edge_learned_f.reshape(E // 8, 64)
    elp8 = edge_lp_f_wo_ss.reshape(E // 8, 32)

    Cvp, Ccp = _sc_counts(vi, ci, E)
    cnt_var = jnp.maximum(Cvp[0] + Cvp[1], 1.0)
    cnt_con = jnp.maximum(Ccp[0] + Ccp[1], 1.0)

    con_new = _conv(params['con_upd'], var_comb, con_comb, vi, ci, el8, elp8, cnt_con)
    con_comb2 = jnp.concatenate([con_new, con_lp_f], axis=1)
    var_new = _conv(params['var_upd'], con_comb2, var_comb, ci, vi, el8, elp8, cnt_var)
    var_comb2 = jnp.concatenate([var_new, var_lp_f], axis=1)

    ep = params['edge_upd']
    vc = _mlp2(var_comb2, ep['var_mlp'])
    cc = _mlp2(con_comb2, ep['con_mlp'])
    W1 = ep['edge_mlp']['W1']
    W1v, W1c = W1[12:20], W1[20:28]
    pv = jnp.pad(vc @ W1v, ((0, 0), (0, 8)))
    pc = jnp.pad(cc @ W1c, ((0, 0), (8, 0)))
    pvf = _sc_gather(pv, vi).reshape(E // 8, 128)
    pcf = _sc_gather(pc, ci).reshape(E // 8, 128)
    edge_new = _tc_edge_mlp(pvf, pcf, el8, elp8, ep).reshape(E, 8)
    return (var_new, con_new, edge_new)

# --- scband reference (transcript-rebuilt; emitter-appended) ---
"""Pipeline reference for scband-feature-extractor-layer-3865470567207 (READ-ONLY COPY).

The authoritative reference and input builder live on the scoring server;
editing this copy changes nothing except your own understanding.
"""

import jax, jax.numpy as jnp
import numpy as np
import math


def _linear(x, W, b):
    return x @ W + b


def _transformer_conv(p, x_src, x_dst, e_src, e_dst, edge_attr):
    # PyG TransformerConv, heads=1, concat=True, root_weight=True, beta=False, aggr='mean'
    C = p['Wq'].shape[1]
    q = _linear(x_dst, p['Wq'], p['bq'])
    k = _linear(x_src, p['Wk'], p['bk'])
    v = _linear(x_src, p['Wv'], p['bv'])
    e = _linear(edge_attr, p['We'], p['be'])
    q_i = q[e_dst]
    k_j = k[e_src] + e
    v_j = v[e_src] + e
    alpha = jnp.sum(q_i * k_j, axis=-1) / math.sqrt(C)
    n_dst = x_dst.shape[0]
    amax = jax.ops.segment_max(alpha, e_dst, num_segments=n_dst)
    amax = jnp.where(jnp.isfinite(amax), amax, 0.0)
    ex = jnp.exp(alpha - amax[e_dst])
    denom = jax.ops.segment_sum(ex, e_dst, num_segments=n_dst)
    alpha_n = ex / jnp.maximum(denom[e_dst], 1e-16)
    msg = v_j * alpha_n[:, None]
    s = jax.ops.segment_sum(msg, e_dst, num_segments=n_dst)
    cnt = jax.ops.segment_sum(jnp.ones_like(alpha_n), e_dst, num_segments=n_dst)
    out = s / jnp.maximum(cnt, 1.0)[:, None]
    out = out + _linear(x_dst, p['Ws'], p['bs'])
    return out


def _mlp2(x, p):
    # Linear-ReLU-Linear-ReLU (compress MLP, num_hidden_layers=0)
    h = jax.nn.relu(_linear(x, p['W1'], p['b1']))
    return jax.nn.relu(_linear(h, p['W2'], p['b2']))


def _edge_updater(p, var_f, con_f, edge_f, ei):
    vc = _mlp2(var_f, p['var_mlp'])
    cc = _mlp2(con_f, p['con_mlp'])
    out = jnp.concatenate([edge_f, vc[ei[0]], cc[ei[1]]], axis=1)
    h = jax.nn.relu(_linear(out, p['edge_mlp']['W1'], p['edge_mlp']['b1']))
    return _linear(h, p['edge_mlp']['W2'], p['edge_mlp']['b2'])


def _forward(var_learned_f, var_lp_f, con_learned_f, con_lp_f, edge_learned_f, edge_lp_f_wo_ss, edge_index_var_con, params):
    ei = edge_index_var_con
    var_comb = jnp.concatenate([var_learned_f, var_lp_f], axis=1)
    con_comb = jnp.concatenate([con_learned_f, con_lp_f], axis=1)
    # use_solver_costs=False, use_def_mm=False
    edge_comb = jnp.concatenate([edge_learned_f, edge_lp_f_wo_ss], axis=1)
    # con_updater: flow source_to_target, src=var (ei[0]), dst/agg=con (ei[1])
    con_new = jax.nn.relu(_transformer_conv(params['con_upd'], var_comb, con_comb, ei[0], ei[1], edge_comb))
    con_comb = jnp.concatenate([con_new, con_lp_f], axis=1)
    # var_updater: flow target_to_source, src=con (ei[1]), dst/agg=var (ei[0])
    var_new = jax.nn.relu(_transformer_conv(params['var_upd'], con_comb, var_comb, ei[1], ei[0], edge_comb))
    var_comb = jnp.concatenate([var_new, var_lp_f], axis=1)
    edge_new = jax.nn.relu(_edge_updater(params['edge_upd'], var_comb, con_comb, edge_comb, ei))
    return (var_new, con_new, edge_new)


def setup_inputs(seed: int = 0) -> dict:
    key = jax.random.key(seed)
    ks = iter(jax.random.split(key, 64))
    Nv, Nc, E = 100000, 100000, 1600000
    def rn(shape, scale=1.0):
        return jax.random.normal(next(ks), shape, dtype=jnp.float32) * scale
    def tc_params(d_src, d_dst, c, ed):
        return {'Wq': rn((d_dst, c), 0.05), 'bq': jnp.zeros((c,), jnp.float32),
                'Wk': rn((d_src, c), 0.05), 'bk': jnp.zeros((c,), jnp.float32),
                'Wv': rn((d_src, c), 0.05), 'bv': jnp.zeros((c,), jnp.float32),
                'We': rn((ed, c), 0.05), 'be': jnp.zeros((c,), jnp.float32),
                'Ws': rn((d_dst, c), 0.05), 'bs': jnp.zeros((c,), jnp.float32)}
    def mlp2(din, dh):
        return {'W1': rn((din, dh), 0.05), 'b1': jnp.zeros((dh,), jnp.float32),
                'W2': rn((dh, dh), 0.05), 'b2': jnp.zeros((dh,), jnp.float32)}
    params = {
        'con_upd': tc_params(24, 24, 16, 12),
        'var_upd': tc_params(24, 24, 16, 12),
        'edge_upd': {
            'var_mlp': mlp2(24, 8),
            'con_mlp': mlp2(24, 8),
            'edge_mlp': {'W1': rn((28, 8), 0.05), 'b1': jnp.zeros((8,), jnp.float32),
                         'W2': rn((8, 8), 0.05), 'b2': jnp.zeros((8,), jnp.float32)},
        },
    }
    inputs = {
        'var_learned_f': rn((Nv, 16)),
        'var_lp_f': rn((Nv, 8)),
        'con_learned_f': rn((Nc, 16)),
        'con_lp_f': rn((Nc, 8)),
        'edge_learned_f': rn((E, 8)),
        'solver_state': jnp.zeros((1,), jnp.float32),
        'edge_lp_f_wo_ss': rn((E, 4)),
        'edge_index_var_con': jnp.stack([
            jax.random.randint(next(ks), (E,), 0, Nv, dtype=jnp.int32),
            jax.random.randint(next(ks), (E,), 0, Nc, dtype=jnp.int32)], axis=0),
        'params': params,
    }
    return inputs


def reference(var_learned_f, var_lp_f, con_learned_f, con_lp_f, edge_learned_f, solver_state, edge_lp_f_wo_ss, edge_index_var_con, params):
    # solver_state is unused because use_solver_costs=False
    return _forward(var_learned_f, var_lp_f, con_learned_f, con_lp_f, edge_learned_f, edge_lp_f_wo_ss, edge_index_var_con, params)

if __name__ == "__main__":
    import jax
    _d = setup_inputs()
    print(jax.jit(kernel)(*tuple(_d.values())))

</pallas_src>

<mosaic_0001>
#map = affine_map<(d0, d1) -> (0, 0)>
#map1 = affine_map<(d0, d1) -> (0)>
module attributes {stable_mosaic.version = 14 : i64} {
  func.func @body(%arg0: i32, %arg1: i32, %arg2: memref<100000x16xf32, #tpu.memory_space<hbm>>, %arg3: memref<1600000xi32, #tpu.memory_space<hbm>>, %arg4: memref<1600000x16xf32, #tpu.memory_space<hbm>>, %arg5: memref<1000xi32, #tpu.memory_space<vmem>>, %arg6: memref<1000x16xf32, #tpu.memory_space<vmem>>, %arg7: memref<!tpu.dma_semaphore, #tpu.memory_space<semaphore_mem>>) attributes {dimension_semantics = [#tpu.dimension_semantics<core_parallel>, #tpu.dimension_semantics<subcore_parallel>], iteration_bounds = array<i64: 2, 16>, scalar_prefetch = 0 : i64, scratch_operands = 3 : i64, tpu.core_type = #tpu.core_type<sc_vector_subcore>, window_params = [{transform_indices = #map}, {transform_indices = #map1}, {transform_indices = #map}]} {
    %mul3A = arith.constant 2 : i32
    %mul3A_0 = arith.muli %arg1, %mul3A : i32
    %add3A = arith.addi %mul3A_0, %arg0 : i32
    %scan3A = arith.constant 0 : i32
    %scan3A_1 = arith.constant 0 : i32
    %scan3A_2 = arith.constant 50 : i32
    %scan3A_3 = arith.addi %scan3A_1, %scan3A_2 : i32
    %scan3A_4 = arith.constant 1 : i32
    %scan3A_5 = scf.for %scan3A_7 = %scan3A_1 to %scan3A_3 step %scan3A_4 iter_args(%scan3A_8 = %scan3A) -> (i32)  : i32 {
      %mul3A_9 = arith.constant 50000 : i32
      %mul3A_10 = arith.muli %add3A, %mul3A_9 : i32
      %mul3A_11 = arith.constant 1000 : i32
      %mul3A_12 = arith.muli %scan3A_7, %mul3A_11 : i32
      %add3A_13 = arith.addi %mul3A_10, %mul3A_12 : i32
      "tpu.region"() ({
        %run_scoped3A = tpu.sem_alloc : memref<!tpu.dma_semaphore, #tpu.memory_space<semaphore_mem>>
        %dma_start3A_19 = tpu.memref_slice %arg3[%add3A_13] : memref<1600000xi32, #tpu.memory_space<hbm>> -> memref<1000xi32, #tpu.memory_space<hbm>>
        %dma_start3A_20 = tpu.memref_slice %arg3[%add3A_13] : memref<1600000xi32, #tpu.memory_space<hbm>> -> memref<1000xi32, #tpu.memory_space<hbm>>
        tpu.enqueue_dma source(%dma_start3A_20 : memref<1000xi32, #tpu.memory_space<hbm>>) target(%arg5 : memref<1000xi32, #tpu.memory_space<vmem>>) target_semaphore(%run_scoped3A : memref<!tpu.dma_semaphore, #tpu.memory_space<semaphore_mem>>)
        %dma_wait3A_21 = tpu.memref_slice %arg3[%add3A_13] : memref<1600000xi32, #tpu.memory_space<hbm>> -> memref<1000xi32, #tpu.memory_space<hbm>>
        %dma_wait3A_22 = tpu.memref_slice %arg3[%add3A_13] : memref<1600000xi32, #tpu.memory_space<hbm>> -> memref<1000xi32, #tpu.memory_space<hbm>>
        tpu.wait_dma2 semaphore(%run_scoped3A : memref<!tpu.dma_semaphore, #tpu.memory_space<semaphore_mem>>) src(%dma_wait3A_22 : memref<1000xi32, #tpu.memory_space<hbm>>) dst(%arg5 : memref<1000xi32, #tpu.memory_space<vmem>>)
        tpu.yield
      }) : () -> ()
      %dma_start3A = arith.constant 0 : i32
      %dma_start3A_14 = arith.constant 0 : i32
      %dma_start3A_15 = tpu.memref_slice %arg2[%dma_start3A, %dma_start3A_14] : memref<100000x16xf32, #tpu.memory_space<hbm>> -> memref<100000x16xf32, #tpu.memory_space<hbm>>
      tpu.enqueue_indirect_dma source(%dma_start3A_15 : memref<100000x16xf32, #tpu.memory_space<hbm>>) target(%arg6 : memref<1000x16xf32, #tpu.memory_space<vmem>>) offsets(%arg5 : memref<1000xi32, #tpu.memory_space<vmem>>) semaphore(%arg7 : memref<!tpu.dma_semaphore, #tpu.memory_space<semaphore_mem>>)
      %dma_wait3A = arith.constant 0 : i32
      %dma_wait3A_16 = arith.constant 0 : i32
      %dma_wait3A_17 = tpu.memref_slice %arg2[%dma_wait3A, %dma_wait3A_16] : memref<100000x16xf32, #tpu.memory_space<hbm>> -> memref<100000x16xf32, #tpu.memory_space<hbm>>
      tpu.wait_indirect_dma semaphore(%arg7 : memref<!tpu.dma_semaphore, #tpu.memory_space<semaphore_mem>>) src(%dma_wait3A_17 : memref<100000x16xf32, #tpu.memory_space<hbm>>) dst(%arg6 : memref<1000x16xf32, #tpu.memory_space<vmem>>)
      "tpu.region"() ({
        %run_scoped3A = tpu.sem_alloc : memref<!tpu.dma_semaphore, #tpu.memory_space<semaphore_mem>>
        %dma_start3A_19 = arith.constant 0 : i32
        %dma_start3A_20 = tpu.memref_slice %arg4[%add3A_13, %dma_start3A_19] : memref<1600000x16xf32, #tpu.memory_space<hbm>> -> memref<1000x16xf32, #tpu.memory_space<hbm>>
        %dma_start3A_21 = arith.constant 0 : i32
        %dma_start3A_22 = tpu.memref_slice %arg4[%add3A_13, %dma_start3A_21] : memref<1600000x16xf32, #tpu.memory_space<hbm>> -> memref<1000x16xf32, #tpu.memory_space<hbm>>
        tpu.enqueue_dma source(%arg6 : memref<1000x16xf32, #tpu.memory_space<vmem>>) target(%dma_start3A_22 : memref<1000x16xf32, #tpu.memory_space<hbm>>) target_semaphore(%run_scoped3A : memref<!tpu.dma_semaphore, #tpu.memory_space<semaphore_mem>>)
        %dma_wait3A_23 = arith.constant 0 : i32
        %dma_wait3A_24 = tpu.memref_slice %arg4[%add3A_13, %dma_wait3A_23] : memref<1600000x16xf32, #tpu.memory_space<hbm>> -> memref<1000x16xf32, #tpu.memory_space<hbm>>
        %dma_wait3A_25 = arith.constant 0 : i32
        %dma_wait3A_26 = tpu.memref_slice %arg4[%add3A_13, %dma_wait3A_25] : memref<1600000x16xf32, #tpu.memory_space<hbm>> -> memref<1000x16xf32, #tpu.memory_space<hbm>>
        tpu.wait_dma2 semaphore(%run_scoped3A : memref<!tpu.dma_semaphore, #tpu.memory_space<semaphore_mem>>) src(%arg6 : memref<1000x16xf32, #tpu.memory_space<vmem>>) dst(%dma_wait3A_26 : memref<1000x16xf32, #tpu.memory_space<hbm>>)
        tpu.yield
      }) : () -> ()
      %scan3A_18 = arith.constant 0 : i32
      scf.yield %scan3A_18 : i32
    }
    %scan3A_6 = arith.constant 50 : i32
    return
  }
}

#map = affine_map<(d0, d1) -> (0, 0)>
#map1 = affine_map<(d0, d1) -> (0)>
module attributes {stable_mosaic.version = 14 : i64} {
  func.func @body(%arg0: i32, %arg1: i32, %arg2: memref<100000x16xf32, #tpu.memory_space<hbm>>, %arg3: memref<1600000xi32, #tpu.memory_space<hbm>>, %arg4: memref<1600000x16xf32, #tpu.memory_space<hbm>>, %arg5: memref<1000xi32, #tpu.memory_space<vmem>>, %arg6: memref<1000x16xf32, #tpu.memory_space<vmem>>, %arg7: memref<!tpu.dma_semaphore, #tpu.memory_space<semaphore_mem>>) attributes {dimension_semantics = [#tpu.dimension_semantics<core_parallel>, #tpu.dimension_semantics<subcore_parallel>], iteration_bounds = array<i64: 2, 16>, scalar_prefetch = 0 : i64, scratch_operands = 3 : i64, tpu.core_type = #tpu.core_type<sc_vector_subcore>, window_params = [{transform_indices = #map}, {transform_indices = #map1}, {transform_indices = #map}]} {
    %mul3A = arith.constant 2 : i32
    %mul3A_0 = arith.muli %arg1, %mul3A : i32
    %add3A = arith.addi %mul3A_0, %arg0 : i32
    %scan3A = arith.constant 0 : i32
    %scan3A_1 = arith.constant 0 : i32
    %scan3A_2 = arith.constant 50 : i32
    %scan3A_3 = arith.addi %scan3A_1, %scan3A_2 : i32
    %scan3A_4 = arith.constant 1 : i32
    %scan3A_5 = scf.for %scan3A_7 = %scan3A_1 to %scan3A_3 step %scan3A_4 iter_args(%scan3A_8 = %scan3A) -> (i32)  : i32 {
      %mul3A_9 = arith.constant 50000 : i32
      %mul3A_10 = arith.muli %add3A, %mul3A_9 : i32
      %mul3A_11 = arith.constant 1000 : i32
      %mul3A_12 = arith.muli %scan3A_7, %mul3A_11 : i32
      %add3A_13 = arith.addi %mul3A_10, %mul3A_12 : i32
      "tpu.region"() ({
        %run_scoped3A = tpu.sem_alloc : memref<!tpu.dma_semaphore, #tpu.memory_space<semaphore_mem>>
        %dma_start3A_19 = tpu.memref_slice %arg3[%add3A_13] : memref<1600000xi32, #tpu.memory_space<hbm>> -> memref<1000xi32, #tpu.memory_space<hbm>>
        %dma_start3A_20 = tpu.memref_slice %arg3[%add3A_13] : memref<1600000xi32, #tpu.memory_space<hbm>> -> memref<1000xi32, #tpu.memory_space<hbm>>
        tpu.enqueue_dma source(%dma_start3A_20 : memref<1000xi32, #tpu.memory_space<hbm>>) target(%arg5 : memref<1000xi32, #tpu.memory_space<vmem>>) target_semaphore(%run_scoped3A : memref<!tpu.dma_semaphore, #tpu.memory_space<semaphore_mem>>)
        %dma_wait3A_21 = tpu.memref_slice %arg3[%add3A_13] : memref<1600000xi32, #tpu.memory_space<hbm>> -> memref<1000xi32, #tpu.memory_space<hbm>>
        %dma_wait3A_22 = tpu.memref_slice %arg3[%add3A_13] : memref<1600000xi32, #tpu.memory_space<hbm>> -> memref<1000xi32, #tpu.memory_space<hbm>>
        tpu.wait_dma2 semaphore(%run_scoped3A : memref<!tpu.dma_semaphore, #tpu.memory_space<semaphore_mem>>) src(%dma_wait3A_22 : memref<1000xi32, #tpu.memory_space<hbm>>) dst(%arg5 : memref<1000xi32, #tpu.memory_space<vmem>>)
        tpu.yield
      }) : () -> ()
      %dma_start3A = arith.constant 0 : i32
      %dma_start3A_14 = arith.constant 0 : i32
      %dma_start3A_15 = tpu.memref_slice %arg2[%dma_start3A, %dma_start3A_14] : memref<100000x16xf32, #tpu.memory_space<hbm>> -> memref<100000x16xf32, #tpu.memory_space<hbm>>
      tpu.enqueue_indirect_dma source(%dma_start3A_15 : memref<100000x16xf32, #tpu.memory_space<hbm>>) target(%arg6 : memref<1000x16xf32, #tpu.memory_space<vmem>>) offsets(%arg5 : memref<1000xi32, #tpu.memory_space<vmem>>) semaphore(%arg7 : memref<!tpu.dma_semaphore, #tpu.memory_space<semaphore_mem>>)
      %dma_wait3A = arith.constant 0 : i32
      %dma_wait3A_16 = arith.constant 0 : i32
      %dma_wait3A_17 = tpu.memref_slice %arg2[%dma_wait3A, %dma_wait3A_16] : memref<100000x16xf32, #tpu.memory_space<hbm>> -> memref<100000x16xf32, #tpu.memory_space<hbm>>
      tpu.wait_indirect_dma semaphore(%arg7 : memref<!tpu.dma_semaphore, #tpu.memory_space<semaphore_mem>>) src(%dma_wait3A_17 : memref<100000x16xf32, #tpu.memory_space<hbm>>) dst(%arg6 : memref<1000x16xf32, #tpu.memory_space<vmem>>)
      "tpu.region"() ({
        %run_scoped3A = tpu.sem_alloc : memref<!tpu.dma_semaphore, #tpu.memory_space<semaphore_mem>>
        %dma_start3A_19 = arith.constant 0 : i32
        %dma_start3A_20 = tpu.memref_slice %arg4[%add3A_13, %dma_start3A_19] : memref<1600000x16xf32, #tpu.memory_space<hbm>> -> memref<1000x16xf32, #tpu.memory_space<hbm>>
        %dma_start3A_21 = arith.constant 0 : i32
        %dma_start3A_22 = tpu.memref_slice %arg4[%add3A_13, %dma_start3A_21] : memref<1600000x16xf32, #tpu.memory_space<hbm>> -> memref<1000x16xf32, #tpu.memory_space<hbm>>
        tpu.enqueue_dma source(%arg6 : memref<1000x16xf32, #tpu.memory_space<vmem>>) target(%dma_start3A_22 : memref<1000x16xf32, #tpu.memory_space<hbm>>) target_semaphore(%run_scoped3A : memref<!tpu.dma_semaphore, #tpu.memory_space<semaphore_mem>>)
        %dma_wait3A_23 = arith.constant 0 : i32
        %dma_wait3A_24 = tpu.memref_slice %arg4[%add3A_13, %dma_wait3A_23] : memref<1600000x16xf32, #tpu.memory_space<hbm>> -> memref<1000x16xf32, #tpu.memory_space<hbm>>
        %dma_wait3A_25 = arith.constant 0 : i32
        %dma_wait3A_26 = tpu.memref_slice %arg4[%add3A_13, %dma_wait3A_25] : memref<1600000x16xf32, #tpu.memory_space<hbm>> -> memref<1000x16xf32, #tpu.memory_space<hbm>>
        tpu.wait_dma2 semaphore(%run_scoped3A : memref<!tpu.dma_semaphore, #tpu.memory_space<semaphore_mem>>) src(%arg6 : memref<1000x16xf32, #tpu.memory_space<vmem>>) dst(%dma_wait3A_26 : memref<1000x16xf32, #tpu.memory_space<hbm>>)
        tpu.yield
      }) : () -> ()
      %scan3A_18 = arith.constant 0 : i32
      scf.yield %scan3A_18 : i32
    }
    %scan3A_6 = arith.constant 50 : i32
    return
  }
}

#map = affine_map<(d0, d1) -> (0, 0)>
#map1 = affine_map<(d0, d1) -> (0)>
module attributes {stable_mosaic.version = 14 : i64} {
  func.func @body(%arg0: i32, %arg1: i32, %arg2: memref<100000x16xf32, #tpu.memory_space<hbm>>, %arg3: memref<1600000xi32, #tpu.memory_space<hbm>>, %arg4: memref<1600000x16xf32, #tpu.memory_space<hbm>>, %arg5: memref<1000xi32, #tpu.memory_space<vmem>>, %arg6: memref<1000x16xf32, #tpu.memory_space<vmem>>, %arg7: memref<!tpu.dma_semaphore, #tpu.memory_space<semaphore_mem>>) attributes {dimension_semantics = [#tpu.dimension_semantics<core_parallel>, #tpu.dimension_semantics<subcore_parallel>], iteration_bounds = array<i64: 2, 16>, scalar_prefetch = 0 : i64, scratch_operands = 3 : i64, tpu.core_type = #tpu.core_type<sc_vector_subcore>, window_params = [{transform_indices = #map}, {transform_indices = #map1}, {transform_indices = #map}]} {
    %mul3A = arith.constant 2 : i32
    %mul3A_0 = arith.muli %arg1, %mul3A : i32
    %add3A = arith.addi %mul3A_0, %arg0 : i32
    %scan3A = arith.constant 0 : i32
    %scan3A_1 = arith.constant 0 : i32
    %scan3A_2 = arith.constant 50 : i32
    %scan3A_3 = arith.addi %scan3A_1, %scan3A_2 : i32
    %scan3A_4 = arith.constant 1 : i32
    %scan3A_5 = scf.for %scan3A_7 = %scan3A_1 to %scan3A_3 step %scan3A_4 iter_args(%scan3A_8 = %scan3A) -> (i32)  : i32 {
      %mul3A_9 = arith.constant 50000 : i32
      %mul3A_10 = arith.muli %add3A, %mul3A_9 : i32
      %mul3A_11 = arith.constant 1000 : i32
      %mul3A_12 = arith.muli %scan3A_7, %mul3A_11 : i32
      %add3A_13 = arith.addi %mul3A_10, %mul3A_12 : i32
      "tpu.region"() ({
        %run_scoped3A = tpu.sem_alloc : memref<!tpu.dma_semaphore, #tpu.memory_space<semaphore_mem>>
        %dma_start3A_19 = tpu.memref_slice %arg3[%add3A_13] : memref<1600000xi32, #tpu.memory_space<hbm>> -> memref<1000xi32, #tpu.memory_space<hbm>>
        %dma_start3A_20 = tpu.memref_slice %arg3[%add3A_13] : memref<1600000xi32, #tpu.memory_space<hbm>> -> memref<1000xi32, #tpu.memory_space<hbm>>
        tpu.enqueue_dma source(%dma_start3A_20 : memref<1000xi32, #tpu.memory_space<hbm>>) target(%arg5 : memref<1000xi32, #tpu.memory_space<vmem>>) target_semaphore(%run_scoped3A : memref<!tpu.dma_semaphore, #tpu.memory_space<semaphore_mem>>)
        %dma_wait3A_21 = tpu.memref_slice %arg3[%add3A_13] : memref<1600000xi32, #tpu.memory_space<hbm>> -> memref<1000xi32, #tpu.memory_space<hbm>>
        %dma_wait3A_22 = tpu.memref_slice %arg3[%add3A_13] : memref<1600000xi32, #tpu.memory_space<hbm>> -> memref<1000xi32, #tpu.memory_space<hbm>>
        tpu.wait_dma2 semaphore(%run_scoped3A : memref<!tpu.dma_semaphore, #tpu.memory_space<semaphore_mem>>) src(%dma_wait3A_22 : memref<1000xi32, #tpu.memory_space<hbm>>) dst(%arg5 : memref<1000xi32, #tpu.memory_space<vmem>>)
        tpu.yield
      }) : () -> ()
      %dma_start3A = arith.constant 0 : i32
      %dma_start3A_14 = arith.constant 0 : i32
      %dma_start3A_15 = tpu.memref_slice %arg2[%dma_start3A, %dma_start3A_14] : memref<100000x16xf32, #tpu.memory_space<hbm>> -> memref<100000x16xf32, #tpu.memory_space<hbm>>
      tpu.enqueue_indirect_dma source(%dma_start3A_15 : memref<100000x16xf32, #tpu.memory_space<hbm>>) target(%arg6 : memref<1000x16xf32, #tpu.memory_space<vmem>>) offsets(%arg5 : memref<1000xi32, #tpu.memory_space<vmem>>) semaphore(%arg7 : memref<!tpu.dma_semaphore, #tpu.memory_space<semaphore_mem>>)
      %dma_wait3A = arith.constant 0 : i32
      %dma_wait3A_16 = arith.constant 0 : i32
      %dma_wait3A_17 = tpu.memref_slice %arg2[%dma_wait3A, %dma_wait3A_16] : memref<100000x16xf32, #tpu.memory_space<hbm>> -> memref<100000x16xf32, #tpu.memory_space<hbm>>
      tpu.wait_indirect_dma semaphore(%arg7 : memref<!tpu.dma_semaphore, #tpu.memory_space<semaphore_mem>>) src(%dma_wait3A_17 : memref<100000x16xf32, #tpu.memory_space<hbm>>) dst(%arg6 : memref<1000x16xf32, #tpu.memory_space<vmem>>)
      "tpu.region"() ({
        %run_scoped3A = tpu.sem_alloc : memref<!tpu.dma_semaphore, #tpu.memory_space<semaphore_mem>>
        %dma_start3A_19 = arith.constant 0 : i32
        %dma_start3A_20 = tpu.memref_slice %arg4[%add3A_13, %dma_start3A_19] : memref<1600000x16xf32, #tpu.memory_space<hbm>> -> memref<1000x16xf32, #tpu.memory_space<hbm>>
        %dma_start3A_21 = arith.constant 0 : i32
        %dma_start3A_22 = tpu.memref_slice %arg4[%add3A_13, %dma_start3A_21] : memref<1600000x16xf32, #tpu.memory_space<hbm>> -> memref<1000x16xf32, #tpu.memory_space<hbm>>
        tpu.enqueue_dma source(%arg6 : memref<1000x16xf32, #tpu.memory_space<vmem>>) target(%dma_start3A_22 : memref<1000x16xf32, #tpu.memory_space<hbm>>) target_semaphore(%run_scoped3A : memref<!tpu.dma_semaphore, #tpu.memory_space<semaphore_mem>>)
        %dma_wait3A_23 = arith.constant 0 : i32
        %dma_wait3A_24 = tpu.memref_slice %arg4[%add3A_13, %dma_wait3A_23] : memref<1600000x16xf32, #tpu.memory_space<hbm>> -> memref<1000x16xf32, #tpu.memory_space<hbm>>
        %dma_wait3A_25 = arith.constant 0 : i32
        %dma_wait3A_26 = tpu.memref_slice %arg4[%add3A_13, %dma_wait3A_25] : memref<1600000x16xf32, #tpu.memory_space<hbm>> -> memref<1000x16xf32, #tpu.memory_space<hbm>>
        tpu.wait_dma2 semaphore(%run_scoped3A : memref<!tpu.dma_semaphore, #tpu.memory_space<semaphore_mem>>) src(%arg6 : memref<1000x16xf32, #tpu.memory_space<vmem>>) dst(%dma_wait3A_26 : memref<1000x16xf32, #tpu.memory_space<hbm>>)
        tpu.yield
      }) : () -> ()
      %scan3A_18 = arith.constant 0 : i32
      scf.yield %scan3A_18 : i32
    }
    %scan3A_6 = arith.constant 50 : i32
    return
  }
}

#map = affine_map<(d0, d1) -> (0)>
module attributes {stable_mosaic.version = 14 : i64} {
  func.func @body(%arg0: i32, %arg1: i32, %arg2: memref<1600000xi32, #tpu.memory_space<hbm>>, %arg3: memref<1600000xi32, #tpu.memory_space<hbm>>, %arg4: memref<200704xf32, #tpu.memory_space<hbm>>, %arg5: memref<200704xf32, #tpu.memory_space<hbm>>, %arg6: memref<100352xf32, #tpu.memory_space<vmem_shared>>, %arg7: memref<100352xf32, #tpu.memory_space<vmem_shared>>, %arg8: memref<2000xf32, #tpu.memory_space<vmem>>, %arg9: memref<2000xf32, #tpu.memory_space<vmem>>, %arg10: memref<2000xi32, #tpu.memory_space<vmem>>, %arg11: memref<2000xi32, #tpu.memory_space<vmem>>) attributes {dimension_semantics = [#tpu.dimension_semantics<core_parallel>, #tpu.dimension_semantics<subcore_parallel>], iteration_bounds = array<i64: 2, 16>, scalar_prefetch = 0 : i64, scratch_operands = 6 : i64, tpu.core_type = #tpu.core_type<sc_vector_subcore>, window_params = [{transform_indices = #map}, {transform_indices = #map}, {transform_indices = #map}, {transform_indices = #map}]} {
    %mul3A = arith.constant 2 : i32
    %mul3A_0 = arith.muli %arg1, %mul3A : i32
    %add3A = arith.addi %mul3A_0, %arg0 : i32
    %scan3A = arith.constant 0 : i32
    %scan3A_1 = arith.constant 0 : i32
    %scan3A_2 = arith.constant 125 : i32
    %scan3A_3 = arith.addi %scan3A_1, %scan3A_2 : i32
    %scan3A_4 = arith.constant 1 : i32
    %scan3A_5 = scf.for %scan3A_36 = %scan3A_1 to %scan3A_3 step %scan3A_4 iter_args(%scan3A_37 = %scan3A) -> (i32)  : i32 {
      %broadcast_in_dim3A = arith.constant 0.000000e+00 : f32
      %broadcast_in_dim3A_38 = vector.broadcast %broadcast_in_dim3A : f32 to vector<16xf32>
      %mul3A_39 = arith.constant 16 : i32
      %mul3A_40 = arith.muli %scan3A_36, %mul3A_39 : i32
      %swap3A = arith.index_cast %mul3A_40 : i32 to index
      %swap3A_41 = tpu.vector_load %arg8[%swap3A] {strides = array<i32>} : memref<2000xf32, #tpu.memory_space<vmem>>, vector<16xf32>,
      %swap3A_42 = vector.shape_cast %swap3A_41 : vector<16xf32> to vector<16xf32>
      %swap3A_43 = vector.shape_cast %broadcast_in_dim3A_38 : vector<16xf32> to vector<16xf32>
      tpu.vector_store %arg8[%swap3A], %swap3A_43 {strides = array<i32>} : memref<2000xf32, #tpu.memory_space<vmem>>, vector<16xf32>,
      %broadcast_in_dim3A_44 = arith.constant 1.000000e+00 : f32
      %broadcast_in_dim3A_45 = vector.broadcast %broadcast_in_dim3A_44 : f32 to vector<16xf32>
      %mul3A_46 = arith.constant 16 : i32
      %mul3A_47 = arith.muli %scan3A_36, %mul3A_46 : i32
      %swap3A_48 = arith.index_cast %mul3A_47 : i32 to index
      %swap3A_49 = tpu.vector_load %arg9[%swap3A_48] {strides = array<i32>} : memref<2000xf32, #tpu.memory_space<vmem>>, vector<16xf32>,
      %swap3A_50 = vector.shape_cast %swap3A_49 : vector<16xf32> to vector<16xf32>
      %swap3A_51 = vector.shape_cast %broadcast_in_dim3A_45 : vector<16xf32> to vector<16xf32>
      tpu.vector_store %arg9[%swap3A_48], %swap3A_51 {strides = array<i32>} : memref<2000xf32, #tpu.memory_space<vmem>>, vector<16xf32>,
      %scan3A_52 = arith.constant 0 : i32
      scf.yield %scan3A_52 : i32
    }
    %scan3A_6 = arith.constant 125 : i32
    %mul3A_7 = arith.constant 6272 : i32
    %mul3A_8 = arith.muli %arg1, %mul3A_7 : i32
    %add3A_9 = arith.constant 0 : i32
    %add3A_10 = arith.addi %mul3A_8, %add3A_9 : i32
    "tpu.region"() ({
      %run_scoped3A = tpu.sem_alloc : memref<!tpu.dma_semaphore, #tpu.memory_space<semaphore_mem>>
      %dma_start3A = tpu.memref_slice %arg6[%add3A_10] : memref<100352xf32, #tpu.memory_space<vmem_shared>> -> memref<2000xf32, #tpu.memory_space<vmem_shared>>
      %dma_start3A_36 = tpu.memref_slice %arg6[%add3A_10] : memref<100352xf32, #tpu.memory_space<vmem_shared>> -> memref<2000xf32, #tpu.memory_space<vmem_shared>>
      tpu.enqueue_dma source(%arg8 : memref<2000xf32, #tpu.memory_space<vmem>>) target(%dma_start3A_36 : memref<2000xf32, #tpu.memory_space<vmem_shared>>) target_semaphore(%run_scoped3A : memref<!tpu.dma_semaphore, #tpu.memory_space<semaphore_mem>>)
      %dma_wait3A = tpu.memref_slice %arg6[%add3A_10] : memref<100352xf32, #tpu.memory_space<vmem_shared>> -> memref<2000xf32, #tpu.memory_space<vmem_shared>>
      %dma_wait3A_37 = tpu.memref_slice %arg6[%add3A_10] : memref<100352xf32, #tpu.memory_space<vmem_shared>> -> memref<2000xf32, #tpu.memory_space<vmem_shared>>
      tpu.wait_dma2 semaphore(%run_scoped3A : memref<!tpu.dma_semaphore, #tpu.memory_space<semaphore_mem>>) src(%arg8 : memref<2000xf32, #tpu.memory_space<vmem>>) dst(%dma_wait3A_37 : memref<2000xf32, #tpu.memory_space<vmem_shared>>)
      tpu.yield
    }) : () -> ()
    %add3A_11 = arith.constant 0 : i32
    %add3A_12 = arith.addi %mul3A_8, %add3A_11 : i32
    "tpu.region"() ({
      %run_scoped3A = tpu.sem_alloc : memref<!tpu.dma_semaphore, #tpu.memory_space<semaphore_mem>>
      %dma_start3A = tpu.memref_slice %arg7[%add3A_12] : memref<100352xf32, #tpu.memory_space<vmem_shared>> -> memref<2000xf32, #tpu.memory_space<vmem_shared>>
      %dma_start3A_36 = tpu.memref_slice %arg7[%add3A_12] : memref<100352xf32, #tpu.memory_space<vmem_shared>> -> memref<2000xf32, #tpu.memory_space<vmem_shared>>
      tpu.enqueue_dma source(%arg8 : memref<2000xf32, #tpu.memory_space<vmem>>) target(%dma_start3A_36 : memref<2000xf32, #tpu.memory_space<vmem_shared>>) target_semaphore(%run_scoped3A : memref<!tpu.dma_semaphore, #tpu.memory_space<semaphore_mem>>)
      %dma_wait3A = tpu.memref_slice %arg7[%add3A_12] : memref<100352xf32, #tpu.memory_space<vmem_shared>> -> memref<2000xf32, #tpu.memory_space<vmem_shared>>
      %dma_wait3A_37 = tpu.memref_slice %arg7[%add3A_12] : memref<100352xf32, #tpu.memory_space<vmem_shared>> -> memref<2000xf32, #tpu.memory_space<vmem_shared>>
      tpu.wait_dma2 semaphore(%run_scoped3A : memref<!tpu.dma_semaphore, #tpu.memory_space<semaphore_mem>>) src(%arg8 : memref<2000xf32, #tpu.memory_space<vmem>>) dst(%dma_wait3A_37 : memref<2000xf32, #tpu.memory_space<vmem_shared>>)
      tpu.yield
    }) : () -> ()
    %add3A_13 = arith.constant 2000 : i32
    %add3A_14 = arith.addi %mul3A_8, %add3A_13 : i32
    "tpu.region"() ({
      %run_scoped3A = tpu.sem_alloc : memref<!tpu.dma_semaphore, #tpu.memory_space<semaphore_mem>>
      %dma_start3A = tpu.memref_slice %arg6[%add3A_14] : memref<100352xf32, #tpu.memory_space<vmem_shared>> -> memref<2000xf32, #tpu.memory_space<vmem_shared>>
      %dma_start3A_36 = tpu.memref_slice %arg6[%add3A_14] : memref<100352xf32, #tpu.memory_space<vmem_shared>> -> memref<2000xf32, #tpu.memory_space<vmem_shared>>
      tpu.enqueue_dma source(%arg8 : memref<2000xf32, #tpu.memory_space<vmem>>) target(%dma_start3A_36 : memref<2000xf32, #tpu.memory_space<vmem_shared>>) target_semaphore(%run_scoped3A : memref<!tpu.dma_semaphore, #tpu.memory_space<semaphore_mem>>)
      %dma_wait3A = tpu.memref_slice %arg6[%add3A_14] : memref<100352xf32, #tpu.memory_space<vmem_shared>> -> memref<2000xf32, #tpu.memory_space<vmem_shared>>
      %dma_wait3A_37 = tpu.memref_slice %arg6[%add3A_14] : memref<100352xf32, #tpu.memory_space<vmem_shared>> -> memref<2000xf32, #tpu.memory_space<vmem_shared>>
      tpu.wait_dma2 semaphore(%run_scoped3A : memref<!tpu.dma_semaphore, #tpu.memory_space<semaphore_mem>>) src(%arg8 : memref<2000xf32, #tpu.memory_space<vmem>>) dst(%dma_wait3A_37 : memref<2000xf32, #tpu.memory_space<vmem_shared>>)
      tpu.yield
    }) : () -> ()
    %add3A_15 = arith.constant 2000 : i32
    %add3A_16 = arith.addi %mul3A_8, %add3A_15 : i32
    "tpu.region"() ({
      %run_scoped3A = tpu.sem_alloc : memref<!tpu.dma_semaphore, #tpu.memory_space<semaphore_mem>>
      %dma_start3A = tpu.memref_slice %arg7[%add3A_16] : memref<100352xf32, #tpu.memory_space<vmem_shared>> -> memref<2000xf32, #tpu.memory_space<vmem_shared>>
      %dma_start3A_36 = tpu.memref_slice %arg7[%add3A_16] : memref<100352xf32, #tpu.memory_space<vmem_shared>> -> memref<2000xf32, #tpu.memory_space<vmem_shared>>
      tpu.enqueue_dma source(%arg8 : memref<2000xf32, #tpu.memory_space<vmem>>) target(%dma_start3A_36 : memref<2000xf32, #tpu.memory_space<vmem_shared>>) target_semaphore(%run_scoped3A : memref<!tpu.dma_semaphore, #tpu.memory_space<semaphore_mem>>)
      %dma_wait3A = tpu.memref_slice %arg7[%add3A_16] : memref<100352xf32, #tpu.memory_space<vmem_shared>> -> memref<2000xf32, #tpu.memory_space<vmem_shared>>
      %dma_wait3A_37 = tpu.memref_slice %arg7[%add3A_16] : memref<100352xf32, #tpu.memory_space<vmem_shared>> -> memref<2000xf32, #tpu.memory_space<vmem_shared>>
      tpu.wait_dma2 semaphore(%run_scoped3A : memref<!tpu.dma_semaphore, #tpu.memory_space<semaphore_mem>>) src(%arg8 : memref<2000xf32, #tpu.memory_space<vmem>>) dst(%dma_wait3A_37 : memref<2000xf32, #tpu.memory_space<vmem_shared>>)
      tpu.yield
    }) : () -> ()
    %add3A_17 = arith.constant 4000 : i32
    %add3A_18 = arith.addi %mul3A_8, %add3A_17 : i32
    "tpu.region"() ({
      %run_scoped3A = tpu.sem_alloc : memref<!tpu.dma_semaphore, #tpu.memory_space<semaphore_mem>>
      %dma_start3A = tpu.memref_slice %arg6[%add3A_18] : memref<100352xf32, #tpu.memory_space<vmem_shared>> -> memref<2000xf32, #tpu.memory_space<vmem_shared>>
      %dma_start3A_36 = tpu.memref_slice %arg6[%add3A_18] : memref<100352xf32, #tpu.memory_space<vmem_shared>> -> memref<2000xf32, #tpu.memory_space<vmem_shared>>
      tpu.enqueue_dma source(%arg8 : memref<2000xf32, #tpu.memory_space<vmem>>) target(%dma_start3A_36 : memref<2000xf32, #tpu.memory_space<vmem_shared>>) target_semaphore(%run_scoped3A : memref<!tpu.dma_semaphore, #tpu.memory_space<semaphore_mem>>)
      %dma_wait3A = tpu.memref_slice %arg6[%add3A_18] : memref<100352xf32, #tpu.memory_space<vmem_shared>> -> memref<2000xf32, #tpu.memory_space<vmem_shared>>
      %dma_wait3A_37 = tpu.memref_slice %arg6[%add3A_18] : memref<100352xf32, #tpu.memory_space<vmem_shared>> -> memref<2000xf32, #tpu.memory_space<vmem_shared>>
      tpu.wait_dma2 semaphore(%run_scoped3A : memref<!tpu.dma_semaphore, #tpu.memory_space<semaphore_mem>>) src(%arg8 : memref<2000xf32, #tpu.memory_space<vmem>>) dst(%dma_wait3A_37 : memref<2000xf32, #tpu.memory_space<vmem_shared>>)
      tpu.yield
    }) : () -> ()
    %add3A_19 = arith.constant 4000 : i32
    %add3A_20 = arith.addi %mul3A_8, %add3A_19 : i32
    "tpu.region"() ({
      %run_scoped3A = tpu.sem_alloc : memref<!tpu.dma_semaphore, #tpu.memory_space<semaphore_mem>>
      %dma_start3A = tpu.memref_slice %arg7[%add3A_20] : memref<100352xf32, #tpu.memory_space<vmem_shared>> -> memref<2000xf32, #tpu.memory_space<vmem_shared>>
      %dma_start3A_36 = tpu.memref_slice %arg7[%add3A_20] : memref<100352xf32, #tpu.memory_space<vmem_shared>> -> memref<2000xf32, #tpu.memory_space<vmem_shared>>
      tpu.enqueue_dma source(%arg8 : memref<2000xf32, #tpu.memory_space<vmem>>) target(%dma_start3A_36 : memref<2000xf32, #tpu.memory_space<vmem_shared>>) target_semaphore(%run_scoped3A : memref<!tpu.dma_semaphore, #tpu.memory_space<semaphore_mem>>)
      %dma_wait3A = tpu.memref_slice %arg7[%add3A_20] : memref<100352xf32, #tpu.memory_space<vmem_shared>> -> memref<2000xf32, #tpu.memory_space<vmem_shared>>
      %dma_wait3A_37 = tpu.memref_slice %arg7[%add3A_20] : memref<100352xf32, #tpu.memory_space<vmem_shared>> -> memref<2000xf32, #tpu.memory_space<vmem_shared>>
      tpu.wait_dma2 semaphore(%run_scoped3A : memref<!tpu.dma_semaphore, #tpu.memory_space<semaphore_mem>>) src(%arg8 : memref<2000xf32, #tpu.memory_space<vmem>>) dst(%dma_wait3A_37 : memref<2000xf32, #tpu.memory_space<vmem_shared>>)
      tpu.yield
    }) : () -> ()
    %add3A_21 = arith.constant 4272 : i32
    %add3A_22 = arith.addi %mul3A_8, %add3A_21 : i32
    "tpu.region"() ({
      %run_scoped3A = tpu.sem_alloc : memref<!tpu.dma_semaphore, #tpu.memory_space<semaphore_mem>>
      %dma_start3A = tpu.memref_slice %arg6[%add3A_22] : memref<100352xf32, #tpu.memory_space<vmem_shared>> -> memref<2000xf32, #tpu.memory_space<vmem_shared>>
      %dma_start3A_36 = tpu.memref_slice %arg6[%add3A_22] : memref<100352xf32, #tpu.memory_space<vmem_shared>> -> memref<2000xf32, #tpu.memory_space<vmem_shared>>
      tpu.enqueue_dma source(%arg8 : memref<2000xf32, #tpu.memory_space<vmem>>) target(%dma_start3A_36 : memref<2000xf32, #tpu.memory_space<vmem_shared>>) target_semaphore(%run_scoped3A : memref<!tpu.dma_semaphore, #tpu.memory_space<semaphore_mem>>)
      %dma_wait3A = tpu.memref_slice %arg6[%add3A_22] : memref<100352xf32, #tpu.memory_space<vmem_shared>> -> memref<2000xf32, #tpu.memory_space<vmem_shared>>
      %dma_wait3A_37 = tpu.memref_slice %arg6[%add3A_22] : memref<100352xf32, #tpu.memory_space<vmem_shared>> -> memref<2000xf32, #tpu.memory_space<vmem_shared>>
      tpu.wait_dma2 semaphore(%run_scoped3A : memref<!tpu.dma_semaphore, #tpu.memory_space<semaphore_mem>>) src(%arg8 : memref<2000xf32, #tpu.memory_space<vmem>>) dst(%dma_wait3A_37 : memref<2000xf32, #tpu.memory_space<vmem_shared>>)
      tpu.yield
    }) : () -> ()
    %add3A_23 = arith.constant 4272 : i32
    %add3A_24 = arith.addi %mul3A_8, %add3A_23 : i32
    "tpu.region"() ({
      %run_scoped3A = tpu.sem_alloc : memref<!tpu.dma_semaphore, #tpu.memory_space<semaphore_mem>>
      %dma_start3A = tpu.memref_slice %arg7[%add3A_24] : memref<100352xf32, #tpu.memory_space<vmem_shared>> -> memref<2000xf32, #tpu.memory_space<vmem_shared>>
      %dma_start3A_36 = tpu.memref_slice %arg7[%add3A_24] : memref<100352xf32, #tpu.memory_space<vmem_shared>> -> memref<2000xf32, #tpu.memory_space<vmem_shared>>
      tpu.enqueue_dma source(%arg8 : memref<2000xf32, #tpu.memory_space<vmem>>) target(%dma_start3A_36 : memref<2000xf32, #tpu.memory_space<vmem_shared>>) target_semaphore(%run_scoped3A : memref<!tpu.dma_semaphore, #tpu.memory_space<semaphore_mem>>)
      %dma_wait3A = tpu.memref_slice %arg7[%add3A_24] : memref<100352xf32, #tpu.memory_space<vmem_shared>> -> memref<2000xf32, #tpu.memory_space<vmem_shared>>
      %dma_wait3A_37 = tpu.memref_slice %arg7[%add3A_24] : memref<100352xf32, #tpu.memory_space<vmem_shared>> -> memref<2000xf32, #tpu.memory_space<vmem_shared>>
      tpu.wait_dma2 semaphore(%run_scoped3A : memref<!tpu.dma_semaphore, #tpu.memory_space<semaphore_mem>>) src(%arg8 : memref<2000xf32, #tpu.memory_space<vmem>>) dst(%dma_wait3A_37 : memref<2000xf32, #tpu.memory_space<vmem_shared>>)
      tpu.yield
    }) : () -> ()
    %barrier3A = arith.constant 0 : index
    tpu.barrier barrier_id(%barrier3A)
    %scan3A_25 = arith.constant 0 : i32
    %scan3A_26 = arith.constant 0 : i32
    %scan3A_27 = arith.constant 25 : i32
    %scan3A_28 = arith.addi %scan3A_26, %scan3A_27 : i32
    %scan3A_29 = arith.constant 1 : i32
    %scan3A_30 = scf.for %scan3A_36 = %scan3A_26 to %scan3A_28 step %scan3A_29 iter_args(%scan3A_37 = %scan3A_25) -> (i32)  : i32 {
      %mul3A_38 = arith.constant 50000 : i32
      %mul3A_39 = arith.muli %add3A, %mul3A_38 : i32
      %mul3A_40 = arith.constant 2000 : i32
      %mul3A_41 = arith.muli %scan3A_36, %mul3A_40 : i32
      %add3A_42 = arith.addi %mul3A_39, %mul3A_41 : i32
      "tpu.region"() ({
        %run_scoped3A = tpu.sem_alloc : memref<!tpu.dma_semaphore, #tpu.memory_space<semaphore_mem>>
        %dma_start3A = tpu.memref_slice %arg2[%add3A_42] : memref<1600000xi32, #tpu.memory_space<hbm>> -> memref<2000xi32, #tpu.memory_space<hbm>>
        %dma_start3A_44 = tpu.memref_slice %arg2[%add3A_42] : memref<1600000xi32, #tpu.memory_space<hbm>> -> memref<2000xi32, #tpu.memory_space<hbm>>
        tpu.enqueue_dma source(%dma_start3A_44 : memref<2000xi32, #tpu.memory_space<hbm>>) target(%arg10 : memref<2000xi32, #tpu.memory_space<vmem>>) target_semaphore(%run_scoped3A : memref<!tpu.dma_semaphore, #tpu.memory_space<semaphore_mem>>)
        %dma_wait3A = tpu.memref_slice %arg2[%add3A_42] : memref<1600000xi32, #tpu.memory_space<hbm>> -> memref<2000xi32, #tpu.memory_space<hbm>>
        %dma_wait3A_45 = tpu.memref_slice %arg2[%add3A_42] : memref<1600000xi32, #tpu.memory_space<hbm>> -> memref<2000xi32, #tpu.memory_space<hbm>>
        tpu.wait_dma2 semaphore(%run_scoped3A : memref<!tpu.dma_semaphore, #tpu.memory_space<semaphore_mem>>) src(%dma_wait3A_45 : memref<2000xi32, #tpu.memory_space<hbm>>) dst(%arg10 : memref<2000xi32, #tpu.memory_space<vmem>>)
        tpu.yield
      }) : () -> ()
      "tpu.region"() ({
        %run_scoped3A = tpu.sem_alloc : memref<!tpu.dma_semaphore, #tpu.memory_space<semaphore_mem>>
        %dma_start3A = tpu.memref_slice %arg3[%add3A_42] : memref<1600000xi32, #tpu.memory_space<hbm>> -> memref<2000xi32, #tpu.memory_space<hbm>>
        %dma_start3A_44 = tpu.memref_slice %arg3[%add3A_42] : memref<1600000xi32, #tpu.memory_space<hbm>> -> memref<2000xi32, #tpu.memory_space<hbm>>
        tpu.enqueue_dma source(%dma_start3A_44 : memref<2000xi32, #tpu.memory_space<hbm>>) target(%arg11 : memref<2000xi32, #tpu.memory_space<vmem>>) target_semaphore(%run_scoped3A : memref<!tpu.dma_semaphore, #tpu.memory_space<semaphore_mem>>)
        %dma_wait3A = tpu.memref_slice %arg3[%add3A_42] : memref<1600000xi32, #tpu.memory_space<hbm>> -> memref<2000xi32, #tpu.memory_space<hbm>>
        %dma_wait3A_45 = tpu.memref_slice %arg3[%add3A_42] : memref<1600000xi32, #tpu.memory_space<hbm>> -> memref<2000xi32, #tpu.memory_space<hbm>>
        tpu.wait_dma2 semaphore(%run_scoped3A : memref<!tpu.dma_semaphore, #tpu.memory_space<semaphore_mem>>) src(%dma_wait3A_45 : memref<2000xi32, #tpu.memory_space<hbm>>) dst(%arg11 : memref<2000xi32, #tpu.memory_space<vmem>>)
        tpu.yield
      }) : () -> ()
      "tpu.region"() ({
        %run_scoped3A = tpu.sem_alloc : memref<!tpu.dma_semaphore, #tpu.memory_space<semaphore_mem>>
        %dma_start3A = arith.constant 0 : i32
        %dma_start3A_44 = tpu.memref_slice %arg6[%dma_start3A] : memref<100352xf32, #tpu.memory_space<vmem_shared>> -> memref<100352xf32, #tpu.memory_space<vmem_shared>>
        tpu.enqueue_indirect_dma source(%arg9 : memref<2000xf32, #tpu.memory_space<vmem>>) target(%dma_start3A_44 : memref<100352xf32, #tpu.memory_space<vmem_shared>>) offsets(%arg10 : memref<2000xi32, #tpu.memory_space<vmem>>) semaphore(%run_scoped3A : memref<!tpu.dma_semaphore, #tpu.memory_space<semaphore_mem>>) {add = true}
        %dma_wait3A = arith.constant 0 : i32
        %dma_wait3A_45 = tpu.memref_slice %arg6[%dma_wait3A] : memref<100352xf32, #tpu.memory_space<vmem_shared>> -> memref<100352xf32, #tpu.memory_space<vmem_shared>>
        tpu.wait_indirect_dma semaphore(%run_scoped3A : memref<!tpu.dma_semaphore, #tpu.memory_space<semaphore_mem>>) src(%arg9 : memref<2000xf32, #tpu.memory_space<vmem>>) dst(%dma_wait3A_45 : memref<100352xf32, #tpu.memory_space<vmem_shared>>)
        tpu.yield
      }) : () -> ()
      "tpu.region"() ({
        %run_scoped3A = tpu.sem_alloc : memref<!tpu.dma_semaphore, #tpu.memory_space<semaphore_mem>>
        %dma_start3A = arith.constant 0 : i32
        %dma_start3A_44 = tpu.memref_slice %arg7[%dma_start3A] : memref<100352xf32, #tpu.memory_space<vmem_shared>> -> memref<100352xf32, #tpu.memory_space<vmem_shared>>
        tpu.enqueue_indirect_dma source(%arg9 : memref<2000xf32, #tpu.memory_space<vmem>>) target(%dma_start3A_44 : memref<100352xf32, #tpu.memory_space<vmem_shared>>) offsets(%arg11 : memref<2000xi32, #tpu.memory_space<vmem>>) semaphore(%run_scoped3A : memref<!tpu.dma_semaphore, #tpu.memory_space<semaphore_mem>>) {add = true}
        %dma_wait3A = arith.constant 0 : i32
        %dma_wait3A_45 = tpu.memref_slice %arg7[%dma_wait3A] : memref<100352xf32, #tpu.memory_space<vmem_shared>> -> memref<100352xf32, #tpu.memory_space<vmem_shared>>
        tpu.wait_indirect_dma semaphore(%run_scoped3A : memref<!tpu.dma_semaphore, #tpu.memory_space<semaphore_mem>>) src(%arg9 : memref<2000xf32, #tpu.memory_space<vmem>>) dst(%dma_wait3A_45 : memref<100352xf32, #tpu.memory_space<vmem_shared>>)
        tpu.yield
      }) : () -> ()
      %scan3A_43 = arith.constant 0 : i32
      scf.yield %scan3A_43 : i32
    }
    %scan3A_31 = arith.constant 25 : i32
    %barrier3A_32 = arith.constant 0 : index
    tpu.barrier barrier_id(%barrier3A_32)
    %mul3A_33 = arith.constant 100352 : i32
    %mul3A_34 = arith.muli %arg0, %mul3A_33 : i32
    %add3A_35 = arith.addi %mul3A_34, %mul3A_8 : i32
    "tpu.region"() ({
      %run_scoped3A = tpu.sem_alloc : memref<!tpu.dma_semaphore, #tpu.memory_space<semaphore_mem>>
      %dma_start3A = tpu.memref_slice %arg4[%add3A_35] : memref<200704xf32, #tpu.memory_space<hbm>> -> memref<6272xf32, #tpu.memory_space<hbm>>
      %dma_start3A_36 = tpu.memref_slice %arg6[%mul3A_8] : memref<100352xf32, #tpu.memory_space<vmem_shared>> -> memref<6272xf32, #tpu.memory_space<vmem_shared>>
      tpu.enqueue_dma source(%dma_start3A_36 : memref<6272xf32, #tpu.memory_space<vmem_shared>>) target(%dma_start3A : memref<6272xf32, #tpu.memory_space<hbm>>) target_semaphore(%run_scoped3A : memref<!tpu.dma_semaphore, #tpu.memory_space<semaphore_mem>>)
      %dma_wait3A = tpu.memref_slice %arg4[%add3A_35] : memref<200704xf32, #tpu.memory_space<hbm>> -> memref<6272xf32, #tpu.memory_space<hbm>>
      %dma_wait3A_37 = tpu.memref_slice %arg6[%mul3A_8] : memref<100352xf32, #tpu.memory_space<vmem_shared>> -> memref<6272xf32, #tpu.memory_space<vmem_shared>>
      tpu.wait_dma2 semaphore(%run_scoped3A : memref<!tpu.dma_semaphore, #tpu.memory_space<semaphore_mem>>) src(%dma_wait3A_37 : memref<6272xf32, #tpu.memory_space<vmem_shared>>) dst(%dma_wait3A : memref<6272xf32, #tpu.memory_space<hbm>>)
      tpu.yield
    }) : () -> ()
    "tpu.region"() ({
      %run_scoped3A = tpu.sem_alloc : memref<!tpu.dma_semaphore, #tpu.memory_space<semaphore_mem>>
      %dma_start3A = tpu.memref_slice %arg5[%add3A_35] : memref<200704xf32, #tpu.memory_space<hbm>> -> memref<6272xf32, #tpu.memory_space<hbm>>
      %dma_start3A_36 = tpu.memref_slice %arg7[%mul3A_8] : memref<100352xf32, #tpu.memory_space<vmem_shared>> -> memref<6272xf32, #tpu.memory_space<vmem_shared>>
      tpu.enqueue_dma source(%dma_start3A_36 : memref<6272xf32, #tpu.memory_space<vmem_shared>>) target(%dma_start3A : memref<6272xf32, #tpu.memory_space<hbm>>) target_semaphore(%run_scoped3A : memref<!tpu.dma_semaphore, #tpu.memory_space<semaphore_mem>>)
      %dma_wait3A = tpu.memref_slice %arg5[%add3A_35] : memref<200704xf32, #tpu.memory_space<hbm>> -> memref<6272xf32, #tpu.memory_space<hbm>>
      %dma_wait3A_37 = tpu.memref_slice %arg7[%mul3A_8] : memref<100352xf32, #tpu.memory_space<vmem_shared>> -> memref<6272xf32, #tpu.memory_space<vmem_shared>>
      tpu.wait_dma2 semaphore(%run_scoped3A : memref<!tpu.dma_semaphore, #tpu.memory_space<semaphore_mem>>) src(%dma_wait3A_37 : memref<6272xf32, #tpu.memory_space<vmem_shared>>) dst(%dma_wait3A : memref<6272xf32, #tpu.memory_space<hbm>>)
      tpu.yield
    }) : () -> ()
    return
  }
}

#map = affine_map<(d0, d1) -> (0, 0)>
#map1 = affine_map<(d0, d1) -> (0)>
module attributes {stable_mosaic.version = 14 : i64} {
  func.func @body(%arg0: i32, %arg1: i32, %arg2: memref<1600000x16xf32, #tpu.memory_space<hbm>>, %arg3: memref<1600000xf32, #tpu.memory_space<hbm>>, %arg4: memref<1600000xi32, #tpu.memory_space<hbm>>, %arg5: memref<200704x16xf32, #tpu.memory_space<hbm>>, %arg6: memref<200704xf32, #tpu.memory_space<hbm>>, %arg7: memref<100352x16xf32, #tpu.memory_space<vmem_shared>>, %arg8: memref<100352xf32, #tpu.memory_space<vmem_shared>>, %arg9: memref<1000x16xf32, #tpu.memory_space<vmem>>, %arg10: memref<1000xf32, #tpu.memory_space<vmem>>, %arg11: memref<1000xi32, #tpu.memory_space<vmem>>) attributes {dimension_semantics = [#tpu.dimension_semantics<core_parallel>, #tpu.dimension_semantics<subcore_parallel>], iteration_bounds = array<i64: 2, 16>, scalar_prefetch = 0 : i64, scratch_operands = 5 : i64, tpu.core_type = #tpu.core_type<sc_vector_subcore>, window_params = [{transform_indices = #map}, {transform_indices = #map1}, {transform_indices = #map1}, {transform_indices = #map}, {transform_indices = #map1}]} {
    %mul3A = arith.constant 2 : i32
    %mul3A_0 = arith.muli %arg1, %mul3A : i32
    %add3A = arith.addi %mul3A_0, %arg0 : i32
    %scan3A = arith.constant 0 : i32
    %scan3A_1 = arith.constant 0 : i32
    %scan3A_2 = arith.constant 1000 : i32
    %scan3A_3 = arith.addi %scan3A_1, %scan3A_2 : i32
    %scan3A_4 = arith.constant 1 : i32
    %scan3A_5 = scf.for %scan3A_59 = %scan3A_1 to %scan3A_3 step %scan3A_4 iter_args(%scan3A_60 = %scan3A) -> (i32)  : i32 {
      %broadcast_in_dim3A_61 = arith.constant 0.000000e+00 : f32
      %broadcast_in_dim3A_62 = vector.broadcast %broadcast_in_dim3A_61 : f32 to vector<16xf32>
      %swap3A_63 = arith.index_cast %scan3A_59 : i32 to index
      %swap3A_64 = arith.constant 0 : index
      %swap3A_65 = tpu.vector_load %arg9[%swap3A_63, %swap3A_64] {strides = array<i32>} : memref<1000x16xf32, #tpu.memory_space<vmem>>, vector<1x16xf32>,
      %swap3A_66 = vector.shape_cast %swap3A_65 : vector<1x16xf32> to vector<16xf32>
      %swap3A_67 = vector.shape_cast %broadcast_in_dim3A_62 : vector<16xf32> to vector<1x16xf32>
      tpu.vector_store %arg9[%swap3A_63, %swap3A_64], %swap3A_67 {strides = array<i32>} : memref<1000x16xf32, #tpu.memory_space<vmem>>, vector<1x16xf32>,
      %scan3A_68 = arith.constant 0 : i32
      scf.yield %scan3A_68 : i32
    }
    %scan3A_6 = arith.constant 1000 : i32
    %scan3A_7 = arith.constant 0 : i32
    %scan3A_8 = arith.constant 0 : i32
    %scan3A_9 = arith.constant 62 : i32
    %scan3A_10 = arith.addi %scan3A_8, %scan3A_9 : i32
    %scan3A_11 = arith.constant 1 : i32
    %scan3A_12 = scf.for %scan3A_59 = %scan3A_8 to %scan3A_10 step %scan3A_11 iter_args(%scan3A_60 = %scan3A_7) -> (i32)  : i32 {
      %broadcast_in_dim3A_61 = arith.constant 0.000000e+00 : f32
      %broadcast_in_dim3A_62 = vector.broadcast %broadcast_in_dim3A_61 : f32 to vector<16xf32>
      %mul3A_63 = arith.constant 16 : i32
      %mul3A_64 = arith.muli %scan3A_59, %mul3A_63 : i32
      %swap3A_65 = arith.index_cast %mul3A_64 : i32 to index
      %swap3A_66 = tpu.vector_load %arg10[%swap3A_65] {strides = array<i32>} : memref<1000xf32, #tpu.memory_space<vmem>>, vector<16xf32>,
      %swap3A_67 = vector.shape_cast %swap3A_66 : vector<16xf32> to vector<16xf32>
      %swap3A_68 = vector.shape_cast %broadcast_in_dim3A_62 : vector<16xf32> to vector<16xf32>
      tpu.vector_store %arg10[%swap3A_65], %swap3A_68 {strides = array<i32>} : memref<1000xf32, #tpu.memory_space<vmem>>, vector<16xf32>,
      %scan3A_69 = arith.constant 0 : i32
      scf.yield %scan3A_69 : i32
    }
    %scan3A_13 = arith.constant 62 : i32
    %broadcast_in_dim3A = arith.constant 0.000000e+00 : f32
    %broadcast_in_dim3A_14 = vector.broadcast %broadcast_in_dim3A : f32 to vector<16xf32>
    %swap3A = arith.constant 984 : index
    %swap3A_15 = tpu.vector_load %arg10[%swap3A] {strides = array<i32>} : memref<1000xf32, #tpu.memory_space<vmem>>, vector<16xf32>,
    %swap3A_16 = vector.shape_cast %swap3A_15 : vector<16xf32> to vector<16xf32>
    %swap3A_17 = vector.shape_cast %broadcast_in_dim3A_14 : vector<16xf32> to vector<16xf32>
    tpu.vector_store %arg10[%swap3A], %swap3A_17 {strides = array<i32>} : memref<1000xf32, #tpu.memory_space<vmem>>, vector<16xf32>,
    %mul3A_18 = arith.constant 6272 : i32
    %mul3A_19 = arith.muli %arg1, %mul3A_18 : i32
    %add3A_20 = arith.constant 0 : i32
    %add3A_21 = arith.addi %mul3A_19, %add3A_20 : i32
    "tpu.region"() ({
      %run_scoped3A = tpu.sem_alloc : memref<!tpu.dma_semaphore, #tpu.memory_space<semaphore_mem>>
      %dma_start3A = arith.constant 0 : i32
      %dma_start3A_59 = tpu.memref_slice %arg7[%add3A_21, %dma_start3A] : memref<100352x16xf32, #tpu.memory_space<vmem_shared>> -> memref<1000x16xf32, #tpu.memory_space<vmem_shared>>
      %dma_start3A_60 = arith.constant 0 : i32
      %dma_start3A_61 = tpu.memref_slice %arg7[%add3A_21, %dma_start3A_60] : memref<100352x16xf32, #tpu.memory_space<vmem_shared>> -> memref<1000x16xf32, #tpu.memory_space<vmem_shared>>
      tpu.enqueue_dma source(%arg9 : memref<1000x16xf32, #tpu.memory_space<vmem>>) target(%dma_start3A_61 : memref<1000x16xf32, #tpu.memory_space<vmem_shared>>) target_semaphore(%run_scoped3A : memref<!tpu.dma_semaphore, #tpu.memory_space<semaphore_mem>>)
      %dma_wait3A = arith.constant 0 : i32
      %dma_wait3A_62 = tpu.memref_slice %arg7[%add3A_21, %dma_wait3A] : memref<100352x16xf32, #tpu.memory_space<vmem_shared>> -> memref<1000x16xf32, #tpu.memory_space<vmem_shared>>
      %dma_wait3A_63 = arith.constant 0 : i32
      %dma_wait3A_64 = tpu.memref_slice %arg7[%add3A_21, %dma_wait3A_63] : memref<100352x16xf32, #tpu.memory_space<vmem_shared>> -> memref<1000x16xf32, #tpu.memory_space<vmem_shared>>
      tpu.wait_dma2 semaphore(%run_scoped3A : memref<!tpu.dma_semaphore, #tpu.memory_space<semaphore_mem>>) src(%arg9 : memref<1000x16xf32, #tpu.memory_space<vmem>>) dst(%dma_wait3A_64 : memref<1000x16xf32, #tpu.memory_space<vmem_shared>>)
      tpu.yield
    }) : () -> ()
    %add3A_22 = arith.constant 0 : i32
    %add3A_23 = arith.addi %mul3A_19, %add3A_22 : i32
    "tpu.region"() ({
      %run_scoped3A = tpu.sem_alloc : memref<!tpu.dma_semaphore, #tpu.memory_space<semaphore_mem>>
      %dma_start3A = tpu.memref_slice %arg8[%add3A_23] : memref<100352xf32, #tpu.memory_space<vmem_shared>> -> memref<1000xf32, #tpu.memory_space<vmem_shared>>
      %dma_start3A_59 = tpu.memref_slice %arg8[%add3A_23] : memref<100352xf32, #tpu.memory_space<vmem_shared>> -> memref<1000xf32, #tpu.memory_space<vmem_shared>>
      tpu.enqueue_dma source(%arg10 : memref<1000xf32, #tpu.memory_space<vmem>>) target(%dma_start3A_59 : memref<1000xf32, #tpu.memory_space<vmem_shared>>) target_semaphore(%run_scoped3A : memref<!tpu.dma_semaphore, #tpu.memory_space<semaphore_mem>>)
      %dma_wait3A = tpu.memref_slice %arg8[%add3A_23] : memref<100352xf32, #tpu.memory_space<vmem_shared>> -> memref<1000xf32, #tpu.memory_space<vmem_shared>>
      %dma_wait3A_60 = tpu.memref_slice %arg8[%add3A_23] : memref<100352xf32, #tpu.memory_space<vmem_shared>> -> memref<1000xf32, #tpu.memory_space<vmem_shared>>
      tpu.wait_dma2 semaphore(%run_scoped3A : memref<!tpu.dma_semaphore, #tpu.memory_space<semaphore_mem>>) src(%arg10 : memref<1000xf32, #tpu.memory_space<vmem>>) dst(%dma_wait3A_60 : memref<1000xf32, #tpu.memory_space<vmem_shared>>)
      tpu.yield
    }) : () -> ()
    %add3A_24 = arith.constant 1000 : i32
    %add3A_25 = arith.addi %mul3A_19, %add3A_24 : i32
    "tpu.region"() ({
      %run_scoped3A = tpu.sem_alloc : memref<!tpu.dma_semaphore, #tpu.memory_space<semaphore_mem>>
      %dma_start3A = arith.constant 0 : i32
      %dma_start3A_59 = tpu.memref_slice %arg7[%add3A_25, %dma_start3A] : memref<100352x16xf32, #tpu.memory_space<vmem_shared>> -> memref<1000x16xf32, #tpu.memory_space<vmem_shared>>
      %dma_start3A_60 = arith.constant 0 : i32
      %dma_start3A_61 = tpu.memref_slice %arg7[%add3A_25, %dma_start3A_60] : memref<100352x16xf32, #tpu.memory_space<vmem_shared>> -> memref<1000x16xf32, #tpu.memory_space<vmem_shared>>
      tpu.enqueue_dma source(%arg9 : memref<1000x16xf32, #tpu.memory_space<vmem>>) target(%dma_start3A_61 : memref<1000x16xf32, #tpu.memory_space<vmem_shared>>) target_semaphore(%run_scoped3A : memref<!tpu.dma_semaphore, #tpu.memory_space<semaphore_mem>>)
      %dma_wait3A = arith.constant 0 : i32
      %dma_wait3A_62 = tpu.memref_slice %arg7[%add3A_25, %dma_wait3A] : memref<100352x16xf32, #tpu.memory_space<vmem_shared>> -> memref<1000x16xf32, #tpu.memory_space<vmem_shared>>
      %dma_wait3A_63 = arith.constant 0 : i32
      %dma_wait3A_64 = tpu.memref_slice %arg7[%add3A_25, %dma_wait3A_63] : memref<100352x16xf32, #tpu.memory_space<vmem_shared>> -> memref<1000x16xf32, #tpu.memory_space<vmem_shared>>
      tpu.wait_dma2 semaphore(%run_scoped3A : memref<!tpu.dma_semaphore, #tpu.memory_space<semaphore_mem>>) src(%arg9 : memref<1000x16xf32, #tpu.memory_space<vmem>>) dst(%dma_wait3A_64 : memref<1000x16xf32, #tpu.memory_space<vmem_shared>>)
      tpu.yield
    }) : () -> ()
    %add3A_26 = arith.constant 1000 : i32
    %add3A_27 = arith.addi %mul3A_19, %add3A_26 : i32
    "tpu.region"() ({
      %run_scoped3A = tpu.sem_alloc : memref<!tpu.dma_semaphore, #tpu.memory_space<semaphore_mem>>
      %dma_start3A = tpu.memref_slice %arg8[%add3A_27] : memref<100352xf32, #tpu.memory_space<vmem_shared>> -> memref<1000xf32, #tpu.memory_space<vmem_shared>>
      %dma_start3A_59 = tpu.memref_slice %arg8[%add3A_27] : memref<100352xf32, #tpu.memory_space<vmem_shared>> -> memref<1000xf32, #tpu.memory_space<vmem_shared>>
      tpu.enqueue_dma source(%arg10 : memref<1000xf32, #tpu.memory_space<vmem>>) target(%dma_start3A_59 : memref<1000xf32, #tpu.memory_space<vmem_shared>>) target_semaphore(%run_scoped3A : memref<!tpu.dma_semaphore, #tpu.memory_space<semaphore_mem>>)
      %dma_wait3A = tpu.memref_slice %arg8[%add3A_27] : memref<100352xf32, #tpu.memory_space<vmem_shared>> -> memref<1000xf32, #tpu.memory_space<vmem_shared>>
      %dma_wait3A_60 = tpu.memref_slice %arg8[%add3A_27] : memref<100352xf32, #tpu.memory_space<vmem_shared>> -> memref<1000xf32, #tpu.memory_space<vmem_shared>>
      tpu.wait_dma2 semaphore(%run_scoped3A : memref<!tpu.dma_semaphore, #tpu.memory_space<semaphore_mem>>) src(%arg10 : memref<1000xf32, #tpu.memory_space<vmem>>) dst(%dma_wait3A_60 : memref<1000xf32, #tpu.memory_space<vmem_shared>>)
      tpu.yield
    }) : () -> ()
    %add3A_28 = arith.constant 2000 : i32
    %add3A_29 = arith.addi %mul3A_19, %add3A_28 : i32
    "tpu.region"() ({
      %run_scoped3A = tpu.sem_alloc : memref<!tpu.dma_semaphore, #tpu.memory_space<semaphore_mem>>
      %dma_start3A = arith.constant 0 : i32
      %dma_start3A_59 = tpu.memref_slice %arg7[%add3A_29, %dma_start3A] : memref<100352x16xf32, #tpu.memory_space<vmem_shared>> -> memref<1000x16xf32, #tpu.memory_space<vmem_shared>>
      %dma_start3A_60 = arith.constant 0 : i32
      %dma_start3A_61 = tpu.memref_slice %arg7[%add3A_29, %dma_start3A_60] : memref<100352x16xf32, #tpu.memory_space<vmem_shared>> -> memref<1000x16xf32, #tpu.memory_space<vmem_shared>>
      tpu.enqueue_dma source(%arg9 : memref<1000x16xf32, #tpu.memory_space<vmem>>) target(%dma_start3A_61 : memref<1000x16xf32, #tpu.memory_space<vmem_shared>>) target_semaphore(%run_scoped3A : memref<!tpu.dma_semaphore, #tpu.memory_space<semaphore_mem>>)
      %dma_wait3A = arith.constant 0 : i32
      %dma_wait3A_62 = tpu.memref_slice %arg7[%add3A_29, %dma_wait3A] : memref<100352x16xf32, #tpu.memory_space<vmem_shared>> -> memref<1000x16xf32, #tpu.memory_space<vmem_shared>>
      %dma_wait3A_63 = arith.constant 0 : i32
      %dma_wait3A_64 = tpu.memref_slice %arg7[%add3A_29, %dma_wait3A_63] : memref<100352x16xf32, #tpu.memory_space<vmem_shared>> -> memref<1000x16xf32, #tpu.memory_space<vmem_shared>>
      tpu.wait_dma2 semaphore(%run_scoped3A : memref<!tpu.dma_semaphore, #tpu.memory_space<semaphore_mem>>) src(%arg9 : memref<1000x16xf32, #tpu.memory_space<vmem>>) dst(%dma_wait3A_64 : memref<1000x16xf32, #tpu.memory_space<vmem_shared>>)
      tpu.yield
    }) : () -> ()
    %add3A_30 = arith.constant 2000 : i32
    %add3A_31 = arith.addi %mul3A_19, %add3A_30 : i32
    "tpu.region"() ({
      %run_scoped3A = tpu.sem_alloc : memref<!tpu.dma_semaphore, #tpu.memory_space<semaphore_mem>>
      %dma_start3A = tpu.memref_slice %arg8[%add3A_31] : memref<100352xf32, #tpu.memory_space<vmem_shared>> -> memref<1000xf32, #tpu.memory_space<vmem_shared>>
      %dma_start3A_59 = tpu.memref_slice %arg8[%add3A_31] : memref<100352xf32, #tpu.memory_space<vmem_shared>> -> memref<1000xf32, #tpu.memory_space<vmem_shared>>
      tpu.enqueue_dma source(%arg10 : memref<1000xf32, #tpu.memory_space<vmem>>) target(%dma_start3A_59 : memref<1000xf32, #tpu.memory_space<vmem_shared>>) target_semaphore(%run_scoped3A : memref<!tpu.dma_semaphore, #tpu.memory_space<semaphore_mem>>)
      %dma_wait3A = tpu.memref_slice %arg8[%add3A_31] : memref<100352xf32, #tpu.memory_space<vmem_shared>> -> memref<1000xf32, #tpu.memory_space<vmem_shared>>
      %dma_wait3A_60 = tpu.memref_slice %arg8[%add3A_31] : memref<100352xf32, #tpu.memory_space<vmem_shared>> -> memref<1000xf32, #tpu.memory_space<vmem_shared>>
      tpu.wait_dma2 semaphore(%run_scoped3A : memref<!tpu.dma_semaphore, #tpu.memory_space<semaphore_mem>>) src(%arg10 : memref<1000xf32, #tpu.memory_space<vmem>>) dst(%dma_wait3A_60 : memref<1000xf32, #tpu.memory_space<vmem_shared>>)
      tpu.yield
    }) : () -> ()
    %add3A_32 = arith.constant 3000 : i32
    %add3A_33 = arith.addi %mul3A_19, %add3A_32 : i32
    "tpu.region"() ({
      %run_scoped3A = tpu.sem_alloc : memref<!tpu.dma_semaphore, #tpu.memory_space<semaphore_mem>>
      %dma_start3A = arith.constant 0 : i32
      %dma_start3A_59 = tpu.memref_slice %arg7[%add3A_33, %dma_start3A] : memref<100352x16xf32, #tpu.memory_space<vmem_shared>> -> memref<1000x16xf32, #tpu.memory_space<vmem_shared>>
      %dma_start3A_60 = arith.constant 0 : i32
      %dma_start3A_61 = tpu.memref_slice %arg7[%add3A_33, %dma_start3A_60] : memref<100352x16xf32, #tpu.memory_space<vmem_shared>> -> memref<1000x16xf32, #tpu.memory_space<vmem_shared>>
      tpu.enqueue_dma source(%arg9 : memref<1000x16xf32, #tpu.memory_space<vmem>>) target(%dma_start3A_61 : memref<1000x16xf32, #tpu.memory_space<vmem_shared>>) target_semaphore(%run_scoped3A : memref<!tpu.dma_semaphore, #tpu.memory_space<semaphore_mem>>)
      %dma_wait3A = arith.constant 0 : i32
      %dma_wait3A_62 = tpu.memref_slice %arg7[%add3A_33, %dma_wait3A] : memref<100352x16xf32, #tpu.memory_space<vmem_shared>> -> memref<1000x16xf32, #tpu.memory_space<vmem_shared>>
      %dma_wait3A_63 = arith.constant 0 : i32
      %dma_wait3A_64 = tpu.memref_slice %arg7[%add3A_33, %dma_wait3A_63] : memref<100352x16xf32, #tpu.memory_space<vmem_shared>> -> memref<1000x16xf32, #tpu.memory_space<vmem_shared>>
      tpu.wait_dma2 semaphore(%run_scoped3A : memref<!tpu.dma_semaphore, #tpu.memory_space<semaphore_mem>>) src(%arg9 : memref<1000x16xf32, #tpu.memory_space<vmem>>) dst(%dma_wait3A_64 : memref<1000x16xf32, #tpu.memory_space<vmem_shared>>)
      tpu.yield
    }) : () -> ()
    %add3A_34 = arith.constant 3000 : i32
    %add3A_35 = arith.addi %mul3A_19, %add3A_34 : i32
    "tpu.region"() ({
      %run_scoped3A = tpu.sem_alloc : memref<!tpu.dma_semaphore, #tpu.memory_space<semaphore_mem>>
      %dma_start3A = tpu.memref_slice %arg8[%add3A_35] : memref<100352xf32, #tpu.memory_space<vmem_shared>> -> memref<1000xf32, #tpu.memory_space<vmem_shared>>
      %dma_start3A_59 = tpu.memref_slice %arg8[%add3A_35] : memref<100352xf32, #tpu.memory_space<vmem_shared>> -> memref<1000xf32, #tpu.memory_space<vmem_shared>>
      tpu.enqueue_dma source(%arg10 : memref<1000xf32, #tpu.memory_space<vmem>>) target(%dma_start3A_59 : memref<1000xf32, #tpu.memory_space<vmem_shared>>) target_semaphore(%run_scoped3A : memref<!tpu.dma_semaphore, #tpu.memory_space<semaphore_mem>>)
      %dma_wait3A = tpu.memref_slice %arg8[%add3A_35] : memref<100352xf32, #tpu.memory_space<vmem_shared>> -> memref<1000xf32, #tpu.memory_space<vmem_shared>>
      %dma_wait3A_60 = tpu.memref_slice %arg8[%add3A_35] : memref<100352xf32, #tpu.memory_space<vmem_shared>> -> memref<1000xf32, #tpu.memory_space<vmem_shared>>
      tpu.wait_dma2 semaphore(%run_scoped3A : memref<!tpu.dma_semaphore, #tpu.memory_space<semaphore_mem>>) src(%arg10 : memref<1000xf32, #tpu.memory_space<vmem>>) dst(%dma_wait3A_60 : memref<1000xf32, #tpu.memory_space<vmem_shared>>)
      tpu.yield
    }) : () -> ()
    %add3A_36 = arith.constant 4000 : i32
    %add3A_37 = arith.addi %mul3A_19, %add3A_36 : i32
    "tpu.region"() ({
      %run_scoped3A = tpu.sem_alloc : memref<!tpu.dma_semaphore, #tpu.memory_space<semaphore_mem>>
      %dma_start3A = arith.constant 0 : i32
      %dma_start3A_59 = tpu.memref_slice %arg7[%add3A_37, %dma_start3A] : memref<100352x16xf32, #tpu.memory_space<vmem_shared>> -> memref<1000x16xf32, #tpu.memory_space<vmem_shared>>
      %dma_start3A_60 = arith.constant 0 : i32
      %dma_start3A_61 = tpu.memref_slice %arg7[%add3A_37, %dma_start3A_60] : memref<100352x16xf32, #tpu.memory_space<vmem_shared>> -> memref<1000x16xf32, #tpu.memory_space<vmem_shared>>
      tpu.enqueue_dma source(%arg9 : memref<1000x16xf32, #tpu.memory_space<vmem>>) target(%dma_start3A_61 : memref<1000x16xf32, #tpu.memory_space<vmem_shared>>) target_semaphore(%run_scoped3A : memref<!tpu.dma_semaphore, #tpu.memory_space<semaphore_mem>>)
      %dma_wait3A = arith.constant 0 : i32
      %dma_wait3A_62 = tpu.memref_slice %arg7[%add3A_37, %dma_wait3A] : memref<100352x16xf32, #tpu.memory_space<vmem_shared>> -> memref<1000x16xf32, #tpu.memory_space<vmem_shared>>
      %dma_wait3A_63 = arith.constant 0 : i32
      %dma_wait3A_64 = tpu.memref_slice %arg7[%add3A_37, %dma_wait3A_63] : memref<100352x16xf32, #tpu.memory_space<vmem_shared>> -> memref<1000x16xf32, #tpu.memory_space<vmem_shared>>
      tpu.wait_dma2 semaphore(%run_scoped3A : memref<!tpu.dma_semaphore, #tpu.memory_space<semaphore_mem>>) src(%arg9 : memref<1000x16xf32, #tpu.memory_space<vmem>>) dst(%dma_wait3A_64 : memref<1000x16xf32, #tpu.memory_space<vmem_shared>>)
      tpu.yield
    }) : () -> ()
    %add3A_38 = arith.constant 4000 : i32
    %add3A_39 = arith.addi %mul3A_19, %add3A_38 : i32
    "tpu.region"() ({
      %run_scoped3A = tpu.sem_alloc : memref<!tpu.dma_semaphore, #tpu.memory_space<semaphore_mem>>
      %dma_start3A = tpu.memref_slice %arg8[%add3A_39] : memref<100352xf32, #tpu.memory_space<vmem_shared>> -> memref<1000xf32, #tpu.memory_space<vmem_shared>>
      %dma_start3A_59 = tpu.memref_slice %arg8[%add3A_39] : memref<100352xf32, #tpu.memory_space<vmem_shared>> -> memref<1000xf32, #tpu.memory_space<vmem_shared>>
      tpu.enqueue_dma source(%arg10 : memref<1000xf32, #tpu.memory_space<vmem>>) target(%dma_start3A_59 : memref<1000xf32, #tpu.memory_space<vmem_shared>>) target_semaphore(%run_scoped3A : memref<!tpu.dma_semaphore, #tpu.memory_space<semaphore_mem>>)
      %dma_wait3A = tpu.memref_slice %arg8[%add3A_39] : memref<100352xf32, #tpu.memory_space<vmem_shared>> -> memref<1000xf32, #tpu.memory_space<vmem_shared>>
      %dma_wait3A_60 = tpu.memref_slice %arg8[%add3A_39] : memref<100352xf32, #tpu.memory_space<vmem_shared>> -> memref<1000xf32, #tpu.memory_space<vmem_shared>>
      tpu.wait_dma2 semaphore(%run_scoped3A : memref<!tpu.dma_semaphore, #tpu.memory_space<semaphore_mem>>) src(%arg10 : memref<1000xf32, #tpu.memory_space<vmem>>) dst(%dma_wait3A_60 : memref<1000xf32, #tpu.memory_space<vmem_shared>>)
      tpu.yield
    }) : () -> ()
    %add3A_40 = arith.constant 5000 : i32
    %add3A_41 = arith.addi %mul3A_19, %add3A_40 : i32
    "tpu.region"() ({
      %run_scoped3A = tpu.sem_alloc : memref<!tpu.dma_semaphore, #tpu.memory_space<semaphore_mem>>
      %dma_start3A = arith.constant 0 : i32
      %dma_start3A_59 = tpu.memref_slice %arg7[%add3A_41, %dma_start3A] : memref<100352x16xf32, #tpu.memory_space<vmem_shared>> -> memref<1000x16xf32, #tpu.memory_space<vmem_shared>>
      %dma_start3A_60 = arith.constant 0 : i32
      %dma_start3A_61 = tpu.memref_slice %arg7[%add3A_41, %dma_start3A_60] : memref<100352x16xf32, #tpu.memory_space<vmem_shared>> -> memref<1000x16xf32, #tpu.memory_space<vmem_shared>>
      tpu.enqueue_dma source(%arg9 : memref<1000x16xf32, #tpu.memory_space<vmem>>) target(%dma_start3A_61 : memref<1000x16xf32, #tpu.memory_space<vmem_shared>>) target_semaphore(%run_scoped3A : memref<!tpu.dma_semaphore, #tpu.memory_space<semaphore_mem>>)
      %dma_wait3A = arith.constant 0 : i32
      %dma_wait3A_62 = tpu.memref_slice %arg7[%add3A_41, %dma_wait3A] : memref<100352x16xf32, #tpu.memory_space<vmem_shared>> -> memref<1000x16xf32, #tpu.memory_space<vmem_shared>>
      %dma_wait3A_63 = arith.constant 0 : i32
      %dma_wait3A_64 = tpu.memref_slice %arg7[%add3A_41, %dma_wait3A_63] : memref<100352x16xf32, #tpu.memory_space<vmem_shared>> -> memref<1000x16xf32, #tpu.memory_space<vmem_shared>>
      tpu.wait_dma2 semaphore(%run_scoped3A : memref<!tpu.dma_semaphore, #tpu.memory_space<semaphore_mem>>) src(%arg9 : memref<1000x16xf32, #tpu.memory_space<vmem>>) dst(%dma_wait3A_64 : memref<1000x16xf32, #tpu.memory_space<vmem_shared>>)
      tpu.yield
    }) : () -> ()
    %add3A_42 = arith.constant 5000 : i32
    %add3A_43 = arith.addi %mul3A_19, %add3A_42 : i32
    "tpu.region"() ({
      %run_scoped3A = tpu.sem_alloc : memref<!tpu.dma_semaphore, #tpu.memory_space<semaphore_mem>>
      %dma_start3A = tpu.memref_slice %arg8[%add3A_43] : memref<100352xf32, #tpu.memory_space<vmem_shared>> -> memref<1000xf32, #tpu.memory_space<vmem_shared>>
      %dma_start3A_59 = tpu.memref_slice %arg8[%add3A_43] : memref<100352xf32, #tpu.memory_space<vmem_shared>> -> memref<1000xf32, #tpu.memory_space<vmem_shared>>
      tpu.enqueue_dma source(%arg10 : memref<1000xf32, #tpu.memory_space<vmem>>) target(%dma_start3A_59 : memref<1000xf32, #tpu.memory_space<vmem_shared>>) target_semaphore(%run_scoped3A : memref<!tpu.dma_semaphore, #tpu.memory_space<semaphore_mem>>)
      %dma_wait3A = tpu.memref_slice %arg8[%add3A_43] : memref<100352xf32, #tpu.memory_space<vmem_shared>> -> memref<1000xf32, #tpu.memory_space<vmem_shared>>
      %dma_wait3A_60 = tpu.memref_slice %arg8[%add3A_43] : memref<100352xf32, #tpu.memory_space<vmem_shared>> -> memref<1000xf32, #tpu.memory_space<vmem_shared>>
      tpu.wait_dma2 semaphore(%run_scoped3A : memref<!tpu.dma_semaphore, #tpu.memory_space<semaphore_mem>>) src(%arg10 : memref<1000xf32, #tpu.memory_space<vmem>>) dst(%dma_wait3A_60 : memref<1000xf32, #tpu.memory_space<vmem_shared>>)
      tpu.yield
    }) : () -> ()
    %add3A_44 = arith.constant 5272 : i32
    %add3A_45 = arith.addi %mul3A_19, %add3A_44 : i32
    "tpu.region"() ({
      %run_scoped3A = tpu.sem_alloc : memref<!tpu.dma_semaphore, #tpu.memory_space<semaphore_mem>>
      %dma_start3A = arith.constant 0 : i32
      %dma_start3A_59 = tpu.memref_slice %arg7[%add3A_45, %dma_start3A] : memref<100352x16xf32, #tpu.memory_space<vmem_shared>> -> memref<1000x16xf32, #tpu.memory_space<vmem_shared>>
      %dma_start3A_60 = arith.constant 0 : i32
      %dma_start3A_61 = tpu.memref_slice %arg7[%add3A_45, %dma_start3A_60] : memref<100352x16xf32, #tpu.memory_space<vmem_shared>> -> memref<1000x16xf32, #tpu.memory_space<vmem_shared>>
      tpu.enqueue_dma source(%arg9 : memref<1000x16xf32, #tpu.memory_space<vmem>>) target(%dma_start3A_61 : memref<1000x16xf32, #tpu.memory_space<vmem_shared>>) target_semaphore(%run_scoped3A : memref<!tpu.dma_semaphore, #tpu.memory_space<semaphore_mem>>)
      %dma_wait3A = arith.constant 0 : i32
      %dma_wait3A_62 = tpu.memref_slice %arg7[%add3A_45, %dma_wait3A] : memref<100352x16xf32, #tpu.memory_space<vmem_shared>> -> memref<1000x16xf32, #tpu.memory_space<vmem_shared>>
      %dma_wait3A_63 = arith.constant 0 : i32
      %dma_wait3A_64 = tpu.memref_slice %arg7[%add3A_45, %dma_wait3A_63] : memref<100352x16xf32, #tpu.memory_space<vmem_shared>> -> memref<1000x16xf32, #tpu.memory_space<vmem_shared>>
      tpu.wait_dma2 semaphore(%run_scoped3A : memref<!tpu.dma_semaphore, #tpu.memory_space<semaphore_mem>>) src(%arg9 : memref<1000x16xf32, #tpu.memory_space<vmem>>) dst(%dma_wait3A_64 : memref<1000x16xf32, #tpu.memory_space<vmem_shared>>)
      tpu.yield
    }) : () -> ()
    %add3A_46 = arith.constant 5272 : i32
    %add3A_47 = arith.addi %mul3A_19, %add3A_46 : i32
    "tpu.region"() ({
      %run_scoped3A = tpu.sem_alloc : memref<!tpu.dma_semaphore, #tpu.memory_space<semaphore_mem>>
      %dma_start3A = tpu.memref_slice %arg8[%add3A_47] : memref<100352xf32, #tpu.memory_space<vmem_shared>> -> memref<1000xf32, #tpu.memory_space<vmem_shared>>
      %dma_start3A_59 = tpu.memref_slice %arg8[%add3A_47] : memref<100352xf32, #tpu.memory_space<vmem_shared>> -> memref<1000xf32, #tpu.memory_space<vmem_shared>>
      tpu.enqueue_dma source(%arg10 : memref<1000xf32, #tpu.memory_space<vmem>>) target(%dma_start3A_59 : memref<1000xf32, #tpu.memory_space<vmem_shared>>) target_semaphore(%run_scoped3A : memref<!tpu.dma_semaphore, #tpu.memory_space<semaphore_mem>>)
      %dma_wait3A = tpu.memref_slice %arg8[%add3A_47] : memref<100352xf32, #tpu.memory_space<vmem_shared>> -> memref<1000xf32, #tpu.memory_space<vmem_shared>>
      %dma_wait3A_60 = tpu.memref_slice %arg8[%add3A_47] : memref<100352xf32, #tpu.memory_space<vmem_shared>> -> memref<1000xf32, #tpu.memory_space<vmem_shared>>
      tpu.wait_dma2 semaphore(%run_scoped3A : memref<!tpu.dma_semaphore, #tpu.memory_space<semaphore_mem>>) src(%arg10 : memref<1000xf32, #tpu.memory_space<vmem>>) dst(%dma_wait3A_60 : memref<1000xf32, #tpu.memory_space<vmem_shared>>)
      tpu.yield
    }) : () -> ()
    %barrier3A = arith.constant 0 : index
    tpu.barrier barrier_id(%barrier3A)
    %scan3A_48 = arith.constant 0 : i32
    %scan3A_49 = arith.constant 0 : i32
    %scan3A_50 = arith.constant 50 : i32
    %scan3A_51 = arith.addi %scan3A_49, %scan3A_50 : i32
    %scan3A_52 = arith.constant 1 : i32
    %scan3A_53 = scf.for %scan3A_59 = %scan3A_49 to %scan3A_51 step %scan3A_52 iter_args(%scan3A_60 = %scan3A_48) -> (i32)  : i32 {
      %mul3A_61 = arith.constant 50000 : i32
      %mul3A_62 = arith.muli %add3A, %mul3A_61 : i32
      %mul3A_63 = arith.constant 1000 : i32
      %mul3A_64 = arith.muli %scan3A_59, %mul3A_63 : i32
      %add3A_65 = arith.addi %mul3A_62, %mul3A_64 : i32
      "tpu.region"() ({
        %run_scoped3A = tpu.sem_alloc : memref<!tpu.dma_semaphore, #tpu.memory_space<semaphore_mem>>
        %dma_start3A = arith.constant 0 : i32
        %dma_start3A_67 = tpu.memref_slice %arg2[%add3A_65, %dma_start3A] : memref<1600000x16xf32, #tpu.memory_space<hbm>> -> memref<1000x16xf32, #tpu.memory_space<hbm>>
        %dma_start3A_68 = arith.constant 0 : i32
        %dma_start3A_69 = tpu.memref_slice %arg2[%add3A_65, %dma_start3A_68] : memref<1600000x16xf32, #tpu.memory_space<hbm>> -> memref<1000x16xf32, #tpu.memory_space<hbm>>
        tpu.enqueue_dma source(%dma_start3A_69 : memref<1000x16xf32, #tpu.memory_space<hbm>>) target(%arg9 : memref<1000x16xf32, #tpu.memory_space<vmem>>) target_semaphore(%run_scoped3A : memref<!tpu.dma_semaphore, #tpu.memory_space<semaphore_mem>>)
        %dma_wait3A = arith.constant 0 : i32
        %dma_wait3A_70 = tpu.memref_slice %arg2[%add3A_65, %dma_wait3A] : memref<1600000x16xf32, #tpu.memory_space<hbm>> -> memref<1000x16xf32, #tpu.memory_space<hbm>>
        %dma_wait3A_71 = arith.constant 0 : i32
        %dma_wait3A_72 = tpu.memref_slice %arg2[%add3A_65, %dma_wait3A_71] : memref<1600000x16xf32, #tpu.memory_space<hbm>> -> memref<1000x16xf32, #tpu.memory_space<hbm>>
        tpu.wait_dma2 semaphore(%run_scoped3A : memref<!tpu.dma_semaphore, #tpu.memory_space<semaphore_mem>>) src(%dma_wait3A_72 : memref<1000x16xf32, #tpu.memory_space<hbm>>) dst(%arg9 : memref<1000x16xf32, #tpu.memory_space<vmem>>)
        tpu.yield
      }) : () -> ()
      "tpu.region"() ({
        %run_scoped3A = tpu.sem_alloc : memref<!tpu.dma_semaphore, #tpu.memory_space<semaphore_mem>>
        %dma_start3A = tpu.memref_slice %arg3[%add3A_65] : memref<1600000xf32, #tpu.memory_space<hbm>> -> memref<1000xf32, #tpu.memory_space<hbm>>
        %dma_start3A_67 = tpu.memref_slice %arg3[%add3A_65] : memref<1600000xf32, #tpu.memory_space<hbm>> -> memref<1000xf32, #tpu.memory_space<hbm>>
        tpu.enqueue_dma source(%dma_start3A_67 : memref<1000xf32, #tpu.memory_space<hbm>>) target(%arg10 : memref<1000xf32, #tpu.memory_space<vmem>>) target_semaphore(%run_scoped3A : memref<!tpu.dma_semaphore, #tpu.memory_space<semaphore_mem>>)
        %dma_wait3A = tpu.memref_slice %arg3[%add3A_65] : memref<1600000xf32, #tpu.memory_space<hbm>> -> memref<1000xf32, #tpu.memory_space<hbm>>
        %dma_wait3A_68 = tpu.memref_slice %arg3[%add3A_65] : memref<1600000xf32, #tpu.memory_space<hbm>> -> memref<1000xf32, #tpu.memory_space<hbm>>
        tpu.wait_dma2 semaphore(%run_scoped3A : memref<!tpu.dma_semaphore, #tpu.memory_space<semaphore_mem>>) src(%dma_wait3A_68 : memref<1000xf32, #tpu.memory_space<hbm>>) dst(%arg10 : memref<1000xf32, #tpu.memory_space<vmem>>)
        tpu.yield
      }) : () -> ()
      "tpu.region"() ({
        %run_scoped3A = tpu.sem_alloc : memref<!tpu.dma_semaphore, #tpu.memory_space<semaphore_mem>>
        %dma_start3A = tpu.memref_slice %arg4[%add3A_65] : memref<1600000xi32, #tpu.memory_space<hbm>> -> memref<1000xi32, #tpu.memory_space<hbm>>
        %dma_start3A_67 = tpu.memref_slice %arg4[%add3A_65] : memref<1600000xi32, #tpu.memory_space<hbm>> -> memref<1000xi32, #tpu.memory_space<hbm>>
        tpu.enqueue_dma source(%dma_start3A_67 : memref<1000xi32, #tpu.memory_space<hbm>>) target(%arg11 : memref<1000xi32, #tpu.memory_space<vmem>>) target_semaphore(%run_scoped3A : memref<!tpu.dma_semaphore, #tpu.memory_space<semaphore_mem>>)
        %dma_wait3A = tpu.memref_slice %arg4[%add3A_65] : memref<1600000xi32, #tpu.memory_space<hbm>> -> memref<1000xi32, #tpu.memory_space<hbm>>
        %dma_wait3A_68 = tpu.memref_slice %arg4[%add3A_65] : memref<1600000xi32, #tpu.memory_space<hbm>> -> memref<1000xi32, #tpu.memory_space<hbm>>
        tpu.wait_dma2 semaphore(%run_scoped3A : memref<!tpu.dma_semaphore, #tpu.memory_space<semaphore_mem>>) src(%dma_wait3A_68 : memref<1000xi32, #tpu.memory_space<hbm>>) dst(%arg11 : memref<1000xi32, #tpu.memory_space<vmem>>)
        tpu.yield
      }) : () -> ()
      "tpu.region"() ({
        %run_scoped3A = tpu.sem_alloc : memref<!tpu.dma_semaphore, #tpu.memory_space<semaphore_mem>>
        %dma_start3A = arith.constant 0 : i32
        %dma_start3A_67 = arith.constant 0 : i32
        %dma_start3A_68 = tpu.memref_slice %arg7[%dma_start3A, %dma_start3A_67] : memref<100352x16xf32, #tpu.memory_space<vmem_shared>> -> memref<100352x16xf32, #tpu.memory_space<vmem_shared>>
        tpu.enqueue_indirect_dma source(%arg9 : memref<1000x16xf32, #tpu.memory_space<vmem>>) target(%dma_start3A_68 : memref<100352x16xf32, #tpu.memory_space<vmem_shared>>) offsets(%arg11 : memref<1000xi32, #tpu.memory_space<vmem>>) semaphore(%run_scoped3A : memref<!tpu.dma_semaphore, #tpu.memory_space<semaphore_mem>>) {add = true}
        %dma_wait3A = arith.constant 0 : i32
        %dma_wait3A_69 = arith.constant 0 : i32
        %dma_wait3A_70 = tpu.memref_slice %arg7[%dma_wait3A, %dma_wait3A_69] : memref<100352x16xf32, #tpu.memory_space<vmem_shared>> -> memref<100352x16xf32, #tpu.memory_space<vmem_shared>>
        tpu.wait_indirect_dma semaphore(%run_scoped3A : memref<!tpu.dma_semaphore, #tpu.memory_space<semaphore_mem>>) src(%arg9 : memref<1000x16xf32, #tpu.memory_space<vmem>>) dst(%dma_wait3A_70 : memref<100352x16xf32, #tpu.memory_space<vmem_shared>>)
        tpu.yield
      }) : () -> ()
      "tpu.region"() ({
        %run_scoped3A = tpu.sem_alloc : memref<!tpu.dma_semaphore, #tpu.memory_space<semaphore_mem>>
        %dma_start3A = arith.constant 0 : i32
        %dma_start3A_67 = tpu.memref_slice %arg8[%dma_start3A] : memref<100352xf32, #tpu.memory_space<vmem_shared>> -> memref<100352xf32, #tpu.memory_space<vmem_shared>>
        tpu.enqueue_indirect_dma source(%arg10 : memref<1000xf32, #tpu.memory_space<vmem>>) target(%dma_start3A_67 : memref<100352xf32, #tpu.memory_space<vmem_shared>>) offsets(%arg11 : memref<1000xi32, #tpu.memory_space<vmem>>) semaphore(%run_scoped3A : memref<!tpu.dma_semaphore, #tpu.memory_space<semaphore_mem>>) {add = true}
        %dma_wait3A = arith.constant 0 : i32
        %dma_wait3A_68 = tpu.memref_slice %arg8[%dma_wait3A] : memref<100352xf32, #tpu.memory_space<vmem_shared>> -> memref<100352xf32, #tpu.memory_space<vmem_shared>>
        tpu.wait_indirect_dma semaphore(%run_scoped3A : memref<!tpu.dma_semaphore, #tpu.memory_space<semaphore_mem>>) src(%arg10 : memref<1000xf32, #tpu.memory_space<vmem>>) dst(%dma_wait3A_68 : memref<100352xf32, #tpu.memory_space<vmem_shared>>)
        tpu.yield
      }) : () -> ()
      %scan3A_66 = arith.constant 0 : i32
      scf.yield %scan3A_66 : i32
    }
    %scan3A_54 = arith.constant 50 : i32
    %barrier3A_55 = arith.constant 0 : index
    tpu.barrier barrier_id(%barrier3A_55)
    %mul3A_56 = arith.constant 100352 : i32
    %mul3A_57 = arith.muli %arg0, %mul3A_56 : i32
    %add3A_58 = arith.addi %mul3A_57, %mul3A_19 : i32
    "tpu.region"() ({
      %run_scoped3A = tpu.sem_alloc : memref<!tpu.dma_semaphore, #tpu.memory_space<semaphore_mem>>
      %dma_start3A = arith.constant 0 : i32
      %dma_start3A_59 = tpu.memref_slice %arg5[%add3A_58, %dma_start3A] : memref<200704x16xf32, #tpu.memory_space<hbm>> -> memref<6272x16xf32, #tpu.memory_space<hbm>>
      %dma_start3A_60 = arith.constant 0 : i32
      %dma_start3A_61 = tpu.memref_slice %arg7[%mul3A_19, %dma_start3A_60] : memref<100352x16xf32, #tpu.memory_space<vmem_shared>> -> memref<6272x16xf32, #tpu.memory_space<vmem_shared>>
      tpu.enqueue_dma source(%dma_start3A_61 : memref<6272x16xf32, #tpu.memory_space<vmem_shared>>) target(%dma_start3A_59 : memref<6272x16xf32, #tpu.memory_space<hbm>>) target_semaphore(%run_scoped3A : memref<!tpu.dma_semaphore, #tpu.memory_space<semaphore_mem>>)
      %dma_wait3A = arith.constant 0 : i32
      %dma_wait3A_62 = tpu.memref_slice %arg5[%add3A_58, %dma_wait3A] : memref<200704x16xf32, #tpu.memory_space<hbm>> -> memref<6272x16xf32, #tpu.memory_space<hbm>>
      %dma_wait3A_63 = arith.constant 0 : i32
      %dma_wait3A_64 = tpu.memref_slice %arg7[%mul3A_19, %dma_wait3A_63] : memref<100352x16xf32, #tpu.memory_space<vmem_shared>> -> memref<6272x16xf32, #tpu.memory_space<vmem_shared>>
      tpu.wait_dma2 semaphore(%run_scoped3A : memref<!tpu.dma_semaphore, #tpu.memory_space<semaphore_mem>>) src(%dma_wait3A_64 : memref<6272x16xf32, #tpu.memory_space<vmem_shared>>) dst(%dma_wait3A_62 : memref<6272x16xf32, #tpu.memory_space<hbm>>)
      tpu.yield
    }) : () -> ()
    "tpu.region"() ({
      %run_scoped3A = tpu.sem_alloc : memref<!tpu.dma_semaphore, #tpu.memory_space<semaphore_mem>>
      %dma_start3A = tpu.memref_slice %arg6[%add3A_58] : memref<200704xf32, #tpu.memory_space<hbm>> -> memref<6272xf32, #tpu.memory_space<hbm>>
      %dma_start3A_59 = tpu.memref_slice %arg8[%mul3A_19] : memref<100352xf32, #tpu.memory_space<vmem_shared>> -> memref<6272xf32, #tpu.memory_space<vmem_shared>>
      tpu.enqueue_dma source(%dma_start3A_59 : memref<6272xf32, #tpu.memory_space<vmem_shared>>) target(%dma_start3A : memref<6272xf32, #tpu.memory_space<hbm>>) target_semaphore(%run_scoped3A : memref<!tpu.dma_semaphore, #tpu.memory_space<semaphore_mem>>)
      %dma_wait3A = tpu.memref_slice %arg6[%add3A_58] : memref<200704xf32, #tpu.memory_space<hbm>> -> memref<6272xf32, #tpu.memory_space<hbm>>
      %dma_wait3A_60 = tpu.memref_slice %arg8[%mul3A_19] : memref<100352xf32, #tpu.memory_space<vmem_shared>> -> memref<6272xf32, #tpu.memory_space<vmem_shared>>
      tpu.wait_dma2 semaphore(%run_scoped3A : memref<!tpu.dma_semaphore, #tpu.memory_space<semaphore_mem>>) src(%dma_wait3A_60 : memref<6272xf32, #tpu.memory_space<vmem_shared>>) dst(%dma_wait3A : memref<6272xf32, #tpu.memory_space<hbm>>)
      tpu.yield
    }) : () -> ()
    return
  }
}

#map = affine_map<(d0, d1) -> (0, 0)>
#map1 = affine_map<(d0, d1) -> (0)>
module attributes {stable_mosaic.version = 14 : i64} {
  func.func @body(%arg0: i32, %arg1: i32, %arg2: memref<100000x16xf32, #tpu.memory_space<hbm>>, %arg3: memref<1600000xi32, #tpu.memory_space<hbm>>, %arg4: memref<1600000x16xf32, #tpu.memory_space<hbm>>, %arg5: memref<1000xi32, #tpu.memory_space<vmem>>, %arg6: memref<1000x16xf32, #tpu.memory_space<vmem>>, %arg7: memref<!tpu.dma_semaphore, #tpu.memory_space<semaphore_mem>>) attributes {dimension_semantics = [#tpu.dimension_semantics<core_parallel>, #tpu.dimension_semantics<subcore_parallel>], iteration_bounds = array<i64: 2, 16>, scalar_prefetch = 0 : i64, scratch_operands = 3 : i64, tpu.core_type = #tpu.core_type<sc_vector_subcore>, window_params = [{transform_indices = #map}, {transform_indices = #map1}, {transform_indices = #map}]} {
    %mul3A = arith.constant 2 : i32
    %mul3A_0 = arith.muli %arg1, %mul3A : i32
    %add3A = arith.addi %mul3A_0, %arg0 : i32
    %scan3A = arith.constant 0 : i32
    %scan3A_1 = arith.constant 0 : i32
    %scan3A_2 = arith.constant 50 : i32
    %scan3A_3 = arith.addi %scan3A_1, %scan3A_2 : i32
    %scan3A_4 = arith.constant 1 : i32
    %scan3A_5 = scf.for %scan3A_7 = %scan3A_1 to %scan3A_3 step %scan3A_4 iter_args(%scan3A_8 = %scan3A) -> (i32)  : i32 {
      %mul3A_9 = arith.constant 50000 : i32
      %mul3A_10 = arith.muli %add3A, %mul3A_9 : i32
      %mul3A_11 = arith.constant 1000 : i32
      %mul3A_12 = arith.muli %scan3A_7, %mul3A_11 : i32
      %add3A_13 = arith.addi %mul3A_10, %mul3A_12 : i32
      "tpu.region"() ({
        %run_scoped3A = tpu.sem_alloc : memref<!tpu.dma_semaphore, #tpu.memory_space<semaphore_mem>>
        %dma_start3A_19 = tpu.memref_slice %arg3[%add3A_13] : memref<1600000xi32, #tpu.memory_space<hbm>> -> memref<1000xi32, #tpu.memory_space<hbm>>
        %dma_start3A_20 = tpu.memref_slice %arg3[%add3A_13] : memref<1600000xi32, #tpu.memory_space<hbm>> -> memref<1000xi32, #tpu.memory_space<hbm>>
        tpu.enqueue_dma source(%dma_start3A_20 : memref<1000xi32, #tpu.memory_space<hbm>>) target(%arg5 : memref<1000xi32, #tpu.memory_space<vmem>>) target_semaphore(%run_scoped3A : memref<!tpu.dma_semaphore, #tpu.memory_space<semaphore_mem>>)
        %dma_wait3A_21 = tpu.memref_slice %arg3[%add3A_13] : memref<1600000xi32, #tpu.memory_space<hbm>> -> memref<1000xi32, #tpu.memory_space<hbm>>
        %dma_wait3A_22 = tpu.memref_slice %arg3[%add3A_13] : memref<1600000xi32, #tpu.memory_space<hbm>> -> memref<1000xi32, #tpu.memory_space<hbm>>
        tpu.wait_dma2 semaphore(%run_scoped3A : memref<!tpu.dma_semaphore, #tpu.memory_space<semaphore_mem>>) src(%dma_wait3A_22 : memref<1000xi32, #tpu.memory_space<hbm>>) dst(%arg5 : memref<1000xi32, #tpu.memory_space<vmem>>)
        tpu.yield
      }) : () -> ()
      %dma_start3A = arith.constant 0 : i32
      %dma_start3A_14 = arith.constant 0 : i32
      %dma_start3A_15 = tpu.memref_slice %arg2[%dma_start3A, %dma_start3A_14] : memref<100000x16xf32, #tpu.memory_space<hbm>> -> memref<100000x16xf32, #tpu.memory_space<hbm>>
      tpu.enqueue_indirect_dma source(%dma_start3A_15 : memref<100000x16xf32, #tpu.memory_space<hbm>>) target(%arg6 : memref<1000x16xf32, #tpu.memory_space<vmem>>) offsets(%arg5 : memref<1000xi32, #tpu.memory_space<vmem>>) semaphore(%arg7 : memref<!tpu.dma_semaphore, #tpu.memory_space<semaphore_mem>>)
      %dma_wait3A = arith.constant 0 : i32
      %dma_wait3A_16 = arith.constant 0 : i32
      %dma_wait3A_17 = tpu.memref_slice %arg2[%dma_wait3A, %dma_wait3A_16] : memref<100000x16xf32, #tpu.memory_space<hbm>> -> memref<100000x16xf32, #tpu.memory_space<hbm>>
      tpu.wait_indirect_dma semaphore(%arg7 : memref<!tpu.dma_semaphore, #tpu.memory_space<semaphore_mem>>) src(%dma_wait3A_17 : memref<100000x16xf32, #tpu.memory_space<hbm>>) dst(%arg6 : memref<1000x16xf32, #tpu.memory_space<vmem>>)
      "tpu.region"() ({
        %run_scoped3A = tpu.sem_alloc : memref<!tpu.dma_semaphore, #tpu.memory_space<semaphore_mem>>
        %dma_start3A_19 = arith.constant 0 : i32
        %dma_start3A_20 = tpu.memref_slice %arg4[%add3A_13, %dma_start3A_19] : memref<1600000x16xf32, #tpu.memory_space<hbm>> -> memref<1000x16xf32, #tpu.memory_space<hbm>>
        %dma_start3A_21 = arith.constant 0 : i32
        %dma_start3A_22 = tpu.memref_slice %arg4[%add3A_13, %dma_start3A_21] : memref<1600000x16xf32, #tpu.memory_space<hbm>> -> memref<1000x16xf32, #tpu.memory_space<hbm>>
        tpu.enqueue_dma source(%arg6 : memref<1000x16xf32, #tpu.memory_space<vmem>>) target(%dma_start3A_22 : memref<1000x16xf32, #tpu.memory_space<hbm>>) target_semaphore(%run_scoped3A : memref<!tpu.dma_semaphore, #tpu.memory_space<semaphore_mem>>)
        %dma_wait3A_23 = arith.constant 0 : i32
        %dma_wait3A_24 = tpu.memref_slice %arg4[%add3A_13, %dma_wait3A_23] : memref<1600000x16xf32, #tpu.memory_space<hbm>> -> memref<1000x16xf32, #tpu.memory_space<hbm>>
        %dma_wait3A_25 = arith.constant 0 : i32
        %dma_wait3A_26 = tpu.memref_slice %arg4[%add3A_13, %dma_wait3A_25] : memref<1600000x16xf32, #tpu.memory_space<hbm>> -> memref<1000x16xf32, #tpu.memory_space<hbm>>
        tpu.wait_dma2 semaphore(%run_scoped3A : memref<!tpu.dma_semaphore, #tpu.memory_space<semaphore_mem>>) src(%arg6 : memref<1000x16xf32, #tpu.memory_space<vmem>>) dst(%dma_wait3A_26 : memref<1000x16xf32, #tpu.memory_space<hbm>>)
        tpu.yield
      }) : () -> ()
      %scan3A_18 = arith.constant 0 : i32
      scf.yield %scan3A_18 : i32
    }
    %scan3A_6 = arith.constant 50 : i32
    return
  }
}

#map = affine_map<(d0, d1) -> (0, 0)>
#map1 = affine_map<(d0, d1) -> (0)>
module attributes {stable_mosaic.version = 14 : i64} {
  func.func @body(%arg0: i32, %arg1: i32, %arg2: memref<100000x16xf32, #tpu.memory_space<hbm>>, %arg3: memref<1600000xi32, #tpu.memory_space<hbm>>, %arg4: memref<1600000x16xf32, #tpu.memory_space<hbm>>, %arg5: memref<1000xi32, #tpu.memory_space<vmem>>, %arg6: memref<1000x16xf32, #tpu.memory_space<vmem>>, %arg7: memref<!tpu.dma_semaphore, #tpu.memory_space<semaphore_mem>>) attributes {dimension_semantics = [#tpu.dimension_semantics<core_parallel>, #tpu.dimension_semantics<subcore_parallel>], iteration_bounds = array<i64: 2, 16>, scalar_prefetch = 0 : i64, scratch_operands = 3 : i64, tpu.core_type = #tpu.core_type<sc_vector_subcore>, window_params = [{transform_indices = #map}, {transform_indices = #map1}, {transform_indices = #map}]} {
    %mul3A = arith.constant 2 : i32
    %mul3A_0 = arith.muli %arg1, %mul3A : i32
    %add3A = arith.addi %mul3A_0, %arg0 : i32
    %scan3A = arith.constant 0 : i32
    %scan3A_1 = arith.constant 0 : i32
    %scan3A_2 = arith.constant 50 : i32
    %scan3A_3 = arith.addi %scan3A_1, %scan3A_2 : i32
    %scan3A_4 = arith.constant 1 : i32
    %scan3A_5 = scf.for %scan3A_7 = %scan3A_1 to %scan3A_3 step %scan3A_4 iter_args(%scan3A_8 = %scan3A) -> (i32)  : i32 {
      %mul3A_9 = arith.constant 50000 : i32
      %mul3A_10 = arith.muli %add3A, %mul3A_9 : i32
      %mul3A_11 = arith.constant 1000 : i32
      %mul3A_12 = arith.muli %scan3A_7, %mul3A_11 : i32
      %add3A_13 = arith.addi %mul3A_10, %mul3A_12 : i32
      "tpu.region"() ({
        %run_scoped3A = tpu.sem_alloc : memref<!tpu.dma_semaphore, #tpu.memory_space<semaphore_mem>>
        %dma_start3A_19 = tpu.memref_slice %arg3[%add3A_13] : memref<1600000xi32, #tpu.memory_space<hbm>> -> memref<1000xi32, #tpu.memory_space<hbm>>
        %dma_start3A_20 = tpu.memref_slice %arg3[%add3A_13] : memref<1600000xi32, #tpu.memory_space<hbm>> -> memref<1000xi32, #tpu.memory_space<hbm>>
        tpu.enqueue_dma source(%dma_start3A_20 : memref<1000xi32, #tpu.memory_space<hbm>>) target(%arg5 : memref<1000xi32, #tpu.memory_space<vmem>>) target_semaphore(%run_scoped3A : memref<!tpu.dma_semaphore, #tpu.memory_space<semaphore_mem>>)
        %dma_wait3A_21 = tpu.memref_slice %arg3[%add3A_13] : memref<1600000xi32, #tpu.memory_space<hbm>> -> memref<1000xi32, #tpu.memory_space<hbm>>
        %dma_wait3A_22 = tpu.memref_slice %arg3[%add3A_13] : memref<1600000xi32, #tpu.memory_space<hbm>> -> memref<1000xi32, #tpu.memory_space<hbm>>
        tpu.wait_dma2 semaphore(%run_scoped3A : memref<!tpu.dma_semaphore, #tpu.memory_space<semaphore_mem>>) src(%dma_wait3A_22 : memref<1000xi32, #tpu.memory_space<hbm>>) dst(%arg5 : memref<1000xi32, #tpu.memory_space<vmem>>)
        tpu.yield
      }) : () -> ()
      %dma_start3A = arith.constant 0 : i32
      %dma_start3A_14 = arith.constant 0 : i32
      %dma_start3A_15 = tpu.memref_slice %arg2[%dma_start3A, %dma_start3A_14] : memref<100000x16xf32, #tpu.memory_space<hbm>> -> memref<100000x16xf32, #tpu.memory_space<hbm>>
      tpu.enqueue_indirect_dma source(%dma_start3A_15 : memref<100000x16xf32, #tpu.memory_space<hbm>>) target(%arg6 : memref<1000x16xf32, #tpu.memory_space<vmem>>) offsets(%arg5 : memref<1000xi32, #tpu.memory_space<vmem>>) semaphore(%arg7 : memref<!tpu.dma_semaphore, #tpu.memory_space<semaphore_mem>>)
      %dma_wait3A = arith.constant 0 : i32
      %dma_wait3A_16 = arith.constant 0 : i32
      %dma_wait3A_17 = tpu.memref_slice %arg2[%dma_wait3A, %dma_wait3A_16] : memref<100000x16xf32, #tpu.memory_space<hbm>> -> memref<100000x16xf32, #tpu.memory_space<hbm>>
      tpu.wait_indirect_dma semaphore(%arg7 : memref<!tpu.dma_semaphore, #tpu.memory_space<semaphore_mem>>) src(%dma_wait3A_17 : memref<100000x16xf32, #tpu.memory_space<hbm>>) dst(%arg6 : memref<1000x16xf32, #tpu.memory_space<vmem>>)
      "tpu.region"() ({
        %run_scoped3A = tpu.sem_alloc : memref<!tpu.dma_semaphore, #tpu.memory_space<semaphore_mem>>
        %dma_start3A_19 = arith.constant 0 : i32
        %dma_start3A_20 = tpu.memref_slice %arg4[%add3A_13, %dma_start3A_19] : memref<1600000x16xf32, #tpu.memory_space<hbm>> -> memref<1000x16xf32, #tpu.memory_space<hbm>>
        %dma_start3A_21 = arith.constant 0 : i32
        %dma_start3A_22 = tpu.memref_slice %arg4[%add3A_13, %dma_start3A_21] : memref<1600000x16xf32, #tpu.memory_space<hbm>> -> memref<1000x16xf32, #tpu.memory_space<hbm>>
        tpu.enqueue_dma source(%arg6 : memref<1000x16xf32, #tpu.memory_space<vmem>>) target(%dma_start3A_22 : memref<1000x16xf32, #tpu.memory_space<hbm>>) target_semaphore(%run_scoped3A : memref<!tpu.dma_semaphore, #tpu.memory_space<semaphore_mem>>)
        %dma_wait3A_23 = arith.constant 0 : i32
        %dma_wait3A_24 = tpu.memref_slice %arg4[%add3A_13, %dma_wait3A_23] : memref<1600000x16xf32, #tpu.memory_space<hbm>> -> memref<1000x16xf32, #tpu.memory_space<hbm>>
        %dma_wait3A_25 = arith.constant 0 : i32
        %dma_wait3A_26 = tpu.memref_slice %arg4[%add3A_13, %dma_wait3A_25] : memref<1600000x16xf32, #tpu.memory_space<hbm>> -> memref<1000x16xf32, #tpu.memory_space<hbm>>
        tpu.wait_dma2 semaphore(%run_scoped3A : memref<!tpu.dma_semaphore, #tpu.memory_space<semaphore_mem>>) src(%arg6 : memref<1000x16xf32, #tpu.memory_space<vmem>>) dst(%dma_wait3A_26 : memref<1000x16xf32, #tpu.memory_space<hbm>>)
        tpu.yield
      }) : () -> ()
      %scan3A_18 = arith.constant 0 : i32
      scf.yield %scan3A_18 : i32
    }
    %scan3A_6 = arith.constant 50 : i32
    return
  }
}

#map = affine_map<(d0, d1) -> (0, 0)>
#map1 = affine_map<(d0, d1) -> (0)>
module attributes {stable_mosaic.version = 14 : i64} {
  func.func @body(%arg0: i32, %arg1: i32, %arg2: memref<100000x16xf32, #tpu.memory_space<hbm>>, %arg3: memref<1600000xi32, #tpu.memory_space<hbm>>, %arg4: memref<1600000x16xf32, #tpu.memory_space<hbm>>, %arg5: memref<1000xi32, #tpu.memory_space<vmem>>, %arg6: memref<1000x16xf32, #tpu.memory_space<vmem>>, %arg7: memref<!tpu.dma_semaphore, #tpu.memory_space<semaphore_mem>>) attributes {dimension_semantics = [#tpu.dimension_semantics<core_parallel>, #tpu.dimension_semantics<subcore_parallel>], iteration_bounds = array<i64: 2, 16>, scalar_prefetch = 0 : i64, scratch_operands = 3 : i64, tpu.core_type = #tpu.core_type<sc_vector_subcore>, window_params = [{transform_indices = #map}, {transform_indices = #map1}, {transform_indices = #map}]} {
    %mul3A = arith.constant 2 : i32
    %mul3A_0 = arith.muli %arg1, %mul3A : i32
    %add3A = arith.addi %mul3A_0, %arg0 : i32
    %scan3A = arith.constant 0 : i32
    %scan3A_1 = arith.constant 0 : i32
    %scan3A_2 = arith.constant 50 : i32
    %scan3A_3 = arith.addi %scan3A_1, %scan3A_2 : i32
    %scan3A_4 = arith.constant 1 : i32
    %scan3A_5 = scf.for %scan3A_7 = %scan3A_1 to %scan3A_3 step %scan3A_4 iter_args(%scan3A_8 = %scan3A) -> (i32)  : i32 {
      %mul3A_9 = arith.constant 50000 : i32
      %mul3A_10 = arith.muli %add3A, %mul3A_9 : i32
      %mul3A_11 = arith.constant 1000 : i32
      %mul3A_12 = arith.muli %scan3A_7, %mul3A_11 : i32
      %add3A_13 = arith.addi %mul3A_10, %mul3A_12 : i32
      "tpu.region"() ({
        %run_scoped3A = tpu.sem_alloc : memref<!tpu.dma_semaphore, #tpu.memory_space<semaphore_mem>>
        %dma_start3A_19 = tpu.memref_slice %arg3[%add3A_13] : memref<1600000xi32, #tpu.memory_space<hbm>> -> memref<1000xi32, #tpu.memory_space<hbm>>
        %dma_start3A_20 = tpu.memref_slice %arg3[%add3A_13] : memref<1600000xi32, #tpu.memory_space<hbm>> -> memref<1000xi32, #tpu.memory_space<hbm>>
        tpu.enqueue_dma source(%dma_start3A_20 : memref<1000xi32, #tpu.memory_space<hbm>>) target(%arg5 : memref<1000xi32, #tpu.memory_space<vmem>>) target_semaphore(%run_scoped3A : memref<!tpu.dma_semaphore, #tpu.memory_space<semaphore_mem>>)
        %dma_wait3A_21 = tpu.memref_slice %arg3[%add3A_13] : memref<1600000xi32, #tpu.memory_space<hbm>> -> memref<1000xi32, #tpu.memory_space<hbm>>
        %dma_wait3A_22 = tpu.memref_slice %arg3[%add3A_13] : memref<1600000xi32, #tpu.memory_space<hbm>> -> memref<1000xi32, #tpu.memory_space<hbm>>
        tpu.wait_dma2 semaphore(%run_scoped3A : memref<!tpu.dma_semaphore, #tpu.memory_space<semaphore_mem>>) src(%dma_wait3A_22 : memref<1000xi32, #tpu.memory_space<hbm>>) dst(%arg5 : memref<1000xi32, #tpu.memory_space<vmem>>)
        tpu.yield
      }) : () -> ()
      %dma_start3A = arith.constant 0 : i32
      %dma_start3A_14 = arith.constant 0 : i32
      %dma_start3A_15 = tpu.memref_slice %arg2[%dma_start3A, %dma_start3A_14] : memref<100000x16xf32, #tpu.memory_space<hbm>> -> memref<100000x16xf32, #tpu.memory_space<hbm>>
      tpu.enqueue_indirect_dma source(%dma_start3A_15 : memref<100000x16xf32, #tpu.memory_space<hbm>>) target(%arg6 : memref<1000x16xf32, #tpu.memory_space<vmem>>) offsets(%arg5 : memref<1000xi32, #tpu.memory_space<vmem>>) semaphore(%arg7 : memref<!tpu.dma_semaphore, #tpu.memory_space<semaphore_mem>>)
      %dma_wait3A = arith.constant 0 : i32
      %dma_wait3A_16 = arith.constant 0 : i32
      %dma_wait3A_17 = tpu.memref_slice %arg2[%dma_wait3A, %dma_wait3A_16] : memref<100000x16xf32, #tpu.memory_space<hbm>> -> memref<100000x16xf32, #tpu.memory_space<hbm>>
      tpu.wait_indirect_dma semaphore(%arg7 : memref<!tpu.dma_semaphore, #tpu.memory_space<semaphore_mem>>) src(%dma_wait3A_17 : memref<100000x16xf32, #tpu.memory_space<hbm>>) dst(%arg6 : memref<1000x16xf32, #tpu.memory_space<vmem>>)
      "tpu.region"() ({
        %run_scoped3A = tpu.sem_alloc : memref<!tpu.dma_semaphore, #tpu.memory_space<semaphore_mem>>
        %dma_start3A_19 = arith.constant 0 : i32
        %dma_start3A_20 = tpu.memref_slice %arg4[%add3A_13, %dma_start3A_19] : memref<1600000x16xf32, #tpu.memory_space<hbm>> -> memref<1000x16xf32, #tpu.memory_space<hbm>>
        %dma_start3A_21 = arith.constant 0 : i32
        %dma_start3A_22 = tpu.memref_slice %arg4[%add3A_13, %dma_start3A_21] : memref<1600000x16xf32, #tpu.memory_space<hbm>> -> memref<1000x16xf32, #tpu.memory_space<hbm>>
        tpu.enqueue_dma source(%arg6 : memref<1000x16xf32, #tpu.memory_space<vmem>>) target(%dma_start3A_22 : memref<1000x16xf32, #tpu.memory_space<hbm>>) target_semaphore(%run_scoped3A : memref<!tpu.dma_semaphore, #tpu.memory_space<semaphore_mem>>)
        %dma_wait3A_23 = arith.constant 0 : i32
        %dma_wait3A_24 = tpu.memref_slice %arg4[%add3A_13, %dma_wait3A_23] : memref<1600000x16xf32, #tpu.memory_space<hbm>> -> memref<1000x16xf32, #tpu.memory_space<hbm>>
        %dma_wait3A_25 = arith.constant 0 : i32
        %dma_wait3A_26 = tpu.memref_slice %arg4[%add3A_13, %dma_wait3A_25] : memref<1600000x16xf32, #tpu.memory_space<hbm>> -> memref<1000x16xf32, #tpu.memory_space<hbm>>
        tpu.wait_dma2 semaphore(%run_scoped3A : memref<!tpu.dma_semaphore, #tpu.memory_space<semaphore_mem>>) src(%arg6 : memref<1000x16xf32, #tpu.memory_space<vmem>>) dst(%dma_wait3A_26 : memref<1000x16xf32, #tpu.memory_space<hbm>>)
        tpu.yield
      }) : () -> ()
      %scan3A_18 = arith.constant 0 : i32
      scf.yield %scan3A_18 : i32
    }
    %scan3A_6 = arith.constant 50 : i32
    return
  }
}

#map = affine_map<(d0, d1) -> (0, 0)>
#map1 = affine_map<(d0, d1) -> (0)>
module attributes {stable_mosaic.version = 14 : i64} {
  func.func @body(%arg0: i32, %arg1: i32, %arg2: memref<1600000x16xf32, #tpu.memory_space<hbm>>, %arg3: memref<1600000xf32, #tpu.memory_space<hbm>>, %arg4: memref<1600000xi32, #tpu.memory_space<hbm>>, %arg5: memref<200704x16xf32, #tpu.memory_space<hbm>>, %arg6: memref<200704xf32, #tpu.memory_space<hbm>>, %arg7: memref<100352x16xf32, #tpu.memory_space<vmem_shared>>, %arg8: memref<100352xf32, #tpu.memory_space<vmem_shared>>, %arg9: memref<1000x16xf32, #tpu.memory_space<vmem>>, %arg10: memref<1000xf32, #tpu.memory_space<vmem>>, %arg11: memref<1000xi32, #tpu.memory_space<vmem>>) attributes {dimension_semantics = [#tpu.dimension_semantics<core_parallel>, #tpu.dimension_semantics<subcore_parallel>], iteration_bounds = array<i64: 2, 16>, scalar_prefetch = 0 : i64, scratch_operands = 5 : i64, tpu.core_type = #tpu.core_type<sc_vector_subcore>, window_params = [{transform_indices = #map}, {transform_indices = #map1}, {transform_indices = #map1}, {transform_indices = #map}, {transform_indices = #map1}]} {
    %mul3A = arith.constant 2 : i32
    %mul3A_0 = arith.muli %arg1, %mul3A : i32
    %add3A = arith.addi %mul3A_0, %arg0 : i32
    %scan3A = arith.constant 0 : i32
    %scan3A_1 = arith.constant 0 : i32
    %scan3A_2 = arith.constant 1000 : i32
    %scan3A_3 = arith.addi %scan3A_1, %scan3A_2 : i32
    %scan3A_4 = arith.constant 1 : i32
    %scan3A_5 = scf.for %scan3A_59 = %scan3A_1 to %scan3A_3 step %scan3A_4 iter_args(%scan3A_60 = %scan3A) -> (i32)  : i32 {
      %broadcast_in_dim3A_61 = arith.constant 0.000000e+00 : f32
      %broadcast_in_dim3A_62 = vector.broadcast %broadcast_in_dim3A_61 : f32 to vector<16xf32>
      %swap3A_63 = arith.index_cast %scan3A_59 : i32 to index
      %swap3A_64 = arith.constant 0 : index
      %swap3A_65 = tpu.vector_load %arg9[%swap3A_63, %swap3A_64] {strides = array<i32>} : memref<1000x16xf32, #tpu.memory_space<vmem>>, vector<1x16xf32>,
      %swap3A_66 = vector.shape_cast %swap3A_65 : vector<1x16xf32> to vector<16xf32>
      %swap3A_67 = vector.shape_cast %broadcast_in_dim3A_62 : vector<16xf32> to vector<1x16xf32>
      tpu.vector_store %arg9[%swap3A_63, %swap3A_64], %swap3A_67 {strides = array<i32>} : memref<1000x16xf32, #tpu.memory_space<vmem>>, vector<1x16xf32>,
      %scan3A_68 = arith.constant 0 : i32
      scf.yield %scan3A_68 : i32
    }
    %scan3A_6 = arith.constant 1000 : i32
    %scan3A_7 = arith.constant 0 : i32
    %scan3A_8 = arith.constant 0 : i32
    %scan3A_9 = arith.constant 62 : i32
    %scan3A_10 = arith.addi %scan3A_8, %scan3A_9 : i32
    %scan3A_11 = arith.constant 1 : i32
    %scan3A_12 = scf.for %scan3A_59 = %scan3A_8 to %scan3A_10 step %scan3A_11 iter_args(%scan3A_60 = %scan3A_7) -> (i32)  : i32 {
      %broadcast_in_dim3A_61 = arith.constant 0.000000e+00 : f32
      %broadcast_in_dim3A_62 = vector.broadcast %broadcast_in_dim3A_61 : f32 to vector<16xf32>
      %mul3A_63 = arith.constant 16 : i32
      %mul3A_64 = arith.muli %scan3A_59, %mul3A_63 : i32
      %swap3A_65 = arith.index_cast %mul3A_64 : i32 to index
      %swap3A_66 = tpu.vector_load %arg10[%swap3A_65] {strides = array<i32>} : memref<1000xf32, #tpu.memory_space<vmem>>, vector<16xf32>,
      %swap3A_67 = vector.shape_cast %swap3A_66 : vector<16xf32> to vector<16xf32>
      %swap3A_68 = vector.shape_cast %broadcast_in_dim3A_62 : vector<16xf32> to vector<16xf32>
      tpu.vector_store %arg10[%swap3A_65], %swap3A_68 {strides = array<i32>} : memref<1000xf32, #tpu.memory_space<vmem>>, vector<16xf32>,
      %scan3A_69 = arith.constant 0 : i32
      scf.yield %scan3A_69 : i32
    }
    %scan3A_13 = arith.constant 62 : i32
    %broadcast_in_dim3A = arith.constant 0.000000e+00 : f32
    %broadcast_in_dim3A_14 = vector.broadcast %broadcast_in_dim3A : f32 to vector<16xf32>
    %swap3A = arith.constant 984 : index
    %swap3A_15 = tpu.vector_load %arg10[%swap3A] {strides = array<i32>} : memref<1000xf32, #tpu.memory_space<vmem>>, vector<16xf32>,
    %swap3A_16 = vector.shape_cast %swap3A_15 : vector<16xf32> to vector<16xf32>
    %swap3A_17 = vector.shape_cast %broadcast_in_dim3A_14 : vector<16xf32> to vector<16xf32>
    tpu.vector_store %arg10[%swap3A], %swap3A_17 {strides = array<i32>} : memref<1000xf32, #tpu.memory_space<vmem>>, vector<16xf32>,
    %mul3A_18 = arith.constant 6272 : i32
    %mul3A_19 = arith.muli %arg1, %mul3A_18 : i32
    %add3A_20 = arith.constant 0 : i32
    %add3A_21 = arith.addi %mul3A_19, %add3A_20 : i32
    "tpu.region"() ({
      %run_scoped3A = tpu.sem_alloc : memref<!tpu.dma_semaphore, #tpu.memory_space<semaphore_mem>>
      %dma_start3A = arith.constant 0 : i32
      %dma_start3A_59 = tpu.memref_slice %arg7[%add3A_21, %dma_start3A] : memref<100352x16xf32, #tpu.memory_space<vmem_shared>> -> memref<1000x16xf32, #tpu.memory_space<vmem_shared>>
      %dma_start3A_60 = arith.constant 0 : i32
      %dma_start3A_61 = tpu.memref_slice %arg7[%add3A_21, %dma_start3A_60] : memref<100352x16xf32, #tpu.memory_space<vmem_shared>> -> memref<1000x16xf32, #tpu.memory_space<vmem_shared>>
      tpu.enqueue_dma source(%arg9 : memref<1000x16xf32, #tpu.memory_space<vmem>>) target(%dma_start3A_61 : memref<1000x16xf32, #tpu.memory_space<vmem_shared>>) target_semaphore(%run_scoped3A : memref<!tpu.dma_semaphore, #tpu.memory_space<semaphore_mem>>)
      %dma_wait3A = arith.constant 0 : i32
      %dma_wait3A_62 = tpu.memref_slice %arg7[%add3A_21, %dma_wait3A] : memref<100352x16xf32, #tpu.memory_space<vmem_shared>> -> memref<1000x16xf32, #tpu.memory_space<vmem_shared>>
      %dma_wait3A_63 = arith.constant 0 : i32
      %dma_wait3A_64 = tpu.memref_slice %arg7[%add3A_21, %dma_wait3A_63] : memref<100352x16xf32, #tpu.memory_space<vmem_shared>> -> memref<1000x16xf32, #tpu.memory_space<vmem_shared>>
      tpu.wait_dma2 semaphore(%run_scoped3A : memref<!tpu.dma_semaphore, #tpu.memory_space<semaphore_mem>>) src(%arg9 : memref<1000x16xf32, #tpu.memory_space<vmem>>) dst(%dma_wait3A_64 : memref<1000x16xf32, #tpu.memory_space<vmem_shared>>)
      tpu.yield
    }) : () -> ()
    %add3A_22 = arith.constant 0 : i32
    %add3A_23 = arith.addi %mul3A_19, %add3A_22 : i32
    "tpu.region"() ({
      %run_scoped3A = tpu.sem_alloc : memref<!tpu.dma_semaphore, #tpu.memory_space<semaphore_mem>>
      %dma_start3A = tpu.memref_slice %arg8[%add3A_23] : memref<100352xf32, #tpu.memory_space<vmem_shared>> -> memref<1000xf32, #tpu.memory_space<vmem_shared>>
      %dma_start3A_59 = tpu.memref_slice %arg8[%add3A_23] : memref<100352xf32, #tpu.memory_space<vmem_shared>> -> memref<1000xf32, #tpu.memory_space<vmem_shared>>
      tpu.enqueue_dma source(%arg10 : memref<1000xf32, #tpu.memory_space<vmem>>) target(%dma_start3A_59 : memref<1000xf32, #tpu.memory_space<vmem_shared>>) target_semaphore(%run_scoped3A : memref<!tpu.dma_semaphore, #tpu.memory_space<semaphore_mem>>)
      %dma_wait3A = tpu.memref_slice %arg8[%add3A_23] : memref<100352xf32, #tpu.memory_space<vmem_shared>> -> memref<1000xf32, #tpu.memory_space<vmem_shared>>
      %dma_wait3A_60 = tpu.memref_slice %arg8[%add3A_23] : memref<100352xf32, #tpu.memory_space<vmem_shared>> -> memref<1000xf32, #tpu.memory_space<vmem_shared>>
      tpu.wait_dma2 semaphore(%run_scoped3A : memref<!tpu.dma_semaphore, #tpu.memory_space<semaphore_mem>>) src(%arg10 : memref<1000xf32, #tpu.memory_space<vmem>>) dst(%dma_wait3A_60 : memref<1000xf32, #tpu.memory_space<vmem_shared>>)
      tpu.yield
    }) : () -> ()
    %add3A_24 = arith.constant 1000 : i32
    %add3A_25 = arith.addi %mul3A_19, %add3A_24 : i32
    "tpu.region"() ({
      %run_scoped3A = tpu.sem_alloc : memref<!tpu.dma_semaphore, #tpu.memory_space<semaphore_mem>>
      %dma_start3A = arith.constant 0 : i32
      %dma_start3A_59 = tpu.memref_slice %arg7[%add3A_25, %dma_start3A] : memref<100352x16xf32, #tpu.memory_space<vmem_shared>> -> memref<1000x16xf32, #tpu.memory_space<vmem_shared>>
      %dma_start3A_60 = arith.constant 0 : i32
      %dma_start3A_61 = tpu.memref_slice %arg7[%add3A_25, %dma_start3A_60] : memref<100352x16xf32, #tpu.memory_space<vmem_shared>> -> memref<1000x16xf32, #tpu.memory_space<vmem_shared>>
      tpu.enqueue_dma source(%arg9 : memref<1000x16xf32, #tpu.memory_space<vmem>>) target(%dma_start3A_61 : memref<1000x16xf32, #tpu.memory_space<vmem_shared>>) target_semaphore(%run_scoped3A : memref<!tpu.dma_semaphore, #tpu.memory_space<semaphore_mem>>)
      %dma_wait3A = arith.constant 0 : i32
      %dma_wait3A_62 = tpu.memref_slice %arg7[%add3A_25, %dma_wait3A] : memref<100352x16xf32, #tpu.memory_space<vmem_shared>> -> memref<1000x16xf32, #tpu.memory_space<vmem_shared>>
      %dma_wait3A_63 = arith.constant 0 : i32
      %dma_wait3A_64 = tpu.memref_slice %arg7[%add3A_25, %dma_wait3A_63] : memref<100352x16xf32, #tpu.memory_space<vmem_shared>> -> memref<1000x16xf32, #tpu.memory_space<vmem_shared>>
      tpu.wait_dma2 semaphore(%run_scoped3A : memref<!tpu.dma_semaphore, #tpu.memory_space<semaphore_mem>>) src(%arg9 : memref<1000x16xf32, #tpu.memory_space<vmem>>) dst(%dma_wait3A_64 : memref<1000x16xf32, #tpu.memory_space<vmem_shared>>)
      tpu.yield
    }) : () -> ()
    %add3A_26 = arith.constant 1000 : i32
    %add3A_27 = arith.addi %mul3A_19, %add3A_26 : i32
    "tpu.region"() ({
      %run_scoped3A = tpu.sem_alloc : memref<!tpu.dma_semaphore, #tpu.memory_space<semaphore_mem>>
      %dma_start3A = tpu.memref_slice %arg8[%add3A_27] : memref<100352xf32, #tpu.memory_space<vmem_shared>> -> memref<1000xf32, #tpu.memory_space<vmem_shared>>
      %dma_start3A_59 = tpu.memref_slice %arg8[%add3A_27] : memref<100352xf32, #tpu.memory_space<vmem_shared>> -> memref<1000xf32, #tpu.memory_space<vmem_shared>>
      tpu.enqueue_dma source(%arg10 : memref<1000xf32, #tpu.memory_space<vmem>>) target(%dma_start3A_59 : memref<1000xf32, #tpu.memory_space<vmem_shared>>) target_semaphore(%run_scoped3A : memref<!tpu.dma_semaphore, #tpu.memory_space<semaphore_mem>>)
      %dma_wait3A = tpu.memref_slice %arg8[%add3A_27] : memref<100352xf32, #tpu.memory_space<vmem_shared>> -> memref<1000xf32, #tpu.memory_space<vmem_shared>>
      %dma_wait3A_60 = tpu.memref_slice %arg8[%add3A_27] : memref<100352xf32, #tpu.memory_space<vmem_shared>> -> memref<1000xf32, #tpu.memory_space<vmem_shared>>
      tpu.wait_dma2 semaphore(%run_scoped3A : memref<!tpu.dma_semaphore, #tpu.memory_space<semaphore_mem>>) src(%arg10 : memref<1000xf32, #tpu.memory_space<vmem>>) dst(%dma_wait3A_60 : memref<1000xf32, #tpu.memory_space<vmem_shared>>)
      tpu.yield
    }) : () -> ()
    %add3A_28 = arith.constant 2000 : i32
    %add3A_29 = arith.addi %mul3A_19, %add3A_28 : i32
    "tpu.region"() ({
      %run_scoped3A = tpu.sem_alloc : memref<!tpu.dma_semaphore, #tpu.memory_space<semaphore_mem>>
      %dma_start3A = arith.constant 0 : i32
      %dma_start3A_59 = tpu.memref_slice %arg7[%add3A_29, %dma_start3A] : memref<100352x16xf32, #tpu.memory_space<vmem_shared>> -> memref<1000x16xf32, #tpu.memory_space<vmem_shared>>
      %dma_start3A_60 = arith.constant 0 : i32
      %dma_start3A_61 = tpu.memref_slice %arg7[%add3A_29, %dma_start3A_60] : memref<100352x16xf32, #tpu.memory_space<vmem_shared>> -> memref<1000x16xf32, #tpu.memory_space<vmem_shared>>
      tpu.enqueue_dma source(%arg9 : memref<1000x16xf32, #tpu.memory_space<vmem>>) target(%dma_start3A_61 : memref<1000x16xf32, #tpu.memory_space<vmem_shared>>) target_semaphore(%run_scoped3A : memref<!tpu.dma_semaphore, #tpu.memory_space<semaphore_mem>>)
      %dma_wait3A = arith.constant 0 : i32
      %dma_wait3A_62 = tpu.memref_slice %arg7[%add3A_29, %dma_wait3A] : memref<100352x16xf32, #tpu.memory_space<vmem_shared>> -> memref<1000x16xf32, #tpu.memory_space<vmem_shared>>
      %dma_wait3A_63 = arith.constant 0 : i32
      %dma_wait3A_64 = tpu.memref_slice %arg7[%add3A_29, %dma_wait3A_63] : memref<100352x16xf32, #tpu.memory_space<vmem_shared>> -> memref<1000x16xf32, #tpu.memory_space<vmem_shared>>
      tpu.wait_dma2 semaphore(%run_scoped3A : memref<!tpu.dma_semaphore, #tpu.memory_space<semaphore_mem>>) src(%arg9 : memref<1000x16xf32, #tpu.memory_space<vmem>>) dst(%dma_wait3A_64 : memref<1000x16xf32, #tpu.memory_space<vmem_shared>>)
      tpu.yield
    }) : () -> ()
    %add3A_30 = arith.constant 2000 : i32
    %add3A_31 = arith.addi %mul3A_19, %add3A_30 : i32
    "tpu.region"() ({
      %run_scoped3A = tpu.sem_alloc : memref<!tpu.dma_semaphore, #tpu.memory_space<semaphore_mem>>
      %dma_start3A = tpu.memref_slice %arg8[%add3A_31] : memref<100352xf32, #tpu.memory_space<vmem_shared>> -> memref<1000xf32, #tpu.memory_space<vmem_shared>>
      %dma_start3A_59 = tpu.memref_slice %arg8[%add3A_31] : memref<100352xf32, #tpu.memory_space<vmem_shared>> -> memref<1000xf32, #tpu.memory_space<vmem_shared>>
      tpu.enqueue_dma source(%arg10 : memref<1000xf32, #tpu.memory_space<vmem>>) target(%dma_start3A_59 : memref<1000xf32, #tpu.memory_space<vmem_shared>>) target_semaphore(%run_scoped3A : memref<!tpu.dma_semaphore, #tpu.memory_space<semaphore_mem>>)
      %dma_wait3A = tpu.memref_slice %arg8[%add3A_31] : memref<100352xf32, #tpu.memory_space<vmem_shared>> -> memref<1000xf32, #tpu.memory_space<vmem_shared>>
      %dma_wait3A_60 = tpu.memref_slice %arg8[%add3A_31] : memref<100352xf32, #tpu.memory_space<vmem_shared>> -> memref<1000xf32, #tpu.memory_space<vmem_shared>>
      tpu.wait_dma2 semaphore(%run_scoped3A : memref<!tpu.dma_semaphore, #tpu.memory_space<semaphore_mem>>) src(%arg10 : memref<1000xf32, #tpu.memory_space<vmem>>) dst(%dma_wait3A_60 : memref<1000xf32, #tpu.memory_space<vmem_shared>>)
      tpu.yield
    }) : () -> ()
    %add3A_32 = arith.constant 3000 : i32
    %add3A_33 = arith.addi %mul3A_19, %add3A_32 : i32
    "tpu.region"() ({
      %run_scoped3A = tpu.sem_alloc : memref<!tpu.dma_semaphore, #tpu.memory_space<semaphore_mem>>
      %dma_start3A = arith.constant 0 : i32
      %dma_start3A_59 = tpu.memref_slice %arg7[%add3A_33, %dma_start3A] : memref<100352x16xf32, #tpu.memory_space<vmem_shared>> -> memref<1000x16xf32, #tpu.memory_space<vmem_shared>>
      %dma_start3A_60 = arith.constant 0 : i32
      %dma_start3A_61 = tpu.memref_slice %arg7[%add3A_33, %dma_start3A_60] : memref<100352x16xf32, #tpu.memory_space<vmem_shared>> -> memref<1000x16xf32, #tpu.memory_space<vmem_shared>>
      tpu.enqueue_dma source(%arg9 : memref<1000x16xf32, #tpu.memory_space<vmem>>) target(%dma_start3A_61 : memref<1000x16xf32, #tpu.memory_space<vmem_shared>>) target_semaphore(%run_scoped3A : memref<!tpu.dma_semaphore, #tpu.memory_space<semaphore_mem>>)
      %dma_wait3A = arith.constant 0 : i32
      %dma_wait3A_62 = tpu.memref_slice %arg7[%add3A_33, %dma_wait3A] : memref<100352x16xf32, #tpu.memory_space<vmem_shared>> -> memref<1000x16xf32, #tpu.memory_space<vmem_shared>>
      %dma_wait3A_63 = arith.constant 0 : i32
      %dma_wait3A_64 = tpu.memref_slice %arg7[%add3A_33, %dma_wait3A_63] : memref<100352x16xf32, #tpu.memory_space<vmem_shared>> -> memref<1000x16xf32, #tpu.memory_space<vmem_shared>>
      tpu.wait_dma2 semaphore(%run_scoped3A : memref<!tpu.dma_semaphore, #tpu.memory_space<semaphore_mem>>) src(%arg9 : memref<1000x16xf32, #tpu.memory_space<vmem>>) dst(%dma_wait3A_64 : memref<1000x16xf32, #tpu.memory_space<vmem_shared>>)
      tpu.yield
    }) : () -> ()
    %add3A_34 = arith.constant 3000 : i32
    %add3A_35 = arith.addi %mul3A_19, %add3A_34 : i32
    "tpu.region"() ({
      %run_scoped3A = tpu.sem_alloc : memref<!tpu.dma_semaphore, #tpu.memory_space<semaphore_mem>>
      %dma_start3A = tpu.memref_slice %arg8[%add3A_35] : memref<100352xf32, #tpu.memory_space<vmem_shared>> -> memref<1000xf32, #tpu.memory_space<vmem_shared>>
      %dma_start3A_59 = tpu.memref_slice %arg8[%add3A_35] : memref<100352xf32, #tpu.memory_space<vmem_shared>> -> memref<1000xf32, #tpu.memory_space<vmem_shared>>
      tpu.enqueue_dma source(%arg10 : memref<1000xf32, #tpu.memory_space<vmem>>) target(%dma_start3A_59 : memref<1000xf32, #tpu.memory_space<vmem_shared>>) target_semaphore(%run_scoped3A : memref<!tpu.dma_semaphore, #tpu.memory_space<semaphore_mem>>)
      %dma_wait3A = tpu.memref_slice %arg8[%add3A_35] : memref<100352xf32, #tpu.memory_space<vmem_shared>> -> memref<1000xf32, #tpu.memory_space<vmem_shared>>
      %dma_wait3A_60 = tpu.memref_slice %arg8[%add3A_35] : memref<100352xf32, #tpu.memory_space<vmem_shared>> -> memref<1000xf32, #tpu.memory_space<vmem_shared>>
      tpu.wait_dma2 semaphore(%run_scoped3A : memref<!tpu.dma_semaphore, #tpu.memory_space<semaphore_mem>>) src(%arg10 : memref<1000xf32, #tpu.memory_space<vmem>>) dst(%dma_wait3A_60 : memref<1000xf32, #tpu.memory_space<vmem_shared>>)
      tpu.yield
    }) : () -> ()
    %add3A_36 = arith.constant 4000 : i32
    %add3A_37 = arith.addi %mul3A_19, %add3A_36 : i32
    "tpu.region"() ({
      %run_scoped3A = tpu.sem_alloc : memref<!tpu.dma_semaphore, #tpu.memory_space<semaphore_mem>>
      %dma_start3A = arith.constant 0 : i32
      %dma_start3A_59 = tpu.memref_slice %arg7[%add3A_37, %dma_start3A] : memref<100352x16xf32, #tpu.memory_space<vmem_shared>> -> memref<1000x16xf32, #tpu.memory_space<vmem_shared>>
      %dma_start3A_60 = arith.constant 0 : i32
      %dma_start3A_61 = tpu.memref_slice %arg7[%add3A_37, %dma_start3A_60] : memref<100352x16xf32, #tpu.memory_space<vmem_shared>> -> memref<1000x16xf32, #tpu.memory_space<vmem_shared>>
      tpu.enqueue_dma source(%arg9 : memref<1000x16xf32, #tpu.memory_space<vmem>>) target(%dma_start3A_61 : memref<1000x16xf32, #tpu.memory_space<vmem_shared>>) target_semaphore(%run_scoped3A : memref<!tpu.dma_semaphore, #tpu.memory_space<semaphore_mem>>)
      %dma_wait3A = arith.constant 0 : i32
      %dma_wait3A_62 = tpu.memref_slice %arg7[%add3A_37, %dma_wait3A] : memref<100352x16xf32, #tpu.memory_space<vmem_shared>> -> memref<1000x16xf32, #tpu.memory_space<vmem_shared>>
      %dma_wait3A_63 = arith.constant 0 : i32
      %dma_wait3A_64 = tpu.memref_slice %arg7[%add3A_37, %dma_wait3A_63] : memref<100352x16xf32, #tpu.memory_space<vmem_shared>> -> memref<1000x16xf32, #tpu.memory_space<vmem_shared>>
      tpu.wait_dma2 semaphore(%run_scoped3A : memref<!tpu.dma_semaphore, #tpu.memory_space<semaphore_mem>>) src(%arg9 : memref<1000x16xf32, #tpu.memory_space<vmem>>) dst(%dma_wait3A_64 : memref<1000x16xf32, #tpu.memory_space<vmem_shared>>)
      tpu.yield
    }) : () -> ()
    %add3A_38 = arith.constant 4000 : i32
    %add3A_39 = arith.addi %mul3A_19, %add3A_38 : i32
    "tpu.region"() ({
      %run_scoped3A = tpu.sem_alloc : memref<!tpu.dma_semaphore, #tpu.memory_space<semaphore_mem>>
      %dma_start3A = tpu.memref_slice %arg8[%add3A_39] : memref<100352xf32, #tpu.memory_space<vmem_shared>> -> memref<1000xf32, #tpu.memory_space<vmem_shared>>
      %dma_start3A_59 = tpu.memref_slice %arg8[%add3A_39] : memref<100352xf32, #tpu.memory_space<vmem_shared>> -> memref<1000xf32, #tpu.memory_space<vmem_shared>>
      tpu.enqueue_dma source(%arg10 : memref<1000xf32, #tpu.memory_space<vmem>>) target(%dma_start3A_59 : memref<1000xf32, #tpu.memory_space<vmem_shared>>) target_semaphore(%run_scoped3A : memref<!tpu.dma_semaphore, #tpu.memory_space<semaphore_mem>>)
      %dma_wait3A = tpu.memref_slice %arg8[%add3A_39] : memref<100352xf32, #tpu.memory_space<vmem_shared>> -> memref<1000xf32, #tpu.memory_space<vmem_shared>>
      %dma_wait3A_60 = tpu.memref_slice %arg8[%add3A_39] : memref<100352xf32, #tpu.memory_space<vmem_shared>> -> memref<1000xf32, #tpu.memory_space<vmem_shared>>
      tpu.wait_dma2 semaphore(%run_scoped3A : memref<!tpu.dma_semaphore, #tpu.memory_space<semaphore_mem>>) src(%arg10 : memref<1000xf32, #tpu.memory_space<vmem>>) dst(%dma_wait3A_60 : memref<1000xf32, #tpu.memory_space<vmem_shared>>)
      tpu.yield
    }) : () -> ()
    %add3A_40 = arith.constant 5000 : i32
    %add3A_41 = arith.addi %mul3A_19, %add3A_40 : i32
    "tpu.region"() ({
      %run_scoped3A = tpu.sem_alloc : memref<!tpu.dma_semaphore, #tpu.memory_space<semaphore_mem>>
      %dma_start3A = arith.constant 0 : i32
      %dma_start3A_59 = tpu.memref_slice %arg7[%add3A_41, %dma_start3A] : memref<100352x16xf32, #tpu.memory_space<vmem_shared>> -> memref<1000x16xf32, #tpu.memory_space<vmem_shared>>
      %dma_start3A_60 = arith.constant 0 : i32
      %dma_start3A_61 = tpu.memref_slice %arg7[%add3A_41, %dma_start3A_60] : memref<100352x16xf32, #tpu.memory_space<vmem_shared>> -> memref<1000x16xf32, #tpu.memory_space<vmem_shared>>
      tpu.enqueue_dma source(%arg9 : memref<1000x16xf32, #tpu.memory_space<vmem>>) target(%dma_start3A_61 : memref<1000x16xf32, #tpu.memory_space<vmem_shared>>) target_semaphore(%run_scoped3A : memref<!tpu.dma_semaphore, #tpu.memory_space<semaphore_mem>>)
      %dma_wait3A = arith.constant 0 : i32
      %dma_wait3A_62 = tpu.memref_slice %arg7[%add3A_41, %dma_wait3A] : memref<100352x16xf32, #tpu.memory_space<vmem_shared>> -> memref<1000x16xf32, #tpu.memory_space<vmem_shared>>
      %dma_wait3A_63 = arith.constant 0 : i32
      %dma_wait3A_64 = tpu.memref_slice %arg7[%add3A_41, %dma_wait3A_63] : memref<100352x16xf32, #tpu.memory_space<vmem_shared>> -> memref<1000x16xf32, #tpu.memory_space<vmem_shared>>
      tpu.wait_dma2 semaphore(%run_scoped3A : memref<!tpu.dma_semaphore, #tpu.memory_space<semaphore_mem>>) src(%arg9 : memref<1000x16xf32, #tpu.memory_space<vmem>>) dst(%dma_wait3A_64 : memref<1000x16xf32, #tpu.memory_space<vmem_shared>>)
      tpu.yield
    }) : () -> ()
    %add3A_42 = arith.constant 5000 : i32
    %add3A_43 = arith.addi %mul3A_19, %add3A_42 : i32
    "tpu.region"() ({
      %run_scoped3A = tpu.sem_alloc : memref<!tpu.dma_semaphore, #tpu.memory_space<semaphore_mem>>
      %dma_start3A = tpu.memref_slice %arg8[%add3A_43] : memref<100352xf32, #tpu.memory_space<vmem_shared>> -> memref<1000xf32, #tpu.memory_space<vmem_shared>>
      %dma_start3A_59 = tpu.memref_slice %arg8[%add3A_43] : memref<100352xf32, #tpu.memory_space<vmem_shared>> -> memref<1000xf32, #tpu.memory_space<vmem_shared>>
      tpu.enqueue_dma source(%arg10 : memref<1000xf32, #tpu.memory_space<vmem>>) target(%dma_start3A_59 : memref<1000xf32, #tpu.memory_space<vmem_shared>>) target_semaphore(%run_scoped3A : memref<!tpu.dma_semaphore, #tpu.memory_space<semaphore_mem>>)
      %dma_wait3A = tpu.memref_slice %arg8[%add3A_43] : memref<100352xf32, #tpu.memory_space<vmem_shared>> -> memref<1000xf32, #tpu.memory_space<vmem_shared>>
      %dma_wait3A_60 = tpu.memref_slice %arg8[%add3A_43] : memref<100352xf32, #tpu.memory_space<vmem_shared>> -> memref<1000xf32, #tpu.memory_space<vmem_shared>>
      tpu.wait_dma2 semaphore(%run_scoped3A : memref<!tpu.dma_semaphore, #tpu.memory_space<semaphore_mem>>) src(%arg10 : memref<1000xf32, #tpu.memory_space<vmem>>) dst(%dma_wait3A_60 : memref<1000xf32, #tpu.memory_space<vmem_shared>>)
      tpu.yield
    }) : () -> ()
    %add3A_44 = arith.constant 5272 : i32
    %add3A_45 = arith.addi %mul3A_19, %add3A_44 : i32
    "tpu.region"() ({
      %run_scoped3A = tpu.sem_alloc : memref<!tpu.dma_semaphore, #tpu.memory_space<semaphore_mem>>
      %dma_start3A = arith.constant 0 : i32
      %dma_start3A_59 = tpu.memref_slice %arg7[%add3A_45, %dma_start3A] : memref<100352x16xf32, #tpu.memory_space<vmem_shared>> -> memref<1000x16xf32, #tpu.memory_space<vmem_shared>>
      %dma_start3A_60 = arith.constant 0 : i32
      %dma_start3A_61 = tpu.memref_slice %arg7[%add3A_45, %dma_start3A_60] : memref<100352x16xf32, #tpu.memory_space<vmem_shared>> -> memref<1000x16xf32, #tpu.memory_space<vmem_shared>>
      tpu.enqueue_dma source(%arg9 : memref<1000x16xf32, #tpu.memory_space<vmem>>) target(%dma_start3A_61 : memref<1000x16xf32, #tpu.memory_space<vmem_shared>>) target_semaphore(%run_scoped3A : memref<!tpu.dma_semaphore, #tpu.memory_space<semaphore_mem>>)
      %dma_wait3A = arith.constant 0 : i32
      %dma_wait3A_62 = tpu.memref_slice %arg7[%add3A_45, %dma_wait3A] : memref<100352x16xf32, #tpu.memory_space<vmem_shared>> -> memref<1000x16xf32, #tpu.memory_space<vmem_shared>>
      %dma_wait3A_63 = arith.constant 0 : i32
      %dma_wait3A_64 = tpu.memref_slice %arg7[%add3A_45, %dma_wait3A_63] : memref<100352x16xf32, #tpu.memory_space<vmem_shared>> -> memref<1000x16xf32, #tpu.memory_space<vmem_shared>>
      tpu.wait_dma2 semaphore(%run_scoped3A : memref<!tpu.dma_semaphore, #tpu.memory_space<semaphore_mem>>) src(%arg9 : memref<1000x16xf32, #tpu.memory_space<vmem>>) dst(%dma_wait3A_64 : memref<1000x16xf32, #tpu.memory_space<vmem_shared>>)
      tpu.yield
    }) : () -> ()
    %add3A_46 = arith.constant 5272 : i32
    %add3A_47 = arith.addi %mul3A_19, %add3A_46 : i32
    "tpu.region"() ({
      %run_scoped3A = tpu.sem_alloc : memref<!tpu.dma_semaphore, #tpu.memory_space<semaphore_mem>>
      %dma_start3A = tpu.memref_slice %arg8[%add3A_47] : memref<100352xf32, #tpu.memory_space<vmem_shared>> -> memref<1000xf32, #tpu.memory_space<vmem_shared>>
      %dma_start3A_59 = tpu.memref_slice %arg8[%add3A_47] : memref<100352xf32, #tpu.memory_space<vmem_shared>> -> memref<1000xf32, #tpu.memory_space<vmem_shared>>
      tpu.enqueue_dma source(%arg10 : memref<1000xf32, #tpu.memory_space<vmem>>) target(%dma_start3A_59 : memref<1000xf32, #tpu.memory_space<vmem_shared>>) target_semaphore(%run_scoped3A : memref<!tpu.dma_semaphore, #tpu.memory_space<semaphore_mem>>)
      %dma_wait3A = tpu.memref_slice %arg8[%add3A_47] : memref<100352xf32, #tpu.memory_space<vmem_shared>> -> memref<1000xf32, #tpu.memory_space<vmem_shared>>
      %dma_wait3A_60 = tpu.memref_slice %arg8[%add3A_47] : memref<100352xf32, #tpu.memory_space<vmem_shared>> -> memref<1000xf32, #tpu.memory_space<vmem_shared>>
      tpu.wait_dma2 semaphore(%run_scoped3A : memref<!tpu.dma_semaphore, #tpu.memory_space<semaphore_mem>>) src(%arg10 : memref<1000xf32, #tpu.memory_space<vmem>>) dst(%dma_wait3A_60 : memref<1000xf32, #tpu.memory_space<vmem_shared>>)
      tpu.yield
    }) : () -> ()
    %barrier3A = arith.constant 0 : index
    tpu.barrier barrier_id(%barrier3A)
    %scan3A_48 = arith.constant 0 : i32
    %scan3A_49 = arith.constant 0 : i32
    %scan3A_50 = arith.constant 50 : i32
    %scan3A_51 = arith.addi %scan3A_49, %scan3A_50 : i32
    %scan3A_52 = arith.constant 1 : i32
    %scan3A_53 = scf.for %scan3A_59 = %scan3A_49 to %scan3A_51 step %scan3A_52 iter_args(%scan3A_60 = %scan3A_48) -> (i32)  : i32 {
      %mul3A_61 = arith.constant 50000 : i32
      %mul3A_62 = arith.muli %add3A, %mul3A_61 : i32
      %mul3A_63 = arith.constant 1000 : i32
      %mul3A_64 = arith.muli %scan3A_59, %mul3A_63 : i32
      %add3A_65 = arith.addi %mul3A_62, %mul3A_64 : i32
      "tpu.region"() ({
        %run_scoped3A = tpu.sem_alloc : memref<!tpu.dma_semaphore, #tpu.memory_space<semaphore_mem>>
        %dma_start3A = arith.constant 0 : i32
        %dma_start3A_67 = tpu.memref_slice %arg2[%add3A_65, %dma_start3A] : memref<1600000x16xf32, #tpu.memory_space<hbm>> -> memref<1000x16xf32, #tpu.memory_space<hbm>>
        %dma_start3A_68 = arith.constant 0 : i32
        %dma_start3A_69 = tpu.memref_slice %arg2[%add3A_65, %dma_start3A_68] : memref<1600000x16xf32, #tpu.memory_space<hbm>> -> memref<1000x16xf32, #tpu.memory_space<hbm>>
        tpu.enqueue_dma source(%dma_start3A_69 : memref<1000x16xf32, #tpu.memory_space<hbm>>) target(%arg9 : memref<1000x16xf32, #tpu.memory_space<vmem>>) target_semaphore(%run_scoped3A : memref<!tpu.dma_semaphore, #tpu.memory_space<semaphore_mem>>)
        %dma_wait3A = arith.constant 0 : i32
        %dma_wait3A_70 = tpu.memref_slice %arg2[%add3A_65, %dma_wait3A] : memref<1600000x16xf32, #tpu.memory_space<hbm>> -> memref<1000x16xf32, #tpu.memory_space<hbm>>
        %dma_wait3A_71 = arith.constant 0 : i32
        %dma_wait3A_72 = tpu.memref_slice %arg2[%add3A_65, %dma_wait3A_71] : memref<1600000x16xf32, #tpu.memory_space<hbm>> -> memref<1000x16xf32, #tpu.memory_space<hbm>>
        tpu.wait_dma2 semaphore(%run_scoped3A : memref<!tpu.dma_semaphore, #tpu.memory_space<semaphore_mem>>) src(%dma_wait3A_72 : memref<1000x16xf32, #tpu.memory_space<hbm>>) dst(%arg9 : memref<1000x16xf32, #tpu.memory_space<vmem>>)
        tpu.yield
      }) : () -> ()
      "tpu.region"() ({
        %run_scoped3A = tpu.sem_alloc : memref<!tpu.dma_semaphore, #tpu.memory_space<semaphore_mem>>
        %dma_start3A = tpu.memref_slice %arg3[%add3A_65] : memref<1600000xf32, #tpu.memory_space<hbm>> -> memref<1000xf32, #tpu.memory_space<hbm>>
        %dma_start3A_67 = tpu.memref_slice %arg3[%add3A_65] : memref<1600000xf32, #tpu.memory_space<hbm>> -> memref<1000xf32, #tpu.memory_space<hbm>>
        tpu.enqueue_dma source(%dma_start3A_67 : memref<1000xf32, #tpu.memory_space<hbm>>) target(%arg10 : memref<1000xf32, #tpu.memory_space<vmem>>) target_semaphore(%run_scoped3A : memref<!tpu.dma_semaphore, #tpu.memory_space<semaphore_mem>>)
        %dma_wait3A = tpu.memref_slice %arg3[%add3A_65] : memref<1600000xf32, #tpu.memory_space<hbm>> -> memref<1000xf32, #tpu.memory_space<hbm>>
        %dma_wait3A_68 = tpu.memref_slice %arg3[%add3A_65] : memref<1600000xf32, #tpu.memory_space<hbm>> -> memref<1000xf32, #tpu.memory_space<hbm>>
        tpu.wait_dma2 semaphore(%run_scoped3A : memref<!tpu.dma_semaphore, #tpu.memory_space<semaphore_mem>>) src(%dma_wait3A_68 : memref<1000xf32, #tpu.memory_space<hbm>>) dst(%arg10 : memref<1000xf32, #tpu.memory_space<vmem>>)
        tpu.yield
      }) : () -> ()
      "tpu.region"() ({
        %run_scoped3A = tpu.sem_alloc : memref<!tpu.dma_semaphore, #tpu.memory_space<semaphore_mem>>
        %dma_start3A = tpu.memref_slice %arg4[%add3A_65] : memref<1600000xi32, #tpu.memory_space<hbm>> -> memref<1000xi32, #tpu.memory_space<hbm>>
        %dma_start3A_67 = tpu.memref_slice %arg4[%add3A_65] : memref<1600000xi32, #tpu.memory_space<hbm>> -> memref<1000xi32, #tpu.memory_space<hbm>>
        tpu.enqueue_dma source(%dma_start3A_67 : memref<1000xi32, #tpu.memory_space<hbm>>) target(%arg11 : memref<1000xi32, #tpu.memory_space<vmem>>) target_semaphore(%run_scoped3A : memref<!tpu.dma_semaphore, #tpu.memory_space<semaphore_mem>>)
        %dma_wait3A = tpu.memref_slice %arg4[%add3A_65] : memref<1600000xi32, #tpu.memory_space<hbm>> -> memref<1000xi32, #tpu.memory_space<hbm>>
        %dma_wait3A_68 = tpu.memref_slice %arg4[%add3A_65] : memref<1600000xi32, #tpu.memory_space<hbm>> -> memref<1000xi32, #tpu.memory_space<hbm>>
        tpu.wait_dma2 semaphore(%run_scoped3A : memref<!tpu.dma_semaphore, #tpu.memory_space<semaphore_mem>>) src(%dma_wait3A_68 : memref<1000xi32, #tpu.memory_space<hbm>>) dst(%arg11 : memref<1000xi32, #tpu.memory_space<vmem>>)
        tpu.yield
      }) : () -> ()
      "tpu.region"() ({
        %run_scoped3A = tpu.sem_alloc : memref<!tpu.dma_semaphore, #tpu.memory_space<semaphore_mem>>
        %dma_start3A = arith.constant 0 : i32
        %dma_start3A_67 = arith.constant 0 : i32
        %dma_start3A_68 = tpu.memref_slice %arg7[%dma_start3A, %dma_start3A_67] : memref<100352x16xf32, #tpu.memory_space<vmem_shared>> -> memref<100352x16xf32, #tpu.memory_space<vmem_shared>>
        tpu.enqueue_indirect_dma source(%arg9 : memref<1000x16xf32, #tpu.memory_space<vmem>>) target(%dma_start3A_68 : memref<100352x16xf32, #tpu.memory_space<vmem_shared>>) offsets(%arg11 : memref<1000xi32, #tpu.memory_space<vmem>>) semaphore(%run_scoped3A : memref<!tpu.dma_semaphore, #tpu.memory_space<semaphore_mem>>) {add = true}
        %dma_wait3A = arith.constant 0 : i32
        %dma_wait3A_69 = arith.constant 0 : i32
        %dma_wait3A_70 = tpu.memref_slice %arg7[%dma_wait3A, %dma_wait3A_69] : memref<100352x16xf32, #tpu.memory_space<vmem_shared>> -> memref<100352x16xf32, #tpu.memory_space<vmem_shared>>
        tpu.wait_indirect_dma semaphore(%run_scoped3A : memref<!tpu.dma_semaphore, #tpu.memory_space<semaphore_mem>>) src(%arg9 : memref<1000x16xf32, #tpu.memory_space<vmem>>) dst(%dma_wait3A_70 : memref<100352x16xf32, #tpu.memory_space<vmem_shared>>)
        tpu.yield
      }) : () -> ()
      "tpu.region"() ({
        %run_scoped3A = tpu.sem_alloc : memref<!tpu.dma_semaphore, #tpu.memory_space<semaphore_mem>>
        %dma_start3A = arith.constant 0 : i32
        %dma_start3A_67 = tpu.memref_slice %arg8[%dma_start3A] : memref<100352xf32, #tpu.memory_space<vmem_shared>> -> memref<100352xf32, #tpu.memory_space<vmem_shared>>
        tpu.enqueue_indirect_dma source(%arg10 : memref<1000xf32, #tpu.memory_space<vmem>>) target(%dma_start3A_67 : memref<100352xf32, #tpu.memory_space<vmem_shared>>) offsets(%arg11 : memref<1000xi32, #tpu.memory_space<vmem>>) semaphore(%run_scoped3A : memref<!tpu.dma_semaphore, #tpu.memory_space<semaphore_mem>>) {add = true}
        %dma_wait3A = arith.constant 0 : i32
        %dma_wait3A_68 = tpu.memref_slice %arg8[%dma_wait3A] : memref<100352xf32, #tpu.memory_space<vmem_shared>> -> memref<100352xf32, #tpu.memory_space<vmem_shared>>
        tpu.wait_indirect_dma semaphore(%run_scoped3A : memref<!tpu.dma_semaphore, #tpu.memory_space<semaphore_mem>>) src(%arg10 : memref<1000xf32, #tpu.memory_space<vmem>>) dst(%dma_wait3A_68 : memref<100352xf32, #tpu.memory_space<vmem_shared>>)
        tpu.yield
      }) : () -> ()
      %scan3A_66 = arith.constant 0 : i32
      scf.yield %scan3A_66 : i32
    }
    %scan3A_54 = arith.constant 50 : i32
    %barrier3A_55 = arith.constant 0 : index
    tpu.barrier barrier_id(%barrier3A_55)
    %mul3A_56 = arith.constant 100352 : i32
    %mul3A_57 = arith.muli %arg0, %mul3A_56 : i32
    %add3A_58 = arith.addi %mul3A_57, %mul3A_19 : i32
    "tpu.region"() ({
      %run_scoped3A = tpu.sem_alloc : memref<!tpu.dma_semaphore, #tpu.memory_space<semaphore_mem>>
      %dma_start3A = arith.constant 0 : i32
      %dma_start3A_59 = tpu.memref_slice %arg5[%add3A_58, %dma_start3A] : memref<200704x16xf32, #tpu.memory_space<hbm>> -> memref<6272x16xf32, #tpu.memory_space<hbm>>
      %dma_start3A_60 = arith.constant 0 : i32
      %dma_start3A_61 = tpu.memref_slice %arg7[%mul3A_19, %dma_start3A_60] : memref<100352x16xf32, #tpu.memory_space<vmem_shared>> -> memref<6272x16xf32, #tpu.memory_space<vmem_shared>>
      tpu.enqueue_dma source(%dma_start3A_61 : memref<6272x16xf32, #tpu.memory_space<vmem_shared>>) target(%dma_start3A_59 : memref<6272x16xf32, #tpu.memory_space<hbm>>) target_semaphore(%run_scoped3A : memref<!tpu.dma_semaphore, #tpu.memory_space<semaphore_mem>>)
      %dma_wait3A = arith.constant 0 : i32
      %dma_wait3A_62 = tpu.memref_slice %arg5[%add3A_58, %dma_wait3A] : memref<200704x16xf32, #tpu.memory_space<hbm>> -> memref<6272x16xf32, #tpu.memory_space<hbm>>
      %dma_wait3A_63 = arith.constant 0 : i32
      %dma_wait3A_64 = tpu.memref_slice %arg7[%mul3A_19, %dma_wait3A_63] : memref<100352x16xf32, #tpu.memory_space<vmem_shared>> -> memref<6272x16xf32, #tpu.memory_space<vmem_shared>>
      tpu.wait_dma2 semaphore(%run_scoped3A : memref<!tpu.dma_semaphore, #tpu.memory_space<semaphore_mem>>) src(%dma_wait3A_64 : memref<6272x16xf32, #tpu.memory_space<vmem_shared>>) dst(%dma_wait3A_62 : memref<6272x16xf32, #tpu.memory_space<hbm>>)
      tpu.yield
    }) : () -> ()
    "tpu.region"() ({
      %run_scoped3A = tpu.sem_alloc : memref<!tpu.dma_semaphore, #tpu.memory_space<semaphore_mem>>
      %dma_start3A = tpu.memref_slice %arg6[%add3A_58] : memref<200704xf32, #tpu.memory_space<hbm>> -> memref<6272xf32, #tpu.memory_space<hbm>>
      %dma_start3A_59 = tpu.memref_slice %arg8[%mul3A_19] : memref<100352xf32, #tpu.memory_space<vmem_shared>> -> memref<6272xf32, #tpu.memory_space<vmem_shared>>
      tpu.enqueue_dma source(%dma_start3A_59 : memref<6272xf32, #tpu.memory_space<vmem_shared>>) target(%dma_start3A : memref<6272xf32, #tpu.memory_space<hbm>>) target_semaphore(%run_scoped3A : memref<!tpu.dma_semaphore, #tpu.memory_space<semaphore_mem>>)
      %dma_wait3A = tpu.memref_slice %arg6[%add3A_58] : memref<200704xf32, #tpu.memory_space<hbm>> -> memref<6272xf32, #tpu.memory_space<hbm>>
      %dma_wait3A_60 = tpu.memref_slice %arg8[%mul3A_19] : memref<100352xf32, #tpu.memory_space<vmem_shared>> -> memref<6272xf32, #tpu.memory_space<vmem_shared>>
      tpu.wait_dma2 semaphore(%run_scoped3A : memref<!tpu.dma_semaphore, #tpu.memory_space<semaphore_mem>>) src(%dma_wait3A_60 : memref<6272xf32, #tpu.memory_space<vmem_shared>>) dst(%dma_wait3A : memref<6272xf32, #tpu.memory_space<hbm>>)
      tpu.yield
    }) : () -> ()
    return
  }
}

#map = affine_map<(d0, d1) -> (0, 0)>
#map1 = affine_map<(d0, d1) -> (0)>
module attributes {stable_mosaic.version = 14 : i64} {
  func.func @body(%arg0: i32, %arg1: i32, %arg2: memref<100000x16xf32, #tpu.memory_space<hbm>>, %arg3: memref<1600000xi32, #tpu.memory_space<hbm>>, %arg4: memref<1600000x16xf32, #tpu.memory_space<hbm>>, %arg5: memref<1000xi32, #tpu.memory_space<vmem>>, %arg6: memref<1000x16xf32, #tpu.memory_space<vmem>>, %arg7: memref<!tpu.dma_semaphore, #tpu.memory_space<semaphore_mem>>) attributes {dimension_semantics = [#tpu.dimension_semantics<core_parallel>, #tpu.dimension_semantics<subcore_parallel>], iteration_bounds = array<i64: 2, 16>, scalar_prefetch = 0 : i64, scratch_operands = 3 : i64, tpu.core_type = #tpu.core_type<sc_vector_subcore>, window_params = [{transform_indices = #map}, {transform_indices = #map1}, {transform_indices = #map}]} {
    %mul3A = arith.constant 2 : i32
    %mul3A_0 = arith.muli %arg1, %mul3A : i32
    %add3A = arith.addi %mul3A_0, %arg0 : i32
    %scan3A = arith.constant 0 : i32
    %scan3A_1 = arith.constant 0 : i32
    %scan3A_2 = arith.constant 50 : i32
    %scan3A_3 = arith.addi %scan3A_1, %scan3A_2 : i32
    %scan3A_4 = arith.constant 1 : i32
    %scan3A_5 = scf.for %scan3A_7 = %scan3A_1 to %scan3A_3 step %scan3A_4 iter_args(%scan3A_8 = %scan3A) -> (i32)  : i32 {
      %mul3A_9 = arith.constant 50000 : i32
      %mul3A_10 = arith.muli %add3A, %mul3A_9 : i32
      %mul3A_11 = arith.constant 1000 : i32
      %mul3A_12 = arith.muli %scan3A_7, %mul3A_11 : i32
      %add3A_13 = arith.addi %mul3A_10, %mul3A_12 : i32
      "tpu.region"() ({
        %run_scoped3A = tpu.sem_alloc : memref<!tpu.dma_semaphore, #tpu.memory_space<semaphore_mem>>
        %dma_start3A_19 = tpu.memref_slice %arg3[%add3A_13] : memref<1600000xi32, #tpu.memory_space<hbm>> -> memref<1000xi32, #tpu.memory_space<hbm>>
        %dma_start3A_20 = tpu.memref_slice %arg3[%add3A_13] : memref<1600000xi32, #tpu.memory_space<hbm>> -> memref<1000xi32, #tpu.memory_space<hbm>>
        tpu.enqueue_dma source(%dma_start3A_20 : memref<1000xi32, #tpu.memory_space<hbm>>) target(%arg5 : memref<1000xi32, #tpu.memory_space<vmem>>) target_semaphore(%run_scoped3A : memref<!tpu.dma_semaphore, #tpu.memory_space<semaphore_mem>>)
        %dma_wait3A_21 = tpu.memref_slice %arg3[%add3A_13] : memref<1600000xi32, #tpu.memory_space<hbm>> -> memref<1000xi32, #tpu.memory_space<hbm>>
        %dma_wait3A_22 = tpu.memref_slice %arg3[%add3A_13] : memref<1600000xi32, #tpu.memory_space<hbm>> -> memref<1000xi32, #tpu.memory_space<hbm>>
        tpu.wait_dma2 semaphore(%run_scoped3A : memref<!tpu.dma_semaphore, #tpu.memory_space<semaphore_mem>>) src(%dma_wait3A_22 : memref<1000xi32, #tpu.memory_space<hbm>>) dst(%arg5 : memref<1000xi32, #tpu.memory_space<vmem>>)
        tpu.yield
      }) : () -> ()
      %dma_start3A = arith.constant 0 : i32
      %dma_start3A_14 = arith.constant 0 : i32
      %dma_start3A_15 = tpu.memref_slice %arg2[%dma_start3A, %dma_start3A_14] : memref<100000x16xf32, #tpu.memory_space<hbm>> -> memref<100000x16xf32, #tpu.memory_space<hbm>>
      tpu.enqueue_indirect_dma source(%dma_start3A_15 : memref<100000x16xf32, #tpu.memory_space<hbm>>) target(%arg6 : memref<1000x16xf32, #tpu.memory_space<vmem>>) offsets(%arg5 : memref<1000xi32, #tpu.memory_space<vmem>>) semaphore(%arg7 : memref<!tpu.dma_semaphore, #tpu.memory_space<semaphore_mem>>)
      %dma_wait3A = arith.constant 0 : i32
      %dma_wait3A_16 = arith.constant 0 : i32
      %dma_wait3A_17 = tpu.memref_slice %arg2[%dma_wait3A, %dma_wait3A_16] : memref<100000x16xf32, #tpu.memory_space<hbm>> -> memref<100000x16xf32, #tpu.memory_space<hbm>>
      tpu.wait_indirect_dma semaphore(%arg7 : memref<!tpu.dma_semaphore, #tpu.memory_space<semaphore_mem>>) src(%dma_wait3A_17 : memref<100000x16xf32, #tpu.memory_space<hbm>>) dst(%arg6 : memref<1000x16xf32, #tpu.memory_space<vmem>>)
      "tpu.region"() ({
        %run_scoped3A = tpu.sem_alloc : memref<!tpu.dma_semaphore, #tpu.memory_space<semaphore_mem>>
        %dma_start3A_19 = arith.constant 0 : i32
        %dma_start3A_20 = tpu.memref_slice %arg4[%add3A_13, %dma_start3A_19] : memref<1600000x16xf32, #tpu.memory_space<hbm>> -> memref<1000x16xf32, #tpu.memory_space<hbm>>
        %dma_start3A_21 = arith.constant 0 : i32
        %dma_start3A_22 = tpu.memref_slice %arg4[%add3A_13, %dma_start3A_21] : memref<1600000x16xf32, #tpu.memory_space<hbm>> -> memref<1000x16xf32, #tpu.memory_space<hbm>>
        tpu.enqueue_dma source(%arg6 : memref<1000x16xf32, #tpu.memory_space<vmem>>) target(%dma_start3A_22 : memref<1000x16xf32, #tpu.memory_space<hbm>>) target_semaphore(%run_scoped3A : memref<!tpu.dma_semaphore, #tpu.memory_space<semaphore_mem>>)
        %dma_wait3A_23 = arith.constant 0 : i32
        %dma_wait3A_24 = tpu.memref_slice %arg4[%add3A_13, %dma_wait3A_23] : memref<1600000x16xf32, #tpu.memory_space<hbm>> -> memref<1000x16xf32, #tpu.memory_space<hbm>>
        %dma_wait3A_25 = arith.constant 0 : i32
        %dma_wait3A_26 = tpu.memref_slice %arg4[%add3A_13, %dma_wait3A_25] : memref<1600000x16xf32, #tpu.memory_space<hbm>> -> memref<1000x16xf32, #tpu.memory_space<hbm>>
        tpu.wait_dma2 semaphore(%run_scoped3A : memref<!tpu.dma_semaphore, #tpu.memory_space<semaphore_mem>>) src(%arg6 : memref<1000x16xf32, #tpu.memory_space<vmem>>) dst(%dma_wait3A_26 : memref<1000x16xf32, #tpu.memory_space<hbm>>)
        tpu.yield
      }) : () -> ()
      %scan3A_18 = arith.constant 0 : i32
      scf.yield %scan3A_18 : i32
    }
    %scan3A_6 = arith.constant 50 : i32
    return
  }
}

#map = affine_map<(d0, d1) -> (0, 0)>
#map1 = affine_map<(d0, d1) -> (0)>
module attributes {stable_mosaic.version = 14 : i64} {
  func.func @body(%arg0: i32, %arg1: i32, %arg2: memref<100000x16xf32, #tpu.memory_space<hbm>>, %arg3: memref<1600000xi32, #tpu.memory_space<hbm>>, %arg4: memref<1600000x16xf32, #tpu.memory_space<hbm>>, %arg5: memref<1000xi32, #tpu.memory_space<vmem>>, %arg6: memref<1000x16xf32, #tpu.memory_space<vmem>>, %arg7: memref<!tpu.dma_semaphore, #tpu.memory_space<semaphore_mem>>) attributes {dimension_semantics = [#tpu.dimension_semantics<core_parallel>, #tpu.dimension_semantics<subcore_parallel>], iteration_bounds = array<i64: 2, 16>, scalar_prefetch = 0 : i64, scratch_operands = 3 : i64, tpu.core_type = #tpu.core_type<sc_vector_subcore>, window_params = [{transform_indices = #map}, {transform_indices = #map1}, {transform_indices = #map}]} {
    %mul3A = arith.constant 2 : i32
    %mul3A_0 = arith.muli %arg1, %mul3A : i32
    %add3A = arith.addi %mul3A_0, %arg0 : i32
    %scan3A = arith.constant 0 : i32
    %scan3A_1 = arith.constant 0 : i32
    %scan3A_2 = arith.constant 50 : i32
    %scan3A_3 = arith.addi %scan3A_1, %scan3A_2 : i32
    %scan3A_4 = arith.constant 1 : i32
    %scan3A_5 = scf.for %scan3A_7 = %scan3A_1 to %scan3A_3 step %scan3A_4 iter_args(%scan3A_8 = %scan3A) -> (i32)  : i32 {
      %mul3A_9 = arith.constant 50000 : i32
      %mul3A_10 = arith.muli %add3A, %mul3A_9 : i32
      %mul3A_11 = arith.constant 1000 : i32
      %mul3A_12 = arith.muli %scan3A_7, %mul3A_11 : i32
      %add3A_13 = arith.addi %mul3A_10, %mul3A_12 : i32
      "tpu.region"() ({
        %run_scoped3A = tpu.sem_alloc : memref<!tpu.dma_semaphore, #tpu.memory_space<semaphore_mem>>
        %dma_start3A_19 = tpu.memref_slice %arg3[%add3A_13] : memref<1600000xi32, #tpu.memory_space<hbm>> -> memref<1000xi32, #tpu.memory_space<hbm>>
        %dma_start3A_20 = tpu.memref_slice %arg3[%add3A_13] : memref<1600000xi32, #tpu.memory_space<hbm>> -> memref<1000xi32, #tpu.memory_space<hbm>>
        tpu.enqueue_dma source(%dma_start3A_20 : memref<1000xi32, #tpu.memory_space<hbm>>) target(%arg5 : memref<1000xi32, #tpu.memory_space<vmem>>) target_semaphore(%run_scoped3A : memref<!tpu.dma_semaphore, #tpu.memory_space<semaphore_mem>>)
        %dma_wait3A_21 = tpu.memref_slice %arg3[%add3A_13] : memref<1600000xi32, #tpu.memory_space<hbm>> -> memref<1000xi32, #tpu.memory_space<hbm>>
        %dma_wait3A_22 = tpu.memref_slice %arg3[%add3A_13] : memref<1600000xi32, #tpu.memory_space<hbm>> -> memref<1000xi32, #tpu.memory_space<hbm>>
        tpu.wait_dma2 semaphore(%run_scoped3A : memref<!tpu.dma_semaphore, #tpu.memory_space<semaphore_mem>>) src(%dma_wait3A_22 : memref<1000xi32, #tpu.memory_space<hbm>>) dst(%arg5 : memref<1000xi32, #tpu.memory_space<vmem>>)
        tpu.yield
      }) : () -> ()
      %dma_start3A = arith.constant 0 : i32
      %dma_start3A_14 = arith.constant 0 : i32
      %dma_start3A_15 = tpu.memref_slice %arg2[%dma_start3A, %dma_start3A_14] : memref<100000x16xf32, #tpu.memory_space<hbm>> -> memref<100000x16xf32, #tpu.memory_space<hbm>>
      tpu.enqueue_indirect_dma source(%dma_start3A_15 : memref<100000x16xf32, #tpu.memory_space<hbm>>) target(%arg6 : memref<1000x16xf32, #tpu.memory_space<vmem>>) offsets(%arg5 : memref<1000xi32, #tpu.memory_space<vmem>>) semaphore(%arg7 : memref<!tpu.dma_semaphore, #tpu.memory_space<semaphore_mem>>)
      %dma_wait3A = arith.constant 0 : i32
      %dma_wait3A_16 = arith.constant 0 : i32
      %dma_wait3A_17 = tpu.memref_slice %arg2[%dma_wait3A, %dma_wait3A_16] : memref<100000x16xf32, #tpu.memory_space<hbm>> -> memref<100000x16xf32, #tpu.memory_space<hbm>>
      tpu.wait_indirect_dma semaphore(%arg7 : memref<!tpu.dma_semaphore, #tpu.memory_space<semaphore_mem>>) src(%dma_wait3A_17 : memref<100000x16xf32, #tpu.memory_space<hbm>>) dst(%arg6 : memref<1000x16xf32, #tpu.memory_space<vmem>>)
      "tpu.region"() ({
        %run_scoped3A = tpu.sem_alloc : memref<!tpu.dma_semaphore, #tpu.memory_space<semaphore_mem>>
        %dma_start3A_19 = arith.constant 0 : i32
        %dma_start3A_20 = tpu.memref_slice %arg4[%add3A_13, %dma_start3A_19] : memref<1600000x16xf32, #tpu.memory_space<hbm>> -> memref<1000x16xf32, #tpu.memory_space<hbm>>
        %dma_start3A_21 = arith.constant 0 : i32
        %dma_start3A_22 = tpu.memref_slice %arg4[%add3A_13, %dma_start3A_21] : memref<1600000x16xf32, #tpu.memory_space<hbm>> -> memref<1000x16xf32, #tpu.memory_space<hbm>>
        tpu.enqueue_dma source(%arg6 : memref<1000x16xf32, #tpu.memory_space<vmem>>) target(%dma_start3A_22 : memref<1000x16xf32, #tpu.memory_space<hbm>>) target_semaphore(%run_scoped3A : memref<!tpu.dma_semaphore, #tpu.memory_space<semaphore_mem>>)
        %dma_wait3A_23 = arith.constant 0 : i32
        %dma_wait3A_24 = tpu.memref_slice %arg4[%add3A_13, %dma_wait3A_23] : memref<1600000x16xf32, #tpu.memory_space<hbm>> -> memref<1000x16xf32, #tpu.memory_space<hbm>>
        %dma_wait3A_25 = arith.constant 0 : i32
        %dma_wait3A_26 = tpu.memref_slice %arg4[%add3A_13, %dma_wait3A_25] : memref<1600000x16xf32, #tpu.memory_space<hbm>> -> memref<1000x16xf32, #tpu.memory_space<hbm>>
        tpu.wait_dma2 semaphore(%run_scoped3A : memref<!tpu.dma_semaphore, #tpu.memory_space<semaphore_mem>>) src(%arg6 : memref<1000x16xf32, #tpu.memory_space<vmem>>) dst(%dma_wait3A_26 : memref<1000x16xf32, #tpu.memory_space<hbm>>)
        tpu.yield
      }) : () -> ()
      %scan3A_18 = arith.constant 0 : i32
      scf.yield %scan3A_18 : i32
    }
    %scan3A_6 = arith.constant 50 : i32
    return
  }
}

module attributes {stable_mosaic.version = 14 : i64} {
  func.func @body(%arg0: i32, %arg1: memref<4000x128xf32, #tpu.memory_space<vmem>>, %arg2: memref<4000x128xf32, #tpu.memory_space<vmem>>, %arg3: memref<4000x128xf32, #tpu.memory_space<vmem>>, %arg4: memref<4000x64xf32, #tpu.memory_space<vmem>>, %arg5: memref<4000x32xf32, #tpu.memory_space<vmem>>, %arg6: memref<64x128xf32, #tpu.memory_space<vmem>>, %arg7: memref<32x128xf32, #tpu.memory_space<vmem>>, %arg8: memref<1x128xf32, #tpu.memory_space<vmem>>, %arg9: memref<128x8xf32, #tpu.memory_space<vmem>>, %arg10: memref<8x128xf32, #tpu.memory_space<vmem>>, %arg11: memref<4000x128xf32, #tpu.memory_space<vmem>>, %arg12: memref<4000x8xf32, #tpu.memory_space<vmem>>) attributes {dimension_semantics = [#tpu.dimension_semantics<arbitrary>], iteration_bounds = array<i64: 50>, scalar_prefetch = 0 : i64, scratch_operands = 0 : i64, tpu.core_type = #tpu.core_type<tc>, window_params = [{transform_indices = @transform_0, window_bounds = array<i64: 4000, 128>}, {transform_indices = @transform_1, window_bounds = array<i64: 4000, 128>}, {transform_indices = @transform_2, window_bounds = array<i64: 4000, 128>}, {transform_indices = @transform_3, window_bounds = array<i64: 4000, 64>}, {transform_indices = @transform_4, window_bounds = array<i64: 4000, 32>}, {pipeline_mode = #tpu.pipeline_mode<synchronous>, transform_indices = @transform_5, window_bounds = array<i64: 64, 128>}, {pipeline_mode = #tpu.pipeline_mode<synchronous>, transform_indices = @transform_6, window_bounds = array<i64: 32, 128>}, {pipeline_mode = #tpu.pipeline_mode<synchronous>, transform_indices = @transform_7, window_bounds = array<i64: 1, 128>}, {pipeline_mode = #tpu.pipeline_mode<synchronous>, transform_indices = @transform_8, window_bounds = array<i64: 128, 8>}, {pipeline_mode = #tpu.pipeline_mode<synchronous>, transform_indices = @transform_9, window_bounds = array<i64: 8, 128>}, {transform_indices = @transform_10, window_bounds = array<i64: 4000, 128>}, {transform_indices = @transform_11, window_bounds = array<i64: 4000, 8>}]} {
    %get3A = arith.constant 0 : index
    %get3A_0 = arith.constant 0 : index
    %get3A_1 = vector.load %arg4[%get3A, %get3A_0] : memref<4000x64xf32, #tpu.memory_space<vmem>>, vector<4000x64xf32>
    %get3A_2 = arith.constant 0 : index
    %get3A_3 = arith.constant 0 : index
    %get3A_4 = vector.load %arg6[%get3A_2, %get3A_3] : memref<64x128xf32, #tpu.memory_space<vmem>>, vector<64x128xf32>
    %dot_general3A = arith.constant dense<0.000000e+00> : vector<4000x128xf32>
    %dot_general3A_5 = tpu.matmul %get3A_1, %get3A_4, %dot_general3A {dimension_numbers = #tpu.dot_dimension_numbers<[1], [0], [0], [1], [0, 0, 1, 1], [], []>, transpose_lhs_hint = false} : vector<4000x64xf32>, vector<64x128xf32>, vector<4000x128xf32> -> vector<4000x128xf32>
    %get3A_6 = arith.constant 0 : index
    %get3A_7 = arith.constant 0 : index
    %get3A_8 = vector.load %arg5[%get3A_6, %get3A_7] : memref<4000x32xf32, #tpu.memory_space<vmem>>, vector<4000x32xf32>
    %get3A_9 = arith.constant 0 : index
    %get3A_10 = arith.constant 0 : index
    %get3A_11 = vector.load %arg7[%get3A_9, %get3A_10] : memref<32x128xf32, #tpu.memory_space<vmem>>, vector<32x128xf32>
    %dot_general3A_12 = arith.constant dense<0.000000e+00> : vector<4000x128xf32>
    %dot_general3A_13 = tpu.matmul %get3A_8, %get3A_11, %dot_general3A_12 {dimension_numbers = #tpu.dot_dimension_numbers<[1], [0], [0], [1], [0, 0, 1, 1], [], []>, transpose_lhs_hint = false} : vector<4000x32xf32>, vector<32x128xf32>, vector<4000x128xf32> -> vector<4000x128xf32>
    %add3A = arith.addf %dot_general3A_5, %dot_general3A_13 : vector<4000x128xf32>
    %get3A_14 = arith.constant 0 : index
    %get3A_15 = arith.constant 0 : index
    %get3A_16 = vector.load %arg8[%get3A_14, %get3A_15] : memref<1x128xf32, #tpu.memory_space<vmem>>, vector<1x128xf32>
    %add3A_17 = vector.broadcast %get3A_16 : vector<1x128xf32> to vector<4000x128xf32>
    %add3A_18 = arith.addf %add3A, %add3A_17 : vector<4000x128xf32>
    %get3A_19 = arith.constant 0 : index
    %get3A_20 = arith.constant 0 : index
    %get3A_21 = vector.load %arg3[%get3A_19, %get3A_20] : memref<4000x128xf32, #tpu.memory_space<vmem>>, vector<4000x128xf32>
    %get3A_22 = arith.constant 0 : index
    %get3A_23 = arith.constant 0 : index
    %get3A_24 = vector.load %arg1[%get3A_22, %get3A_23] : memref<4000x128xf32, #tpu.memory_space<vmem>>, vector<4000x128xf32>
    %add3A_25 = arith.addf %get3A_24, %add3A_18 : vector<4000x128xf32>
    %mul3A = arith.mulf %get3A_21, %add3A_25 : vector<4000x128xf32>
    %get3A_26 = arith.constant 0 : index
    %get3A_27 = arith.constant 0 : index
    %get3A_28 = vector.load %arg9[%get3A_26, %get3A_27] : memref<128x8xf32, #tpu.memory_space<vmem>>, vector<128x8xf32>
    %dot_general3A_29 = arith.constant dense<0.000000e+00> : vector<4000x8xf32>
    %dot_general3A_30 = tpu.matmul %mul3A, %get3A_28, %dot_general3A_29 {dimension_numbers = #tpu.dot_dimension_numbers<[1], [0], [0], [1], [0, 0, 1, 1], [], []>, transpose_lhs_hint = false} : vector<4000x128xf32>, vector<128x8xf32>, vector<4000x8xf32> -> vector<4000x8xf32>
    %mul3A_31 = arith.constant 2.500000e-01 : f32
    %mul3A_32 = vector.broadcast %mul3A_31 : f32 to vector<4000x8xf32>
    %mul3A_33 = arith.mulf %dot_general3A_30, %mul3A_32 : vector<4000x8xf32>
    %exp3A = math.exp %mul3A_33 : vector<4000x8xf32>
    %get3A_34 = arith.constant 0 : index
    %get3A_35 = arith.constant 0 : index
    %get3A_36 = vector.load %arg10[%get3A_34, %get3A_35] : memref<8x128xf32, #tpu.memory_space<vmem>>, vector<8x128xf32>
    %dot_general3A_37 = arith.constant dense<0.000000e+00> : vector<4000x128xf32>
    %dot_general3A_38 = tpu.matmul %exp3A, %get3A_36, %dot_general3A_37 {dimension_numbers = #tpu.dot_dimension_numbers<[1], [0], [0], [1], [0, 0, 1, 1], [], []>, transpose_lhs_hint = false} : vector<4000x8xf32>, vector<8x128xf32>, vector<4000x128xf32> -> vector<4000x128xf32>
    %get3A_39 = arith.constant 0 : index
    %get3A_40 = arith.constant 0 : index
    %get3A_41 = vector.load %arg2[%get3A_39, %get3A_40] : memref<4000x128xf32, #tpu.memory_space<vmem>>, vector<4000x128xf32>
    %add3A_42 = arith.addf %get3A_41, %add3A_18 : vector<4000x128xf32>
    %mul3A_43 = arith.mulf %dot_general3A_38, %add3A_42 : vector<4000x128xf32>
    %swap3A = arith.constant 0 : index
    %swap3A_44 = arith.constant 0 : index
    %swap3A_45 = vector.load %arg11[%swap3A, %swap3A_44] : memref<4000x128xf32, #tpu.memory_space<vmem>>, vector<4000x128xf32>
    tpu.vector_store %arg11[%swap3A, %swap3A_44], %mul3A_43 {strides = array<i32>} : memref<4000x128xf32, #tpu.memory_space<vmem>>, vector<4000x128xf32>,
    %swap3A_46 = arith.constant 0 : index
    %swap3A_47 = arith.constant 0 : index
    %swap3A_48 = vector.load %arg12[%swap3A_46, %swap3A_47] : memref<4000x8xf32, #tpu.memory_space<vmem>>, vector<4000x8xf32>
    tpu.vector_store %arg12[%swap3A_46, %swap3A_47], %exp3A {strides = array<i32>} : memref<4000x8xf32, #tpu.memory_space<vmem>>, vector<4000x8xf32>,
    return
  }
  func.func @transform_0(%arg0: i32) -> (i32, i32) {
    %c0_i32 = arith.constant 0 : i32
    %c0_i32_0 = arith.constant 0 : i32
    return %arg0, %c0_i32 : i32, i32
  }
  func.func @transform_1(%arg0: i32) -> (i32, i32) {
    %c0_i32 = arith.constant 0 : i32
    %c0_i32_0 = arith.constant 0 : i32
    return %arg0, %c0_i32 : i32, i32
  }
  func.func @transform_2(%arg0: i32) -> (i32, i32) {
    %c0_i32 = arith.constant 0 : i32
    %c0_i32_0 = arith.constant 0 : i32
    return %arg0, %c0_i32 : i32, i32
  }
  func.func @transform_3(%arg0: i32) -> (i32, i32) {
    %c0_i32 = arith.constant 0 : i32
    %c0_i32_0 = arith.constant 0 : i32
    return %arg0, %c0_i32 : i32, i32
  }
  func.func @transform_4(%arg0: i32) -> (i32, i32) {
    %c0_i32 = arith.constant 0 : i32
    %c0_i32_0 = arith.constant 0 : i32
    return %arg0, %c0_i32 : i32, i32
  }
  func.func @transform_5(%arg0: i32) -> (i32, i32) {
    %c0_i32 = arith.constant 0 : i32
    %c0_i32_0 = arith.constant 0 : i32
    %c0_i32_1 = arith.constant 0 : i32
    return %c0_i32, %c0_i32_0 : i32, i32
  }
  func.func @transform_6(%arg0: i32) -> (i32, i32) {
    %c0_i32 = arith.constant 0 : i32
    %c0_i32_0 = arith.constant 0 : i32
    %c0_i32_1 = arith.constant 0 : i32
    return %c0_i32, %c0_i32_0 : i32, i32
  }
  func.func @transform_7(%arg0: i32) -> (i32, i32) {
    %c0_i32 = arith.constant 0 : i32
    %c0_i32_0 = arith.constant 0 : i32
    %c0_i32_1 = arith.constant 0 : i32
    return %c0_i32, %c0_i32_0 : i32, i32
  }
  func.func @transform_8(%arg0: i32) -> (i32, i32) {
    %c0_i32 = arith.constant 0 : i32
    %c0_i32_0 = arith.constant 0 : i32
    %c0_i32_1 = arith.constant 0 : i32
    return %c0_i32, %c0_i32_0 : i32, i32
  }
  func.func @transform_9(%arg0: i32) -> (i32, i32) {
    %c0_i32 = arith.constant 0 : i32
    %c0_i32_0 = arith.constant 0 : i32
    %c0_i32_1 = arith.constant 0 : i32
    return %c0_i32, %c0_i32_0 : i32, i32
  }
  func.func @transform_10(%arg0: i32) -> (i32, i32) {
    %c0_i32 = arith.constant 0 : i32
    %c0_i32_0 = arith.constant 0 : i32
    return %arg0, %c0_i32 : i32, i32
  }
  func.func @transform_11(%arg0: i32) -> (i32, i32) {
    %c0_i32 = arith.constant 0 : i32
    %c0_i32_0 = arith.constant 0 : i32
    return %arg0, %c0_i32 : i32, i32
  }
}

module attributes {stable_mosaic.version = 14 : i64} {
  func.func @body(%arg0: i32, %arg1: memref<4000x128xf32, #tpu.memory_space<vmem>>, %arg2: memref<4000x128xf32, #tpu.memory_space<vmem>>, %arg3: memref<4000x64xf32, #tpu.memory_space<vmem>>, %arg4: memref<4000x32xf32, #tpu.memory_space<vmem>>, %arg5: memref<64x64xf32, #tpu.memory_space<vmem>>, %arg6: memref<32x64xf32, #tpu.memory_space<vmem>>, %arg7: memref<128x64xf32, #tpu.memory_space<vmem>>, %arg8: memref<1x64xf32, #tpu.memory_space<vmem>>, %arg9: memref<64x64xf32, #tpu.memory_space<vmem>>, %arg10: memref<1x64xf32, #tpu.memory_space<vmem>>, %arg11: memref<4000x64xf32, #tpu.memory_space<vmem>>) attributes {dimension_semantics = [#tpu.dimension_semantics<arbitrary>], iteration_bounds = array<i64: 50>, scalar_prefetch = 0 : i64, scratch_operands = 0 : i64, tpu.core_type = #tpu.core_type<tc>, window_params = [{transform_indices = @transform_0, window_bounds = array<i64: 4000, 128>}, {transform_indices = @transform_1, window_bounds = array<i64: 4000, 128>}, {transform_indices = @transform_2, window_bounds = array<i64: 4000, 64>}, {transform_indices = @transform_3, window_bounds = array<i64: 4000, 32>}, {pipeline_mode = #tpu.pipeline_mode<synchronous>, transform_indices = @transform_4, window_bounds = array<i64: 64, 64>}, {pipeline_mode = #tpu.pipeline_mode<synchronous>, transform_indices = @transform_5, window_bounds = array<i64: 32, 64>}, {pipeline_mode = #tpu.pipeline_mode<synchronous>, transform_indices = @transform_6, window_bounds = array<i64: 128, 64>}, {pipeline_mode = #tpu.pipeline_mode<synchronous>, transform_indices = @transform_7, window_bounds = array<i64: 1, 64>}, {pipeline_mode = #tpu.pipeline_mode<synchronous>, transform_indices = @transform_8, window_bounds = array<i64: 64, 64>}, {pipeline_mode = #tpu.pipeline_mode<synchronous>, transform_indices = @transform_9, window_bounds = array<i64: 1, 64>}, {transform_indices = @transform_10, window_bounds = array<i64: 4000, 64>}]} {
    %get3A = arith.constant 0 : index
    %get3A_0 = arith.constant 0 : index
    %get3A_1 = vector.load %arg3[%get3A, %get3A_0] : memref<4000x64xf32, #tpu.memory_space<vmem>>, vector<4000x64xf32>
    %get3A_2 = arith.constant 0 : index
    %get3A_3 = arith.constant 0 : index
    %get3A_4 = vector.load %arg5[%get3A_2, %get3A_3] : memref<64x64xf32, #tpu.memory_space<vmem>>, vector<64x64xf32>
    %dot_general3A = arith.constant dense<0.000000e+00> : vector<4000x64xf32>
    %dot_general3A_5 = tpu.matmul %get3A_1, %get3A_4, %dot_general3A {dimension_numbers = #tpu.dot_dimension_numbers<[1], [0], [0], [1], [0, 0, 1, 1], [], []>, transpose_lhs_hint = false} : vector<4000x64xf32>, vector<64x64xf32>, vector<4000x64xf32> -> vector<4000x64xf32>
    %get3A_6 = arith.constant 0 : index
    %get3A_7 = arith.constant 0 : index
    %get3A_8 = vector.load %arg4[%get3A_6, %get3A_7] : memref<4000x32xf32, #tpu.memory_space<vmem>>, vector<4000x32xf32>
    %get3A_9 = arith.constant 0 : index
    %get3A_10 = arith.constant 0 : index
    %get3A_11 = vector.load %arg6[%get3A_9, %get3A_10] : memref<32x64xf32, #tpu.memory_space<vmem>>, vector<32x64xf32>
    %dot_general3A_12 = arith.constant dense<0.000000e+00> : vector<4000x64xf32>
    %dot_general3A_13 = tpu.matmul %get3A_8, %get3A_11, %dot_general3A_12 {dimension_numbers = #tpu.dot_dimension_numbers<[1], [0], [0], [1], [0, 0, 1, 1], [], []>, transpose_lhs_hint = false} : vector<4000x32xf32>, vector<32x64xf32>, vector<4000x64xf32> -> vector<4000x64xf32>
    %add3A = arith.addf %dot_general3A_5, %dot_general3A_13 : vector<4000x64xf32>
    %get3A_14 = arith.constant 0 : index
    %get3A_15 = arith.constant 0 : index
    %get3A_16 = vector.load %arg1[%get3A_14, %get3A_15] : memref<4000x128xf32, #tpu.memory_space<vmem>>, vector<4000x128xf32>
    %get3A_17 = arith.constant 0 : index
    %get3A_18 = arith.constant 0 : index
    %get3A_19 = vector.load %arg2[%get3A_17, %get3A_18] : memref<4000x128xf32, #tpu.memory_space<vmem>>, vector<4000x128xf32>
    %add3A_20 = arith.addf %get3A_16, %get3A_19 : vector<4000x128xf32>
    %get3A_21 = arith.constant 0 : index
    %get3A_22 = arith.constant 0 : index
    %get3A_23 = vector.load %arg7[%get3A_21, %get3A_22] : memref<128x64xf32, #tpu.memory_space<vmem>>, vector<128x64xf32>
    %dot_general3A_24 = arith.constant dense<0.000000e+00> : vector<4000x64xf32>
    %dot_general3A_25 = tpu.matmul %add3A_20, %get3A_23, %dot_general3A_24 {dimension_numbers = #tpu.dot_dimension_numbers<[1], [0], [0], [1], [0, 0, 1, 1], [], []>, transpose_lhs_hint = false} : vector<4000x128xf32>, vector<128x64xf32>, vector<4000x64xf32> -> vector<4000x64xf32>
    %add3A_26 = arith.addf %add3A, %dot_general3A_25 : vector<4000x64xf32>
    %get3A_27 = arith.constant 0 : index
    %get3A_28 = arith.constant 0 : index
    %get3A_29 = vector.load %arg8[%get3A_27, %get3A_28] : memref<1x64xf32, #tpu.memory_space<vmem>>, vector<1x64xf32>
    %add3A_30 = vector.broadcast %get3A_29 : vector<1x64xf32> to vector<4000x64xf32>
    %add3A_31 = arith.addf %add3A_26, %add3A_30 : vector<4000x64xf32>
    %max3A = arith.constant 0.000000e+00 : f32
    %max3A_32 = vector.broadcast %max3A : f32 to vector<4000x64xf32>
    %max3A_33 = arith.maximumf %add3A_31, %max3A_32 : vector<4000x64xf32>
    %get3A_34 = arith.constant 0 : index
    %get3A_35 = arith.constant 0 : index
    %get3A_36 = vector.load %arg9[%get3A_34, %get3A_35] : memref<64x64xf32, #tpu.memory_space<vmem>>, vector<64x64xf32>
    %dot_general3A_37 = arith.constant dense<0.000000e+00> : vector<4000x64xf32>
    %dot_general3A_38 = tpu.matmul %max3A_33, %get3A_36, %dot_general3A_37 {dimension_numbers = #tpu.dot_dimension_numbers<[1], [0], [0], [1], [0, 0, 1, 1], [], []>, transpose_lhs_hint = false} : vector<4000x64xf32>, vector<64x64xf32>, vector<4000x64xf32> -> vector<4000x64xf32>
    %get3A_39 = arith.constant 0 : index
    %get3A_40 = arith.constant 0 : index
    %get3A_41 = vector.load %arg10[%get3A_39, %get3A_40] : memref<1x64xf32, #tpu.memory_space<vmem>>, vector<1x64xf32>
    %add3A_42 = vector.broadcast %get3A_41 : vector<1x64xf32> to vector<4000x64xf32>
    %add3A_43 = arith.addf %dot_general3A_38, %add3A_42 : vector<4000x64xf32>
    %max3A_44 = arith.constant 0.000000e+00 : f32
    %max3A_45 = vector.broadcast %max3A_44 : f32 to vector<4000x64xf32>
    %max3A_46 = arith.maximumf %add3A_43, %max3A_45 : vector<4000x64xf32>
    %swap3A = arith.constant 0 : index
    %swap3A_47 = arith.constant 0 : index
    %swap3A_48 = vector.load %arg11[%swap3A, %swap3A_47] : memref<4000x64xf32, #tpu.memory_space<vmem>>, vector<4000x64xf32>
    tpu.vector_store %arg11[%swap3A, %swap3A_47], %max3A_46 {strides = array<i32>} : memref<4000x64xf32, #tpu.memory_space<vmem>>, vector<4000x64xf32>,
    return
  }
  func.func @transform_0(%arg0: i32) -> (i32, i32) {
    %c0_i32 = arith.constant 0 : i32
    %c0_i32_0 = arith.constant 0 : i32
    return %arg0, %c0_i32 : i32, i32
  }
  func.func @transform_1(%arg0: i32) -> (i32, i32) {
    %c0_i32 = arith.constant 0 : i32
    %c0_i32_0 = arith.constant 0 : i32
    return %arg0, %c0_i32 : i32, i32
  }
  func.func @transform_2(%arg0: i32) -> (i32, i32) {
    %c0_i32 = arith.constant 0 : i32
    %c0_i32_0 = arith.constant 0 : i32
    return %arg0, %c0_i32 : i32, i32
  }
  func.func @transform_3(%arg0: i32) -> (i32, i32) {
    %c0_i32 = arith.constant 0 : i32
    %c0_i32_0 = arith.constant 0 : i32
    return %arg0, %c0_i32 : i32, i32
  }
  func.func @transform_4(%arg0: i32) -> (i32, i32) {
    %c0_i32 = arith.constant 0 : i32
    %c0_i32_0 = arith.constant 0 : i32
    %c0_i32_1 = arith.constant 0 : i32
    return %c0_i32, %c0_i32_0 : i32, i32
  }
  func.func @transform_5(%arg0: i32) -> (i32, i32) {
    %c0_i32 = arith.constant 0 : i32
    %c0_i32_0 = arith.constant 0 : i32
    %c0_i32_1 = arith.constant 0 : i32
    return %c0_i32, %c0_i32_0 : i32, i32
  }
  func.func @transform_6(%arg0: i32) -> (i32, i32) {
    %c0_i32 = arith.constant 0 : i32
    %c0_i32_0 = arith.constant 0 : i32
    %c0_i32_1 = arith.constant 0 : i32
    return %c0_i32, %c0_i32_0 : i32, i32
  }
  func.func @transform_7(%arg0: i32) -> (i32, i32) {
    %c0_i32 = arith.constant 0 : i32
    %c0_i32_0 = arith.constant 0 : i32
    %c0_i32_1 = arith.constant 0 : i32
    return %c0_i32, %c0_i32_0 : i32, i32
  }
  func.func @transform_8(%arg0: i32) -> (i32, i32) {
    %c0_i32 = arith.constant 0 : i32
    %c0_i32_0 = arith.constant 0 : i32
    %c0_i32_1 = arith.constant 0 : i32
    return %c0_i32, %c0_i32_0 : i32, i32
  }
  func.func @transform_9(%arg0: i32) -> (i32, i32) {
    %c0_i32 = arith.constant 0 : i32
    %c0_i32_0 = arith.constant 0 : i32
    %c0_i32_1 = arith.constant 0 : i32
    return %c0_i32, %c0_i32_0 : i32, i32
  }
  func.func @transform_10(%arg0: i32) -> (i32, i32) {
    %c0_i32 = arith.constant 0 : i32
    %c0_i32_0 = arith.constant 0 : i32
    return %arg0, %c0_i32 : i32, i32
  }
}

</mosaic_0001>

<sc_bundles>
// kernel: kernel.16.cloned.1.call-start
scs
__scs_entry_jumppad:
0x0: {  	(pc) =	sbr.rel $0x88, $3  }
0x1: {  	(tag) =	ssettag $0x0;
	lr =	simm.s32 $0x1  }
0x2: {  	[smem:$0x3F7A] =	sst lr;
	_ =	strace $0xD0000000  }
0x3: {  	_ = 	snop  }
0x4: {  	_ = 	snop  }
0x5: {  	_ = 	snop  }
0x6: {  	_ = 	snop  }
0x7: {  	_ = 	snop  }
__scs_overlays_trampoline_lowered:
0x8: {  	[smem:$0x3F89] =	sst s0  }
0x9: {  	[smem:$0x3F8A] =	sst s1  }
0xa: {  	[smem:$0x3F8B] =	sst s2  }
0xb: {  	[smem:$0x3F8C] =	sst s3  }
0xc: {  	[smem:$0x3F8D] =	sst s4  }
0xd: {  	[smem:$0x3F8E] =	sst s5  }
0xe: {  	[smem:$0x3F8F] =	sst s6  }
0xf: {  	[smem:$0x3F90] =	sst s7  }
0x10: {  	[smem:$0x3F91] =	sst s8  }
0x11: {  	[smem:$0x3F92] =	sst s9;
	s0 =	simm.s32 @!p0 $0x0  }
0x12: {  	s1 =	sld [smem:$0x3F78];
	s0 =	simm.s32 @p0 $0x1  }
0x13: {  	[smem:$0x3F93] =	sst s0;
	s0 =	simm.s32 @!p1 $0x0  }
0x14: {  	s2 =	sld [smem:$0x3F77];
	s0 =	simm.s32 @p1 $0x1  }
0x15: {  	[smem:$0x3F94] =	sst s0;
	s0 =	simm.s32 @!p2 $0x0  }
0x16: {  	s3 =	sld [smem:$0x3FDB];
	s0 =	simm.s32 @p2 $0x1  }
0x17: {  	s4 =	simm.s32 $0x1BF5;
	[smem:$0x3F96] =	sst s0  }
0x18: {  	s0 =	sld [smem:$0x3F79];
	_ =	swait.ge [sflag:s4], $0x0  }
0x19: {  	s7 =	sld [smem:$0x3F7A]  }
0x1a: {  	s8 =	sadd.s32 $0xFFFFE003, lr  }
0x1b: {  	s9 =	sadd.s32 $0xFFFFFEF7, lr;
	s5 =	simm.s32 $0xFFFFFFFF;
	p2 =	slt.u32 s8, $0xFFFFF086  }
0x1c: {  	p1 =	slt.u32 s9, $0xF7A;
	s5 =	simm.s32 @!p2 $0x0  }
0x1d: {  	s5 =	simm.s32 @p1 $0x1;
	p0 =	seq.s32 s7, s2  }
0x1e: {  	s7 =	smul.u32 @!p0 $0xF7A, s2;
	p2 =	seq.s32 @!p0 s5, $0x0  }
0x1f: {  	s9 =	smul.u32 $0xF7A, s1;
	s8 =	simm.s32 @!p0 $0x1BF5;
	p2 =	por !p2, p0  }
0x20: {  	[sflag:s8] =	ssyncset.s32 @!p0 $0xFFFFF086;
	s6 =	sadd.s32 @!p0 s3, s7;
	s7 =	simm.s32 @!p0 $0x108  }
0x21: {  	s3 =	sadd.s32 s3, s9;
	s6 =	sadd.s32 @!p0 $0x88, s6;
	s7 =	simm.s32 @p2 $0x1082  }
0x22: {  	[simem:s7], [sflag:s8] =	dma.local @!p0 [hbm:s6], $0xF7A  }
0x23: {  	s9 =	sor.u32 $0xD0000000, s2;
	s6 =	simm.s32 $0x108;
	_ =	swait.ge @!p0 [sflag:s8], $0x0  }
0x24: {  	s3 =	sadd.s32 $0x88, s3;
	s6 =	simm.s32 @!p1 $0x1082;
	[sflag:s4] =	ssyncset.s32 $0xFFFFF086  }
0x25: {  	[simem:s6], [sflag:s4] =	dma.local [hbm:s3], $0xF7A  }
0x26: {  	[smem:$0x3F7A] =	sst s1;
	(tag) =	ssettag s2;
	_ =	strace s9  }
0x27: {  	s1 =	sld [smem:$0x3F8A]  }
0x28: {  	s2 =	sld [smem:$0x3F8B]  }
0x29: {  	s4 =	sld [smem:$0x3F8D]  }
0x2a: {  	p0 =	seq.s32 s5, $0x0;
	s5 =	sld [smem:$0x3F8E]  }
0x2b: {  	s6 =	sld [smem:$0x3F8F]  }
0x2c: {  	s7 =	sld [smem:$0x3F90]  }
0x2d: {  	s3 =	simm.s32 $0x108;
	s8 =	sld [smem:$0x3F91]  }
0x2e: {  	s3 =	simm.s32 @!p0 $0x1082;
	s9 =	sld [smem:$0x3F92]  }
0x2f: {  	lr =	sadd.s32 s0, s3;
	s0 =	sld [smem:$0x3F89]  }
0x30: {  	s3 =	sld [smem:$0x3F8C]  }
0x31: {  	[smem:$0x3F95] =	sst s10  }
0x32: {  	s10 =	sld [smem:$0x3F93];
	_ =	sdelay $0x3  }
0x33: {  	p0 =	seq.s32 s10, $0x1;
	s10 =	sld [smem:$0x3F95];
	_ =	sdelay $0x3  }
0x34: {  	[smem:$0x3F95] =	sst s10  }
0x35: {  	s10 =	sld [smem:$0x3F94];
	_ =	sdelay $0x3  }
0x36: {  	p1 =	seq.s32 s10, $0x1;
	s10 =	sld [smem:$0x3F95];
	_ =	sdelay $0x3  }
0x37: {  	[smem:$0x3F95] =	sst s10  }
0x38: {  	s10 =	sld [smem:$0x3F96]  }
0x39: {  	_ = 	snop;
	(pc) =	sbr.ind lr, $3  }
0x3a: {  	_ = 	snop  }
0x3b: {  	_ = 	snop  }
0x3c: {  	p2 =	seq.s32 s10, $0x1;
	s10 =	sld [smem:$0x3F95]  }
0x3d: {  	_ =	shalt  }
0x3e: {  	_ =	shalt  }
0x3f: {  	_ =	shalt  }
0x40: {  	_ =	shalt  }
0x41: {  	_ =	shalt  }
0x42: {  	_ =	shalt  }
0x43: {  	_ =	shalt  }
0x44: {  	_ =	shalt  }
0x45: {  	_ =	shalt  }
0x46: {  	_ =	shalt  }
0x47: {  	_ =	shalt  }
0x48: {  	_ =	shalt  }
0x49: {  	_ =	shalt  }
0x4a: {  	_ =	shalt  }
0x4b: {  	_ =	shalt  }
0x4c: {  	_ =	shalt  }
0x4d: {  	_ =	shalt  }
0x4e: {  	_ =	shalt  }
0x4f: {  	_ =	shalt  }
0x50: {  	_ =	shalt  }
0x51: {  	_ =	shalt  }
0x52: {  	_ =	shalt  }
0x53: {  	_ =	shalt  }
0x54: {  	_ =	shalt  }
0x55: {  	_ =	shalt  }
0x56: {  	_ =	shalt  }
0x57: {  	_ =	shalt  }
0x58: {  	_ =	shalt  }
0x59: {  	_ =	shalt  }
0x5a: {  	_ =	shalt  }
0x5b: {  	_ =	shalt  }
0x5c: {  	_ =	shalt  }
0x5d: {  	_ =	shalt  }
0x5e: {  	_ =	shalt  }
0x5f: {  	_ =	shalt  }
0x60: {  	_ =	shalt  }
0x61: {  	_ =	shalt  }
0x62: {  	_ =	shalt  }
0x63: {  	_ =	shalt  }
0x64: {  	_ =	shalt  }
0x65: {  	_ =	shalt  }
0x66: {  	_ =	shalt  }
0x67: {  	_ =	shalt  }
0x68: {  	_ =	shalt  }
0x69: {  	_ =	shalt  }
0x6a: {  	_ =	shalt  }
0x6b: {  	_ =	shalt  }
0x6c: {  	_ =	shalt  }
0x6d: {  	_ =	shalt  }
0x6e: {  	_ =	shalt  }
0x6f: {  	_ =	shalt  }
0x70: {  	_ =	shalt  }
0x71: {  	_ =	shalt  }
0x72: {  	_ =	shalt  }
0x73: {  	_ =	shalt  }
0x74: {  	_ =	shalt  }
0x75: {  	_ =	shalt  }
0x76: {  	_ =	shalt  }
0x77: {  	_ =	shalt  }
0x78: {  	_ =	shalt  }
0x79: {  	_ =	shalt  }
0x7a: {  	_ =	shalt  }
0x7b: {  	_ =	shalt  }
0x7c: {  	_ =	shalt  }
0x7d: {  	_ =	shalt  }
0x7e: {  	_ =	shalt  }
0x7f: {  	_ =	shalt  }
0x80: {  	_ =	shalt  }
0x81: {  	_ =	shalt  }
0x82: {  	_ =	shalt  }
0x83: {  	_ =	shalt  }
0x84: {  	_ =	shalt  }
0x85: {  	_ =	shalt  }
0x86: {  	_ =	shalt  }
0x87: {  	_ =	shalt  }
.Lfunc_end0:
.L_simem_size_0:
called_computation.1_lowered:
.L_overlay_start_0:
0x88: {  	s2 =	sld [smem:$0x3FD9]  }
0x89: {  	s3 =	sld [smem:$0x3FFE];
	_ =	sdelay $0x1  }
0x8a: {  	s1 =	srdreg.scid  }
0x8b: {  	s0 =	sand.u32 $0x1, s1  }
0x8c: {  	s17 =	sshll.u32 s0, $0xA;
	s2 =	sadd.s32 s3, s2  }
0x8d: {  	s2 =	sadd.s32 s2, s17  }
0x8e: {  	[smem:$0x3FA1] =	sst s2  }
0x8f: {  	_ = 	snop  }
0x90: {  	(tm) =	ssettm $0x1  }
0x91: {  	s18 =	sld [smem:$0x3FFB];
	_ =	sdelay $0x3  }
0x92: {  	_ =	strace s18  }
0x93: {  	s2 =	sld [smem:$0x3FFC];
	_ =	sdelay $0x3  }
0x94: {  	_ =	strace s2  }
0x95: {  	s2 =	sld [smem:$0x3FFD];
	_ =	sdelay $0x3  }
0x96: {  	_ =	strace s2  }
0x97: {  	_ =	strace $0x8FFFFFFF  }
0x98: {  	s19 =	sld [smem:$0x3FDB];
	_ =	sdelay $0x1  }
0x99: {  	s20 =	simm.s32 $_scs_section_size  }
0x9a: {  	s4 =	simm.s32 $_size__tile_overlayer_lowered;
	s5 =	simm.s32 $_tile_overlayer_lowered  }
0x9b: {  	s6 =	simm.s32 $0x1BFF;
	s21 =	sshll.u32 s5, $0x1;
	s3 =	sadd.s32 s20, s19  }
0x9c: {  	s22 =	simm.s32 $0x0;
	s4 =	sshll.u32 s4, $0x1;
	s5 =	sadd.s32 s21, s3  }
0x9d: {  	[timem:s22], [sflag:s6] =	dma.local [hbm:s5], s4  }
0x9e: {  	_ =	swait.ge [sflag:s6], s4  }
0x9f: {  	s4 =	ssub.s32 $0x0, s4;
	[sflag:s6] =	ssyncset.done $0x0  }
0xa0: {  	[sflag:s6] =	ssyncadd.s32 s4;
	_ =	sdelay $0x1  }
0xa1: {  	s23 =	simm.s32 $0x1B8B  }
0xa2: {  	_ =	swait.ge [sflag:s23], $0x1  }
0xa3: {  	[sflag:s23] =	ssyncset.done $0x0  }
0xa4: {  	[sflag:s23] =	ssyncadd.s32 $0xFFFFFFFF  }
0xa5: {  	s4 =	sld [smem:$0x0]  }
0xa6: {  	s5 =	sand.u32 $0xFFFFFFFE, s1  }
0xa7: {  	p0 =	sne.s32 s1, s5  }
0xa8: {  	s5 =	sshll.u32 @p0 s5, $0xE  }
0xa9: {  	s5 =	sadd.s32 @p0 $0x11B8D, s5;
	s6 =	sshll.u32 @p0 s4, $0x11  }
0xaa: {  	s5 =	sor.u32 @p0 s6, s5  }
0xab: {  	[sflag:s5] =	ssyncadd.remote.s32 @p0 $0x1;
	_ =	sdelay $0x1  }
0xac: {  	s5 =	simm.s32 @p0 $0x1B8D  }
0xad: {  	_ =	swait.eq @p0 [sflag:s5], $0x1  }
0xae: {  	[sflag:s5] =	ssyncadd.s32 @p0 $0xFFFFFFFF  }
0xaf: {  	s6 =	sshll.u32 @!p0 s1, $0xE  }
0xb0: {  	s6 =	sor.u32 @!p0 $0x4000, s6;
	s5 =	simm.s32 @!p0 $0x1B8D  }
0xb1: {  	s4 =	sshll.u32 @!p0 s4, $0x11;
	s6 =	sadd.s32 @!p0 $0x11B8D, s6;
	_ =	swait.eq @!p0 [sflag:s5], $0x1  }
0xb2: {  	s4 =	sor.u32 @!p0 s4, s6;
	[sflag:s5] =	ssyncadd.s32 @!p0 $0xFFFFFFFF  }
0xb3: {  	s25 =	simm.s32 $0x1B8E;
	s24 =	sld [smem:$0x3FFE];
	[sflag:s4] =	ssyncadd.remote.s32 @!p0 $0x1  }
0xb4: {  	s26 =	simm.s32 $execute0_lowered;
	[smem:$0x3FD2] =	sst s25  }
0xb5: {  	s5 =	sshll.u32 s26, $0x1;
	_ =	strace $0x8000004F;
	[dreg:$0x1] =	wrdreg $0xFFFFFFFF  }
0xb6: {  	s28 =	simm.s32 $_size_execute0_lowered;
	s3 =	sadd.s32 s3, s5;
	[dreg:$0x0] =	wrdreg $0x0  }
0xb7: {  	s5 =	sshll.u32 s28, $0x1;
	[dreg:$0x2] =	wrdreg s3  }
0xb8: {  	[dreg:$0x3] =	wrdreg s5  }
0xb9: {  	[dreg:$0x4] =	wrdreg $0xC0  }
0xba: {  	_ =	task [dreg:s22], $0x5FFFF  }
0xbb: {  	[dreg:$0x1] =	wrdreg $0xFFFFFFFF  }
0xbc: {  	[dreg:$0x0] =	wrdreg $0x60  }
0xbd: {  	[dreg:$0x2] =	wrdreg s24  }
0xbe: {  	[dreg:$0x3] =	wrdreg $0x0  }
0xbf: {  	[dreg:$0x4] =	wrdreg $0x18800  }
0xc0: {  	[dreg:$0x5] =	wrdreg $0x9  }
0xc1: {  	_ =	task.clear_ibuf [dreg:s22], $0x6FFFF;
	_ =	strace $0x9000004F  }
0xc2: {  	s29 =	simm.s32 $0x9;
	_ =	strace $0x80000051  }
0xc3: {  	_ =	swait.ge [sflag:s29], $0x1  }
0xc4: {  	[sflag:s29] =	ssyncadd.s32 $0xFFFFFFFF  }
0xc5: {  	_ =	strace $0x90000051  }
0xc6: {  	_ =	sfence  }
0xc7: {  	s30 =	sld [smem:$0x0];
	_ =	sdelay $0x2  }
0xc8: {  	s31 =	sshll.u32 s1, $0xD;
	s1 =	sshrl.u32 s1, $0x2  }
0xc9: {  	s4 =	sand.u32 $0x4000, s31;
	s1 =	sadd.s32 s1, s30  }
0xca: {  	s0 =	sor.u32 s4, s0;
	s1 =	sshll.u32 s1, $0x11  }
0xcb: {  	s0 =	sor.u32 s1, s0  }
0xcc: {  	s0 =	sadd.s32 $0x8F2B, s0  }
0xcd: {  	[sflag:s0] =	ssyncadd.remote.s32 $0x1  }
0xce: {  	_ =	sfence.sel $0xFFFF  }
0xcf: {  	[dreg:$0x0] =	wrdreg $0xFFFFFFFF;
	(pc) =	sbr.abs _section_cstart, $3  }
0xd0: {  	[dreg:$0x1] =	wrdreg $0xFFFFFFFF  }
0xd1: {  	_ =	task.clear_ibuf [dreg:s22], $0x2FFFF;
	_ =	strace $0x9FFFFFFF  }
0xd2: {  	(tm) =	ssettm $0x7FFFFFFF  }
0xd3: {  	_ =	shalt  }
tec
execute0_lowered:
.L_overlay_start_1:
0x0: {  	(tag) =	ssettag $0x1  }
0x1: {  	s1 =	srdreg.scid;
	s5 =	rddreg [dreg:$0x0]  }
0x2: {  	s0 =	stileid.u32;
	s2 =	rddreg [dreg:$0x1]  }
0x3: {  	s3 =	rddreg [dreg:$0x2];
	s4 =	simm.s32 $0x0;
	s18 =	simm.s32 $0x3100  }
0x4: {  	s19 =	simm.s32 $0x1;
	s20 =	simm.s32 $0x40A0;
	s21 =	simm.s32 $0x4870  }
0x5: {  	s22 =	simm.s32 $0x7D0;
	s23 =	simm.s32 $0x38D0;
	s7 =	smul.u32 $0x186A0, s0  }
0x6: {  	s6 =	sand.u32 $0x1, s1;
	s10 =	smul.u32 $0x1880, s0;
	s1 =	rddreg [dreg:$0x3]  }
0x7: {  	s24 =	simm.s32 $0x0;
	[smem:$0x7FF] =	sst s4;
	s8 =	smul.u32 $0xC350, s6  }
0x8: {  	s9 =	smul.u32 $0x18800, s6;
	_ =	strace $0x80000050;
	s6 =	ssub.s32 $0x2, s6  }
0x9: {  	s30 =	sshrl.u32 s6, $0x1;
	s31 =	sadd.s32 $0x7D0, s10;
	s11 =	sadd.s32 $0xFA0, s10  }
0xa: {  	s12 =	sadd.s32 $0x10B0, s10;
	s7 =	sadd.s32 s8, s7;
	s29 =	sadd.s32 s10, s9  }
0xb: {  	s15 =	ssub.s32 s6, s30;
	s6 =	sadd.s32 s10, s3;
	s9 =	sadd.s32 s11, s2  }
0xc: {  	s7 =	sshrl.u32 s7, $0x3;
	s8 =	sshrl.u32 s29, $0x3;
	s15 =	smax.u32 s15, $0x1  }
0xd: {  	s17 =	sadd.s32 s7, s5;
	s14 =	sadd.s32 s8, s5;
	s5 =	sadd.s32 s10, s2  }
0xe: {  	s7 =	sadd.s32 s31, s2;
	s8 =	sadd.s32 s31, s3;
	s10 =	sadd.s32 s11, s3  }
0xf: {  	s11 =	sadd.s32 s12, s2;
	s12 =	sadd.s32 s12, s3;
	s13 =	sadd.s32 $0xA19800, s14  }
0x10: {  	v0 =	vimm.f32 $0.0e+00;
	v1 =	vimm.f32 $1.000000000e+00;
	s14 =	sadd.s32 $0xA13600, s14;
	s16 =	sadd.s32 $0x34400, s17;
	s17 =	sadd.s32 $0x65200, s17  }
.LBB2_1:
0x11: {  	s25 =	simm.s32 $0x40;
	s26 =	simm.s32 $0x0  }
.LBB2_2:
0x12: {  	p0 =	sne.s32 s25, $0x1F00;
	[tilespmem:s26+$0x3100] =	vst v0;
	s28 =	smov.u32 s25;
	s25 =	sadd.s32 $0x40, s25  }
.Ltmp0:
0x13: {  	[tilespmem:s26+$0x38D0] =	vst v1;
	(pc) =	sbr.rel @p0 .LBB2_2-.Ltmp0, $2  }
0x14: {  	_ =	sdelay $0x2  }
0x15: {  	s26 =	sshra.s32 s28, $0x2  }
0x16: {  	[tilespmem:s26+$0x3100] =	vst v0  }
0x17: {  	[tilespmem:s26+$0x38D0] =	vst v1  }
0x18: {  	[spmem:s5] =	stream.linear.scatter [tilespmem:s18], [sflag:$0x1], $0x7D0, $0x38;
	[tilespmem:$0x5040] =	vst v63  }
0x19: {  	_ =	swait.ge [sflag:s19], $0x7D0  }
0x1a: {  	[sflag:s19] =	ssyncset.done $0x0  }
0x1b: {  	[sflag:s19] =	ssyncadd.s32 $0xFFFFF830  }
0x1c: {  	[spmem:s6] =	stream.linear.scatter [tilespmem:s18], [sflag:$0x1], $0x7D0, $0x38;
	[tilespmem:$0x5040] =	vst v63  }
0x1d: {  	_ =	swait.ge [sflag:s19], $0x7D0  }
0x1e: {  	[sflag:s19] =	ssyncset.done $0x0  }
0x1f: {  	[sflag:s19] =	ssyncadd.s32 $0xFFFFF830  }
0x20: {  	[spmem:s7] =	stream.linear.scatter [tilespmem:s18], [sflag:$0x1], $0x7D0, $0x38;
	[tilespmem:$0x5040] =	vst v63  }
0x21: {  	_ =	swait.ge [sflag:s19], $0x7D0  }
0x22: {  	[sflag:s19] =	ssyncset.done $0x0  }
0x23: {  	[sflag:s19] =	ssyncadd.s32 $0xFFFFF830  }
0x24: {  	[spmem:s8] =	stream.linear.scatter [tilespmem:s18], [sflag:$0x1], $0x7D0, $0x38;
	[tilespmem:$0x5040] =	vst v63  }
0x25: {  	_ =	swait.ge [sflag:s19], $0x7D0  }
0x26: {  	[sflag:s19] =	ssyncset.done $0x0  }
0x27: {  	[sflag:s19] =	ssyncadd.s32 $0xFFFFF830  }
0x28: {  	[spmem:s9] =	stream.linear.scatter [tilespmem:s18], [sflag:$0x1], $0x7D0, $0x38;
	[tilespmem:$0x5040] =	vst v63  }
0x29: {  	_ =	swait.ge [sflag:s19], $0x7D0  }
0x2a: {  	[sflag:s19] =	ssyncset.done $0x0  }
0x2b: {  	[sflag:s19] =	ssyncadd.s32 $0xFFFFF830  }
0x2c: {  	[spmem:s10] =	stream.linear.scatter [tilespmem:s18], [sflag:$0x1], $0x7D0, $0x38;
	[tilespmem:$0x5040] =	vst v63  }
0x2d: {  	_ =	swait.ge [sflag:s19], $0x7D0  }
0x2e: {  	[sflag:s19] =	ssyncset.done $0x0  }
0x2f: {  	[sflag:s19] =	ssyncadd.s32 $0xFFFFF830  }
0x30: {  	[spmem:s11] =	stream.linear.scatter [tilespmem:s18], [sflag:$0x1], $0x7D0, $0x38;
	[tilespmem:$0x5040] =	vst v63  }
0x31: {  	_ =	swait.ge [sflag:s19], $0x7D0  }
0x32: {  	[sflag:s19] =	ssyncset.done $0x0  }
0x33: {  	[sflag:s19] =	ssyncadd.s32 $0xFFFFF830  }
0x34: {  	[spmem:s12] =	stream.linear.scatter [tilespmem:s18], [sflag:$0x1], $0x7D0, $0x38;
	[tilespmem:$0x5040] =	vst v63  }
0x35: {  	_ =	swait.ge [sflag:s19], $0x7D0  }
0x36: {  	[sflag:s19] =	ssyncset.done $0x0  }
0x37: {  	[sflag:s19] =	ssyncadd.s32 $0xFFFFF830  }
0x38: {  	s25 =	sadd.s32 $0x0, s17;
	[bflag:$0x0] =	sbarrier.arrive $0xFFFF  }
0x39: {  	[tilespmem:s20], [sflag:$0x1] =	stream.linear.gather [hbm4b:s25+s4], $0x7D0, $0x38;
	[tilespmem:$0x5040] =	vst v63  }
0x3a: {  	_ =	swait.ge [sflag:s19], $0x7D0  }
0x3b: {  	[sflag:s19] =	ssyncset.done $0x0  }
0x3c: {  	s31 =	sadd.s32 $0x0, s16;
	[sflag:s19] =	ssyncadd.s32 $0xFFFFF830  }
0x3d: {  	[tilespmem:s21], [sflag:$0x1] =	stream.linear.gather [hbm4b:s31+s4], $0x7D0, $0x38;
	[tilespmem:$0x5040] =	vst v63  }
0x3e: {  	_ =	swait.ge [sflag:s19], $0x7D0  }
0x3f: {  	[sflag:s19] =	ssyncset.done $0x0  }
0x40: {  	[sflag:s19] =	ssyncadd.s32 $0xFFFFF830  }
0x41: {  	[spmem:s2] =	stream.indirect.scatter.add.f32 [tilespmem:s23], [sflag:$0x1], $0x1, s20, s22, $0xb8;
	[tilespmem:$0x5040] =	vst v63  }
0x42: {  	_ =	swait.ge [sflag:s19], $0x7D0  }
0x43: {  	[sflag:s19] =	ssyncset.done $0x0  }
0x44: {  	[sflag:s19] =	ssyncadd.s32 $0xFFFFF830  }
0x45: {  	[spmem:s3] =	stream.indirect.scatter.add.f32 [tilespmem:s23], [sflag:$0x1], $0x1, s21, s22, $0xb8;
	[tilespmem:$0x5040] =	vst v63  }
0x46: {  	_ =	swait.ge [sflag:s19], $0x7D0  }
0x47: {  	s26 =	simm.s32 $0x1F4;
	s25 =	simm.s32 $0xFA;
	[sflag:s19] =	ssyncset.done $0x0  }
.LBB2_4:
0x48: {  	s28 =	sadd.s32 s25, s17  }
0x49: {  	[sflag:s19] =	ssyncadd.s32 $0xFFFFF830;
	s29 =	smov.u32 s26;
	s30 =	sadd.s32 $0xFA, s26  }
0x4a: {  	[tilespmem:s20], [sflag:$0x1] =	stream.linear.gather [hbm4b:s28+s4], $0x7D0, $0x38;
	[tilespmem:$0x5040] =	vst v63  }
0x4b: {  	p0 =	sne.s32 s26, $0x1770;
	_ =	swait.ge [sflag:s19], $0x7D0  }
0x4c: {  	[sflag:s19] =	ssyncset.done $0x0  }
0x4d: {  	s26 =	sadd.s32 s25, s16;
	s25 =	smov.u32 s29;
	[sflag:s19] =	ssyncadd.s32 $0xFFFFF830  }
0x4e: {  	[tilespmem:s21], [sflag:$0x1] =	stream.linear.gather [hbm4b:s26+s4], $0x7D0, $0x38;
	[tilespmem:$0x5040] =	vst v63  }
0x4f: {  	_ =	swait.ge [sflag:s19], $0x7D0  }
0x50: {  	[sflag:s19] =	ssyncset.done $0x0  }
0x51: {  	[sflag:s19] =	ssyncadd.s32 $0xFFFFF830  }
0x52: {  	[spmem:s2] =	stream.indirect.scatter.add.f32 [tilespmem:s23], [sflag:$0x1], $0x1, s20, s22, $0xb8;
	[tilespmem:$0x5040] =	vst v63  }
0x53: {  	_ =	swait.ge [sflag:s19], $0x7D0  }
.Ltmp1:
0x54: {  	[sflag:s19] =	ssyncset.done $0x0;
	(pc) =	sbr.rel @p0 .LBB2_4-.Ltmp1, $4  }
0x55: {  	[sflag:s19] =	ssyncadd.s32 $0xFFFFF830  }
0x56: {  	[spmem:s3] =	stream.indirect.scatter.add.f32 [tilespmem:s23], [sflag:$0x1], $0x1, s21, s22, $0xb8;
	[tilespmem:$0x5040] =	vst v63  }
0x57: {  	_ =	swait.ge [sflag:s19], $0x7D0  }
0x58: {  	s26 =	smov.u32 s30;
	[sflag:s19] =	ssyncset.done $0x0  }
0x59: {  	s26 =	sadd.s32 s25, s17;
	[sflag:s19] =	ssyncadd.s32 $0xFFFFF830  }
0x5a: {  	[tilespmem:s20], [sflag:$0x1] =	stream.linear.gather [hbm4b:s26+s4], $0x7D0, $0x38;
	[tilespmem:$0x5040] =	vst v63  }
0x5b: {  	_ =	swait.ge [sflag:s19], $0x7D0  }
0x5c: {  	[sflag:s19] =	ssyncset.done $0x0  }
0x5d: {  	s28 =	sadd.s32 s25, s16;
	[sflag:s19] =	ssyncadd.s32 $0xFFFFF830  }
0x5e: {  	[tilespmem:s21], [sflag:$0x1] =	stream.linear.gather [hbm4b:s28+s4], $0x7D0, $0x38;
	[tilespmem:$0x5040] =	vst v63  }
0x5f: {  	_ =	swait.ge [sflag:s19], $0x7D0  }
0x60: {  	[sflag:s19] =	ssyncset.done $0x0  }
0x61: {  	[sflag:s19] =	ssyncadd.s32 $0xFFFFF830  }
0x62: {  	[spmem:s2] =	stream.indirect.scatter.add.f32 [tilespmem:s23], [sflag:$0x1], $0x1, s20, s22, $0xb8;
	[tilespmem:$0x5040] =	vst v63  }
0x63: {  	_ =	swait.ge [sflag:s19], $0x7D0  }
0x64: {  	[sflag:s19] =	ssyncset.done $0x0  }
0x65: {  	[sflag:s19] =	ssyncadd.s32 $0xFFFFF830  }
0x66: {  	[spmem:s3] =	stream.indirect.scatter.add.f32 [tilespmem:s23], [sflag:$0x1], $0x1, s21, s22, $0xb8;
	[tilespmem:$0x5040] =	vst v63  }
0x67: {  	_ =	swait.ge [sflag:s19], $0x7D0  }
0x68: {  	[sflag:s19] =	ssyncset.done $0x0  }
0x69: {  	s29 =	sshll.u32 s0, $0x6;
	[sflag:s19] =	ssyncadd.s32 $0xFFFFF830  }
0x6a: {  	s30 =	sshrl.u32 s5, $0x3;
	s25 =	sor.u32 $0x1C01, s29;
	[bflag:$0x0] =	sbarrier.arrive $0xFFFF  }
0x6b: {  	[hbm:s13], [sflag:s25] =	dma.local [spmem:s30], $0x310  }
0x6c: {  	s24 =	sadd.s32 $0x1, s24;
	_ =	swait.ge [sflag:s19], $0x310  }
0x6d: {  	p0 =	sne.s32 s24, s15;
	[sflag:s19] =	ssyncset.done $0x0  }
.Ltmp2:
0x6e: {  	s31 =	sshrl.u32 s6, $0x3;
	[sflag:s19] =	ssyncadd.s32 $0xFFFFFCF0;
	(pc) =	sbr.rel @p0 .LBB2_1-.Ltmp2, $4  }
0x6f: {  	[hbm:s14], [sflag:s25] =	dma.local [spmem:s31], $0x310  }
0x70: {  	_ =	swait.ge [sflag:s19], $0x310  }
0x71: {  	[sflag:s19] =	ssyncset.done $0x0  }
0x72: {  	[sflag:s19] =	ssyncadd.s32 $0xFFFFFCF0  }
0x73: {  	_ =	sfence.sel $0x180000  }
0x74: {  	[bflag:$0x0] =	sbarrier.arrive $0xFFFF  }
0x75: {  	p0 =	sne.s32 s0, $0x0;
	_ =	strace $0x90000050  }
0x76: {  	s0 =	sadd.s32 @!p0 $0x100000, s1;
	[bflag:$0x2] =	sbarrier.arrive $0xFFFF  }
0x77: {  	[sflag:s0] =	ssyncadd.tile.s32 @!p0 $0x1;
	_ =	shalt  }
.Lfunc_end2:
_tile_overlayer_lowered:
.L_overlay_start_2:
0x78: {  	(tag) =	ssettag $0x2  }
0x79: {  	s0 =	rddreg [dreg:$0x0];
	s2 =	stileid.u32  }
0x7a: {  	s1 =	rddreg [dreg:$0x1];
	p0 =	sne.s32 s2, $0x0  }
0x7b: {  	s3 =	rddreg [dreg:$0x2];
	[bflag:$0x3] =	sbarrier.arrive $0xFFFF;
	s2 =	simm.s32 @!p0 $0x1C01  }
0x7c: {  	[timem:s3], [sflag:s2] =	dma.local @!p0 [hbm:s0], s1  }
0x7d: {  	s0 =	simm.s32 @!p0 $0x1  }
0x7e: {  	_ =	swait.ge @!p0 [sflag:s0], s1  }
0x7f: {  	s1 =	ssub.s32 @!p0 $0x0, s1;
	[sflag:s0] =	ssyncset.done @!p0 $0x0  }
0x80: {  	[sflag:s0] =	ssyncadd.s32 @!p0 s1  }
0x81: {  	[bflag:$0x3] =	sbarrier.arrive $0xFFFF  }
0x82: {  	_ =	shalt  }

// kernel: kernel.19.cloned.1.call-start
scs
__scs_entry_jumppad:
0x0: {  	(pc) =	sbr.rel $0x88, $3  }
0x1: {  	(tag) =	ssettag $0x0;
	lr =	simm.s32 $0x1  }
0x2: {  	[smem:$0x3F7A] =	sst lr;
	_ =	strace $0xD0000000  }
0x3: {  	_ = 	snop  }
0x4: {  	_ = 	snop  }
0x5: {  	_ = 	snop  }
0x6: {  	_ = 	snop  }
0x7: {  	_ = 	snop  }
__scs_overlays_trampoline_lowered:
0x8: {  	[smem:$0x3F89] =	sst s0  }
0x9: {  	[smem:$0x3F8A] =	sst s1  }
0xa: {  	[smem:$0x3F8B] =	sst s2  }
0xb: {  	[smem:$0x3F8C] =	sst s3  }
0xc: {  	[smem:$0x3F8D] =	sst s4  }
0xd: {  	[smem:$0x3F8E] =	sst s5  }
0xe: {  	[smem:$0x3F8F] =	sst s6  }
0xf: {  	[smem:$0x3F90] =	sst s7  }
0x10: {  	[smem:$0x3F91] =	sst s8  }
0x11: {  	[smem:$0x3F92] =	sst s9;
	s0 =	simm.s32 @!p0 $0x0  }
0x12: {  	s1 =	sld [smem:$0x3F78];
	s0 =	simm.s32 @p0 $0x1  }
0x13: {  	[smem:$0x3F93] =	sst s0;
	s0 =	simm.s32 @!p1 $0x0  }
0x14: {  	s2 =	sld [smem:$0x3F77];
	s0 =	simm.s32 @p1 $0x1  }
0x15: {  	[smem:$0x3F94] =	sst s0;
	s0 =	simm.s32 @!p2 $0x0  }
0x16: {  	s3 =	sld [smem:$0x3FDB];
	s0 =	simm.s32 @p2 $0x1  }
0x17: {  	s4 =	simm.s32 $0x1BF5;
	[smem:$0x3F96] =	sst s0  }
0x18: {  	s0 =	sld [smem:$0x3F79];
	_ =	swait.ge [sflag:s4], $0x0  }
0x19: {  	s7 =	sld [smem:$0x3F7A]  }
0x1a: {  	s8 =	sadd.s32 $0xFFFFE003, lr  }
0x1b: {  	s9 =	sadd.s32 $0xFFFFFEF7, lr;
	s5 =	simm.s32 $0xFFFFFFFF;
	p2 =	slt.u32 s8, $0xFFFFF086  }
0x1c: {  	p1 =	slt.u32 s9, $0xF7A;
	s5 =	simm.s32 @!p2 $0x0  }
0x1d: {  	s5 =	simm.s32 @p1 $0x1;
	p0 =	seq.s32 s7, s2  }
0x1e: {  	s7 =	smul.u32 @!p0 $0xF7A, s2;
	p2 =	seq.s32 @!p0 s5, $0x0  }
0x1f: {  	s9 =	smul.u32 $0xF7A, s1;
	s8 =	simm.s32 @!p0 $0x1BF5;
	p2 =	por !p2, p0  }
0x20: {  	[sflag:s8] =	ssyncset.s32 @!p0 $0xFFFFF086;
	s6 =	sadd.s32 @!p0 s3, s7;
	s7 =	simm.s32 @!p0 $0x108  }
0x21: {  	s3 =	sadd.s32 s3, s9;
	s6 =	sadd.s32 @!p0 $0x88, s6;
	s7 =	simm.s32 @p2 $0x1082  }
0x22: {  	[simem:s7], [sflag:s8] =	dma.local @!p0 [hbm:s6], $0xF7A  }
0x23: {  	s9 =	sor.u32 $0xD0000000, s2;
	s6 =	simm.s32 $0x108;
	_ =	swait.ge @!p0 [sflag:s8], $0x0  }
0x24: {  	s3 =	sadd.s32 $0x88, s3;
	s6 =	simm.s32 @!p1 $0x1082;
	[sflag:s4] =	ssyncset.s32 $0xFFFFF086  }
0x25: {  	[simem:s6], [sflag:s4] =	dma.local [hbm:s3], $0xF7A  }
0x26: {  	[smem:$0x3F7A] =	sst s1;
	(tag) =	ssettag s2;
	_ =	strace s9  }
0x27: {  	s1 =	sld [smem:$0x3F8A]  }
0x28: {  	s2 =	sld [smem:$0x3F8B]  }
0x29: {  	s4 =	sld [smem:$0x3F8D]  }
0x2a: {  	p0 =	seq.s32 s5, $0x0;
	s5 =	sld [smem:$0x3F8E]  }
0x2b: {  	s6 =	sld [smem:$0x3F8F]  }
0x2c: {  	s7 =	sld [smem:$0x3F90]  }
0x2d: {  	s3 =	simm.s32 $0x108;
	s8 =	sld [smem:$0x3F91]  }
0x2e: {  	s3 =	simm.s32 @!p0 $0x1082;
	s9 =	sld [smem:$0x3F92]  }
0x2f: {  	lr =	sadd.s32 s0, s3;
	s0 =	sld [smem:$0x3F89]  }
0x30: {  	s3 =	sld [smem:$0x3F8C]  }
0x31: {  	[smem:$0x3F95] =	sst s10  }
0x32: {  	s10 =	sld [smem:$0x3F93];
	_ =	sdelay $0x3  }
0x33: {  	p0 =	seq.s32 s10, $0x1;
	s10 =	sld [smem:$0x3F95];
	_ =	sdelay $0x3  }
0x34: {  	[smem:$0x3F95] =	sst s10  }
0x35: {  	s10 =	sld [smem:$0x3F94];
	_ =	sdelay $0x3  }
0x36: {  	p1 =	seq.s32 s10, $0x1;
	s10 =	sld [smem:$0x3F95];
	_ =	sdelay $0x3  }
0x37: {  	[smem:$0x3F95] =	sst s10  }
0x38: {  	s10 =	sld [smem:$0x3F96]  }
0x39: {  	_ = 	snop;
	(pc) =	sbr.ind lr, $3  }
0x3a: {  	_ = 	snop  }
0x3b: {  	_ = 	snop  }
0x3c: {  	p2 =	seq.s32 s10, $0x1;
	s10 =	sld [smem:$0x3F95]  }
0x3d: {  	_ =	shalt  }
0x3e: {  	_ =	shalt  }
0x3f: {  	_ =	shalt  }
0x40: {  	_ =	shalt  }
0x41: {  	_ =	shalt  }
0x42: {  	_ =	shalt  }
0x43: {  	_ =	shalt  }
0x44: {  	_ =	shalt  }
0x45: {  	_ =	shalt  }
0x46: {  	_ =	shalt  }
0x47: {  	_ =	shalt  }
0x48: {  	_ =	shalt  }
0x49: {  	_ =	shalt  }
0x4a: {  	_ =	shalt  }
0x4b: {  	_ =	shalt  }
0x4c: {  	_ =	shalt  }
0x4d: {  	_ =	shalt  }
0x4e: {  	_ =	shalt  }
0x4f: {  	_ =	shalt  }
0x50: {  	_ =	shalt  }
0x51: {  	_ =	shalt  }
0x52: {  	_ =	shalt  }
0x53: {  	_ =	shalt  }
0x54: {  	_ =	shalt  }
0x55: {  	_ =	shalt  }
0x56: {  	_ =	shalt  }
0x57: {  	_ =	shalt  }
0x58: {  	_ =	shalt  }
0x59: {  	_ =	shalt  }
0x5a: {  	_ =	shalt  }
0x5b: {  	_ =	shalt  }
0x5c: {  	_ =	shalt  }
0x5d: {  	_ =	shalt  }
0x5e: {  	_ =	shalt  }
0x5f: {  	_ =	shalt  }
0x60: {  	_ =	shalt  }
0x61: {  	_ =	shalt  }
0x62: {  	_ =	shalt  }
0x63: {  	_ =	shalt  }
0x64: {  	_ =	shalt  }
0x65: {  	_ =	shalt  }
0x66: {  	_ =	shalt  }
0x67: {  	_ =	shalt  }
0x68: {  	_ =	shalt  }
0x69: {  	_ =	shalt  }
0x6a: {  	_ =	shalt  }
0x6b: {  	_ =	shalt  }
0x6c: {  	_ =	shalt  }
0x6d: {  	_ =	shalt  }
0x6e: {  	_ =	shalt  }
0x6f: {  	_ =	shalt  }
0x70: {  	_ =	shalt  }
0x71: {  	_ =	shalt  }
0x72: {  	_ =	shalt  }
0x73: {  	_ =	shalt  }
0x74: {  	_ =	shalt  }
0x75: {  	_ =	shalt  }
0x76: {  	_ =	shalt  }
0x77: {  	_ =	shalt  }
0x78: {  	_ =	shalt  }
0x79: {  	_ =	shalt  }
0x7a: {  	_ =	shalt  }
0x7b: {  	_ =	shalt  }
0x7c: {  	_ =	shalt  }
0x7d: {  	_ =	shalt  }
0x7e: {  	_ =	shalt  }
0x7f: {  	_ =	shalt  }
0x80: {  	_ =	shalt  }
0x81: {  	_ =	shalt  }
0x82: {  	_ =	shalt  }
0x83: {  	_ =	shalt  }
0x84: {  	_ =	shalt  }
0x85: {  	_ =	shalt  }
0x86: {  	_ =	shalt  }
0x87: {  	_ =	shalt  }
.Lfunc_end0:
.L_simem_size_0:
called_computation.2_lowered:
.L_overlay_start_0:
0x88: {  	s2 =	sld [smem:$0x3FD9]  }
0x89: {  	s3 =	sld [smem:$0x3FFE];
	_ =	sdelay $0x1  }
0x8a: {  	s1 =	srdreg.scid  }
0x8b: {  	s0 =	sand.u32 $0x1, s1  }
0x8c: {  	s14 =	sshll.u32 s0, $0xA;
	s2 =	sadd.s32 s3, s2  }
0x8d: {  	s2 =	sadd.s32 s2, s14  }
0x8e: {  	[smem:$0x3FA1] =	sst s2  }
0x8f: {  	_ = 	snop  }
0x90: {  	s2 =	sld [smem:$0x3FD0];
	_ =	sdelay $0x2  }
0x91: {  	s15 =	simm.s32 $0xD;
	s4 =	simm.s32 $0x10  }
0x92: {  	[smem:s4], [sflag:s15] =	dma.local [hbm:s2], $0x1  }
0x93: {  	_ =	swait.eq [sflag:s15], $0x1  }
0x94: {  	[sflag:s15] =	ssyncset.done $0x0  }
0x95: {  	[sflag:s15] =	ssyncadd.s32 $0xFFFFFFFF  }
0x96: {  	s16 =	sld [smem:$0x11];
	(tm) =	ssettm $0x1  }
0x97: {  	s17 =	sld [smem:$0x3FFB];
	_ =	sdelay $0x3  }
0x98: {  	_ =	strace s17  }
0x99: {  	s3 =	sld [smem:$0x3FFC];
	_ =	sdelay $0x3  }
0x9a: {  	_ =	strace s3  }
0x9b: {  	s3 =	sld [smem:$0x3FFD];
	_ =	sdelay $0x3  }
0x9c: {  	_ =	strace s3  }
0x9d: {  	_ =	strace $0x8FFFFFFF  }
0x9e: {  	s18 =	sld [smem:$0x3FDB];
	_ =	sdelay $0x1  }
0x9f: {  	s19 =	simm.s32 $_scs_section_size  }
0xa0: {  	s5 =	simm.s32 $_size__tile_overlayer_lowered;
	s6 =	simm.s32 $_tile_overlayer_lowered  }
0xa1: {  	s22 =	simm.s32 $0x1BFF;
	s21 =	sshll.u32 s6, $0x1;
	s3 =	sadd.s32 s19, s18  }
0xa2: {  	s7 =	simm.s32 $0x0;
	s20 =	sshll.u32 s5, $0x1;
	s5 =	sadd.s32 s21, s3  }
0xa3: {  	[timem:s7], [sflag:s22] =	dma.local [hbm:s5], s20  }
0xa4: {  	_ =	swait.ge [sflag:s22], s20  }
0xa5: {  	s4 =	ssub.s32 $0x0, s20;
	[sflag:s22] =	ssyncset.done $0x0  }
0xa6: {  	[sflag:s22] =	ssyncadd.s32 s4;
	_ =	sdelay $0x1  }
0xa7: {  	s23 =	simm.s32 $0x1B8B  }
0xa8: {  	_ =	swait.ge [sflag:s23], $0x1  }
0xa9: {  	[sflag:s23] =	ssyncset.done $0x0  }
0xaa: {  	s25 =	simm.s32 $0x1B8E;
	s24 =	sld [smem:$0x3FFE];
	[sflag:s23] =	ssyncadd.s32 $0xFFFFFFFF  }
0xab: {  	s26 =	simm.s32 $execute0_lowered;
	[smem:$0x3FD2] =	sst s25  }
0xac: {  	s5 =	sshll.u32 s26, $0x1;
	_ =	strace $0x80000046;
	[dreg:$0x1] =	wrdreg $0xFFFFFFFF  }
0xad: {  	s28 =	simm.s32 $_size_execute0_lowered;
	s3 =	sadd.s32 s3, s5;
	[dreg:$0x0] =	wrdreg $0x0  }
0xae: {  	s5 =	sshll.u32 s28, $0x1;
	[dreg:$0x2] =	wrdreg s3  }
0xaf: {  	[dreg:$0x3] =	wrdreg s5  }
0xb0: {  	[dreg:$0x4] =	wrdreg $0xC0  }
0xb1: {  	_ =	task [dreg:s7], $0x5FFFF  }
0xb2: {  	[dreg:$0x1] =	wrdreg $0xFFFFFFFF  }
0xb3: {  	[dreg:$0x0] =	wrdreg $0x60  }
0xb4: {  	[dreg:$0x2] =	wrdreg s16  }
0xb5: {  	[dreg:$0x3] =	wrdreg s24  }
0xb6: {  	[dreg:$0x4] =	wrdreg $0xA  }
0xb7: {  	_ =	task.clear_ibuf [dreg:s7], $0x5FFFF;
	_ =	strace $0x90000046  }
0xb8: {  	s29 =	simm.s32 $0xA;
	_ =	strace $0x80000048  }
0xb9: {  	_ =	swait.ge [sflag:s29], $0x1  }
0xba: {  	[sflag:s29] =	ssyncadd.s32 $0xFFFFFFFF  }
0xbb: {  	_ =	strace $0x90000048  }
0xbc: {  	_ =	sfence  }
0xbd: {  	s30 =	sld [smem:$0x0];
	_ =	sdelay $0x2  }
0xbe: {  	s31 =	sshll.u32 s1, $0xD;
	s1 =	sshrl.u32 s1, $0x2  }
0xbf: {  	s3 =	sand.u32 $0x4000, s31;
	s1 =	sadd.s32 s1, s30  }
0xc0: {  	s0 =	sor.u32 s3, s0;
	s1 =	sshll.u32 s1, $0x11  }
0xc1: {  	s0 =	sor.u32 s1, s0  }
0xc2: {  	s0 =	sadd.s32 $0x8F2B, s0  }
0xc3: {  	[sflag:s0] =	ssyncadd.remote.s32 $0x1  }
0xc4: {  	_ =	sfence.sel $0xFFFF  }
0xc5: {  	[dreg:$0x0] =	wrdreg $0xFFFFFFFF;
	(pc) =	sbr.abs _section_cstart, $3  }
0xc6: {  	[dreg:$0x1] =	wrdreg $0xFFFFFFFF  }
0xc7: {  	_ =	task.clear_ibuf [dreg:s7], $0x2FFFF;
	_ =	strace $0x9FFFFFFF  }
0xc8: {  	(tm) =	ssettm $0x7FFFFFFF  }
0xc9: {  	_ =	shalt  }
tec
execute0_lowered:
.L_overlay_start_1:
0x0: {  	(tag) =	ssettag $0x1  }
0x1: {  	s2 =	rddreg [dreg:$0x0]  }
0x2: {  	s4 =	rddreg [dreg:$0x1]  }
0x3: {  	s0 =	rddreg [dreg:$0x2];
	s1 =	stileid.u32  }
0x4: {  	s5 =	srdreg.scid;
	s3 =	simm.s32 $0x0;
	s6 =	smul.u32 $0x186A0, s1  }
0x5: {  	s10 =	simm.s32 $0x0;
	s5 =	sand.u32 $0x1, s5;
	s8 =	smul.u32 $0x30D40, s1  }
0x6: {  	[smem:$0x7FF] =	sst s3;
	s7 =	smul.u32 $0xC350, s5;
	s9 =	ssub.s32 $0x2, s5  }
0x7: {  	_ =	strace $0x80000047;
	s5 =	smul.u32 $0x186A0, s5;
	s31 =	sshrl.u32 s9, $0x1  }
0x8: {  	s8 =	sadd.s32 s8, s4;
	s6 =	sadd.s32 s7, s6;
	s7 =	ssub.s32 s9, s31  }
0x9: {  	s5 =	sadd.s32 s5, s8;
	s8 =	simm.s32 $0x3E8;
	s6 =	sshrl.u32 s6, $0x3  }
0xa: {  	s9 =	simm.s32 $0x1;
	s5 =	sadd.s32 $0x96000, s5;
	s6 =	sadd.s32 s6, s4  }
0xb: {  	s4 =	smax.u32 s7, $0x1;
	s7 =	simm.s32 $0x2;
	s6 =	sadd.s32 $0x65200, s6  }
.LBB2_1:
0xc: {  	s11 =	sadd.s32 $0x0, s6  }
0xd: {  	[tilespmem:s3], [sflag:$0x2] =	stream.linear.gather [hbm4b:s11+s3], $0x3E8, $0x38;
	[tilespmem:$0x4268] =	vst v63  }
0xe: {  	_ =	swait.ge [sflag:s7], $0x3E8  }
0xf: {  	[sflag:s7] =	ssyncset.done $0x0  }
0x10: {  	[sflag:s7] =	ssyncadd.s32 $0xFFFFFC18  }
0x11: {  	[tilespmem:s8], [sflag:$0x1] =	stream.indirect.gather [hbm4b:s2+s8], $0x10, s3, s8, $0xb8;
	[tilespmem:$0x4268] =	vst v63  }
0x12: {  	_ =	swait.ge [sflag:s9], $0x3E80  }
0x13: {  	[sflag:s9] =	ssyncset.done $0x0  }
0x14: {  	[sflag:s9] =	ssyncadd.s32 $0xFFFFC180  }
0x15: {  	[hbm4b:s5+s3] =	stream.linear.scatter [tilespmem:s8], [sflag:$0x2], $0x3E80, $0x38;
	[tilespmem:$0x4268] =	vst v63  }
0x16: {  	s12 =	simm.s32 $0x7D;
	_ =	swait.ge [sflag:s7], $0x3E80  }
0x17: {  	s13 =	simm.s32 $0xFA;
	s11 =	sadd.s32 $0x7D0, s5;
	[sflag:s7] =	ssyncset.done $0x0  }
.LBB2_2:
0x18: {  	s14 =	sadd.s32 s12, s6  }
0x19: {  	[sflag:s7] =	ssyncadd.s32 $0xFFFFC180;
	s12 =	smov.u32 s13;
	s15 =	sadd.s32 $0x7D, s13  }
0x1a: {  	[tilespmem:s3], [sflag:$0x2] =	stream.linear.gather [hbm4b:s14+s3], $0x3E8, $0x38;
	[tilespmem:$0x4268] =	vst v63  }
0x1b: {  	p0 =	sne.s32 s13, $0x17ED;
	_ =	swait.ge [sflag:s7], $0x3E8  }
0x1c: {  	[sflag:s7] =	ssyncset.done $0x0  }
0x1d: {  	[sflag:s7] =	ssyncadd.s32 $0xFFFFFC18  }
0x1e: {  	[tilespmem:s8], [sflag:$0x1] =	stream.indirect.gather [hbm4b:s2+s8], $0x10, s3, s8, $0xb8;
	[tilespmem:$0x4268] =	vst v63  }
0x1f: {  	_ =	swait.ge [sflag:s9], $0x3E80  }
.Ltmp0:
0x20: {  	[sflag:s9] =	ssyncset.done $0x0;
	(pc) =	sbr.rel @p0 .LBB2_2-.Ltmp0, $4  }
0x21: {  	[sflag:s9] =	ssyncadd.s32 $0xFFFFC180  }
0x22: {  	[hbm4b:s11+s3] =	stream.linear.scatter [tilespmem:s8], [sflag:$0x2], $0x3E80, $0x38;
	[tilespmem:$0x4268] =	vst v63  }
0x23: {  	_ =	swait.ge [sflag:s7], $0x3E80  }
0x24: {  	s13 =	smov.u32 s15;
	s11 =	sadd.s32 $0x7D0, s11;
	[sflag:s7] =	ssyncset.done $0x0  }
0x25: {  	s12 =	sadd.s32 s12, s6;
	[sflag:s7] =	ssyncadd.s32 $0xFFFFC180  }
0x26: {  	[tilespmem:s3], [sflag:$0x2] =	stream.linear.gather [hbm4b:s12+s3], $0x3E8, $0x38;
	[tilespmem:$0x4268] =	vst v63  }
0x27: {  	_ =	swait.ge [sflag:s7], $0x3E8  }
0x28: {  	[sflag:s7] =	ssyncset.done $0x0  }
0x29: {  	[sflag:s7] =	ssyncadd.s32 $0xFFFFFC18  }
0x2a: {  	[tilespmem:s8], [sflag:$0x1] =	stream.indirect.gather [hbm4b:s2+s8], $0x10, s3, s8, $0xb8;
	[tilespmem:$0x4268] =	vst v63  }
0x2b: {  	s10 =	sadd.s32 $0x1, s10;
	_ =	swait.ge [sflag:s9], $0x3E80  }
0x2c: {  	p0 =	sne.s32 s10, s4;
	[sflag:s9] =	ssyncset.done $0x0  }
.Ltmp1:
0x2d: {  	[sflag:s9] =	ssyncadd.s32 $0xFFFFC180;
	(pc) =	sbr.rel @p0 .LBB2_1-.Ltmp1, $4  }
0x2e: {  	[hbm4b:s11+s3] =	stream.linear.scatter [tilespmem:s8], [sflag:$0x2], $0x3E80, $0x38;
	[tilespmem:$0x4268] =	vst v63  }
0x2f: {  	_ =	swait.ge [sflag:s7], $0x3E80  }
0x30: {  	[sflag:s7] =	ssyncset.done $0x0  }
0x31: {  	[sflag:s7] =	ssyncadd.s32 $0xFFFFC180  }
0x32: {  	_ =	sfence.sel $0x180000  }
0x33: {  	[bflag:$0x0] =	sbarrier.arrive $0xFFFF  }
0x34: {  	p0 =	sne.s32 s1, $0x0;
	_ =	strace $0x90000047  }
0x35: {  	s0 =	sadd.s32 @!p0 $0x100000, s0;
	[bflag:$0x2] =	sbarrier.arrive $0xFFFF  }
0x36: {  	[sflag:s0] =	ssyncadd.tile.s32 @!p0 $0x1;
	_ =	shalt  }
.Lfunc_end2:
_tile_overlayer_lowered:
.L_overlay_start_2:
0x37: {  	(tag) =	ssettag $0x2  }
0x38: {  	s0 =	rddreg [dreg:$0x0];
	s2 =	stileid.u32  }
0x39: {  	s1 =	rddreg [dreg:$0x1];
	p0 =	sne.s32 s2, $0x0  }
0x3a: {  	s3 =	rddreg [dreg:$0x2];
	[bflag:$0x3] =	sbarrier.arrive $0xFFFF;
	s2 =	simm.s32 @!p0 $0x1C02  }
0x3b: {  	[timem:s3], [sflag:s2] =	dma.local @!p0 [hbm:s0], s1  }
0x3c: {  	s0 =	simm.s32 @!p0 $0x2  }
0x3d: {  	_ =	swait.ge @!p0 [sflag:s0], s1  }
0x3e: {  	s1 =	ssub.s32 @!p0 $0x0, s1;
	[sflag:s0] =	ssyncset.done @!p0 $0x0  }
0x3f: {  	[sflag:s0] =	ssyncadd.s32 @!p0 s1  }
0x40: {  	[bflag:$0x3] =	sbarrier.arrive $0xFFFF  }
0x41: {  	_ =	shalt  }

// kernel: kernel.22.cloned.1.call-start
scs
__scs_entry_jumppad:
0x0: {  	(pc) =	sbr.rel $0x88, $3  }
0x1: {  	(tag) =	ssettag $0x0;
	lr =	simm.s32 $0x1  }
0x2: {  	[smem:$0x3F7A] =	sst lr;
	_ =	strace $0xD0000000  }
0x3: {  	_ = 	snop  }
0x4: {  	_ = 	snop  }
0x5: {  	_ = 	snop  }
0x6: {  	_ = 	snop  }
0x7: {  	_ = 	snop  }
__scs_overlays_trampoline_lowered:
0x8: {  	[smem:$0x3F89] =	sst s0  }
0x9: {  	[smem:$0x3F8A] =	sst s1  }
0xa: {  	[smem:$0x3F8B] =	sst s2  }
0xb: {  	[smem:$0x3F8C] =	sst s3  }
0xc: {  	[smem:$0x3F8D] =	sst s4  }
0xd: {  	[smem:$0x3F8E] =	sst s5  }
0xe: {  	[smem:$0x3F8F] =	sst s6  }
0xf: {  	[smem:$0x3F90] =	sst s7  }
0x10: {  	[smem:$0x3F91] =	sst s8  }
0x11: {  	[smem:$0x3F92] =	sst s9;
	s0 =	simm.s32 @!p0 $0x0  }
0x12: {  	s1 =	sld [smem:$0x3F78];
	s0 =	simm.s32 @p0 $0x1  }
0x13: {  	[smem:$0x3F93] =	sst s0;
	s0 =	simm.s32 @!p1 $0x0  }
0x14: {  	s2 =	sld [smem:$0x3F77];
	s0 =	simm.s32 @p1 $0x1  }
0x15: {  	[smem:$0x3F94] =	sst s0;
	s0 =	simm.s32 @!p2 $0x0  }
0x16: {  	s3 =	sld [smem:$0x3FDB];
	s0 =	simm.s32 @p2 $0x1  }
0x17: {  	s4 =	simm.s32 $0x1BF5;
	[smem:$0x3F96] =	sst s0  }
0x18: {  	s0 =	sld [smem:$0x3F79];
	_ =	swait.ge [sflag:s4], $0x0  }
0x19: {  	s7 =	sld [smem:$0x3F7A]  }
0x1a: {  	s8 =	sadd.s32 $0xFFFFE003, lr  }
0x1b: {  	s9 =	sadd.s32 $0xFFFFFEF7, lr;
	s5 =	simm.s32 $0xFFFFFFFF;
	p2 =	slt.u32 s8, $0xFFFFF086  }
0x1c: {  	p1 =	slt.u32 s9, $0xF7A;
	s5 =	simm.s32 @!p2 $0x0  }
0x1d: {  	s5 =	simm.s32 @p1 $0x1;
	p0 =	seq.s32 s7, s2  }
0x1e: {  	s7 =	smul.u32 @!p0 $0xF7A, s2;
	p2 =	seq.s32 @!p0 s5, $0x0  }
0x1f: {  	s9 =	smul.u32 $0xF7A, s1;
	s8 =	simm.s32 @!p0 $0x1BF5;
	p2 =	por !p2, p0  }
0x20: {  	[sflag:s8] =	ssyncset.s32 @!p0 $0xFFFFF086;
	s6 =	sadd.s32 @!p0 s3, s7;
	s7 =	simm.s32 @!p0 $0x108  }
0x21: {  	s3 =	sadd.s32 s3, s9;
	s6 =	sadd.s32 @!p0 $0x88, s6;
	s7 =	simm.s32 @p2 $0x1082  }
0x22: {  	[simem:s7], [sflag:s8] =	dma.local @!p0 [hbm:s6], $0xF7A  }
0x23: {  	s9 =	sor.u32 $0xD0000000, s2;
	s6 =	simm.s32 $0x108;
	_ =	swait.ge @!p0 [sflag:s8], $0x0  }
0x24: {  	s3 =	sadd.s32 $0x88, s3;
	s6 =	simm.s32 @!p1 $0x1082;
	[sflag:s4] =	ssyncset.s32 $0xFFFFF086  }
0x25: {  	[simem:s6], [sflag:s4] =	dma.local [hbm:s3], $0xF7A  }
0x26: {  	[smem:$0x3F7A] =	sst s1;
	(tag) =	ssettag s2;
	_ =	strace s9  }
0x27: {  	s1 =	sld [smem:$0x3F8A]  }
0x28: {  	s2 =	sld [smem:$0x3F8B]  }
0x29: {  	s4 =	sld [smem:$0x3F8D]  }
0x2a: {  	p0 =	seq.s32 s5, $0x0;
	s5 =	sld [smem:$0x3F8E]  }
0x2b: {  	s6 =	sld [smem:$0x3F8F]  }
0x2c: {  	s7 =	sld [smem:$0x3F90]  }
0x2d: {  	s3 =	simm.s32 $0x108;
	s8 =	sld [smem:$0x3F91]  }
0x2e: {  	s3 =	simm.s32 @!p0 $0x1082;
	s9 =	sld [smem:$0x3F92]  }
0x2f: {  	lr =	sadd.s32 s0, s3;
	s0 =	sld [smem:$0x3F89]  }
0x30: {  	s3 =	sld [smem:$0x3F8C]  }
0x31: {  	[smem:$0x3F95] =	sst s10  }
0x32: {  	s10 =	sld [smem:$0x3F93];
	_ =	sdelay $0x3  }
0x33: {  	p0 =	seq.s32 s10, $0x1;
	s10 =	sld [smem:$0x3F95];
	_ =	sdelay $0x3  }
0x34: {  	[smem:$0x3F95] =	sst s10  }
0x35: {  	s10 =	sld [smem:$0x3F94];
	_ =	sdelay $0x3  }
0x36: {  	p1 =	seq.s32 s10, $0x1;
	s10 =	sld [smem:$0x3F95];
	_ =	sdelay $0x3  }
0x37: {  	[smem:$0x3F95] =	sst s10  }
0x38: {  	s10 =	sld [smem:$0x3F96]  }
0x39: {  	_ = 	snop;
	(pc) =	sbr.ind lr, $3  }
0x3a: {  	_ = 	snop  }
0x3b: {  	_ = 	snop  }
0x3c: {  	p2 =	seq.s32 s10, $0x1;
	s10 =	sld [smem:$0x3F95]  }
0x3d: {  	_ =	shalt  }
0x3e: {  	_ =	shalt  }
0x3f: {  	_ =	shalt  }
0x40: {  	_ =	shalt  }
0x41: {  	_ =	shalt  }
0x42: {  	_ =	shalt  }
0x43: {  	_ =	shalt  }
0x44: {  	_ =	shalt  }
0x45: {  	_ =	shalt  }
0x46: {  	_ =	shalt  }
0x47: {  	_ =	shalt  }
0x48: {  	_ =	shalt  }
0x49: {  	_ =	shalt  }
0x4a: {  	_ =	shalt  }
0x4b: {  	_ =	shalt  }
0x4c: {  	_ =	shalt  }
0x4d: {  	_ =	shalt  }
0x4e: {  	_ =	shalt  }
0x4f: {  	_ =	shalt  }
0x50: {  	_ =	shalt  }
0x51: {  	_ =	shalt  }
0x52: {  	_ =	shalt  }
0x53: {  	_ =	shalt  }
0x54: {  	_ =	shalt  }
0x55: {  	_ =	shalt  }
0x56: {  	_ =	shalt  }
0x57: {  	_ =	shalt  }
0x58: {  	_ =	shalt  }
0x59: {  	_ =	shalt  }
0x5a: {  	_ =	shalt  }
0x5b: {  	_ =	shalt  }
0x5c: {  	_ =	shalt  }
0x5d: {  	_ =	shalt  }
0x5e: {  	_ =	shalt  }
0x5f: {  	_ =	shalt  }
0x60: {  	_ =	shalt  }
0x61: {  	_ =	shalt  }
0x62: {  	_ =	shalt  }
0x63: {  	_ =	shalt  }
0x64: {  	_ =	shalt  }
0x65: {  	_ =	shalt  }
0x66: {  	_ =	shalt  }
0x67: {  	_ =	shalt  }
0x68: {  	_ =	shalt  }
0x69: {  	_ =	shalt  }
0x6a: {  	_ =	shalt  }
0x6b: {  	_ =	shalt  }
0x6c: {  	_ =	shalt  }
0x6d: {  	_ =	shalt  }
0x6e: {  	_ =	shalt  }
0x6f: {  	_ =	shalt  }
0x70: {  	_ =	shalt  }
0x71: {  	_ =	shalt  }
0x72: {  	_ =	shalt  }
0x73: {  	_ =	shalt  }
0x74: {  	_ =	shalt  }
0x75: {  	_ =	shalt  }
0x76: {  	_ =	shalt  }
0x77: {  	_ =	shalt  }
0x78: {  	_ =	shalt  }
0x79: {  	_ =	shalt  }
0x7a: {  	_ =	shalt  }
0x7b: {  	_ =	shalt  }
0x7c: {  	_ =	shalt  }
0x7d: {  	_ =	shalt  }
0x7e: {  	_ =	shalt  }
0x7f: {  	_ =	shalt  }
0x80: {  	_ =	shalt  }
0x81: {  	_ =	shalt  }
0x82: {  	_ =	shalt  }
0x83: {  	_ =	shalt  }
0x84: {  	_ =	shalt  }
0x85: {  	_ =	shalt  }
0x86: {  	_ =	shalt  }
0x87: {  	_ =	shalt  }
.Lfunc_end0:
.L_simem_size_0:
called_computation.3_lowered:
.L_overlay_start_0:
0x88: {  	s2 =	sld [smem:$0x3FD9]  }
0x89: {  	s3 =	sld [smem:$0x3FFE];
	_ =	sdelay $0x1  }
0x8a: {  	s1 =	srdreg.scid  }
0x8b: {  	s0 =	sand.u32 $0x1, s1  }
0x8c: {  	s15 =	sshll.u32 s0, $0xA;
	s2 =	sadd.s32 s3, s2  }
0x8d: {  	s2 =	sadd.s32 s2, s15  }
0x8e: {  	[smem:$0x3FA1] =	sst s2  }
0x8f: {  	_ = 	snop  }
0x90: {  	s2 =	sld [smem:$0x3FD0];
	_ =	sdelay $0x2  }
0x91: {  	s16 =	simm.s32 $0xD;
	s4 =	simm.s32 $0x10  }
0x92: {  	[smem:s4], [sflag:s16] =	dma.local [hbm:s2], $0x1  }
0x93: {  	_ =	swait.eq [sflag:s16], $0x1  }
0x94: {  	[sflag:s16] =	ssyncset.done $0x0  }
0x95: {  	[sflag:s16] =	ssyncadd.s32 $0xFFFFFFFF  }
0x96: {  	s17 =	sld [smem:$0x10];
	(tm) =	ssettm $0x1  }
0x97: {  	s18 =	sld [smem:$0x3FFB];
	_ =	sdelay $0x3  }
0x98: {  	_ =	strace s18  }
0x99: {  	s2 =	sld [smem:$0x3FFC];
	_ =	sdelay $0x3  }
0x9a: {  	_ =	strace s2  }
0x9b: {  	s2 =	sld [smem:$0x3FFD];
	_ =	sdelay $0x3  }
0x9c: {  	_ =	strace s2  }
0x9d: {  	_ =	strace $0x8FFFFFFF  }
0x9e: {  	s19 =	sld [smem:$0x3FDB];
	_ =	sdelay $0x1  }
0x9f: {  	s20 =	simm.s32 $_scs_section_size  }
0xa0: {  	s5 =	simm.s32 $_size__tile_overlayer_lowered;
	s6 =	simm.s32 $_tile_overlayer_lowered  }
0xa1: {  	s7 =	simm.s32 $0x1BFF;
	s21 =	sshll.u32 s6, $0x1;
	s4 =	sadd.s32 s20, s19  }
0xa2: {  	s22 =	simm.s32 $0x0;
	s5 =	sshll.u32 s5, $0x1;
	s6 =	sadd.s32 s21, s4  }
0xa3: {  	[timem:s22], [sflag:s7] =	dma.local [hbm:s6], s5  }
0xa4: {  	_ =	swait.ge [sflag:s7], s5  }
0xa5: {  	s5 =	ssub.s32 $0x0, s5;
	[sflag:s7] =	ssyncset.done $0x0  }
0xa6: {  	[sflag:s7] =	ssyncadd.s32 s5;
	_ =	sdelay $0x1  }
0xa7: {  	s23 =	simm.s32 $0x1B8B  }
0xa8: {  	_ =	swait.ge [sflag:s23], $0x1  }
0xa9: {  	[sflag:s23] =	ssyncset.done $0x0  }
0xaa: {  	[sflag:s23] =	ssyncadd.s32 $0xFFFFFFFF  }
0xab: {  	s5 =	sld [smem:$0x0]  }
0xac: {  	s6 =	sand.u32 $0xFFFFFFFE, s1  }
0xad: {  	p0 =	sne.s32 s1, s6  }
0xae: {  	s6 =	sshll.u32 @p0 s6, $0xE  }
0xaf: {  	s6 =	sadd.s32 @p0 $0x11B8D, s6;
	s7 =	sshll.u32 @p0 s5, $0x11  }
0xb0: {  	s6 =	sor.u32 @p0 s7, s6  }
0xb1: {  	[sflag:s6] =	ssyncadd.remote.s32 @p0 $0x1;
	_ =	sdelay $0x1  }
0xb2: {  	s6 =	simm.s32 @p0 $0x1B8D  }
0xb3: {  	_ =	swait.eq @p0 [sflag:s6], $0x1  }
0xb4: {  	[sflag:s6] =	ssyncadd.s32 @p0 $0xFFFFFFFF  }
0xb5: {  	s7 =	sshll.u32 @!p0 s1, $0xE  }
0xb6: {  	s7 =	sor.u32 @!p0 $0x4000, s7;
	s6 =	simm.s32 @!p0 $0x1B8D  }
0xb7: {  	s5 =	sshll.u32 @!p0 s5, $0x11;
	s7 =	sadd.s32 @!p0 $0x11B8D, s7;
	_ =	swait.eq @!p0 [sflag:s6], $0x1  }
0xb8: {  	s5 =	sor.u32 @!p0 s5, s7;
	[sflag:s6] =	ssyncadd.s32 @!p0 $0xFFFFFFFF  }
0xb9: {  	s25 =	simm.s32 $0x1B8E;
	s24 =	sld [smem:$0x3FFE];
	[sflag:s5] =	ssyncadd.remote.s32 @!p0 $0x1  }
0xba: {  	s26 =	simm.s32 $execute0_lowered;
	[smem:$0x3FD2] =	sst s25  }
0xbb: {  	s6 =	sshll.u32 s26, $0x1;
	_ =	strace $0x80000049;
	[dreg:$0x1] =	wrdreg $0xFFFFFFFF  }
0xbc: {  	s28 =	simm.s32 $_size_execute0_lowered;
	s4 =	sadd.s32 s4, s6;
	[dreg:$0x0] =	wrdreg $0x0  }
0xbd: {  	s6 =	sshll.u32 s28, $0x1;
	[dreg:$0x2] =	wrdreg s4  }
0xbe: {  	[dreg:$0x3] =	wrdreg s6  }
0xbf: {  	[dreg:$0x4] =	wrdreg $0xC0  }
0xc0: {  	_ =	task [dreg:s22], $0x5FFFF  }
0xc1: {  	[dreg:$0x1] =	wrdreg $0xFFFFFFFF  }
0xc2: {  	[dreg:$0x0] =	wrdreg $0x60  }
0xc3: {  	[dreg:$0x2] =	wrdreg s17  }
0xc4: {  	[dreg:$0x3] =	wrdreg s24  }
0xc5: {  	[dreg:$0x4] =	wrdreg $0xB  }
0xc6: {  	_ =	task.clear_ibuf [dreg:s22], $0x5FFFF;
	_ =	strace $0x90000049  }
0xc7: {  	s29 =	simm.s32 $0xB;
	_ =	strace $0x8000004B  }
0xc8: {  	_ =	swait.ge [sflag:s29], $0x1  }
0xc9: {  	[sflag:s29] =	ssyncadd.s32 $0xFFFFFFFF  }
0xca: {  	_ =	strace $0x9000004B  }
0xcb: {  	_ =	sfence  }
0xcc: {  	s30 =	sld [smem:$0x0];
	_ =	sdelay $0x2  }
0xcd: {  	s31 =	sshll.u32 s1, $0xD;
	s1 =	sshrl.u32 s1, $0x2  }
0xce: {  	s4 =	sand.u32 $0x4000, s31;
	s1 =	sadd.s32 s1, s30  }
0xcf: {  	s0 =	sor.u32 s4, s0;
	s1 =	sshll.u32 s1, $0x11  }
0xd0: {  	s0 =	sor.u32 s1, s0  }
0xd1: {  	s0 =	sadd.s32 $0x8F2B, s0  }
0xd2: {  	[sflag:s0] =	ssyncadd.remote.s32 $0x1  }
0xd3: {  	_ =	sfence.sel $0xFFFF  }
0xd4: {  	[dreg:$0x0] =	wrdreg $0xFFFFFFFF;
	(pc) =	sbr.abs _section_cstart, $3  }
0xd5: {  	[dreg:$0x1] =	wrdreg $0xFFFFFFFF  }
0xd6: {  	_ =	task.clear_ibuf [dreg:s22], $0x2FFFF;
	_ =	strace $0x9FFFFFFF  }
0xd7: {  	(tm) =	ssettm $0x7FFFFFFF  }
tec
execute0_lowered:
.L_overlay_start_1:
0x0: {  	(tag) =	ssettag $0x1  }
0x1: {  	s2 =	rddreg [dreg:$0x0]  }
0x2: {  	s4 =	rddreg [dreg:$0x1]  }
0x3: {  	s0 =	rddreg [dreg:$0x2];
	s1 =	stileid.u32  }
0x4: {  	s5 =	srdreg.scid;
	s3 =	simm.s32 $0x0;
	s6 =	smul.u32 $0x186A0, s1  }
0x5: {  	s10 =	simm.s32 $0x0;
	s5 =	sand.u32 $0x1, s5;
	s8 =	smul.u32 $0x30D40, s1  }
0x6: {  	[smem:$0x7FF] =	sst s3;
	s7 =	smul.u32 $0xC350, s5;
	s9 =	ssub.s32 $0x2, s5  }
0x7: {  	_ =	strace $0x8000004A;
	s5 =	smul.u32 $0x186A0, s5;
	s31 =	sshrl.u32 s9, $0x1  }
0x8: {  	s8 =	sadd.s32 s8, s4;
	s6 =	sadd.s32 s7, s6;
	s7 =	ssub.s32 s9, s31  }
0x9: {  	s5 =	sadd.s32 s5, s8;
	s8 =	simm.s32 $0x3E8;
	s6 =	sshrl.u32 s6, $0x3  }
0xa: {  	s9 =	simm.s32 $0x1;
	s5 =	sadd.s32 $0x3A3400, s5;
	s6 =	sadd.s32 s6, s4  }
0xb: {  	s4 =	smax.u32 s7, $0x1;
	s7 =	simm.s32 $0x2;
	s6 =	sadd.s32 $0x65200, s6  }
.LBB2_1:
0xc: {  	s11 =	sadd.s32 $0x0, s6  }
0xd: {  	[tilespmem:s3], [sflag:$0x2] =	stream.linear.gather [hbm4b:s11+s3], $0x3E8, $0x38;
	[tilespmem:$0x4268] =	vst v63  }
0xe: {  	_ =	swait.ge [sflag:s7], $0x3E8  }
0xf: {  	[sflag:s7] =	ssyncset.done $0x0  }
0x10: {  	[sflag:s7] =	ssyncadd.s32 $0xFFFFFC18  }
0x11: {  	[tilespmem:s8], [sflag:$0x1] =	stream.indirect.gather [hbm4b:s2+s8], $0x10, s3, s8, $0xb8;
	[tilespmem:$0x4268] =	vst v63  }
0x12: {  	_ =	swait.ge [sflag:s9], $0x3E80  }
0x13: {  	[sflag:s9] =	ssyncset.done $0x0  }
0x14: {  	[sflag:s9] =	ssyncadd.s32 $0xFFFFC180  }
0x15: {  	[hbm4b:s5+s3] =	stream.linear.scatter [tilespmem:s8], [sflag:$0x2], $0x3E80, $0x38;
	[tilespmem:$0x4268] =	vst v63  }
0x16: {  	s12 =	simm.s32 $0x7D;
	_ =	swait.ge [sflag:s7], $0x3E80  }
0x17: {  	s13 =	simm.s32 $0xFA;
	s11 =	sadd.s32 $0x7D0, s5;
	[sflag:s7] =	ssyncset.done $0x0  }
.LBB2_2:
0x18: {  	s14 =	sadd.s32 s12, s6  }
0x19: {  	[sflag:s7] =	ssyncadd.s32 $0xFFFFC180;
	s12 =	smov.u32 s13;
	s15 =	sadd.s32 $0x7D, s13  }
0x1a: {  	[tilespmem:s3], [sflag:$0x2] =	stream.linear.gather [hbm4b:s14+s3], $0x3E8, $0x38;
	[tilespmem:$0x4268] =	vst v63  }
0x1b: {  	p0 =	sne.s32 s13, $0x17ED;
	_ =	swait.ge [sflag:s7], $0x3E8  }
0x1c: {  	[sflag:s7] =	ssyncset.done $0x0  }
0x1d: {  	[sflag:s7] =	ssyncadd.s32 $0xFFFFFC18  }
0x1e: {  	[tilespmem:s8], [sflag:$0x1] =	stream.indirect.gather [hbm4b:s2+s8], $0x10, s3, s8, $0xb8;
	[tilespmem:$0x4268] =	vst v63  }
0x1f: {  	_ =	swait.ge [sflag:s9], $0x3E80  }
.Ltmp0:
0x20: {  	[sflag:s9] =	ssyncset.done $0x0;
	(pc) =	sbr.rel @p0 .LBB2_2-.Ltmp0, $4  }
0x21: {  	[sflag:s9] =	ssyncadd.s32 $0xFFFFC180  }
0x22: {  	[hbm4b:s11+s3] =	stream.linear.scatter [tilespmem:s8], [sflag:$0x2], $0x3E80, $0x38;
	[tilespmem:$0x4268] =	vst v63  }
0x23: {  	_ =	swait.ge [sflag:s7], $0x3E80  }
0x24: {  	s13 =	smov.u32 s15;
	s11 =	sadd.s32 $0x7D0, s11;
	[sflag:s7] =	ssyncset.done $0x0  }
0x25: {  	s12 =	sadd.s32 s12, s6;
	[sflag:s7] =	ssyncadd.s32 $0xFFFFC180  }
0x26: {  	[tilespmem:s3], [sflag:$0x2] =	stream.linear.gather [hbm4b:s12+s3], $0x3E8, $0x38;
	[tilespmem:$0x4268] =	vst v63  }
0x27: {  	_ =	swait.ge [sflag:s7], $0x3E8  }
0x28: {  	[sflag:s7] =	ssyncset.done $0x0  }
0x29: {  	[sflag:s7] =	ssyncadd.s32 $0xFFFFFC18  }
0x2a: {  	[tilespmem:s8], [sflag:$0x1] =	stream.indirect.gather [hbm4b:s2+s8], $0x10, s3, s8, $0xb8;
	[tilespmem:$0x4268] =	vst v63  }
0x2b: {  	s10 =	sadd.s32 $0x1, s10;
	_ =	swait.ge [sflag:s9], $0x3E80  }
0x2c: {  	p0 =	sne.s32 s10, s4;
	[sflag:s9] =	ssyncset.done $0x0  }
.Ltmp1:
0x2d: {  	[sflag:s9] =	ssyncadd.s32 $0xFFFFC180;
	(pc) =	sbr.rel @p0 .LBB2_1-.Ltmp1, $4  }
0x2e: {  	[hbm4b:s11+s3] =	stream.linear.scatter [tilespmem:s8], [sflag:$0x2], $0x3E80, $0x38;
	[tilespmem:$0x4268] =	vst v63  }
0x2f: {  	_ =	swait.ge [sflag:s7], $0x3E80  }
0x30: {  	[sflag:s7] =	ssyncset.done $0x0  }
0x31: {  	[sflag:s7] =	ssyncadd.s32 $0xFFFFC180  }
0x32: {  	_ =	sfence.sel $0x180000  }
0x33: {  	[bflag:$0x0] =	sbarrier.arrive $0xFFFF  }
0x34: {  	p0 =	sne.s32 s1, $0x0;
	_ =	strace $0x9000004A  }
0x35: {  	s0 =	sadd.s32 @!p0 $0x100000, s0;
	[bflag:$0x2] =	sbarrier.arrive $0xFFFF  }
0x36: {  	[sflag:s0] =	ssyncadd.tile.s32 @!p0 $0x1;
	_ =	shalt  }
.Lfunc_end2:
_tile_overlayer_lowered:
.L_overlay_start_2:
0x37: {  	(tag) =	ssettag $0x2  }
0x38: {  	s0 =	rddreg [dreg:$0x0];
	s2 =	stileid.u32  }
0x39: {  	s1 =	rddreg [dreg:$0x1];
	p0 =	sne.s32 s2, $0x0  }
0x3a: {  	s3 =	rddreg [dreg:$0x2];
	[bflag:$0x3] =	sbarrier.arrive $0xFFFF;
	s2 =	simm.s32 @!p0 $0x1C02  }
0x3b: {  	[timem:s3], [sflag:s2] =	dma.local @!p0 [hbm:s0], s1  }
0x3c: {  	s0 =	simm.s32 @!p0 $0x2  }
0x3d: {  	_ =	swait.ge @!p0 [sflag:s0], s1  }
0x3e: {  	s1 =	ssub.s32 @!p0 $0x0, s1;
	[sflag:s0] =	ssyncset.done @!p0 $0x0  }
0x3f: {  	[sflag:s0] =	ssyncadd.s32 @!p0 s1  }
0x40: {  	[bflag:$0x3] =	sbarrier.arrive $0xFFFF  }
0x41: {  	_ =	shalt  }

// kernel: kernel.25.cloned.1.call-start
scs
__scs_entry_jumppad:
0x0: {  	(pc) =	sbr.rel $0x88, $3  }
0x1: {  	(tag) =	ssettag $0x0;
	lr =	simm.s32 $0x1  }
0x2: {  	[smem:$0x3F7A] =	sst lr;
	_ =	strace $0xD0000000  }
0x3: {  	_ = 	snop  }
0x4: {  	_ = 	snop  }
0x5: {  	_ = 	snop  }
0x6: {  	_ = 	snop  }
0x7: {  	_ = 	snop  }
__scs_overlays_trampoline_lowered:
0x8: {  	[smem:$0x3F89] =	sst s0  }
0x9: {  	[smem:$0x3F8A] =	sst s1  }
0xa: {  	[smem:$0x3F8B] =	sst s2  }
0xb: {  	[smem:$0x3F8C] =	sst s3  }
0xc: {  	[smem:$0x3F8D] =	sst s4  }
0xd: {  	[smem:$0x3F8E] =	sst s5  }
0xe: {  	[smem:$0x3F8F] =	sst s6  }
0xf: {  	[smem:$0x3F90] =	sst s7  }
0x10: {  	[smem:$0x3F91] =	sst s8  }
0x11: {  	[smem:$0x3F92] =	sst s9;
	s0 =	simm.s32 @!p0 $0x0  }
0x12: {  	s1 =	sld [smem:$0x3F78];
	s0 =	simm.s32 @p0 $0x1  }
0x13: {  	[smem:$0x3F93] =	sst s0;
	s0 =	simm.s32 @!p1 $0x0  }
0x14: {  	s2 =	sld [smem:$0x3F77];
	s0 =	simm.s32 @p1 $0x1  }
0x15: {  	[smem:$0x3F94] =	sst s0;
	s0 =	simm.s32 @!p2 $0x0  }
0x16: {  	s3 =	sld [smem:$0x3FDB];
	s0 =	simm.s32 @p2 $0x1  }
0x17: {  	s4 =	simm.s32 $0x1BF5;
	[smem:$0x3F96] =	sst s0  }
0x18: {  	s0 =	sld [smem:$0x3F79];
	_ =	swait.ge [sflag:s4], $0x0  }
0x19: {  	s7 =	sld [smem:$0x3F7A]  }
0x1a: {  	s8 =	sadd.s32 $0xFFFFE003, lr  }
0x1b: {  	s9 =	sadd.s32 $0xFFFFFEF7, lr;
	s5 =	simm.s32 $0xFFFFFFFF;
	p2 =	slt.u32 s8, $0xFFFFF086  }
0x1c: {  	p1 =	slt.u32 s9, $0xF7A;
	s5 =	simm.s32 @!p2 $0x0  }
0x1d: {  	s5 =	simm.s32 @p1 $0x1;
	p0 =	seq.s32 s7, s2  }
0x1e: {  	s7 =	smul.u32 @!p0 $0xF7A, s2;
	p2 =	seq.s32 @!p0 s5, $0x0  }
0x1f: {  	s9 =	smul.u32 $0xF7A, s1;
	s8 =	simm.s32 @!p0 $0x1BF5;
	p2 =	por !p2, p0  }
0x20: {  	[sflag:s8] =	ssyncset.s32 @!p0 $0xFFFFF086;
	s6 =	sadd.s32 @!p0 s3, s7;
	s7 =	simm.s32 @!p0 $0x108  }
0x21: {  	s3 =	sadd.s32 s3, s9;
	s6 =	sadd.s32 @!p0 $0x88, s6;
	s7 =	simm.s32 @p2 $0x1082  }
0x22: {  	[simem:s7], [sflag:s8] =	dma.local @!p0 [hbm:s6], $0xF7A  }
0x23: {  	s9 =	sor.u32 $0xD0000000, s2;
	s6 =	simm.s32 $0x108;
	_ =	swait.ge @!p0 [sflag:s8], $0x0  }
0x24: {  	s3 =	sadd.s32 $0x88, s3;
	s6 =	simm.s32 @!p1 $0x1082;
	[sflag:s4] =	ssyncset.s32 $0xFFFFF086  }
0x25: {  	[simem:s6], [sflag:s4] =	dma.local [hbm:s3], $0xF7A  }
0x26: {  	[smem:$0x3F7A] =	sst s1;
	(tag) =	ssettag s2;
	_ =	strace s9  }
0x27: {  	s1 =	sld [smem:$0x3F8A]  }
0x28: {  	s2 =	sld [smem:$0x3F8B]  }
0x29: {  	s4 =	sld [smem:$0x3F8D]  }
0x2a: {  	p0 =	seq.s32 s5, $0x0;
	s5 =	sld [smem:$0x3F8E]  }
0x2b: {  	s6 =	sld [smem:$0x3F8F]  }
0x2c: {  	s7 =	sld [smem:$0x3F90]  }
0x2d: {  	s3 =	simm.s32 $0x108;
	s8 =	sld [smem:$0x3F91]  }
0x2e: {  	s3 =	simm.s32 @!p0 $0x1082;
	s9 =	sld [smem:$0x3F92]  }
0x2f: {  	lr =	sadd.s32 s0, s3;
	s0 =	sld [smem:$0x3F89]  }
0x30: {  	s3 =	sld [smem:$0x3F8C]  }
0x31: {  	[smem:$0x3F95] =	sst s10  }
0x32: {  	s10 =	sld [smem:$0x3F93];
	_ =	sdelay $0x3  }
0x33: {  	p0 =	seq.s32 s10, $0x1;
	s10 =	sld [smem:$0x3F95];
	_ =	sdelay $0x3  }
0x34: {  	[smem:$0x3F95] =	sst s10  }
0x35: {  	s10 =	sld [smem:$0x3F94];
	_ =	sdelay $0x3  }
0x36: {  	p1 =	seq.s32 s10, $0x1;
	s10 =	sld [smem:$0x3F95];
	_ =	sdelay $0x3  }
0x37: {  	[smem:$0x3F95] =	sst s10  }
0x38: {  	s10 =	sld [smem:$0x3F96]  }
0x39: {  	_ = 	snop;
	(pc) =	sbr.ind lr, $3  }
0x3a: {  	_ = 	snop  }
0x3b: {  	_ = 	snop  }
0x3c: {  	p2 =	seq.s32 s10, $0x1;
	s10 =	sld [smem:$0x3F95]  }
0x3d: {  	_ =	shalt  }
0x3e: {  	_ =	shalt  }
0x3f: {  	_ =	shalt  }
0x40: {  	_ =	shalt  }
0x41: {  	_ =	shalt  }
0x42: {  	_ =	shalt  }
0x43: {  	_ =	shalt  }
0x44: {  	_ =	shalt  }
0x45: {  	_ =	shalt  }
0x46: {  	_ =	shalt  }
0x47: {  	_ =	shalt  }
0x48: {  	_ =	shalt  }
0x49: {  	_ =	shalt  }
0x4a: {  	_ =	shalt  }
0x4b: {  	_ =	shalt  }
0x4c: {  	_ =	shalt  }
0x4d: {  	_ =	shalt  }
0x4e: {  	_ =	shalt  }
0x4f: {  	_ =	shalt  }
0x50: {  	_ =	shalt  }
0x51: {  	_ =	shalt  }
0x52: {  	_ =	shalt  }
0x53: {  	_ =	shalt  }
0x54: {  	_ =	shalt  }
0x55: {  	_ =	shalt  }
0x56: {  	_ =	shalt  }
0x57: {  	_ =	shalt  }
0x58: {  	_ =	shalt  }
0x59: {  	_ =	shalt  }
0x5a: {  	_ =	shalt  }
0x5b: {  	_ =	shalt  }
0x5c: {  	_ =	shalt  }
0x5d: {  	_ =	shalt  }
0x5e: {  	_ =	shalt  }
0x5f: {  	_ =	shalt  }
0x60: {  	_ =	shalt  }
0x61: {  	_ =	shalt  }
0x62: {  	_ =	shalt  }
0x63: {  	_ =	shalt  }
0x64: {  	_ =	shalt  }
0x65: {  	_ =	shalt  }
0x66: {  	_ =	shalt  }
0x67: {  	_ =	shalt  }
0x68: {  	_ =	shalt  }
0x69: {  	_ =	shalt  }
0x6a: {  	_ =	shalt  }
0x6b: {  	_ =	shalt  }
0x6c: {  	_ =	shalt  }
0x6d: {  	_ =	shalt  }
0x6e: {  	_ =	shalt  }
0x6f: {  	_ =	shalt  }
0x70: {  	_ =	shalt  }
0x71: {  	_ =	shalt  }
0x72: {  	_ =	shalt  }
0x73: {  	_ =	shalt  }
0x74: {  	_ =	shalt  }
0x75: {  	_ =	shalt  }
0x76: {  	_ =	shalt  }
0x77: {  	_ =	shalt  }
0x78: {  	_ =	shalt  }
0x79: {  	_ =	shalt  }
0x7a: {  	_ =	shalt  }
0x7b: {  	_ =	shalt  }
0x7c: {  	_ =	shalt  }
0x7d: {  	_ =	shalt  }
0x7e: {  	_ =	shalt  }
0x7f: {  	_ =	shalt  }
0x80: {  	_ =	shalt  }
0x81: {  	_ =	shalt  }
0x82: {  	_ =	shalt  }
0x83: {  	_ =	shalt  }
0x84: {  	_ =	shalt  }
0x85: {  	_ =	shalt  }
0x86: {  	_ =	shalt  }
0x87: {  	_ =	shalt  }
.Lfunc_end0:
.L_simem_size_0:
called_computation.4_lowered:
.L_overlay_start_0:
0x88: {  	s2 =	sld [smem:$0x3FD9]  }
0x89: {  	s3 =	sld [smem:$0x3FFE];
	_ =	sdelay $0x1  }
0x8a: {  	s1 =	srdreg.scid  }
0x8b: {  	s0 =	sand.u32 $0x1, s1  }
0x8c: {  	s17 =	sshll.u32 s0, $0xA;
	s2 =	sadd.s32 s3, s2  }
0x8d: {  	s2 =	sadd.s32 s2, s17  }
0x8e: {  	[smem:$0x3FA1] =	sst s2  }
0x8f: {  	_ = 	snop  }
0x90: {  	(tm) =	ssettm $0x1  }
0x91: {  	s18 =	sld [smem:$0x3FFB];
	_ =	sdelay $0x3  }
0x92: {  	_ =	strace s18  }
0x93: {  	s2 =	sld [smem:$0x3FFC];
	_ =	sdelay $0x3  }
0x94: {  	_ =	strace s2  }
0x95: {  	s2 =	sld [smem:$0x3FFD];
	_ =	sdelay $0x3  }
0x96: {  	_ =	strace s2  }
0x97: {  	_ =	strace $0x8FFFFFFF  }
0x98: {  	s19 =	sld [smem:$0x3FDB];
	_ =	sdelay $0x1  }
0x99: {  	s20 =	simm.s32 $_scs_section_size  }
0x9a: {  	s4 =	simm.s32 $_size__tile_overlayer_lowered;
	s5 =	simm.s32 $_tile_overlayer_lowered  }
0x9b: {  	s6 =	simm.s32 $0x1BFF;
	s21 =	sshll.u32 s5, $0x1;
	s3 =	sadd.s32 s20, s19  }
0x9c: {  	s22 =	simm.s32 $0x0;
	s4 =	sshll.u32 s4, $0x1;
	s5 =	sadd.s32 s21, s3  }
0x9d: {  	[timem:s22], [sflag:s6] =	dma.local [hbm:s5], s4  }
0x9e: {  	_ =	swait.ge [sflag:s6], s4  }
0x9f: {  	s4 =	ssub.s32 $0x0, s4;
	[sflag:s6] =	ssyncset.done $0x0  }
0xa0: {  	[sflag:s6] =	ssyncadd.s32 s4;
	_ =	sdelay $0x1  }
0xa1: {  	s23 =	simm.s32 $0x1B8B  }
0xa2: {  	_ =	swait.ge [sflag:s23], $0x1  }
0xa3: {  	[sflag:s23] =	ssyncset.done $0x0  }
0xa4: {  	[sflag:s23] =	ssyncadd.s32 $0xFFFFFFFF  }
0xa5: {  	s4 =	sld [smem:$0x0]  }
0xa6: {  	s5 =	sand.u32 $0xFFFFFFFE, s1  }
0xa7: {  	p0 =	sne.s32 s1, s5  }
0xa8: {  	s5 =	sshll.u32 @p0 s5, $0xE  }
0xa9: {  	s5 =	sadd.s32 @p0 $0x11B8D, s5;
	s6 =	sshll.u32 @p0 s4, $0x11  }
0xaa: {  	s5 =	sor.u32 @p0 s6, s5  }
0xab: {  	[sflag:s5] =	ssyncadd.remote.s32 @p0 $0x1;
	_ =	sdelay $0x1  }
0xac: {  	s5 =	simm.s32 @p0 $0x1B8D  }
0xad: {  	_ =	swait.eq @p0 [sflag:s5], $0x1  }
0xae: {  	[sflag:s5] =	ssyncadd.s32 @p0 $0xFFFFFFFF  }
0xaf: {  	s6 =	sshll.u32 @!p0 s1, $0xE  }
0xb0: {  	s6 =	sor.u32 @!p0 $0x4000, s6;
	s5 =	simm.s32 @!p0 $0x1B8D  }
0xb1: {  	s4 =	sshll.u32 @!p0 s4, $0x11;
	s6 =	sadd.s32 @!p0 $0x11B8D, s6;
	_ =	swait.eq @!p0 [sflag:s5], $0x1  }
0xb2: {  	s4 =	sor.u32 @!p0 s4, s6;
	[sflag:s5] =	ssyncadd.s32 @!p0 $0xFFFFFFFF  }
0xb3: {  	s25 =	simm.s32 $0x1B8E;
	s24 =	sld [smem:$0x3FFE];
	[sflag:s4] =	ssyncadd.remote.s32 @!p0 $0x1  }
0xb4: {  	s26 =	simm.s32 $execute0_lowered;
	[smem:$0x3FD2] =	sst s25  }
0xb5: {  	s5 =	sshll.u32 s26, $0x1;
	_ =	strace $0x8000004C;
	[dreg:$0x1] =	wrdreg $0xFFFFFFFF  }
0xb6: {  	s28 =	simm.s32 $_size_execute0_lowered;
	s3 =	sadd.s32 s3, s5;
	[dreg:$0x0] =	wrdreg $0x0  }
0xb7: {  	s5 =	sshll.u32 s28, $0x1;
	[dreg:$0x2] =	wrdreg s3  }
0xb8: {  	[dreg:$0x3] =	wrdreg s5  }
0xb9: {  	[dreg:$0x4] =	wrdreg $0xC0  }
0xba: {  	_ =	task [dreg:s22], $0x5FFFF  }
0xbb: {  	[dreg:$0x1] =	wrdreg $0xFFFFFFFF  }
0xbc: {  	[dreg:$0x0] =	wrdreg $0x60  }
0xbd: {  	[dreg:$0x2] =	wrdreg s24  }
0xbe: {  	[dreg:$0x3] =	wrdreg $0xC  }
0xbf: {  	_ =	task.clear_ibuf [dreg:s22], $0x4FFFF;
	_ =	strace $0x9000004C  }
0xc0: {  	s29 =	simm.s32 $0xC;
	_ =	strace $0x8000004E  }
0xc1: {  	_ =	swait.ge [sflag:s29], $0x1  }
0xc2: {  	[sflag:s29] =	ssyncadd.s32 $0xFFFFFFFF  }
0xc3: {  	_ =	strace $0x9000004E  }
0xc4: {  	_ =	sfence  }
0xc5: {  	s30 =	sld [smem:$0x0];
	_ =	sdelay $0x2  }
0xc6: {  	s31 =	sshll.u32 s1, $0xD;
	s1 =	sshrl.u32 s1, $0x2  }
0xc7: {  	s4 =	sand.u32 $0x4000, s31;
	s1 =	sadd.s32 s1, s30  }
0xc8: {  	s0 =	sor.u32 s4, s0;
	s1 =	sshll.u32 s1, $0x11  }
0xc9: {  	s0 =	sor.u32 s1, s0  }
0xca: {  	s0 =	sadd.s32 $0x8F2B, s0  }
0xcb: {  	[sflag:s0] =	ssyncadd.remote.s32 $0x1  }
0xcc: {  	_ =	sfence.sel $0xFFFF  }
0xcd: {  	[dreg:$0x0] =	wrdreg $0xFFFFFFFF;
	(pc) =	sbr.abs _section_cstart, $3  }
0xce: {  	[dreg:$0x1] =	wrdreg $0xFFFFFFFF  }
0xcf: {  	_ =	task.clear_ibuf [dreg:s22], $0x2FFFF;
	_ =	strace $0x9FFFFFFF  }
0xd0: {  	(tm) =	ssettm $0x7FFFFFFF  }
0xd1: {  	_ =	shalt  }
tec
execute0_lowered:
.L_overlay_start_1:
0x0: {  	(tag) =	ssettag $0x1  }
0x1: {  	s4 =	rddreg [dreg:$0x0]  }
0x2: {  	s0 =	rddreg [dreg:$0x1];
	s2 =	simm.s32 $0x0;
	s1 =	stileid.u32  }
0x3: {  	s3 =	srdreg.scid;
	s10 =	simm.s32 $0x0;
	s6 =	smul.u32 $0x186A0, s1  }
0x4: {  	[smem:$0x7FF] =	sst s2;
	s5 =	sand.u32 $0x1, s3;
	s8 =	smul.u32 $0x30D40, s1  }
0x5: {  	s3 =	sadd.s32 $0x6D5400, s4;
	s7 =	smul.u32 $0xC350, s5;
	s9 =	ssub.s32 $0x2, s5  }
0x6: {  	_ =	strace $0x8000004D;
	s5 =	smul.u32 $0x186A0, s5;
	s31 =	sshrl.u32 s9, $0x1  }
0x7: {  	s8 =	sadd.s32 s8, s4;
	s6 =	sadd.s32 s7, s6;
	s7 =	ssub.s32 s9, s31  }
0x8: {  	s5 =	sadd.s32 s5, s8;
	s8 =	simm.s32 $0x3E8;
	s6 =	sshrl.u32 s6, $0x3  }
0x9: {  	s9 =	simm.s32 $0x1;
	s5 =	sadd.s32 $0x706200, s5;
	s6 =	sadd.s32 s6, s4  }
0xa: {  	s4 =	smax.u32 s7, $0x1;
	s7 =	simm.s32 $0x2;
	s6 =	sadd.s32 $0x34400, s6  }
.LBB2_1:
0xb: {  	s11 =	sadd.s32 $0x0, s6  }
0xc: {  	[tilespmem:s2], [sflag:$0x2] =	stream.linear.gather [hbm4b:s11+s2], $0x3E8, $0x38;
	[tilespmem:$0x4268] =	vst v63  }
0xd: {  	_ =	swait.ge [sflag:s7], $0x3E8  }
0xe: {  	[sflag:s7] =	ssyncset.done $0x0  }
0xf: {  	[sflag:s7] =	ssyncadd.s32 $0xFFFFFC18  }
0x10: {  	[tilespmem:s8], [sflag:$0x1] =	stream.indirect.gather [hbm4b:s3+s8], $0x10, s2, s8, $0xb8;
	[tilespmem:$0x4268] =	vst v63  }
0x11: {  	_ =	swait.ge [sflag:s9], $0x3E80  }
0x12: {  	[sflag:s9] =	ssyncset.done $0x0  }
0x13: {  	[sflag:s9] =	ssyncadd.s32 $0xFFFFC180  }
0x14: {  	[hbm4b:s5+s2] =	stream.linear.scatter [tilespmem:s8], [sflag:$0x2], $0x3E80, $0x38;
	[tilespmem:$0x4268] =	vst v63  }
0x15: {  	s12 =	simm.s32 $0x7D;
	_ =	swait.ge [sflag:s7], $0x3E80  }
0x16: {  	s13 =	simm.s32 $0xFA;
	s11 =	sadd.s32 $0x7D0, s5;
	[sflag:s7] =	ssyncset.done $0x0  }
.LBB2_2:
0x17: {  	s14 =	sadd.s32 s12, s6  }
0x18: {  	[sflag:s7] =	ssyncadd.s32 $0xFFFFC180;
	s12 =	smov.u32 s13;
	s15 =	sadd.s32 $0x7D, s13  }
0x19: {  	[tilespmem:s2], [sflag:$0x2] =	stream.linear.gather [hbm4b:s14+s2], $0x3E8, $0x38;
	[tilespmem:$0x4268] =	vst v63  }
0x1a: {  	p0 =	sne.s32 s13, $0x17ED;
	_ =	swait.ge [sflag:s7], $0x3E8  }
0x1b: {  	[sflag:s7] =	ssyncset.done $0x0  }
0x1c: {  	[sflag:s7] =	ssyncadd.s32 $0xFFFFFC18  }
0x1d: {  	[tilespmem:s8], [sflag:$0x1] =	stream.indirect.gather [hbm4b:s3+s8], $0x10, s2, s8, $0xb8;
	[tilespmem:$0x4268] =	vst v63  }
0x1e: {  	_ =	swait.ge [sflag:s9], $0x3E80  }
.Ltmp0:
0x1f: {  	[sflag:s9] =	ssyncset.done $0x0;
	(pc) =	sbr.rel @p0 .LBB2_2-.Ltmp0, $4  }
0x20: {  	[sflag:s9] =	ssyncadd.s32 $0xFFFFC180  }
0x21: {  	[hbm4b:s11+s2] =	stream.linear.scatter [tilespmem:s8], [sflag:$0x2], $0x3E80, $0x38;
	[tilespmem:$0x4268] =	vst v63  }
0x22: {  	_ =	swait.ge [sflag:s7], $0x3E80  }
0x23: {  	s13 =	smov.u32 s15;
	s11 =	sadd.s32 $0x7D0, s11;
	[sflag:s7] =	ssyncset.done $0x0  }
0x24: {  	s12 =	sadd.s32 s12, s6;
	[sflag:s7] =	ssyncadd.s32 $0xFFFFC180  }
0x25: {  	[tilespmem:s2], [sflag:$0x2] =	stream.linear.gather [hbm4b:s12+s2], $0x3E8, $0x38;
	[tilespmem:$0x4268] =	vst v63  }
0x26: {  	_ =	swait.ge [sflag:s7], $0x3E8  }
0x27: {  	[sflag:s7] =	ssyncset.done $0x0  }
0x28: {  	[sflag:s7] =	ssyncadd.s32 $0xFFFFFC18  }
0x29: {  	[tilespmem:s8], [sflag:$0x1] =	stream.indirect.gather [hbm4b:s3+s8], $0x10, s2, s8, $0xb8;
	[tilespmem:$0x4268] =	vst v63  }
0x2a: {  	s10 =	sadd.s32 $0x1, s10;
	_ =	swait.ge [sflag:s9], $0x3E80  }
0x2b: {  	p0 =	sne.s32 s10, s4;
	[sflag:s9] =	ssyncset.done $0x0  }
.Ltmp1:
0x2c: {  	[sflag:s9] =	ssyncadd.s32 $0xFFFFC180;
	(pc) =	sbr.rel @p0 .LBB2_1-.Ltmp1, $4  }
0x2d: {  	[hbm4b:s11+s2] =	stream.linear.scatter [tilespmem:s8], [sflag:$0x2], $0x3E80, $0x38;
	[tilespmem:$0x4268] =	vst v63  }
0x2e: {  	_ =	swait.ge [sflag:s7], $0x3E80  }
0x2f: {  	[sflag:s7] =	ssyncset.done $0x0  }
0x30: {  	[sflag:s7] =	ssyncadd.s32 $0xFFFFC180  }
0x31: {  	_ =	sfence.sel $0x180000  }
0x32: {  	[bflag:$0x0] =	sbarrier.arrive $0xFFFF  }
0x33: {  	p0 =	sne.s32 s1, $0x0;
	_ =	strace $0x9000004D  }
0x34: {  	s0 =	sadd.s32 @!p0 $0x100000, s0;
	[bflag:$0x2] =	sbarrier.arrive $0xFFFF  }
0x35: {  	[sflag:s0] =	ssyncadd.tile.s32 @!p0 $0x1;
	_ =	shalt  }
.Lfunc_end2:
_tile_overlayer_lowered:
.L_overlay_start_2:
0x36: {  	(tag) =	ssettag $0x2  }
0x37: {  	s0 =	rddreg [dreg:$0x0];
	s2 =	stileid.u32  }
0x38: {  	s1 =	rddreg [dreg:$0x1];
	p0 =	sne.s32 s2, $0x0  }
0x39: {  	s3 =	rddreg [dreg:$0x2];
	[bflag:$0x3] =	sbarrier.arrive $0xFFFF;
	s2 =	simm.s32 @!p0 $0x1C02  }
0x3a: {  	[timem:s3], [sflag:s2] =	dma.local @!p0 [hbm:s0], s1  }
0x3b: {  	s0 =	simm.s32 @!p0 $0x2  }
0x3c: {  	_ =	swait.ge @!p0 [sflag:s0], s1  }
0x3d: {  	s1 =	ssub.s32 @!p0 $0x0, s1;
	[sflag:s0] =	ssyncset.done @!p0 $0x0  }
0x3e: {  	[sflag:s0] =	ssyncadd.s32 @!p0 s1  }
0x3f: {  	[bflag:$0x3] =	sbarrier.arrive $0xFFFF  }
0x40: {  	_ =	shalt  }

// kernel: kernel.28.cloned.1.call-start
scs
__scs_entry_jumppad:
0x0: {  	(pc) =	sbr.rel $0x88, $3  }
0x1: {  	(tag) =	ssettag $0x0;
	lr =	simm.s32 $0x1  }
0x2: {  	[smem:$0x3F7A] =	sst lr;
	_ =	strace $0xD0000000  }
0x3: {  	_ = 	snop  }
0x4: {  	_ = 	snop  }
0x5: {  	_ = 	snop  }
0x6: {  	_ = 	snop  }
0x7: {  	_ = 	snop  }
__scs_overlays_trampoline_lowered:
0x8: {  	[smem:$0x3F89] =	sst s0  }
0x9: {  	[smem:$0x3F8A] =	sst s1  }
0xa: {  	[smem:$0x3F8B] =	sst s2  }
0xb: {  	[smem:$0x3F8C] =	sst s3  }
0xc: {  	[smem:$0x3F8D] =	sst s4  }
0xd: {  	[smem:$0x3F8E] =	sst s5  }
0xe: {  	[smem:$0x3F8F] =	sst s6  }
0xf: {  	[smem:$0x3F90] =	sst s7  }
0x10: {  	[smem:$0x3F91] =	sst s8  }
0x11: {  	[smem:$0x3F92] =	sst s9;
	s0 =	simm.s32 @!p0 $0x0  }
0x12: {  	s1 =	sld [smem:$0x3F78];
	s0 =	simm.s32 @p0 $0x1  }
0x13: {  	[smem:$0x3F93] =	sst s0;
	s0 =	simm.s32 @!p1 $0x0  }
0x14: {  	s2 =	sld [smem:$0x3F77];
	s0 =	simm.s32 @p1 $0x1  }
0x15: {  	[smem:$0x3F94] =	sst s0;
	s0 =	simm.s32 @!p2 $0x0  }
0x16: {  	s3 =	sld [smem:$0x3FDB];
	s0 =	simm.s32 @p2 $0x1  }
0x17: {  	s4 =	simm.s32 $0x1BF5;
	[smem:$0x3F96] =	sst s0  }
0x18: {  	s0 =	sld [smem:$0x3F79];
	_ =	swait.ge [sflag:s4], $0x0  }
0x19: {  	s7 =	sld [smem:$0x3F7A]  }
0x1a: {  	s8 =	sadd.s32 $0xFFFFE003, lr  }
0x1b: {  	s9 =	sadd.s32 $0xFFFFFEF7, lr;
	s5 =	simm.s32 $0xFFFFFFFF;
	p2 =	slt.u32 s8, $0xFFFFF086  }
0x1c: {  	p1 =	slt.u32 s9, $0xF7A;
	s5 =	simm.s32 @!p2 $0x0  }
0x1d: {  	s5 =	simm.s32 @p1 $0x1;
	p0 =	seq.s32 s7, s2  }
0x1e: {  	s7 =	smul.u32 @!p0 $0xF7A, s2;
	p2 =	seq.s32 @!p0 s5, $0x0  }
0x1f: {  	s9 =	smul.u32 $0xF7A, s1;
	s8 =	simm.s32 @!p0 $0x1BF5;
	p2 =	por !p2, p0  }
0x20: {  	[sflag:s8] =	ssyncset.s32 @!p0 $0xFFFFF086;
	s6 =	sadd.s32 @!p0 s3, s7;
	s7 =	simm.s32 @!p0 $0x108  }
0x21: {  	s3 =	sadd.s32 s3, s9;
	s6 =	sadd.s32 @!p0 $0x88, s6;
	s7 =	simm.s32 @p2 $0x1082  }
0x22: {  	[simem:s7], [sflag:s8] =	dma.local @!p0 [hbm:s6], $0xF7A  }
0x23: {  	s9 =	sor.u32 $0xD0000000, s2;
	s6 =	simm.s32 $0x108;
	_ =	swait.ge @!p0 [sflag:s8], $0x0  }
0x24: {  	s3 =	sadd.s32 $0x88, s3;
	s6 =	simm.s32 @!p1 $0x1082;
	[sflag:s4] =	ssyncset.s32 $0xFFFFF086  }
0x25: {  	[simem:s6], [sflag:s4] =	dma.local [hbm:s3], $0xF7A  }
0x26: {  	[smem:$0x3F7A] =	sst s1;
	(tag) =	ssettag s2;
	_ =	strace s9  }
0x27: {  	s1 =	sld [smem:$0x3F8A]  }
0x28: {  	s2 =	sld [smem:$0x3F8B]  }
0x29: {  	s4 =	sld [smem:$0x3F8D]  }
0x2a: {  	p0 =	seq.s32 s5, $0x0;
	s5 =	sld [smem:$0x3F8E]  }
0x2b: {  	s6 =	sld [smem:$0x3F8F]  }
0x2c: {  	s7 =	sld [smem:$0x3F90]  }
0x2d: {  	s3 =	simm.s32 $0x108;
	s8 =	sld [smem:$0x3F91]  }
0x2e: {  	s3 =	simm.s32 @!p0 $0x1082;
	s9 =	sld [smem:$0x3F92]  }
0x2f: {  	lr =	sadd.s32 s0, s3;
	s0 =	sld [smem:$0x3F89]  }
0x30: {  	s3 =	sld [smem:$0x3F8C]  }
0x31: {  	[smem:$0x3F95] =	sst s10  }
0x32: {  	s10 =	sld [smem:$0x3F93];
	_ =	sdelay $0x3  }
0x33: {  	p0 =	seq.s32 s10, $0x1;
	s10 =	sld [smem:$0x3F95];
	_ =	sdelay $0x3  }
0x34: {  	[smem:$0x3F95] =	sst s10  }
0x35: {  	s10 =	sld [smem:$0x3F94];
	_ =	sdelay $0x3  }
0x36: {  	p1 =	seq.s32 s10, $0x1;
	s10 =	sld [smem:$0x3F95];
	_ =	sdelay $0x3  }
0x37: {  	[smem:$0x3F95] =	sst s10  }
0x38: {  	s10 =	sld [smem:$0x3F96]  }
0x39: {  	_ = 	snop;
	(pc) =	sbr.ind lr, $3  }
0x3a: {  	_ = 	snop  }
0x3b: {  	_ = 	snop  }
0x3c: {  	p2 =	seq.s32 s10, $0x1;
	s10 =	sld [smem:$0x3F95]  }
0x3d: {  	_ =	shalt  }
0x3e: {  	_ =	shalt  }
0x3f: {  	_ =	shalt  }
0x40: {  	_ =	shalt  }
0x41: {  	_ =	shalt  }
0x42: {  	_ =	shalt  }
0x43: {  	_ =	shalt  }
0x44: {  	_ =	shalt  }
0x45: {  	_ =	shalt  }
0x46: {  	_ =	shalt  }
0x47: {  	_ =	shalt  }
0x48: {  	_ =	shalt  }
0x49: {  	_ =	shalt  }
0x4a: {  	_ =	shalt  }
0x4b: {  	_ =	shalt  }
0x4c: {  	_ =	shalt  }
0x4d: {  	_ =	shalt  }
0x4e: {  	_ =	shalt  }
0x4f: {  	_ =	shalt  }
0x50: {  	_ =	shalt  }
0x51: {  	_ =	shalt  }
0x52: {  	_ =	shalt  }
0x53: {  	_ =	shalt  }
0x54: {  	_ =	shalt  }
0x55: {  	_ =	shalt  }
0x56: {  	_ =	shalt  }
0x57: {  	_ =	shalt  }
0x58: {  	_ =	shalt  }
0x59: {  	_ =	shalt  }
0x5a: {  	_ =	shalt  }
0x5b: {  	_ =	shalt  }
0x5c: {  	_ =	shalt  }
0x5d: {  	_ =	shalt  }
0x5e: {  	_ =	shalt  }
0x5f: {  	_ =	shalt  }
0x60: {  	_ =	shalt  }
0x61: {  	_ =	shalt  }
0x62: {  	_ =	shalt  }
0x63: {  	_ =	shalt  }
0x64: {  	_ =	shalt  }
0x65: {  	_ =	shalt  }
0x66: {  	_ =	shalt  }
0x67: {  	_ =	shalt  }
0x68: {  	_ =	shalt  }
0x69: {  	_ =	shalt  }
0x6a: {  	_ =	shalt  }
0x6b: {  	_ =	shalt  }
0x6c: {  	_ =	shalt  }
0x6d: {  	_ =	shalt  }
0x6e: {  	_ =	shalt  }
0x6f: {  	_ =	shalt  }
0x70: {  	_ =	shalt  }
0x71: {  	_ =	shalt  }
0x72: {  	_ =	shalt  }
0x73: {  	_ =	shalt  }
0x74: {  	_ =	shalt  }
0x75: {  	_ =	shalt  }
0x76: {  	_ =	shalt  }
0x77: {  	_ =	shalt  }
0x78: {  	_ =	shalt  }
0x79: {  	_ =	shalt  }
0x7a: {  	_ =	shalt  }
0x7b: {  	_ =	shalt  }
0x7c: {  	_ =	shalt  }
0x7d: {  	_ =	shalt  }
0x7e: {  	_ =	shalt  }
0x7f: {  	_ =	shalt  }
0x80: {  	_ =	shalt  }
0x81: {  	_ =	shalt  }
0x82: {  	_ =	shalt  }
0x83: {  	_ =	shalt  }
0x84: {  	_ =	shalt  }
0x85: {  	_ =	shalt  }
0x86: {  	_ =	shalt  }
0x87: {  	_ =	shalt  }
.Lfunc_end0:
.L_simem_size_0:
called_computation.5_lowered:
.L_overlay_start_0:
0x88: {  	s2 =	sld [smem:$0x3FD9]  }
0x89: {  	s3 =	sld [smem:$0x3FFE];
	_ =	sdelay $0x1  }
0x8a: {  	s1 =	srdreg.scid  }
0x8b: {  	s0 =	sand.u32 $0x1, s1  }
0x8c: {  	s15 =	sshll.u32 s0, $0xA;
	s2 =	sadd.s32 s3, s2  }
0x8d: {  	s2 =	sadd.s32 s2, s15  }
0x8e: {  	[smem:$0x3FA1] =	sst s2  }
0x8f: {  	_ = 	snop  }
0x90: {  	s2 =	sld [smem:$0x3FD0];
	_ =	sdelay $0x2  }
0x91: {  	s4 =	simm.s32 $0xD;
	s16 =	simm.s32 $0x10  }
0x92: {  	[smem:s16], [sflag:s4] =	dma.local [hbm:s2], $0x1  }
0x93: {  	_ =	swait.eq [sflag:s4], $0x1  }
0x94: {  	[sflag:s4] =	ssyncset.done $0x0  }
0x95: {  	s17 =	sld [smem:$0x10];
	[sflag:s4] =	ssyncadd.s32 $0xFFFFFFFF  }
0x96: {  	s18 =	sld [smem:$0x11];
	(tm) =	ssettm $0x1  }
0x97: {  	s19 =	sld [smem:$0x3FFB];
	_ =	sdelay $0x3  }
0x98: {  	_ =	strace s19  }
0x99: {  	s2 =	sld [smem:$0x3FFC];
	_ =	sdelay $0x3  }
0x9a: {  	_ =	strace s2  }
0x9b: {  	s2 =	sld [smem:$0x3FFD];
	_ =	sdelay $0x3  }
0x9c: {  	_ =	strace s2  }
0x9d: {  	_ =	strace $0x8FFFFFFF  }
0x9e: {  	s20 =	sld [smem:$0x3FDB];
	_ =	sdelay $0x1  }
0x9f: {  	s5 =	simm.s32 $_scs_section_size  }
0xa0: {  	s6 =	simm.s32 $_size__tile_overlayer_lowered;
	s7 =	simm.s32 $_tile_overlayer_lowered  }
0xa1: {  	s8 =	simm.s32 $0x1BFF;
	s21 =	sshll.u32 s7, $0x1;
	s5 =	sadd.s32 s5, s20  }
0xa2: {  	s22 =	simm.s32 $0x0;
	s6 =	sshll.u32 s6, $0x1;
	s7 =	sadd.s32 s21, s5  }
0xa3: {  	[timem:s22], [sflag:s8] =	dma.local [hbm:s7], s6  }
0xa4: {  	_ =	swait.ge [sflag:s8], s6  }
0xa5: {  	s6 =	ssub.s32 $0x0, s6;
	[sflag:s8] =	ssyncset.done $0x0  }
0xa6: {  	[sflag:s8] =	ssyncadd.s32 s6;
	_ =	sdelay $0x1  }
0xa7: {  	s23 =	simm.s32 $0x1B8B  }
0xa8: {  	_ =	swait.ge [sflag:s23], $0x1  }
0xa9: {  	[sflag:s23] =	ssyncset.done $0x0  }
0xaa: {  	[sflag:s23] =	ssyncadd.s32 $0xFFFFFFFF  }
0xab: {  	s6 =	sld [smem:$0x0]  }
0xac: {  	s7 =	sand.u32 $0xFFFFFFFE, s1  }
0xad: {  	p0 =	sne.s32 s1, s7  }
0xae: {  	s7 =	sshll.u32 @p0 s7, $0xE  }
0xaf: {  	s7 =	sadd.s32 @p0 $0x11B8D, s7;
	s8 =	sshll.u32 @p0 s6, $0x11  }
0xb0: {  	s7 =	sor.u32 @p0 s8, s7  }
0xb1: {  	[sflag:s7] =	ssyncadd.remote.s32 @p0 $0x1;
	_ =	sdelay $0x1  }
0xb2: {  	s7 =	simm.s32 @p0 $0x1B8D  }
0xb3: {  	_ =	swait.eq @p0 [sflag:s7], $0x1  }
0xb4: {  	[sflag:s7] =	ssyncadd.s32 @p0 $0xFFFFFFFF  }
0xb5: {  	s8 =	sshll.u32 @!p0 s1, $0xE  }
0xb6: {  	s8 =	sor.u32 @!p0 $0x4000, s8;
	s7 =	simm.s32 @!p0 $0x1B8D  }
0xb7: {  	s6 =	sshll.u32 @!p0 s6, $0x11;
	s8 =	sadd.s32 @!p0 $0x11B8D, s8;
	_ =	swait.eq @!p0 [sflag:s7], $0x1  }
0xb8: {  	s6 =	sor.u32 @!p0 s6, s8;
	[sflag:s7] =	ssyncadd.s32 @!p0 $0xFFFFFFFF  }
0xb9: {  	s25 =	simm.s32 $0x1B8E;
	s24 =	sld [smem:$0x3FFE];
	[sflag:s6] =	ssyncadd.remote.s32 @!p0 $0x1  }
0xba: {  	s26 =	simm.s32 $execute0_lowered;
	[smem:$0x3FD2] =	sst s25  }
0xbb: {  	s7 =	sshll.u32 s26, $0x1;
	_ =	strace $0x80000052;
	[dreg:$0x1] =	wrdreg $0xFFFFFFFF  }
0xbc: {  	s28 =	simm.s32 $_size_execute0_lowered;
	s5 =	sadd.s32 s5, s7;
	[dreg:$0x0] =	wrdreg $0x0  }
0xbd: {  	s7 =	sshll.u32 s28, $0x1;
	[dreg:$0x2] =	wrdreg s5  }
0xbe: {  	[dreg:$0x3] =	wrdreg s7  }
0xbf: {  	[dreg:$0x4] =	wrdreg $0xC0  }
0xc0: {  	_ =	task [dreg:s22], $0x5FFFF  }
0xc1: {  	[dreg:$0x1] =	wrdreg $0xFFFFFFFF  }
0xc2: {  	[dreg:$0x0] =	wrdreg $0x60  }
0xc3: {  	[dreg:$0x2] =	wrdreg s24  }
0xc4: {  	[dreg:$0x3] =	wrdreg s18  }
0xc5: {  	[dreg:$0x4] =	wrdreg s17  }
0xc6: {  	[dreg:$0x5] =	wrdreg $0x0  }
0xc7: {  	[dreg:$0x6] =	wrdreg $0x188000  }
0xc8: {  	[dreg:$0x7] =	wrdreg $0xB  }
0xc9: {  	_ =	task.clear_ibuf [dreg:s22], $0x8FFFF;
	_ =	strace $0x90000052  }
0xca: {  	s29 =	simm.s32 $0xB;
	_ =	strace $0x80000054  }
0xcb: {  	_ =	swait.ge [sflag:s29], $0x1  }
0xcc: {  	[sflag:s29] =	ssyncadd.s32 $0xFFFFFFFF  }
0xcd: {  	_ =	strace $0x90000054  }
0xce: {  	_ =	sfence  }
0xcf: {  	s30 =	sld [smem:$0x0];
	_ =	sdelay $0x2  }
0xd0: {  	s31 =	sshll.u32 s1, $0xD;
	s1 =	sshrl.u32 s1, $0x2  }
0xd1: {  	s4 =	sand.u32 $0x4000, s31;
	s1 =	sadd.s32 s1, s30  }
0xd2: {  	s0 =	sor.u32 s4, s0;
	s1 =	sshll.u32 s1, $0x11  }
0xd3: {  	s0 =	sor.u32 s1, s0  }
0xd4: {  	s0 =	sadd.s32 $0x8F2B, s0  }
0xd5: {  	[sflag:s0] =	ssyncadd.remote.s32 $0x1  }
0xd6: {  	_ =	sfence.sel $0xFFFF  }
0xd7: {  	[dreg:$0x0] =	wrdreg $0xFFFFFFFF;
	(pc) =	sbr.abs _section_cstart, $3  }
0xd8: {  	[dreg:$0x1] =	wrdreg $0xFFFFFFFF  }
0xd9: {  	_ =	task.clear_ibuf [dreg:s22], $0x2FFFF;
	_ =	strace $0x9FFFFFFF  }
0xda: {  	(tm) =	ssettm $0x7FFFFFFF  }
0xdb: {  	_ =	shalt  }
tec
execute0_lowered:
.L_overlay_start_1:
0x0: {  	(tag) =	ssettag $0x1  }
0x1: {  	s0 =	rddreg [dreg:$0x0]  }
0x2: {  	s1 =	rddreg [dreg:$0x1]  }
0x3: {  	s15 =	rddreg [dreg:$0x2]  }
0x4: {  	s9 =	stileid.u32;
	s3 =	srdreg.scid  }
0x5: {  	s2 =	rddreg [dreg:$0x3];
	s4 =	simm.s32 $0x0;
	s5 =	smul.u32 $0x30D40, s9  }
0x6: {  	s28 =	simm.s32 $0x1DF00;
	s29 =	simm.s32 $0x1E2E8;
	s6 =	smul.u32 $0x186A0, s9  }
0x7: {  	s30 =	simm.s32 $0x3E8;
	s16 =	sand.u32 $0x1, s3;
	s17 =	smul.u32 $0x1880, s9  }
0x8: {  	s31 =	simm.s32 $0x0;
	[smem:$0x7FF] =	sst s4;
	s7 =	smul.u32 $0xC350, s16  }
0x9: {  	s3 =	rddreg [dreg:$0x4];
	s8 =	smul.u32 $0x18800, s16;
	_ =	strace $0x80000053  }
0xa: {  	s18 =	sadd.s32 s5, s0;
	s11 =	sadd.s32 $0x3E8, s17;
	s20 =	sadd.s32 $0x1388, s17  }
0xb: {  	s24 =	sadd.s32 $0x1498, s17;
	s6 =	sadd.s32 s7, s6;
	s19 =	sadd.s32 s17, s8  }
0xc: {  	s7 =	smul.u32 $0x62000, s9;
	s9 =	ssub.s32 $0x2, s16;
	s12 =	sshll.u32 s11, $0x4  }
0xd: {  	s13 =	sadd.s32 s11, s3;
	s16 =	smul.u32 $0x186A0, s16;
	s26 =	sshll.u32 s24, $0x4  }
0xe: {  	s23 =	sshrl.u32 s6, $0x3;
	s8 =	sshll.u32 s19, $0x1;
	s10 =	sshrl.u32 s9, $0x1  }
0xf: {  	s6 =	sadd.s32 s17, s3;
	[dreg:$0x7] =	wrdreg s13;
	s19 =	sshrl.u32 s19, $0x3  }
0x10: {  	s22 =	sadd.s32 s23, s0;
	s0 =	sadd.s32 s8, s0;
	s5 =	sshrl.u32 s7, $0x2  }
0x11: {  	s21 =	ssub.s32 s9, s10;
	s10 =	sadd.s32 $0x7D0, s17;
	s7 =	sadd.s32 s12, s2  }
0x12: {  	s12 =	sadd.s32 $0xBB8, s17;
	s15 =	sadd.s32 s15, s19;
	s19 =	sshll.u32 s20, $0x4  }
0x13: {  	s25 =	sadd.s32 s16, s18;
	s18 =	sadd.s32 s26, s2;
	s23 =	sadd.s32 s23, s1  }
0x14: {  	s26 =	simm.s32 $0x1;
	s5 =	sadd.s32 s5, s2;
	[dreg:$0x6] =	wrdreg s7  }
0x15: {  	s14 =	sshll.u32 s10, $0x4;
	s10 =	sadd.s32 s10, s3;
	s11 =	sshll.u32 s12, $0x4  }
0x16: {  	s12 =	sadd.s32 s12, s3;
	s16 =	sadd.s32 s19, s2;
	s19 =	sadd.s32 s24, s3  }
0x17: {  	s21 =	smax.u32 s21, $0x1;
	s22 =	sadd.s32 $0x34400, s22;
	s9 =	sadd.s32 s14, s2  }
0x18: {  	s14 =	sadd.s32 $0xFA0, s17;
	s11 =	sadd.s32 s11, s2;
	s17 =	sadd.s32 s20, s3  }
0x19: {  	s20 =	sadd.s32 $0xA23000, s0;
	s0 =	sadd.s32 $0xD30400, s25;
	s13 =	sshll.u32 s14, $0x4  }
0x1a: {  	v0 =	vimm.f32 $0.0e+00;
	s25 =	simm.s32 $0x1A080;
	s14 =	sadd.s32 s14, s3;
	s13 =	sadd.s32 s13, s2  }
.LBB2_1:
0x1b: {  	s1 =	simm.s32 $0x0  }
.LBB2_2:
0x1c: {  	p0 =	sne.s32 s1, $0xF9C0  }
.Ltmp0:
0x1d: {  	_ = 	snop;
	(pc) =	sbr.rel @p0 .LBB2_2-.Ltmp0, $3  }
0x1e: {  	_ =	sdelay $0x1  }
0x1f: {  	s24 =	sshra.s32 s1, $0x2  }
0x20: {  	s1 =	sadd.s32 $0x40, s1;
	[tilespmem:s24+$0x1A080] =	vst v0  }
0x21: {  	s1 =	simm.s32 $0x40;
	s24 =	simm.s32 $0x0  }
.LBB2_4:
0x22: {  	p0 =	sne.s32 s1, $0xF40;
	[tilespmem:s24+$0x1DF00] =	vst v0;
	s24 =	smov.u32 s1;
	s1 =	sadd.s32 $0x40, s1  }
.Ltmp1:
0x23: {  	(pc) =	sbr.rel @p0 .LBB2_4-.Ltmp1, $2  }
0x24: {  	_ =	sdelay $0x2  }
0x25: {  	s24 =	sshra.s32 s24, $0x2  }
0x26: {  	[tilespmem:s24+$0x1DF00] =	vst v0  }
0x27: {  	[tilespmem:$0x1E2D8] =	vst v0  }
0x28: {  	[spmem:s5] =	stream.linear.scatter [tilespmem:s25], [sflag:$0x1], $0x3E80, $0x38;
	[tilespmem:$0x1E6D0] =	vst v63  }
0x29: {  	_ =	swait.ge [sflag:s26], $0x3E80  }
0x2a: {  	[sflag:s26] =	ssyncset.done $0x0  }
0x2b: {  	[sflag:s26] =	ssyncadd.s32 $0xFFFFC180  }
0x2c: {  	[spmem:s6] =	stream.linear.scatter [tilespmem:s28], [sflag:$0x1], $0x3E8, $0x38;
	[tilespmem:$0x1E6D0] =	vst v63  }
0x2d: {  	_ =	swait.ge [sflag:s26], $0x3E8  }
0x2e: {  	[sflag:s26] =	ssyncset.done $0x0  }
0x2f: {  	s1 =	rddreg [dreg:$0x6];
	[sflag:s26] =	ssyncadd.s32 $0xFFFFFC18  }
0x30: {  	[spmem:s1] =	stream.linear.scatter [tilespmem:s25], [sflag:$0x1], $0x3E80, $0x38;
	[tilespmem:$0x1E6D0] =	vst v63  }
0x31: {  	_ =	swait.ge [sflag:s26], $0x3E80  }
0x32: {  	[sflag:s26] =	ssyncset.done $0x0  }
0x33: {  	s7 =	rddreg [dreg:$0x7];
	[sflag:s26] =	ssyncadd.s32 $0xFFFFC180  }
0x34: {  	[spmem:s7] =	stream.linear.scatter [tilespmem:s28], [sflag:$0x1], $0x3E8, $0x38;
	[tilespmem:$0x1E6D0] =	vst v63  }
0x35: {  	_ =	swait.ge [sflag:s26], $0x3E8  }
0x36: {  	[sflag:s26] =	ssyncset.done $0x0  }
0x37: {  	[sflag:s26] =	ssyncadd.s32 $0xFFFFFC18  }
0x38: {  	[spmem:s9] =	stream.linear.scatter [tilespmem:s25], [sflag:$0x1], $0x3E80, $0x38;
	[tilespmem:$0x1E6D0] =	vst v63  }
0x39: {  	_ =	swait.ge [sflag:s26], $0x3E80  }
0x3a: {  	[sflag:s26] =	ssyncset.done $0x0  }
0x3b: {  	[sflag:s26] =	ssyncadd.s32 $0xFFFFC180  }
0x3c: {  	[spmem:s10] =	stream.linear.scatter [tilespmem:s28], [sflag:$0x1], $0x3E8, $0x38;
	[tilespmem:$0x1E6D0] =	vst v63  }
0x3d: {  	_ =	swait.ge [sflag:s26], $0x3E8  }
0x3e: {  	[sflag:s26] =	ssyncset.done $0x0  }
0x3f: {  	[sflag:s26] =	ssyncadd.s32 $0xFFFFFC18  }
0x40: {  	[spmem:s11] =	stream.linear.scatter [tilespmem:s25], [sflag:$0x1], $0x3E80, $0x38;
	[tilespmem:$0x1E6D0] =	vst v63  }
0x41: {  	_ =	swait.ge [sflag:s26], $0x3E80  }
0x42: {  	[sflag:s26] =	ssyncset.done $0x0  }
0x43: {  	[sflag:s26] =	ssyncadd.s32 $0xFFFFC180  }
0x44: {  	[spmem:s12] =	stream.linear.scatter [tilespmem:s28], [sflag:$0x1], $0x3E8, $0x38;
	[tilespmem:$0x1E6D0] =	vst v63  }
0x45: {  	_ =	swait.ge [sflag:s26], $0x3E8  }
0x46: {  	[sflag:s26] =	ssyncset.done $0x0  }
0x47: {  	[sflag:s26] =	ssyncadd.s32 $0xFFFFFC18  }
0x48: {  	[spmem:s13] =	stream.linear.scatter [tilespmem:s25], [sflag:$0x1], $0x3E80, $0x38;
	[tilespmem:$0x1E6D0] =	vst v63  }
0x49: {  	_ =	swait.ge [sflag:s26], $0x3E80  }
0x4a: {  	[sflag:s26] =	ssyncset.done $0x0  }
0x4b: {  	[sflag:s26] =	ssyncadd.s32 $0xFFFFC180  }
0x4c: {  	[spmem:s14] =	stream.linear.scatter [tilespmem:s28], [sflag:$0x1], $0x3E8, $0x38;
	[tilespmem:$0x1E6D0] =	vst v63  }
0x4d: {  	_ =	swait.ge [sflag:s26], $0x3E8  }
0x4e: {  	[sflag:s26] =	ssyncset.done $0x0  }
0x4f: {  	[sflag:s26] =	ssyncadd.s32 $0xFFFFFC18  }
0x50: {  	[spmem:s16] =	stream.linear.scatter [tilespmem:s25], [sflag:$0x1], $0x3E80, $0x38;
	[tilespmem:$0x1E6D0] =	vst v63  }
0x51: {  	_ =	swait.ge [sflag:s26], $0x3E80  }
0x52: {  	[sflag:s26] =	ssyncset.done $0x0  }
0x53: {  	[sflag:s26] =	ssyncadd.s32 $0xFFFFC180  }
0x54: {  	[spmem:s17] =	stream.linear.scatter [tilespmem:s28], [sflag:$0x1], $0x3E8, $0x38;
	[tilespmem:$0x1E6D0] =	vst v63  }
0x55: {  	_ =	swait.ge [sflag:s26], $0x3E8  }
0x56: {  	[sflag:s26] =	ssyncset.done $0x0  }
0x57: {  	[sflag:s26] =	ssyncadd.s32 $0xFFFFFC18  }
0x58: {  	[spmem:s18] =	stream.linear.scatter [tilespmem:s25], [sflag:$0x1], $0x3E80, $0x38;
	[tilespmem:$0x1E6D0] =	vst v63  }
0x59: {  	_ =	swait.ge [sflag:s26], $0x3E80  }
0x5a: {  	[sflag:s26] =	ssyncset.done $0x0  }
0x5b: {  	[sflag:s26] =	ssyncadd.s32 $0xFFFFC180  }
0x5c: {  	[spmem:s19] =	stream.linear.scatter [tilespmem:s28], [sflag:$0x1], $0x3E8, $0x38;
	[tilespmem:$0x1E6D0] =	vst v63  }
0x5d: {  	_ =	swait.ge [sflag:s26], $0x3E8  }
0x5e: {  	[sflag:s26] =	ssyncset.done $0x0  }
0x5f: {  	[sflag:s26] =	ssyncadd.s32 $0xFFFFFC18  }
0x60: {  	[bflag:$0x0] =	sbarrier.arrive $0xFFFF  }
0x61: {  	[tilespmem:s25], [sflag:$0x1] =	stream.linear.gather [hbm4b:s0+s4], $0x3E80, $0x38;
	[tilespmem:$0x1E6D0] =	vst v63  }
0x62: {  	_ =	swait.ge [sflag:s26], $0x3E80  }
0x63: {  	[sflag:s26] =	ssyncset.done $0x0  }
0x64: {  	s8 =	sadd.s32 $0x0, s23;
	[sflag:s26] =	ssyncadd.s32 $0xFFFFC180  }
0x65: {  	[tilespmem:s28], [sflag:$0x1] =	stream.linear.gather [hbm4b:s8+s4], $0x3E8, $0x38;
	[tilespmem:$0x1E6D0] =	vst v63  }
0x66: {  	_ =	swait.ge [sflag:s26], $0x3E8  }
0x67: {  	[sflag:s26] =	ssyncset.done $0x0  }
0x68: {  	s24 =	sadd.s32 $0x0, s22;
	[sflag:s26] =	ssyncadd.s32 $0xFFFFFC18  }
0x69: {  	[tilespmem:s29], [sflag:$0x1] =	stream.linear.gather [hbm4b:s24+s4], $0x3E8, $0x38;
	[tilespmem:$0x1E6D0] =	vst v63  }
0x6a: {  	_ =	swait.ge [sflag:s26], $0x3E8  }
0x6b: {  	[sflag:s26] =	ssyncset.done $0x0  }
0x6c: {  	[sflag:s26] =	ssyncadd.s32 $0xFFFFFC18  }
0x6d: {  	[spmem:s2] =	stream.indirect.scatter.add.f32 [tilespmem:s25], [sflag:$0x1], $0x10, s29, s30, $0xb8;
	[tilespmem:$0x1E6D0] =	vst v63  }
0x6e: {  	_ =	swait.ge [sflag:s26], $0x3E80  }
0x6f: {  	[sflag:s26] =	ssyncset.done $0x0  }
0x70: {  	[sflag:s26] =	ssyncadd.s32 $0xFFFFC180  }
0x71: {  	[spmem:s3] =	stream.indirect.scatter.add.f32 [tilespmem:s28], [sflag:$0x1], $0x1, s29, s30, $0xb8;
	[tilespmem:$0x1E6D0] =	vst v63  }
0x72: {  	_ =	swait.ge [sflag:s26], $0x3E8  }
0x73: {  	s1 =	simm.s32 $0x7D;
	s24 =	smov.u32 s0;
	[sflag:s26] =	ssyncset.done $0x0  }
.LBB2_6:
0x74: {  	p0 =	sne.s32 s1, $0x17ED;
	[sflag:s26] =	ssyncadd.s32 $0xFFFFFC18;
	s24 =	sadd.s32 $0x7D0, s24  }
0x75: {  	[tilespmem:s25], [sflag:$0x1] =	stream.linear.gather [hbm4b:s24+s4], $0x3E80, $0x38;
	[tilespmem:$0x1E6D0] =	vst v63  }
0x76: {  	s7 =	smov.u32 s1;
	s1 =	sadd.s32 $0x7D, s1;
	_ =	swait.ge [sflag:s26], $0x3E80  }
0x77: {  	[sflag:s26] =	ssyncset.done $0x0  }
0x78: {  	s8 =	sadd.s32 s7, s23;
	[sflag:s26] =	ssyncadd.s32 $0xFFFFC180  }
0x79: {  	[tilespmem:s28], [sflag:$0x1] =	stream.linear.gather [hbm4b:s8+s4], $0x3E8, $0x38;
	[tilespmem:$0x1E6D0] =	vst v63  }
0x7a: {  	_ =	swait.ge [sflag:s26], $0x3E8  }
0x7b: {  	[sflag:s26] =	ssyncset.done $0x0  }
0x7c: {  	s7 =	sadd.s32 s7, s22;
	[sflag:s26] =	ssyncadd.s32 $0xFFFFFC18  }
0x7d: {  	[tilespmem:s29], [sflag:$0x1] =	stream.linear.gather [hbm4b:s7+s4], $0x3E8, $0x38;
	[tilespmem:$0x1E6D0] =	vst v63  }
0x7e: {  	_ =	swait.ge [sflag:s26], $0x3E8  }
0x7f: {  	[sflag:s26] =	ssyncset.done $0x0  }
0x80: {  	[sflag:s26] =	ssyncadd.s32 $0xFFFFFC18  }
0x81: {  	[spmem:s2] =	stream.indirect.scatter.add.f32 [tilespmem:s25], [sflag:$0x1], $0x10, s29, s30, $0xb8;
	[tilespmem:$0x1E6D0] =	vst v63  }
0x82: {  	_ =	swait.ge [sflag:s26], $0x3E80  }
.Ltmp2:
0x83: {  	[sflag:s26] =	ssyncset.done $0x0;
	(pc) =	sbr.rel @p0 .LBB2_6-.Ltmp2, $4  }
0x84: {  	[sflag:s26] =	ssyncadd.s32 $0xFFFFC180  }
0x85: {  	[spmem:s3] =	stream.indirect.scatter.add.f32 [tilespmem:s28], [sflag:$0x1], $0x1, s29, s30, $0xb8;
	[tilespmem:$0x1E6D0] =	vst v63  }
0x86: {  	_ =	swait.ge [sflag:s26], $0x3E8  }
0x87: {  	[sflag:s26] =	ssyncset.done $0x0  }
0x88: {  	s1 =	stileid.u32  }
0x89: {  	[sflag:s26] =	ssyncadd.s32 $0xFFFFFC18;
	s1 =	sshll.u32 s1, $0x6  }
0x8a: {  	s7 =	sshrl.u32 s5, $0x3;
	[bflag:$0x0] =	sbarrier.arrive $0xFFFF;
	s1 =	sor.u32 $0x1C01, s1  }
0x8b: {  	[hbm:s20], [sflag:s1] =	dma.local [spmem:s7], $0x3100  }
0x8c: {  	s31 =	sadd.s32 $0x1, s31;
	_ =	swait.ge [sflag:s26], $0x3100  }
0x8d: {  	p0 =	sne.s32 s31, s21;
	[sflag:s26] =	ssyncset.done $0x0  }
.Ltmp3:
0x8e: {  	s24 =	sshrl.u32 s6, $0x3;
	[sflag:s26] =	ssyncadd.s32 $0xFFFFCF00;
	(pc) =	sbr.rel @p0 .LBB2_1-.Ltmp3, $4  }
0x8f: {  	[hbm:s15], [sflag:s1] =	dma.local [spmem:s24], $0x310  }
0x90: {  	_ =	swait.ge [sflag:s26], $0x310  }
0x91: {  	[sflag:s26] =	ssyncset.done $0x0  }
0x92: {  	[sflag:s26] =	ssyncadd.s32 $0xFFFFFCF0  }
0x93: {  	_ =	sfence.sel $0x180000  }
0x94: {  	[bflag:$0x0] =	sbarrier.arrive $0xFFFF  }
0x95: {  	_ =	strace $0x90000053  }
0x96: {  	s0 =	stileid.u32;
	[bflag:$0x2] =	sbarrier.arrive $0xFFFF  }
0x97: {  	p0 =	sne.s32 s0, $0x0;
	s0 =	rddreg [dreg:$0x5]  }
0x98: {  	s0 =	sadd.s32 @!p0 $0x100000, s0  }
0x99: {  	[sflag:s0] =	ssyncadd.tile.s32 @!p0 $0x1;
	_ =	shalt  }
.Lfunc_end2:
_tile_overlayer_lowered:
.L_overlay_start_2:
0x9a: {  	(tag) =	ssettag $0x2  }
0x9b: {  	s0 =	rddreg [dreg:$0x0];
	s2 =	stileid.u32  }
0x9c: {  	s1 =	rddreg [dreg:$0x1];
	p0 =	sne.s32 s2, $0x0  }
0x9d: {  	s3 =	rddreg [dreg:$0x2];
	[bflag:$0x3] =	sbarrier.arrive $0xFFFF;
	s2 =	simm.s32 @!p0 $0x1C01  }
0x9e: {  	[timem:s3], [sflag:s2] =	dma.local @!p0 [hbm:s0], s1  }
0x9f: {  	s0 =	simm.s32 @!p0 $0x1  }
0xa0: {  	_ =	swait.ge @!p0 [sflag:s0], s1  }
0xa1: {  	s1 =	ssub.s32 @!p0 $0x0, s1;
	[sflag:s0] =	ssyncset.done @!p0 $0x0  }
0xa2: {  	[sflag:s0] =	ssyncadd.s32 @!p0 s1  }
0xa3: {  	[bflag:$0x3] =	sbarrier.arrive $0xFFFF  }
0xa4: {  	_ =	shalt  }

// kernel: kernel.31.cloned.1.call-start
scs
__scs_entry_jumppad:
0x0: {  	(pc) =	sbr.rel $0x88, $3  }
0x1: {  	(tag) =	ssettag $0x0;
	lr =	simm.s32 $0x1  }
0x2: {  	[smem:$0x3F7A] =	sst lr;
	_ =	strace $0xD0000000  }
0x3: {  	_ = 	snop  }
0x4: {  	_ = 	snop  }
0x5: {  	_ = 	snop  }
0x6: {  	_ = 	snop  }
0x7: {  	_ = 	snop  }
__scs_overlays_trampoline_lowered:
0x8: {  	[smem:$0x3F89] =	sst s0  }
0x9: {  	[smem:$0x3F8A] =	sst s1  }
0xa: {  	[smem:$0x3F8B] =	sst s2  }
0xb: {  	[smem:$0x3F8C] =	sst s3  }
0xc: {  	[smem:$0x3F8D] =	sst s4  }
0xd: {  	[smem:$0x3F8E] =	sst s5  }
0xe: {  	[smem:$0x3F8F] =	sst s6  }
0xf: {  	[smem:$0x3F90] =	sst s7  }
0x10: {  	[smem:$0x3F91] =	sst s8  }
0x11: {  	[smem:$0x3F92] =	sst s9;
	s0 =	simm.s32 @!p0 $0x0  }
0x12: {  	s1 =	sld [smem:$0x3F78];
	s0 =	simm.s32 @p0 $0x1  }
0x13: {  	[smem:$0x3F93] =	sst s0;
	s0 =	simm.s32 @!p1 $0x0  }
0x14: {  	s2 =	sld [smem:$0x3F77];
	s0 =	simm.s32 @p1 $0x1  }
0x15: {  	[smem:$0x3F94] =	sst s0;
	s0 =	simm.s32 @!p2 $0x0  }
0x16: {  	s3 =	sld [smem:$0x3FDB];
	s0 =	simm.s32 @p2 $0x1  }
0x17: {  	s4 =	simm.s32 $0x1BF5;
	[smem:$0x3F96] =	sst s0  }
0x18: {  	s0 =	sld [smem:$0x3F79];
	_ =	swait.ge [sflag:s4], $0x0  }
0x19: {  	s7 =	sld [smem:$0x3F7A]  }
0x1a: {  	s8 =	sadd.s32 $0xFFFFE003, lr  }
0x1b: {  	s9 =	sadd.s32 $0xFFFFFEF7, lr;
	s5 =	simm.s32 $0xFFFFFFFF;
	p2 =	slt.u32 s8, $0xFFFFF086  }
0x1c: {  	p1 =	slt.u32 s9, $0xF7A;
	s5 =	simm.s32 @!p2 $0x0  }
0x1d: {  	s5 =	simm.s32 @p1 $0x1;
	p0 =	seq.s32 s7, s2  }
0x1e: {  	s7 =	smul.u32 @!p0 $0xF7A, s2;
	p2 =	seq.s32 @!p0 s5, $0x0  }
0x1f: {  	s9 =	smul.u32 $0xF7A, s1;
	s8 =	simm.s32 @!p0 $0x1BF5;
	p2 =	por !p2, p0  }
0x20: {  	[sflag:s8] =	ssyncset.s32 @!p0 $0xFFFFF086;
	s6 =	sadd.s32 @!p0 s3, s7;
	s7 =	simm.s32 @!p0 $0x108  }
0x21: {  	s3 =	sadd.s32 s3, s9;
	s6 =	sadd.s32 @!p0 $0x88, s6;
	s7 =	simm.s32 @p2 $0x1082  }
0x22: {  	[simem:s7], [sflag:s8] =	dma.local @!p0 [hbm:s6], $0xF7A  }
0x23: {  	s9 =	sor.u32 $0xD0000000, s2;
	s6 =	simm.s32 $0x108;
	_ =	swait.ge @!p0 [sflag:s8], $0x0  }
0x24: {  	s3 =	sadd.s32 $0x88, s3;
	s6 =	simm.s32 @!p1 $0x1082;
	[sflag:s4] =	ssyncset.s32 $0xFFFFF086  }
0x25: {  	[simem:s6], [sflag:s4] =	dma.local [hbm:s3], $0xF7A  }
0x26: {  	[smem:$0x3F7A] =	sst s1;
	(tag) =	ssettag s2;
	_ =	strace s9  }
0x27: {  	s1 =	sld [smem:$0x3F8A]  }
0x28: {  	s2 =	sld [smem:$0x3F8B]  }
0x29: {  	s4 =	sld [smem:$0x3F8D]  }
0x2a: {  	p0 =	seq.s32 s5, $0x0;
	s5 =	sld [smem:$0x3F8E]  }
0x2b: {  	s6 =	sld [smem:$0x3F8F]  }
0x2c: {  	s7 =	sld [smem:$0x3F90]  }
0x2d: {  	s3 =	simm.s32 $0x108;
	s8 =	sld [smem:$0x3F91]  }
0x2e: {  	s3 =	simm.s32 @!p0 $0x1082;
	s9 =	sld [smem:$0x3F92]  }
0x2f: {  	lr =	sadd.s32 s0, s3;
	s0 =	sld [smem:$0x3F89]  }
0x30: {  	s3 =	sld [smem:$0x3F8C]  }
0x31: {  	[smem:$0x3F95] =	sst s10  }
0x32: {  	s10 =	sld [smem:$0x3F93];
	_ =	sdelay $0x3  }
0x33: {  	p0 =	seq.s32 s10, $0x1;
	s10 =	sld [smem:$0x3F95];
	_ =	sdelay $0x3  }
0x34: {  	[smem:$0x3F95] =	sst s10  }
0x35: {  	s10 =	sld [smem:$0x3F94];
	_ =	sdelay $0x3  }
0x36: {  	p1 =	seq.s32 s10, $0x1;
	s10 =	sld [smem:$0x3F95];
	_ =	sdelay $0x3  }
0x37: {  	[smem:$0x3F95] =	sst s10  }
0x38: {  	s10 =	sld [smem:$0x3F96]  }
0x39: {  	_ = 	snop;
	(pc) =	sbr.ind lr, $3  }
0x3a: {  	_ = 	snop  }
0x3b: {  	_ = 	snop  }
0x3c: {  	p2 =	seq.s32 s10, $0x1;
	s10 =	sld [smem:$0x3F95]  }
0x3d: {  	_ =	shalt  }
0x3e: {  	_ =	shalt  }
0x3f: {  	_ =	shalt  }
0x40: {  	_ =	shalt  }
0x41: {  	_ =	shalt  }
0x42: {  	_ =	shalt  }
0x43: {  	_ =	shalt  }
0x44: {  	_ =	shalt  }
0x45: {  	_ =	shalt  }
0x46: {  	_ =	shalt  }
0x47: {  	_ =	shalt  }
0x48: {  	_ =	shalt  }
0x49: {  	_ =	shalt  }
0x4a: {  	_ =	shalt  }
0x4b: {  	_ =	shalt  }
0x4c: {  	_ =	shalt  }
0x4d: {  	_ =	shalt  }
0x4e: {  	_ =	shalt  }
0x4f: {  	_ =	shalt  }
0x50: {  	_ =	shalt  }
0x51: {  	_ =	shalt  }
0x52: {  	_ =	shalt  }
0x53: {  	_ =	shalt  }
0x54: {  	_ =	shalt  }
0x55: {  	_ =	shalt  }
0x56: {  	_ =	shalt  }
0x57: {  	_ =	shalt  }
0x58: {  	_ =	shalt  }
0x59: {  	_ =	shalt  }
0x5a: {  	_ =	shalt  }
0x5b: {  	_ =	shalt  }
0x5c: {  	_ =	shalt  }
0x5d: {  	_ =	shalt  }
0x5e: {  	_ =	shalt  }
0x5f: {  	_ =	shalt  }
0x60: {  	_ =	shalt  }
0x61: {  	_ =	shalt  }
0x62: {  	_ =	shalt  }
0x63: {  	_ =	shalt  }
0x64: {  	_ =	shalt  }
0x65: {  	_ =	shalt  }
0x66: {  	_ =	shalt  }
0x67: {  	_ =	shalt  }
0x68: {  	_ =	shalt  }
0x69: {  	_ =	shalt  }
0x6a: {  	_ =	shalt  }
0x6b: {  	_ =	shalt  }
0x6c: {  	_ =	shalt  }
0x6d: {  	_ =	shalt  }
0x6e: {  	_ =	shalt  }
0x6f: {  	_ =	shalt  }
0x70: {  	_ =	shalt  }
0x71: {  	_ =	shalt  }
0x72: {  	_ =	shalt  }
0x73: {  	_ =	shalt  }
0x74: {  	_ =	shalt  }
0x75: {  	_ =	shalt  }
0x76: {  	_ =	shalt  }
0x77: {  	_ =	shalt  }
0x78: {  	_ =	shalt  }
0x79: {  	_ =	shalt  }
0x7a: {  	_ =	shalt  }
0x7b: {  	_ =	shalt  }
0x7c: {  	_ =	shalt  }
0x7d: {  	_ =	shalt  }
0x7e: {  	_ =	shalt  }
0x7f: {  	_ =	shalt  }
0x80: {  	_ =	shalt  }
0x81: {  	_ =	shalt  }
0x82: {  	_ =	shalt  }
0x83: {  	_ =	shalt  }
0x84: {  	_ =	shalt  }
0x85: {  	_ =	shalt  }
0x86: {  	_ =	shalt  }
0x87: {  	_ =	shalt  }
.Lfunc_end0:
.L_simem_size_0:
called_computation.6_lowered:
.L_overlay_start_0:
0x88: {  	s2 =	sld [smem:$0x3FD9]  }
0x89: {  	s3 =	sld [smem:$0x3FFE];
	_ =	sdelay $0x1  }
0x8a: {  	s1 =	srdreg.scid  }
0x8b: {  	s0 =	sand.u32 $0x1, s1  }
0x8c: {  	s15 =	sshll.u32 s0, $0xA;
	s2 =	sadd.s32 s3, s2  }
0x8d: {  	s2 =	sadd.s32 s2, s15  }
0x8e: {  	[smem:$0x3FA1] =	sst s2  }
0x8f: {  	_ = 	snop  }
0x90: {  	s2 =	sld [smem:$0x3FD0];
	_ =	sdelay $0x2  }
0x91: {  	s16 =	simm.s32 $0xD;
	s4 =	simm.s32 $0x10  }
0x92: {  	[smem:s4], [sflag:s16] =	dma.local [hbm:s2], $0x1  }
0x93: {  	_ =	swait.eq [sflag:s16], $0x1  }
0x94: {  	[sflag:s16] =	ssyncset.done $0x0  }
0x95: {  	[sflag:s16] =	ssyncadd.s32 $0xFFFFFFFF  }
0x96: {  	s17 =	sld [smem:$0x10];
	(tm) =	ssettm $0x1  }
0x97: {  	s18 =	sld [smem:$0x3FFB];
	_ =	sdelay $0x3  }
0x98: {  	_ =	strace s18  }
0x99: {  	s2 =	sld [smem:$0x3FFC];
	_ =	sdelay $0x3  }
0x9a: {  	_ =	strace s2  }
0x9b: {  	s2 =	sld [smem:$0x3FFD];
	_ =	sdelay $0x3  }
0x9c: {  	_ =	strace s2  }
0x9d: {  	_ =	strace $0x8FFFFFFF  }
0x9e: {  	s19 =	sld [smem:$0x3FDB];
	_ =	sdelay $0x1  }
0x9f: {  	s20 =	simm.s32 $_scs_section_size  }
0xa0: {  	s5 =	simm.s32 $_size__tile_overlayer_lowered;
	s6 =	simm.s32 $_tile_overlayer_lowered  }
0xa1: {  	s7 =	simm.s32 $0x1BFF;
	s21 =	sshll.u32 s6, $0x1;
	s4 =	sadd.s32 s20, s19  }
0xa2: {  	s22 =	simm.s32 $0x0;
	s5 =	sshll.u32 s5, $0x1;
	s6 =	sadd.s32 s21, s4  }
0xa3: {  	[timem:s22], [sflag:s7] =	dma.local [hbm:s6], s5  }
0xa4: {  	_ =	swait.ge [sflag:s7], s5  }
0xa5: {  	s5 =	ssub.s32 $0x0, s5;
	[sflag:s7] =	ssyncset.done $0x0  }
0xa6: {  	[sflag:s7] =	ssyncadd.s32 s5;
	_ =	sdelay $0x1  }
0xa7: {  	s23 =	simm.s32 $0x1B8B  }
0xa8: {  	_ =	swait.ge [sflag:s23], $0x1  }
0xa9: {  	[sflag:s23] =	ssyncset.done $0x0  }
0xaa: {  	[sflag:s23] =	ssyncadd.s32 $0xFFFFFFFF  }
0xab: {  	s5 =	sld [smem:$0x0]  }
0xac: {  	s6 =	sand.u32 $0xFFFFFFFE, s1  }
0xad: {  	p0 =	sne.s32 s1, s6  }
0xae: {  	s6 =	sshll.u32 @p0 s6, $0xE  }
0xaf: {  	s6 =	sadd.s32 @p0 $0x11B8D, s6;
	s7 =	sshll.u32 @p0 s5, $0x11  }
0xb0: {  	s6 =	sor.u32 @p0 s7, s6  }
0xb1: {  	[sflag:s6] =	ssyncadd.remote.s32 @p0 $0x1;
	_ =	sdelay $0x1  }
0xb2: {  	s6 =	simm.s32 @p0 $0x1B8D  }
0xb3: {  	_ =	swait.eq @p0 [sflag:s6], $0x1  }
0xb4: {  	[sflag:s6] =	ssyncadd.s32 @p0 $0xFFFFFFFF  }
0xb5: {  	s7 =	sshll.u32 @!p0 s1, $0xE  }
0xb6: {  	s7 =	sor.u32 @!p0 $0x4000, s7;
	s6 =	simm.s32 @!p0 $0x1B8D  }
0xb7: {  	s5 =	sshll.u32 @!p0 s5, $0x11;
	s7 =	sadd.s32 @!p0 $0x11B8D, s7;
	_ =	swait.eq @!p0 [sflag:s6], $0x1  }
0xb8: {  	s5 =	sor.u32 @!p0 s5, s7;
	[sflag:s6] =	ssyncadd.s32 @!p0 $0xFFFFFFFF  }
0xb9: {  	s25 =	simm.s32 $0x1B8E;
	s24 =	sld [smem:$0x3FFE];
	[sflag:s5] =	ssyncadd.remote.s32 @!p0 $0x1  }
0xba: {  	s26 =	simm.s32 $execute0_lowered;
	[smem:$0x3FD2] =	sst s25  }
0xbb: {  	s6 =	sshll.u32 s26, $0x1;
	_ =	strace $0x80000058;
	[dreg:$0x1] =	wrdreg $0xFFFFFFFF  }
0xbc: {  	s28 =	simm.s32 $_size_execute0_lowered;
	s4 =	sadd.s32 s4, s6;
	[dreg:$0x0] =	wrdreg $0x0  }
0xbd: {  	s6 =	sshll.u32 s28, $0x1;
	[dreg:$0x2] =	wrdreg s4  }
0xbe: {  	[dreg:$0x3] =	wrdreg s6  }
0xbf: {  	[dreg:$0x4] =	wrdreg $0xC0  }
0xc0: {  	_ =	task [dreg:s22], $0x5FFFF  }
0xc1: {  	[dreg:$0x1] =	wrdreg $0xFFFFFFFF  }
0xc2: {  	[dreg:$0x0] =	wrdreg $0x60  }
0xc3: {  	[dreg:$0x2] =	wrdreg s17  }
0xc4: {  	[dreg:$0x3] =	wrdreg s24  }
0xc5: {  	[dreg:$0x4] =	wrdreg $0x9  }
0xc6: {  	_ =	task.clear_ibuf [dreg:s22], $0x5FFFF;
	_ =	strace $0x90000058  }
0xc7: {  	s29 =	simm.s32 $0x9;
	_ =	strace $0x8000005A  }
0xc8: {  	_ =	swait.ge [sflag:s29], $0x1  }
0xc9: {  	[sflag:s29] =	ssyncadd.s32 $0xFFFFFFFF  }
0xca: {  	_ =	strace $0x9000005A  }
0xcb: {  	_ =	sfence  }
0xcc: {  	s30 =	sld [smem:$0x0];
	_ =	sdelay $0x2  }
0xcd: {  	s31 =	sshll.u32 s1, $0xD;
	s1 =	sshrl.u32 s1, $0x2  }
0xce: {  	s4 =	sand.u32 $0x4000, s31;
	s1 =	sadd.s32 s1, s30  }
0xcf: {  	s0 =	sor.u32 s4, s0;
	s1 =	sshll.u32 s1, $0x11  }
0xd0: {  	s0 =	sor.u32 s1, s0  }
0xd1: {  	s0 =	sadd.s32 $0x8F2B, s0  }
0xd2: {  	[sflag:s0] =	ssyncadd.remote.s32 $0x1  }
0xd3: {  	_ =	sfence.sel $0xFFFF  }
0xd4: {  	[dreg:$0x0] =	wrdreg $0xFFFFFFFF;
	(pc) =	sbr.abs _section_cstart, $3  }
0xd5: {  	[dreg:$0x1] =	wrdreg $0xFFFFFFFF  }
0xd6: {  	_ =	task.clear_ibuf [dreg:s22], $0x2FFFF;
	_ =	strace $0x9FFFFFFF  }
0xd7: {  	(tm) =	ssettm $0x7FFFFFFF  }
tec
execute0_lowered:
.L_overlay_start_1:
0x0: {  	(tag) =	ssettag $0x1  }
0x1: {  	s2 =	rddreg [dreg:$0x0]  }
0x2: {  	s4 =	rddreg [dreg:$0x1]  }
0x3: {  	s0 =	rddreg [dreg:$0x2];
	s1 =	stileid.u32  }
0x4: {  	s5 =	srdreg.scid;
	s3 =	simm.s32 $0x0;
	s6 =	smul.u32 $0x186A0, s1  }
0x5: {  	s10 =	simm.s32 $0x0;
	s5 =	sand.u32 $0x1, s5;
	s8 =	smul.u32 $0x30D40, s1  }
0x6: {  	[smem:$0x7FF] =	sst s3;
	s7 =	smul.u32 $0xC350, s5;
	s9 =	ssub.s32 $0x2, s5  }
0x7: {  	_ =	strace $0x80000059;
	s5 =	smul.u32 $0x186A0, s5;
	s31 =	sshrl.u32 s9, $0x1  }
0x8: {  	s8 =	sadd.s32 s8, s4;
	s6 =	sadd.s32 s7, s6;
	s7 =	ssub.s32 s9, s31  }
0x9: {  	s5 =	sadd.s32 s5, s8;
	s8 =	simm.s32 $0x3E8;
	s6 =	sshrl.u32 s6, $0x3  }
0xa: {  	s9 =	simm.s32 $0x1;
	s5 =	sadd.s32 $0x96000, s5;
	s6 =	sadd.s32 s6, s4  }
0xb: {  	s4 =	smax.u32 s7, $0x1;
	s7 =	simm.s32 $0x2;
	s6 =	sadd.s32 $0x34400, s6  }
.LBB2_1:
0xc: {  	s11 =	sadd.s32 $0x0, s6  }
0xd: {  	[tilespmem:s3], [sflag:$0x2] =	stream.linear.gather [hbm4b:s11+s3], $0x3E8, $0x38;
	[tilespmem:$0x4268] =	vst v63  }
0xe: {  	_ =	swait.ge [sflag:s7], $0x3E8  }
0xf: {  	[sflag:s7] =	ssyncset.done $0x0  }
0x10: {  	[sflag:s7] =	ssyncadd.s32 $0xFFFFFC18  }
0x11: {  	[tilespmem:s8], [sflag:$0x1] =	stream.indirect.gather [hbm4b:s2+s8], $0x10, s3, s8, $0xb8;
	[tilespmem:$0x4268] =	vst v63  }
0x12: {  	_ =	swait.ge [sflag:s9], $0x3E80  }
0x13: {  	[sflag:s9] =	ssyncset.done $0x0  }
0x14: {  	[sflag:s9] =	ssyncadd.s32 $0xFFFFC180  }
0x15: {  	[hbm4b:s5+s3] =	stream.linear.scatter [tilespmem:s8], [sflag:$0x2], $0x3E80, $0x38;
	[tilespmem:$0x4268] =	vst v63  }
0x16: {  	s12 =	simm.s32 $0x7D;
	_ =	swait.ge [sflag:s7], $0x3E80  }
0x17: {  	s13 =	simm.s32 $0xFA;
	s11 =	sadd.s32 $0x7D0, s5;
	[sflag:s7] =	ssyncset.done $0x0  }
.LBB2_2:
0x18: {  	s14 =	sadd.s32 s12, s6  }
0x19: {  	[sflag:s7] =	ssyncadd.s32 $0xFFFFC180;
	s12 =	smov.u32 s13;
	s15 =	sadd.s32 $0x7D, s13  }
0x1a: {  	[tilespmem:s3], [sflag:$0x2] =	stream.linear.gather [hbm4b:s14+s3], $0x3E8, $0x38;
	[tilespmem:$0x4268] =	vst v63  }
0x1b: {  	p0 =	sne.s32 s13, $0x17ED;
	_ =	swait.ge [sflag:s7], $0x3E8  }
0x1c: {  	[sflag:s7] =	ssyncset.done $0x0  }
0x1d: {  	[sflag:s7] =	ssyncadd.s32 $0xFFFFFC18  }
0x1e: {  	[tilespmem:s8], [sflag:$0x1] =	stream.indirect.gather [hbm4b:s2+s8], $0x10, s3, s8, $0xb8;
	[tilespmem:$0x4268] =	vst v63  }
0x1f: {  	_ =	swait.ge [sflag:s9], $0x3E80  }
.Ltmp0:
0x20: {  	[sflag:s9] =	ssyncset.done $0x0;
	(pc) =	sbr.rel @p0 .LBB2_2-.Ltmp0, $4  }
0x21: {  	[sflag:s9] =	ssyncadd.s32 $0xFFFFC180  }
0x22: {  	[hbm4b:s11+s3] =	stream.linear.scatter [tilespmem:s8], [sflag:$0x2], $0x3E80, $0x38;
	[tilespmem:$0x4268] =	vst v63  }
0x23: {  	_ =	swait.ge [sflag:s7], $0x3E80  }
0x24: {  	s13 =	smov.u32 s15;
	s11 =	sadd.s32 $0x7D0, s11;
	[sflag:s7] =	ssyncset.done $0x0  }
0x25: {  	s12 =	sadd.s32 s12, s6;
	[sflag:s7] =	ssyncadd.s32 $0xFFFFC180  }
0x26: {  	[tilespmem:s3], [sflag:$0x2] =	stream.linear.gather [hbm4b:s12+s3], $0x3E8, $0x38;
	[tilespmem:$0x4268] =	vst v63  }
0x27: {  	_ =	swait.ge [sflag:s7], $0x3E8  }
0x28: {  	[sflag:s7] =	ssyncset.done $0x0  }
0x29: {  	[sflag:s7] =	ssyncadd.s32 $0xFFFFFC18  }
0x2a: {  	[tilespmem:s8], [sflag:$0x1] =	stream.indirect.gather [hbm4b:s2+s8], $0x10, s3, s8, $0xb8;
	[tilespmem:$0x4268] =	vst v63  }
0x2b: {  	s10 =	sadd.s32 $0x1, s10;
	_ =	swait.ge [sflag:s9], $0x3E80  }
0x2c: {  	p0 =	sne.s32 s10, s4;
	[sflag:s9] =	ssyncset.done $0x0  }
.Ltmp1:
0x2d: {  	[sflag:s9] =	ssyncadd.s32 $0xFFFFC180;
	(pc) =	sbr.rel @p0 .LBB2_1-.Ltmp1, $4  }
0x2e: {  	[hbm4b:s11+s3] =	stream.linear.scatter [tilespmem:s8], [sflag:$0x2], $0x3E80, $0x38;
	[tilespmem:$0x4268] =	vst v63  }
0x2f: {  	_ =	swait.ge [sflag:s7], $0x3E80  }
0x30: {  	[sflag:s7] =	ssyncset.done $0x0  }
0x31: {  	[sflag:s7] =	ssyncadd.s32 $0xFFFFC180  }
0x32: {  	_ =	sfence.sel $0x180000  }
0x33: {  	[bflag:$0x0] =	sbarrier.arrive $0xFFFF  }
0x34: {  	p0 =	sne.s32 s1, $0x0;
	_ =	strace $0x90000059  }
0x35: {  	s0 =	sadd.s32 @!p0 $0x100000, s0;
	[bflag:$0x2] =	sbarrier.arrive $0xFFFF  }
0x36: {  	[sflag:s0] =	ssyncadd.tile.s32 @!p0 $0x1;
	_ =	shalt  }
.Lfunc_end2:
_tile_overlayer_lowered:
.L_overlay_start_2:
0x37: {  	(tag) =	ssettag $0x2  }
0x38: {  	s0 =	rddreg [dreg:$0x0];
	s2 =	stileid.u32  }
0x39: {  	s1 =	rddreg [dreg:$0x1];
	p0 =	sne.s32 s2, $0x0  }
0x3a: {  	s3 =	rddreg [dreg:$0x2];
	[bflag:$0x3] =	sbarrier.arrive $0xFFFF;
	s2 =	simm.s32 @!p0 $0x1C02  }
0x3b: {  	[timem:s3], [sflag:s2] =	dma.local @!p0 [hbm:s0], s1  }
0x3c: {  	s0 =	simm.s32 @!p0 $0x2  }
0x3d: {  	_ =	swait.ge @!p0 [sflag:s0], s1  }
0x3e: {  	s1 =	ssub.s32 @!p0 $0x0, s1;
	[sflag:s0] =	ssyncset.done @!p0 $0x0  }
0x3f: {  	[sflag:s0] =	ssyncadd.s32 @!p0 s1  }
0x40: {  	[bflag:$0x3] =	sbarrier.arrive $0xFFFF  }
0x41: {  	_ =	shalt  }

// kernel: kernel.34.cloned.1.call-start
scs
__scs_entry_jumppad:
0x0: {  	(pc) =	sbr.rel $0x88, $3  }
0x1: {  	(tag) =	ssettag $0x0;
	lr =	simm.s32 $0x1  }
0x2: {  	[smem:$0x3F7A] =	sst lr;
	_ =	strace $0xD0000000  }
0x3: {  	_ = 	snop  }
0x4: {  	_ = 	snop  }
0x5: {  	_ = 	snop  }
0x6: {  	_ = 	snop  }
0x7: {  	_ = 	snop  }
__scs_overlays_trampoline_lowered:
0x8: {  	[smem:$0x3F89] =	sst s0  }
0x9: {  	[smem:$0x3F8A] =	sst s1  }
0xa: {  	[smem:$0x3F8B] =	sst s2  }
0xb: {  	[smem:$0x3F8C] =	sst s3  }
0xc: {  	[smem:$0x3F8D] =	sst s4  }
0xd: {  	[smem:$0x3F8E] =	sst s5  }
0xe: {  	[smem:$0x3F8F] =	sst s6  }
0xf: {  	[smem:$0x3F90] =	sst s7  }
0x10: {  	[smem:$0x3F91] =	sst s8  }
0x11: {  	[smem:$0x3F92] =	sst s9;
	s0 =	simm.s32 @!p0 $0x0  }
0x12: {  	s1 =	sld [smem:$0x3F78];
	s0 =	simm.s32 @p0 $0x1  }
0x13: {  	[smem:$0x3F93] =	sst s0;
	s0 =	simm.s32 @!p1 $0x0  }
0x14: {  	s2 =	sld [smem:$0x3F77];
	s0 =	simm.s32 @p1 $0x1  }
0x15: {  	[smem:$0x3F94] =	sst s0;
	s0 =	simm.s32 @!p2 $0x0  }
0x16: {  	s3 =	sld [smem:$0x3FDB];
	s0 =	simm.s32 @p2 $0x1  }
0x17: {  	s4 =	simm.s32 $0x1BF5;
	[smem:$0x3F96] =	sst s0  }
0x18: {  	s0 =	sld [smem:$0x3F79];
	_ =	swait.ge [sflag:s4], $0x0  }
0x19: {  	s7 =	sld [smem:$0x3F7A]  }
0x1a: {  	s8 =	sadd.s32 $0xFFFFE003, lr  }
0x1b: {  	s9 =	sadd.s32 $0xFFFFFEF7, lr;
	s5 =	simm.s32 $0xFFFFFFFF;
	p2 =	slt.u32 s8, $0xFFFFF086  }
0x1c: {  	p1 =	slt.u32 s9, $0xF7A;
	s5 =	simm.s32 @!p2 $0x0  }
0x1d: {  	s5 =	simm.s32 @p1 $0x1;
	p0 =	seq.s32 s7, s2  }
0x1e: {  	s7 =	smul.u32 @!p0 $0xF7A, s2;
	p2 =	seq.s32 @!p0 s5, $0x0  }
0x1f: {  	s9 =	smul.u32 $0xF7A, s1;
	s8 =	simm.s32 @!p0 $0x1BF5;
	p2 =	por !p2, p0  }
0x20: {  	[sflag:s8] =	ssyncset.s32 @!p0 $0xFFFFF086;
	s6 =	sadd.s32 @!p0 s3, s7;
	s7 =	simm.s32 @!p0 $0x108  }
0x21: {  	s3 =	sadd.s32 s3, s9;
	s6 =	sadd.s32 @!p0 $0x88, s6;
	s7 =	simm.s32 @p2 $0x1082  }
0x22: {  	[simem:s7], [sflag:s8] =	dma.local @!p0 [hbm:s6], $0xF7A  }
0x23: {  	s9 =	sor.u32 $0xD0000000, s2;
	s6 =	simm.s32 $0x108;
	_ =	swait.ge @!p0 [sflag:s8], $0x0  }
0x24: {  	s3 =	sadd.s32 $0x88, s3;
	s6 =	simm.s32 @!p1 $0x1082;
	[sflag:s4] =	ssyncset.s32 $0xFFFFF086  }
0x25: {  	[simem:s6], [sflag:s4] =	dma.local [hbm:s3], $0xF7A  }
0x26: {  	[smem:$0x3F7A] =	sst s1;
	(tag) =	ssettag s2;
	_ =	strace s9  }
0x27: {  	s1 =	sld [smem:$0x3F8A]  }
0x28: {  	s2 =	sld [smem:$0x3F8B]  }
0x29: {  	s4 =	sld [smem:$0x3F8D]  }
0x2a: {  	p0 =	seq.s32 s5, $0x0;
	s5 =	sld [smem:$0x3F8E]  }
0x2b: {  	s6 =	sld [smem:$0x3F8F]  }
0x2c: {  	s7 =	sld [smem:$0x3F90]  }
0x2d: {  	s3 =	simm.s32 $0x108;
	s8 =	sld [smem:$0x3F91]  }
0x2e: {  	s3 =	simm.s32 @!p0 $0x1082;
	s9 =	sld [smem:$0x3F92]  }
0x2f: {  	lr =	sadd.s32 s0, s3;
	s0 =	sld [smem:$0x3F89]  }
0x30: {  	s3 =	sld [smem:$0x3F8C]  }
0x31: {  	[smem:$0x3F95] =	sst s10  }
0x32: {  	s10 =	sld [smem:$0x3F93];
	_ =	sdelay $0x3  }
0x33: {  	p0 =	seq.s32 s10, $0x1;
	s10 =	sld [smem:$0x3F95];
	_ =	sdelay $0x3  }
0x34: {  	[smem:$0x3F95] =	sst s10  }
0x35: {  	s10 =	sld [smem:$0x3F94];
	_ =	sdelay $0x3  }
0x36: {  	p1 =	seq.s32 s10, $0x1;
	s10 =	sld [smem:$0x3F95];
	_ =	sdelay $0x3  }
0x37: {  	[smem:$0x3F95] =	sst s10  }
0x38: {  	s10 =	sld [smem:$0x3F96]  }
0x39: {  	_ = 	snop;
	(pc) =	sbr.ind lr, $3  }
0x3a: {  	_ = 	snop  }
0x3b: {  	_ = 	snop  }
0x3c: {  	p2 =	seq.s32 s10, $0x1;
	s10 =	sld [smem:$0x3F95]  }
0x3d: {  	_ =	shalt  }
0x3e: {  	_ =	shalt  }
0x3f: {  	_ =	shalt  }
0x40: {  	_ =	shalt  }
0x41: {  	_ =	shalt  }
0x42: {  	_ =	shalt  }
0x43: {  	_ =	shalt  }
0x44: {  	_ =	shalt  }
0x45: {  	_ =	shalt  }
0x46: {  	_ =	shalt  }
0x47: {  	_ =	shalt  }
0x48: {  	_ =	shalt  }
0x49: {  	_ =	shalt  }
0x4a: {  	_ =	shalt  }
0x4b: {  	_ =	shalt  }
0x4c: {  	_ =	shalt  }
0x4d: {  	_ =	shalt  }
0x4e: {  	_ =	shalt  }
0x4f: {  	_ =	shalt  }
0x50: {  	_ =	shalt  }
0x51: {  	_ =	shalt  }
0x52: {  	_ =	shalt  }
0x53: {  	_ =	shalt  }
0x54: {  	_ =	shalt  }
0x55: {  	_ =	shalt  }
0x56: {  	_ =	shalt  }
0x57: {  	_ =	shalt  }
0x58: {  	_ =	shalt  }
0x59: {  	_ =	shalt  }
0x5a: {  	_ =	shalt  }
0x5b: {  	_ =	shalt  }
0x5c: {  	_ =	shalt  }
0x5d: {  	_ =	shalt  }
0x5e: {  	_ =	shalt  }
0x5f: {  	_ =	shalt  }
0x60: {  	_ =	shalt  }
0x61: {  	_ =	shalt  }
0x62: {  	_ =	shalt  }
0x63: {  	_ =	shalt  }
0x64: {  	_ =	shalt  }
0x65: {  	_ =	shalt  }
0x66: {  	_ =	shalt  }
0x67: {  	_ =	shalt  }
0x68: {  	_ =	shalt  }
0x69: {  	_ =	shalt  }
0x6a: {  	_ =	shalt  }
0x6b: {  	_ =	shalt  }
0x6c: {  	_ =	shalt  }
0x6d: {  	_ =	shalt  }
0x6e: {  	_ =	shalt  }
0x6f: {  	_ =	shalt  }
0x70: {  	_ =	shalt  }
0x71: {  	_ =	shalt  }
0x72: {  	_ =	shalt  }
0x73: {  	_ =	shalt  }
0x74: {  	_ =	shalt  }
0x75: {  	_ =	shalt  }
0x76: {  	_ =	shalt  }
0x77: {  	_ =	shalt  }
0x78: {  	_ =	shalt  }
0x79: {  	_ =	shalt  }
0x7a: {  	_ =	shalt  }
0x7b: {  	_ =	shalt  }
0x7c: {  	_ =	shalt  }
0x7d: {  	_ =	shalt  }
0x7e: {  	_ =	shalt  }
0x7f: {  	_ =	shalt  }
0x80: {  	_ =	shalt  }
0x81: {  	_ =	shalt  }
0x82: {  	_ =	shalt  }
0x83: {  	_ =	shalt  }
0x84: {  	_ =	shalt  }
0x85: {  	_ =	shalt  }
0x86: {  	_ =	shalt  }
0x87: {  	_ =	shalt  }
.Lfunc_end0:
.L_simem_size_0:
called_computation.7_lowered:
.L_overlay_start_0:
0x88: {  	s2 =	sld [smem:$0x3FD9]  }
0x89: {  	s3 =	sld [smem:$0x3FFE];
	_ =	sdelay $0x1  }
0x8a: {  	s1 =	srdreg.scid  }
0x8b: {  	s0 =	sand.u32 $0x1, s1  }
0x8c: {  	s17 =	sshll.u32 s0, $0xA;
	s2 =	sadd.s32 s3, s2  }
0x8d: {  	s2 =	sadd.s32 s2, s17  }
0x8e: {  	[smem:$0x3FA1] =	sst s2  }
0x8f: {  	_ = 	snop  }
0x90: {  	(tm) =	ssettm $0x1  }
0x91: {  	s18 =	sld [smem:$0x3FFB];
	_ =	sdelay $0x3  }
0x92: {  	_ =	strace s18  }
0x93: {  	s2 =	sld [smem:$0x3FFC];
	_ =	sdelay $0x3  }
0x94: {  	_ =	strace s2  }
0x95: {  	s2 =	sld [smem:$0x3FFD];
	_ =	sdelay $0x3  }
0x96: {  	_ =	strace s2  }
0x97: {  	_ =	strace $0x8FFFFFFF  }
0x98: {  	s19 =	sld [smem:$0x3FDB];
	_ =	sdelay $0x1  }
0x99: {  	s20 =	simm.s32 $_scs_section_size  }
0x9a: {  	s4 =	simm.s32 $_size__tile_overlayer_lowered;
	s5 =	simm.s32 $_tile_overlayer_lowered  }
0x9b: {  	s6 =	simm.s32 $0x1BFF;
	s21 =	sshll.u32 s5, $0x1;
	s3 =	sadd.s32 s20, s19  }
0x9c: {  	s22 =	simm.s32 $0x0;
	s4 =	sshll.u32 s4, $0x1;
	s5 =	sadd.s32 s21, s3  }
0x9d: {  	[timem:s22], [sflag:s6] =	dma.local [hbm:s5], s4  }
0x9e: {  	_ =	swait.ge [sflag:s6], s4  }
0x9f: {  	s4 =	ssub.s32 $0x0, s4;
	[sflag:s6] =	ssyncset.done $0x0  }
0xa0: {  	[sflag:s6] =	ssyncadd.s32 s4;
	_ =	sdelay $0x1  }
0xa1: {  	s23 =	simm.s32 $0x1B8B  }
0xa2: {  	_ =	swait.ge [sflag:s23], $0x1  }
0xa3: {  	[sflag:s23] =	ssyncset.done $0x0  }
0xa4: {  	[sflag:s23] =	ssyncadd.s32 $0xFFFFFFFF  }
0xa5: {  	s4 =	sld [smem:$0x0]  }
0xa6: {  	s5 =	sand.u32 $0xFFFFFFFE, s1  }
0xa7: {  	p0 =	sne.s32 s1, s5  }
0xa8: {  	s5 =	sshll.u32 @p0 s5, $0xE  }
0xa9: {  	s5 =	sadd.s32 @p0 $0x11B8D, s5;
	s6 =	sshll.u32 @p0 s4, $0x11  }
0xaa: {  	s5 =	sor.u32 @p0 s6, s5  }
0xab: {  	[sflag:s5] =	ssyncadd.remote.s32 @p0 $0x1;
	_ =	sdelay $0x1  }
0xac: {  	s5 =	simm.s32 @p0 $0x1B8D  }
0xad: {  	_ =	swait.eq @p0 [sflag:s5], $0x1  }
0xae: {  	[sflag:s5] =	ssyncadd.s32 @p0 $0xFFFFFFFF  }
0xaf: {  	s6 =	sshll.u32 @!p0 s1, $0xE  }
0xb0: {  	s6 =	sor.u32 @!p0 $0x4000, s6;
	s5 =	simm.s32 @!p0 $0x1B8D  }
0xb1: {  	s4 =	sshll.u32 @!p0 s4, $0x11;
	s6 =	sadd.s32 @!p0 $0x11B8D, s6;
	_ =	swait.eq @!p0 [sflag:s5], $0x1  }
0xb2: {  	s4 =	sor.u32 @!p0 s4, s6;
	[sflag:s5] =	ssyncadd.s32 @!p0 $0xFFFFFFFF  }
0xb3: {  	s25 =	simm.s32 $0x1B8E;
	s24 =	sld [smem:$0x3FFE];
	[sflag:s4] =	ssyncadd.remote.s32 @!p0 $0x1  }
0xb4: {  	s26 =	simm.s32 $execute0_lowered;
	[smem:$0x3FD2] =	sst s25  }
0xb5: {  	s5 =	sshll.u32 s26, $0x1;
	_ =	strace $0x8000005B;
	[dreg:$0x1] =	wrdreg $0xFFFFFFFF  }
0xb6: {  	s28 =	simm.s32 $_size_execute0_lowered;
	s3 =	sadd.s32 s3, s5;
	[dreg:$0x0] =	wrdreg $0x0  }
0xb7: {  	s5 =	sshll.u32 s28, $0x1;
	[dreg:$0x2] =	wrdreg s3  }
0xb8: {  	[dreg:$0x3] =	wrdreg s5  }
0xb9: {  	[dreg:$0x4] =	wrdreg $0xC0  }
0xba: {  	_ =	task [dreg:s22], $0x5FFFF  }
0xbb: {  	[dreg:$0x1] =	wrdreg $0xFFFFFFFF  }
0xbc: {  	[dreg:$0x0] =	wrdreg $0x60  }
0xbd: {  	[dreg:$0x2] =	wrdreg s24  }
0xbe: {  	[dreg:$0x3] =	wrdreg $0xB  }
0xbf: {  	_ =	task.clear_ibuf [dreg:s22], $0x4FFFF;
	_ =	strace $0x9000005B  }
0xc0: {  	s29 =	simm.s32 $0xB;
	_ =	strace $0x8000005D  }
0xc1: {  	_ =	swait.ge [sflag:s29], $0x1  }
0xc2: {  	[sflag:s29] =	ssyncadd.s32 $0xFFFFFFFF  }
0xc3: {  	_ =	strace $0x9000005D  }
0xc4: {  	_ =	sfence  }
0xc5: {  	s30 =	sld [smem:$0x0];
	_ =	sdelay $0x2  }
0xc6: {  	s31 =	sshll.u32 s1, $0xD;
	s1 =	sshrl.u32 s1, $0x2  }
0xc7: {  	s4 =	sand.u32 $0x4000, s31;
	s1 =	sadd.s32 s1, s30  }
0xc8: {  	s0 =	sor.u32 s4, s0;
	s1 =	sshll.u32 s1, $0x11  }
0xc9: {  	s0 =	sor.u32 s1, s0  }
0xca: {  	s0 =	sadd.s32 $0x8F2B, s0  }
0xcb: {  	[sflag:s0] =	ssyncadd.remote.s32 $0x1  }
0xcc: {  	_ =	sfence.sel $0xFFFF  }
0xcd: {  	[dreg:$0x0] =	wrdreg $0xFFFFFFFF;
	(pc) =	sbr.abs _section_cstart, $3  }
0xce: {  	[dreg:$0x1] =	wrdreg $0xFFFFFFFF  }
0xcf: {  	_ =	task.clear_ibuf [dreg:s22], $0x2FFFF;
	_ =	strace $0x9FFFFFFF  }
0xd0: {  	(tm) =	ssettm $0x7FFFFFFF  }
0xd1: {  	_ =	shalt  }
tec
execute0_lowered:
.L_overlay_start_1:
0x0: {  	(tag) =	ssettag $0x1  }
0x1: {  	s4 =	rddreg [dreg:$0x0]  }
0x2: {  	s0 =	rddreg [dreg:$0x1];
	s2 =	simm.s32 $0x0;
	s1 =	stileid.u32  }
0x3: {  	s3 =	srdreg.scid;
	s10 =	simm.s32 $0x0;
	s6 =	smul.u32 $0x186A0, s1  }
0x4: {  	[smem:$0x7FF] =	sst s2;
	s5 =	sand.u32 $0x1, s3;
	s8 =	smul.u32 $0x30D40, s1  }
0x5: {  	s3 =	sadd.s32 $0x9E3000, s4;
	s7 =	smul.u32 $0xC350, s5;
	s9 =	ssub.s32 $0x2, s5  }
0x6: {  	_ =	strace $0x8000005C;
	s5 =	smul.u32 $0x186A0, s5;
	s31 =	sshrl.u32 s9, $0x1  }
0x7: {  	s8 =	sadd.s32 s8, s4;
	s6 =	sadd.s32 s7, s6;
	s7 =	ssub.s32 s9, s31  }
0x8: {  	s5 =	sadd.s32 s5, s8;
	s8 =	simm.s32 $0x3E8;
	s6 =	sshrl.u32 s6, $0x3  }
0x9: {  	s9 =	simm.s32 $0x1;
	s5 =	sadd.s32 $0x3A3400, s5;
	s6 =	sadd.s32 s6, s4  }
0xa: {  	s4 =	smax.u32 s7, $0x1;
	s7 =	simm.s32 $0x2;
	s6 =	sadd.s32 $0x34400, s6  }
.LBB2_1:
0xb: {  	s11 =	sadd.s32 $0x0, s6  }
0xc: {  	[tilespmem:s2], [sflag:$0x2] =	stream.linear.gather [hbm4b:s11+s2], $0x3E8, $0x38;
	[tilespmem:$0x4268] =	vst v63  }
0xd: {  	_ =	swait.ge [sflag:s7], $0x3E8  }
0xe: {  	[sflag:s7] =	ssyncset.done $0x0  }
0xf: {  	[sflag:s7] =	ssyncadd.s32 $0xFFFFFC18  }
0x10: {  	[tilespmem:s8], [sflag:$0x1] =	stream.indirect.gather [hbm4b:s3+s8], $0x10, s2, s8, $0xb8;
	[tilespmem:$0x4268] =	vst v63  }
0x11: {  	_ =	swait.ge [sflag:s9], $0x3E80  }
0x12: {  	[sflag:s9] =	ssyncset.done $0x0  }
0x13: {  	[sflag:s9] =	ssyncadd.s32 $0xFFFFC180  }
0x14: {  	[hbm4b:s5+s2] =	stream.linear.scatter [tilespmem:s8], [sflag:$0x2], $0x3E80, $0x38;
	[tilespmem:$0x4268] =	vst v63  }
0x15: {  	s12 =	simm.s32 $0x7D;
	_ =	swait.ge [sflag:s7], $0x3E80  }
0x16: {  	s13 =	simm.s32 $0xFA;
	s11 =	sadd.s32 $0x7D0, s5;
	[sflag:s7] =	ssyncset.done $0x0  }
.LBB2_2:
0x17: {  	s14 =	sadd.s32 s12, s6  }
0x18: {  	[sflag:s7] =	ssyncadd.s32 $0xFFFFC180;
	s12 =	smov.u32 s13;
	s15 =	sadd.s32 $0x7D, s13  }
0x19: {  	[tilespmem:s2], [sflag:$0x2] =	stream.linear.gather [hbm4b:s14+s2], $0x3E8, $0x38;
	[tilespmem:$0x4268] =	vst v63  }
0x1a: {  	p0 =	sne.s32 s13, $0x17ED;
	_ =	swait.ge [sflag:s7], $0x3E8  }
0x1b: {  	[sflag:s7] =	ssyncset.done $0x0  }
0x1c: {  	[sflag:s7] =	ssyncadd.s32 $0xFFFFFC18  }
0x1d: {  	[tilespmem:s8], [sflag:$0x1] =	stream.indirect.gather [hbm4b:s3+s8], $0x10, s2, s8, $0xb8;
	[tilespmem:$0x4268] =	vst v63  }
0x1e: {  	_ =	swait.ge [sflag:s9], $0x3E80  }
.Ltmp0:
0x1f: {  	[sflag:s9] =	ssyncset.done $0x0;
	(pc) =	sbr.rel @p0 .LBB2_2-.Ltmp0, $4  }
0x20: {  	[sflag:s9] =	ssyncadd.s32 $0xFFFFC180  }
0x21: {  	[hbm4b:s11+s2] =	stream.linear.scatter [tilespmem:s8], [sflag:$0x2], $0x3E80, $0x38;
	[tilespmem:$0x4268] =	vst v63  }
0x22: {  	_ =	swait.ge [sflag:s7], $0x3E80  }
0x23: {  	s13 =	smov.u32 s15;
	s11 =	sadd.s32 $0x7D0, s11;
	[sflag:s7] =	ssyncset.done $0x0  }
0x24: {  	s12 =	sadd.s32 s12, s6;
	[sflag:s7] =	ssyncadd.s32 $0xFFFFC180  }
0x25: {  	[tilespmem:s2], [sflag:$0x2] =	stream.linear.gather [hbm4b:s12+s2], $0x3E8, $0x38;
	[tilespmem:$0x4268] =	vst v63  }
0x26: {  	_ =	swait.ge [sflag:s7], $0x3E8  }
0x27: {  	[sflag:s7] =	ssyncset.done $0x0  }
0x28: {  	[sflag:s7] =	ssyncadd.s32 $0xFFFFFC18  }
0x29: {  	[tilespmem:s8], [sflag:$0x1] =	stream.indirect.gather [hbm4b:s3+s8], $0x10, s2, s8, $0xb8;
	[tilespmem:$0x4268] =	vst v63  }
0x2a: {  	s10 =	sadd.s32 $0x1, s10;
	_ =	swait.ge [sflag:s9], $0x3E80  }
0x2b: {  	p0 =	sne.s32 s10, s4;
	[sflag:s9] =	ssyncset.done $0x0  }
.Ltmp1:
0x2c: {  	[sflag:s9] =	ssyncadd.s32 $0xFFFFC180;
	(pc) =	sbr.rel @p0 .LBB2_1-.Ltmp1, $4  }
0x2d: {  	[hbm4b:s11+s2] =	stream.linear.scatter [tilespmem:s8], [sflag:$0x2], $0x3E80, $0x38;
	[tilespmem:$0x4268] =	vst v63  }
0x2e: {  	_ =	swait.ge [sflag:s7], $0x3E80  }
0x2f: {  	[sflag:s7] =	ssyncset.done $0x0  }
0x30: {  	[sflag:s7] =	ssyncadd.s32 $0xFFFFC180  }
0x31: {  	_ =	sfence.sel $0x180000  }
0x32: {  	[bflag:$0x0] =	sbarrier.arrive $0xFFFF  }
0x33: {  	p0 =	sne.s32 s1, $0x0;
	_ =	strace $0x9000005C  }
0x34: {  	s0 =	sadd.s32 @!p0 $0x100000, s0;
	[bflag:$0x2] =	sbarrier.arrive $0xFFFF  }
0x35: {  	[sflag:s0] =	ssyncadd.tile.s32 @!p0 $0x1;
	_ =	shalt  }
.Lfunc_end2:
_tile_overlayer_lowered:
.L_overlay_start_2:
0x36: {  	(tag) =	ssettag $0x2  }
0x37: {  	s0 =	rddreg [dreg:$0x0];
	s2 =	stileid.u32  }
0x38: {  	s1 =	rddreg [dreg:$0x1];
	p0 =	sne.s32 s2, $0x0  }
0x39: {  	s3 =	rddreg [dreg:$0x2];
	[bflag:$0x3] =	sbarrier.arrive $0xFFFF;
	s2 =	simm.s32 @!p0 $0x1C02  }
0x3a: {  	[timem:s3], [sflag:s2] =	dma.local @!p0 [hbm:s0], s1  }
0x3b: {  	s0 =	simm.s32 @!p0 $0x2  }
0x3c: {  	_ =	swait.ge @!p0 [sflag:s0], s1  }
0x3d: {  	s1 =	ssub.s32 @!p0 $0x0, s1;
	[sflag:s0] =	ssyncset.done @!p0 $0x0  }
0x3e: {  	[sflag:s0] =	ssyncadd.s32 @!p0 s1  }
0x3f: {  	[bflag:$0x3] =	sbarrier.arrive $0xFFFF  }
0x40: {  	_ =	shalt  }

// kernel: kernel.37.cloned.1.call-start
scs
__scs_entry_jumppad:
0x0: {  	(pc) =	sbr.rel $0x88, $3  }
0x1: {  	(tag) =	ssettag $0x0;
	lr =	simm.s32 $0x1  }
0x2: {  	[smem:$0x3F7A] =	sst lr;
	_ =	strace $0xD0000000  }
0x3: {  	_ = 	snop  }
0x4: {  	_ = 	snop  }
0x5: {  	_ = 	snop  }
0x6: {  	_ = 	snop  }
0x7: {  	_ = 	snop  }
__scs_overlays_trampoline_lowered:
0x8: {  	[smem:$0x3F89] =	sst s0  }
0x9: {  	[smem:$0x3F8A] =	sst s1  }
0xa: {  	[smem:$0x3F8B] =	sst s2  }
0xb: {  	[smem:$0x3F8C] =	sst s3  }
0xc: {  	[smem:$0x3F8D] =	sst s4  }
0xd: {  	[smem:$0x3F8E] =	sst s5  }
0xe: {  	[smem:$0x3F8F] =	sst s6  }
0xf: {  	[smem:$0x3F90] =	sst s7  }
0x10: {  	[smem:$0x3F91] =	sst s8  }
0x11: {  	[smem:$0x3F92] =	sst s9;
	s0 =	simm.s32 @!p0 $0x0  }
0x12: {  	s1 =	sld [smem:$0x3F78];
	s0 =	simm.s32 @p0 $0x1  }
0x13: {  	[smem:$0x3F93] =	sst s0;
	s0 =	simm.s32 @!p1 $0x0  }
0x14: {  	s2 =	sld [smem:$0x3F77];
	s0 =	simm.s32 @p1 $0x1  }
0x15: {  	[smem:$0x3F94] =	sst s0;
	s0 =	simm.s32 @!p2 $0x0  }
0x16: {  	s3 =	sld [smem:$0x3FDB];
	s0 =	simm.s32 @p2 $0x1  }
0x17: {  	s4 =	simm.s32 $0x1BF5;
	[smem:$0x3F96] =	sst s0  }
0x18: {  	s0 =	sld [smem:$0x3F79];
	_ =	swait.ge [sflag:s4], $0x0  }
0x19: {  	s7 =	sld [smem:$0x3F7A]  }
0x1a: {  	s8 =	sadd.s32 $0xFFFFE003, lr  }
0x1b: {  	s9 =	sadd.s32 $0xFFFFFEF7, lr;
	s5 =	simm.s32 $0xFFFFFFFF;
	p2 =	slt.u32 s8, $0xFFFFF086  }
0x1c: {  	p1 =	slt.u32 s9, $0xF7A;
	s5 =	simm.s32 @!p2 $0x0  }
0x1d: {  	s5 =	simm.s32 @p1 $0x1;
	p0 =	seq.s32 s7, s2  }
0x1e: {  	s7 =	smul.u32 @!p0 $0xF7A, s2;
	p2 =	seq.s32 @!p0 s5, $0x0  }
0x1f: {  	s9 =	smul.u32 $0xF7A, s1;
	s8 =	simm.s32 @!p0 $0x1BF5;
	p2 =	por !p2, p0  }
0x20: {  	[sflag:s8] =	ssyncset.s32 @!p0 $0xFFFFF086;
	s6 =	sadd.s32 @!p0 s3, s7;
	s7 =	simm.s32 @!p0 $0x108  }
0x21: {  	s3 =	sadd.s32 s3, s9;
	s6 =	sadd.s32 @!p0 $0x88, s6;
	s7 =	simm.s32 @p2 $0x1082  }
0x22: {  	[simem:s7], [sflag:s8] =	dma.local @!p0 [hbm:s6], $0xF7A  }
0x23: {  	s9 =	sor.u32 $0xD0000000, s2;
	s6 =	simm.s32 $0x108;
	_ =	swait.ge @!p0 [sflag:s8], $0x0  }
0x24: {  	s3 =	sadd.s32 $0x88, s3;
	s6 =	simm.s32 @!p1 $0x1082;
	[sflag:s4] =	ssyncset.s32 $0xFFFFF086  }
0x25: {  	[simem:s6], [sflag:s4] =	dma.local [hbm:s3], $0xF7A  }
0x26: {  	[smem:$0x3F7A] =	sst s1;
	(tag) =	ssettag s2;
	_ =	strace s9  }
0x27: {  	s1 =	sld [smem:$0x3F8A]  }
0x28: {  	s2 =	sld [smem:$0x3F8B]  }
0x29: {  	s4 =	sld [smem:$0x3F8D]  }
0x2a: {  	p0 =	seq.s32 s5, $0x0;
	s5 =	sld [smem:$0x3F8E]  }
0x2b: {  	s6 =	sld [smem:$0x3F8F]  }
0x2c: {  	s7 =	sld [smem:$0x3F90]  }
0x2d: {  	s3 =	simm.s32 $0x108;
	s8 =	sld [smem:$0x3F91]  }
0x2e: {  	s3 =	simm.s32 @!p0 $0x1082;
	s9 =	sld [smem:$0x3F92]  }
0x2f: {  	lr =	sadd.s32 s0, s3;
	s0 =	sld [smem:$0x3F89]  }
0x30: {  	s3 =	sld [smem:$0x3F8C]  }
0x31: {  	[smem:$0x3F95] =	sst s10  }
0x32: {  	s10 =	sld [smem:$0x3F93];
	_ =	sdelay $0x3  }
0x33: {  	p0 =	seq.s32 s10, $0x1;
	s10 =	sld [smem:$0x3F95];
	_ =	sdelay $0x3  }
0x34: {  	[smem:$0x3F95] =	sst s10  }
0x35: {  	s10 =	sld [smem:$0x3F94];
	_ =	sdelay $0x3  }
0x36: {  	p1 =	seq.s32 s10, $0x1;
	s10 =	sld [smem:$0x3F95];
	_ =	sdelay $0x3  }
0x37: {  	[smem:$0x3F95] =	sst s10  }
0x38: {  	s10 =	sld [smem:$0x3F96]  }
0x39: {  	_ = 	snop;
	(pc) =	sbr.ind lr, $3  }
0x3a: {  	_ = 	snop  }
0x3b: {  	_ = 	snop  }
0x3c: {  	p2 =	seq.s32 s10, $0x1;
	s10 =	sld [smem:$0x3F95]  }
0x3d: {  	_ =	shalt  }
0x3e: {  	_ =	shalt  }
0x3f: {  	_ =	shalt  }
0x40: {  	_ =	shalt  }
0x41: {  	_ =	shalt  }
0x42: {  	_ =	shalt  }
0x43: {  	_ =	shalt  }
0x44: {  	_ =	shalt  }
0x45: {  	_ =	shalt  }
0x46: {  	_ =	shalt  }
0x47: {  	_ =	shalt  }
0x48: {  	_ =	shalt  }
0x49: {  	_ =	shalt  }
0x4a: {  	_ =	shalt  }
0x4b: {  	_ =	shalt  }
0x4c: {  	_ =	shalt  }
0x4d: {  	_ =	shalt  }
0x4e: {  	_ =	shalt  }
0x4f: {  	_ =	shalt  }
0x50: {  	_ =	shalt  }
0x51: {  	_ =	shalt  }
0x52: {  	_ =	shalt  }
0x53: {  	_ =	shalt  }
0x54: {  	_ =	shalt  }
0x55: {  	_ =	shalt  }
0x56: {  	_ =	shalt  }
0x57: {  	_ =	shalt  }
0x58: {  	_ =	shalt  }
0x59: {  	_ =	shalt  }
0x5a: {  	_ =	shalt  }
0x5b: {  	_ =	shalt  }
0x5c: {  	_ =	shalt  }
0x5d: {  	_ =	shalt  }
0x5e: {  	_ =	shalt  }
0x5f: {  	_ =	shalt  }
0x60: {  	_ =	shalt  }
0x61: {  	_ =	shalt  }
0x62: {  	_ =	shalt  }
0x63: {  	_ =	shalt  }
0x64: {  	_ =	shalt  }
0x65: {  	_ =	shalt  }
0x66: {  	_ =	shalt  }
0x67: {  	_ =	shalt  }
0x68: {  	_ =	shalt  }
0x69: {  	_ =	shalt  }
0x6a: {  	_ =	shalt  }
0x6b: {  	_ =	shalt  }
0x6c: {  	_ =	shalt  }
0x6d: {  	_ =	shalt  }
0x6e: {  	_ =	shalt  }
0x6f: {  	_ =	shalt  }
0x70: {  	_ =	shalt  }
0x71: {  	_ =	shalt  }
0x72: {  	_ =	shalt  }
0x73: {  	_ =	shalt  }
0x74: {  	_ =	shalt  }
0x75: {  	_ =	shalt  }
0x76: {  	_ =	shalt  }
0x77: {  	_ =	shalt  }
0x78: {  	_ =	shalt  }
0x79: {  	_ =	shalt  }
0x7a: {  	_ =	shalt  }
0x7b: {  	_ =	shalt  }
0x7c: {  	_ =	shalt  }
0x7d: {  	_ =	shalt  }
0x7e: {  	_ =	shalt  }
0x7f: {  	_ =	shalt  }
0x80: {  	_ =	shalt  }
0x81: {  	_ =	shalt  }
0x82: {  	_ =	shalt  }
0x83: {  	_ =	shalt  }
0x84: {  	_ =	shalt  }
0x85: {  	_ =	shalt  }
0x86: {  	_ =	shalt  }
0x87: {  	_ =	shalt  }
.Lfunc_end0:
.L_simem_size_0:
called_computation.8_lowered:
.L_overlay_start_0:
0x88: {  	s2 =	sld [smem:$0x3FD9]  }
0x89: {  	s3 =	sld [smem:$0x3FFE];
	_ =	sdelay $0x1  }
0x8a: {  	s1 =	srdreg.scid  }
0x8b: {  	s0 =	sand.u32 $0x1, s1  }
0x8c: {  	s17 =	sshll.u32 s0, $0xA;
	s2 =	sadd.s32 s3, s2  }
0x8d: {  	s2 =	sadd.s32 s2, s17  }
0x8e: {  	[smem:$0x3FA1] =	sst s2  }
0x8f: {  	_ = 	snop  }
0x90: {  	(tm) =	ssettm $0x1  }
0x91: {  	s18 =	sld [smem:$0x3FFB];
	_ =	sdelay $0x3  }
0x92: {  	_ =	strace s18  }
0x93: {  	s2 =	sld [smem:$0x3FFC];
	_ =	sdelay $0x3  }
0x94: {  	_ =	strace s2  }
0x95: {  	s2 =	sld [smem:$0x3FFD];
	_ =	sdelay $0x3  }
0x96: {  	_ =	strace s2  }
0x97: {  	_ =	strace $0x8FFFFFFF  }
0x98: {  	s19 =	sld [smem:$0x3FDB];
	_ =	sdelay $0x1  }
0x99: {  	s20 =	simm.s32 $_scs_section_size  }
0x9a: {  	s4 =	simm.s32 $_size__tile_overlayer_lowered;
	s5 =	simm.s32 $_tile_overlayer_lowered  }
0x9b: {  	s6 =	simm.s32 $0x1BFF;
	s21 =	sshll.u32 s5, $0x1;
	s3 =	sadd.s32 s20, s19  }
0x9c: {  	s22 =	simm.s32 $0x0;
	s4 =	sshll.u32 s4, $0x1;
	s5 =	sadd.s32 s21, s3  }
0x9d: {  	[timem:s22], [sflag:s6] =	dma.local [hbm:s5], s4  }
0x9e: {  	_ =	swait.ge [sflag:s6], s4  }
0x9f: {  	s4 =	ssub.s32 $0x0, s4;
	[sflag:s6] =	ssyncset.done $0x0  }
0xa0: {  	[sflag:s6] =	ssyncadd.s32 s4;
	_ =	sdelay $0x1  }
0xa1: {  	s23 =	simm.s32 $0x1B8B  }
0xa2: {  	_ =	swait.ge [sflag:s23], $0x1  }
0xa3: {  	[sflag:s23] =	ssyncset.done $0x0  }
0xa4: {  	[sflag:s23] =	ssyncadd.s32 $0xFFFFFFFF  }
0xa5: {  	s4 =	sld [smem:$0x0]  }
0xa6: {  	s5 =	sand.u32 $0xFFFFFFFE, s1  }
0xa7: {  	p0 =	sne.s32 s1, s5  }
0xa8: {  	s5 =	sshll.u32 @p0 s5, $0xE  }
0xa9: {  	s5 =	sadd.s32 @p0 $0x11B8D, s5;
	s6 =	sshll.u32 @p0 s4, $0x11  }
0xaa: {  	s5 =	sor.u32 @p0 s6, s5  }
0xab: {  	[sflag:s5] =	ssyncadd.remote.s32 @p0 $0x1;
	_ =	sdelay $0x1  }
0xac: {  	s5 =	simm.s32 @p0 $0x1B8D  }
0xad: {  	_ =	swait.eq @p0 [sflag:s5], $0x1  }
0xae: {  	[sflag:s5] =	ssyncadd.s32 @p0 $0xFFFFFFFF  }
0xaf: {  	s6 =	sshll.u32 @!p0 s1, $0xE  }
0xb0: {  	s6 =	sor.u32 @!p0 $0x4000, s6;
	s5 =	simm.s32 @!p0 $0x1B8D  }
0xb1: {  	s4 =	sshll.u32 @!p0 s4, $0x11;
	s6 =	sadd.s32 @!p0 $0x11B8D, s6;
	_ =	swait.eq @!p0 [sflag:s5], $0x1  }
0xb2: {  	s4 =	sor.u32 @!p0 s4, s6;
	[sflag:s5] =	ssyncadd.s32 @!p0 $0xFFFFFFFF  }
0xb3: {  	s25 =	simm.s32 $0x1B8E;
	s24 =	sld [smem:$0x3FFE];
	[sflag:s4] =	ssyncadd.remote.s32 @!p0 $0x1  }
0xb4: {  	s26 =	simm.s32 $execute0_lowered;
	[smem:$0x3FD2] =	sst s25  }
0xb5: {  	s5 =	sshll.u32 s26, $0x1;
	_ =	strace $0x80000055;
	[dreg:$0x1] =	wrdreg $0xFFFFFFFF  }
0xb6: {  	s28 =	simm.s32 $_size_execute0_lowered;
	s3 =	sadd.s32 s3, s5;
	[dreg:$0x0] =	wrdreg $0x0  }
0xb7: {  	s5 =	sshll.u32 s28, $0x1;
	[dreg:$0x2] =	wrdreg s3  }
0xb8: {  	[dreg:$0x3] =	wrdreg s5  }
0xb9: {  	[dreg:$0x4] =	wrdreg $0xC0  }
0xba: {  	_ =	task [dreg:s22], $0x5FFFF  }
0xbb: {  	[dreg:$0x1] =	wrdreg $0xFFFFFFFF  }
0xbc: {  	[dreg:$0x0] =	wrdreg $0x60  }
0xbd: {  	[dreg:$0x2] =	wrdreg s24  }
0xbe: {  	[dreg:$0x3] =	wrdreg $0xA  }
0xbf: {  	_ =	task.clear_ibuf [dreg:s22], $0x4FFFF;
	_ =	strace $0x90000055  }
0xc0: {  	s29 =	simm.s32 $0xA;
	_ =	strace $0x80000057  }
0xc1: {  	_ =	swait.ge [sflag:s29], $0x1  }
0xc2: {  	[sflag:s29] =	ssyncadd.s32 $0xFFFFFFFF  }
0xc3: {  	_ =	strace $0x90000057  }
0xc4: {  	_ =	sfence  }
0xc5: {  	s30 =	sld [smem:$0x0];
	_ =	sdelay $0x2  }
0xc6: {  	s31 =	sshll.u32 s1, $0xD;
	s1 =	sshrl.u32 s1, $0x2  }
0xc7: {  	s4 =	sand.u32 $0x4000, s31;
	s1 =	sadd.s32 s1, s30  }
0xc8: {  	s0 =	sor.u32 s4, s0;
	s1 =	sshll.u32 s1, $0x11  }
0xc9: {  	s0 =	sor.u32 s1, s0  }
0xca: {  	s0 =	sadd.s32 $0x8F2B, s0  }
0xcb: {  	[sflag:s0] =	ssyncadd.remote.s32 $0x1  }
0xcc: {  	_ =	sfence.sel $0xFFFF  }
0xcd: {  	[dreg:$0x0] =	wrdreg $0xFFFFFFFF;
	(pc) =	sbr.abs _section_cstart, $3  }
0xce: {  	[dreg:$0x1] =	wrdreg $0xFFFFFFFF  }
0xcf: {  	_ =	task.clear_ibuf [dreg:s22], $0x2FFFF;
	_ =	strace $0x9FFFFFFF  }
0xd0: {  	(tm) =	ssettm $0x7FFFFFFF  }
0xd1: {  	_ =	shalt  }
tec
execute0_lowered:
.L_overlay_start_1:
0x0: {  	(tag) =	ssettag $0x1  }
0x1: {  	s4 =	rddreg [dreg:$0x0]  }
0x2: {  	s0 =	rddreg [dreg:$0x1];
	s2 =	simm.s32 $0x0;
	s1 =	stileid.u32  }
0x3: {  	s3 =	srdreg.scid;
	s10 =	simm.s32 $0x0;
	s6 =	smul.u32 $0x186A0, s1  }
0x4: {  	[smem:$0x7FF] =	sst s2;
	s5 =	sand.u32 $0x1, s3;
	s8 =	smul.u32 $0x30D40, s1  }
0x5: {  	s3 =	sadd.s32 $0xA85000, s4;
	s7 =	smul.u32 $0xC350, s5;
	s9 =	ssub.s32 $0x2, s5  }
0x6: {  	_ =	strace $0x80000056;
	s5 =	smul.u32 $0x186A0, s5;
	s31 =	sshrl.u32 s9, $0x1  }
0x7: {  	s8 =	sadd.s32 s8, s4;
	s6 =	sadd.s32 s7, s6;
	s7 =	ssub.s32 s9, s31  }
0x8: {  	s5 =	sadd.s32 s5, s8;
	s8 =	simm.s32 $0x3E8;
	s6 =	sshrl.u32 s6, $0x3  }
0x9: {  	s9 =	simm.s32 $0x1;
	s5 =	sadd.s32 $0x6D5C00, s5;
	s6 =	sadd.s32 s6, s4  }
0xa: {  	s4 =	smax.u32 s7, $0x1;
	s7 =	simm.s32 $0x2;
	s6 =	sadd.s32 $0x65200, s6  }
.LBB2_1:
0xb: {  	s11 =	sadd.s32 $0x0, s6  }
0xc: {  	[tilespmem:s2], [sflag:$0x2] =	stream.linear.gather [hbm4b:s11+s2], $0x3E8, $0x38;
	[tilespmem:$0x4268] =	vst v63  }
0xd: {  	_ =	swait.ge [sflag:s7], $0x3E8  }
0xe: {  	[sflag:s7] =	ssyncset.done $0x0  }
0xf: {  	[sflag:s7] =	ssyncadd.s32 $0xFFFFFC18  }
0x10: {  	[tilespmem:s8], [sflag:$0x1] =	stream.indirect.gather [hbm4b:s3+s8], $0x10, s2, s8, $0xb8;
	[tilespmem:$0x4268] =	vst v63  }
0x11: {  	_ =	swait.ge [sflag:s9], $0x3E80  }
0x12: {  	[sflag:s9] =	ssyncset.done $0x0  }
0x13: {  	[sflag:s9] =	ssyncadd.s32 $0xFFFFC180  }
0x14: {  	[hbm4b:s5+s2] =	stream.linear.scatter [tilespmem:s8], [sflag:$0x2], $0x3E80, $0x38;
	[tilespmem:$0x4268] =	vst v63  }
0x15: {  	s12 =	simm.s32 $0x7D;
	_ =	swait.ge [sflag:s7], $0x3E80  }
0x16: {  	s13 =	simm.s32 $0xFA;
	s11 =	sadd.s32 $0x7D0, s5;
	[sflag:s7] =	ssyncset.done $0x0  }
.LBB2_2:
0x17: {  	s14 =	sadd.s32 s12, s6  }
0x18: {  	[sflag:s7] =	ssyncadd.s32 $0xFFFFC180;
	s12 =	smov.u32 s13;
	s15 =	sadd.s32 $0x7D, s13  }
0x19: {  	[tilespmem:s2], [sflag:$0x2] =	stream.linear.gather [hbm4b:s14+s2], $0x3E8, $0x38;
	[tilespmem:$0x4268] =	vst v63  }
0x1a: {  	p0 =	sne.s32 s13, $0x17ED;
	_ =	swait.ge [sflag:s7], $0x3E8  }
0x1b: {  	[sflag:s7] =	ssyncset.done $0x0  }
0x1c: {  	[sflag:s7] =	ssyncadd.s32 $0xFFFFFC18  }
0x1d: {  	[tilespmem:s8], [sflag:$0x1] =	stream.indirect.gather [hbm4b:s3+s8], $0x10, s2, s8, $0xb8;
	[tilespmem:$0x4268] =	vst v63  }
0x1e: {  	_ =	swait.ge [sflag:s9], $0x3E80  }
.Ltmp0:
0x1f: {  	[sflag:s9] =	ssyncset.done $0x0;
	(pc) =	sbr.rel @p0 .LBB2_2-.Ltmp0, $4  }
0x20: {  	[sflag:s9] =	ssyncadd.s32 $0xFFFFC180  }
0x21: {  	[hbm4b:s11+s2] =	stream.linear.scatter [tilespmem:s8], [sflag:$0x2], $0x3E80, $0x38;
	[tilespmem:$0x4268] =	vst v63  }
0x22: {  	_ =	swait.ge [sflag:s7], $0x3E80  }
0x23: {  	s13 =	smov.u32 s15;
	s11 =	sadd.s32 $0x7D0, s11;
	[sflag:s7] =	ssyncset.done $0x0  }
0x24: {  	s12 =	sadd.s32 s12, s6;
	[sflag:s7] =	ssyncadd.s32 $0xFFFFC180  }
0x25: {  	[tilespmem:s2], [sflag:$0x2] =	stream.linear.gather [hbm4b:s12+s2], $0x3E8, $0x38;
	[tilespmem:$0x4268] =	vst v63  }
0x26: {  	_ =	swait.ge [sflag:s7], $0x3E8  }
0x27: {  	[sflag:s7] =	ssyncset.done $0x0  }
0x28: {  	[sflag:s7] =	ssyncadd.s32 $0xFFFFFC18  }
0x29: {  	[tilespmem:s8], [sflag:$0x1] =	stream.indirect.gather [hbm4b:s3+s8], $0x10, s2, s8, $0xb8;
	[tilespmem:$0x4268] =	vst v63  }
0x2a: {  	s10 =	sadd.s32 $0x1, s10;
	_ =	swait.ge [sflag:s9], $0x3E80  }
0x2b: {  	p0 =	sne.s32 s10, s4;
	[sflag:s9] =	ssyncset.done $0x0  }
.Ltmp1:
0x2c: {  	[sflag:s9] =	ssyncadd.s32 $0xFFFFC180;
	(pc) =	sbr.rel @p0 .LBB2_1-.Ltmp1, $4  }
0x2d: {  	[hbm4b:s11+s2] =	stream.linear.scatter [tilespmem:s8], [sflag:$0x2], $0x3E80, $0x38;
	[tilespmem:$0x4268] =	vst v63  }
0x2e: {  	_ =	swait.ge [sflag:s7], $0x3E80  }
0x2f: {  	[sflag:s7] =	ssyncset.done $0x0  }
0x30: {  	[sflag:s7] =	ssyncadd.s32 $0xFFFFC180  }
0x31: {  	_ =	sfence.sel $0x180000  }
0x32: {  	[bflag:$0x0] =	sbarrier.arrive $0xFFFF  }
0x33: {  	p0 =	sne.s32 s1, $0x0;
	_ =	strace $0x90000056  }
0x34: {  	s0 =	sadd.s32 @!p0 $0x100000, s0;
	[bflag:$0x2] =	sbarrier.arrive $0xFFFF  }
0x35: {  	[sflag:s0] =	ssyncadd.tile.s32 @!p0 $0x1;
	_ =	shalt  }
.Lfunc_end2:
_tile_overlayer_lowered:
.L_overlay_start_2:
0x36: {  	(tag) =	ssettag $0x2  }
0x37: {  	s0 =	rddreg [dreg:$0x0];
	s2 =	stileid.u32  }
0x38: {  	s1 =	rddreg [dreg:$0x1];
	p0 =	sne.s32 s2, $0x0  }
0x39: {  	s3 =	rddreg [dreg:$0x2];
	[bflag:$0x3] =	sbarrier.arrive $0xFFFF;
	s2 =	simm.s32 @!p0 $0x1C02  }
0x3a: {  	[timem:s3], [sflag:s2] =	dma.local @!p0 [hbm:s0], s1  }
0x3b: {  	s0 =	simm.s32 @!p0 $0x2  }
0x3c: {  	_ =	swait.ge @!p0 [sflag:s0], s1  }
0x3d: {  	s1 =	ssub.s32 @!p0 $0x0, s1;
	[sflag:s0] =	ssyncset.done @!p0 $0x0  }
0x3e: {  	[sflag:s0] =	ssyncadd.s32 @!p0 s1  }
0x3f: {  	[bflag:$0x3] =	sbarrier.arrive $0xFFFF  }
0x40: {  	_ =	shalt  }

// kernel: kernel.40.cloned.1.call-start
scs
__scs_entry_jumppad:
0x0: {  	(pc) =	sbr.rel $0x88, $3  }
0x1: {  	(tag) =	ssettag $0x0;
	lr =	simm.s32 $0x1  }
0x2: {  	[smem:$0x3F7A] =	sst lr;
	_ =	strace $0xD0000000  }
0x3: {  	_ = 	snop  }
0x4: {  	_ = 	snop  }
0x5: {  	_ = 	snop  }
0x6: {  	_ = 	snop  }
0x7: {  	_ = 	snop  }
__scs_overlays_trampoline_lowered:
0x8: {  	[smem:$0x3F89] =	sst s0  }
0x9: {  	[smem:$0x3F8A] =	sst s1  }
0xa: {  	[smem:$0x3F8B] =	sst s2  }
0xb: {  	[smem:$0x3F8C] =	sst s3  }
0xc: {  	[smem:$0x3F8D] =	sst s4  }
0xd: {  	[smem:$0x3F8E] =	sst s5  }
0xe: {  	[smem:$0x3F8F] =	sst s6  }
0xf: {  	[smem:$0x3F90] =	sst s7  }
0x10: {  	[smem:$0x3F91] =	sst s8  }
0x11: {  	[smem:$0x3F92] =	sst s9;
	s0 =	simm.s32 @!p0 $0x0  }
0x12: {  	s1 =	sld [smem:$0x3F78];
	s0 =	simm.s32 @p0 $0x1  }
0x13: {  	[smem:$0x3F93] =	sst s0;
	s0 =	simm.s32 @!p1 $0x0  }
0x14: {  	s2 =	sld [smem:$0x3F77];
	s0 =	simm.s32 @p1 $0x1  }
0x15: {  	[smem:$0x3F94] =	sst s0;
	s0 =	simm.s32 @!p2 $0x0  }
0x16: {  	s3 =	sld [smem:$0x3FDB];
	s0 =	simm.s32 @p2 $0x1  }
0x17: {  	s4 =	simm.s32 $0x1BF5;
	[smem:$0x3F96] =	sst s0  }
0x18: {  	s0 =	sld [smem:$0x3F79];
	_ =	swait.ge [sflag:s4], $0x0  }
0x19: {  	s7 =	sld [smem:$0x3F7A]  }
0x1a: {  	s8 =	sadd.s32 $0xFFFFE003, lr  }
0x1b: {  	s9 =	sadd.s32 $0xFFFFFEF7, lr;
	s5 =	simm.s32 $0xFFFFFFFF;
	p2 =	slt.u32 s8, $0xFFFFF086  }
0x1c: {  	p1 =	slt.u32 s9, $0xF7A;
	s5 =	simm.s32 @!p2 $0x0  }
0x1d: {  	s5 =	simm.s32 @p1 $0x1;
	p0 =	seq.s32 s7, s2  }
0x1e: {  	s7 =	smul.u32 @!p0 $0xF7A, s2;
	p2 =	seq.s32 @!p0 s5, $0x0  }
0x1f: {  	s9 =	smul.u32 $0xF7A, s1;
	s8 =	simm.s32 @!p0 $0x1BF5;
	p2 =	por !p2, p0  }
0x20: {  	[sflag:s8] =	ssyncset.s32 @!p0 $0xFFFFF086;
	s6 =	sadd.s32 @!p0 s3, s7;
	s7 =	simm.s32 @!p0 $0x108  }
0x21: {  	s3 =	sadd.s32 s3, s9;
	s6 =	sadd.s32 @!p0 $0x88, s6;
	s7 =	simm.s32 @p2 $0x1082  }
0x22: {  	[simem:s7], [sflag:s8] =	dma.local @!p0 [hbm:s6], $0xF7A  }
0x23: {  	s9 =	sor.u32 $0xD0000000, s2;
	s6 =	simm.s32 $0x108;
	_ =	swait.ge @!p0 [sflag:s8], $0x0  }
0x24: {  	s3 =	sadd.s32 $0x88, s3;
	s6 =	simm.s32 @!p1 $0x1082;
	[sflag:s4] =	ssyncset.s32 $0xFFFFF086  }
0x25: {  	[simem:s6], [sflag:s4] =	dma.local [hbm:s3], $0xF7A  }
0x26: {  	[smem:$0x3F7A] =	sst s1;
	(tag) =	ssettag s2;
	_ =	strace s9  }
0x27: {  	s1 =	sld [smem:$0x3F8A]  }
0x28: {  	s2 =	sld [smem:$0x3F8B]  }
0x29: {  	s4 =	sld [smem:$0x3F8D]  }
0x2a: {  	p0 =	seq.s32 s5, $0x0;
	s5 =	sld [smem:$0x3F8E]  }
0x2b: {  	s6 =	sld [smem:$0x3F8F]  }
0x2c: {  	s7 =	sld [smem:$0x3F90]  }
0x2d: {  	s3 =	simm.s32 $0x108;
	s8 =	sld [smem:$0x3F91]  }
0x2e: {  	s3 =	simm.s32 @!p0 $0x1082;
	s9 =	sld [smem:$0x3F92]  }
0x2f: {  	lr =	sadd.s32 s0, s3;
	s0 =	sld [smem:$0x3F89]  }
0x30: {  	s3 =	sld [smem:$0x3F8C]  }
0x31: {  	[smem:$0x3F95] =	sst s10  }
0x32: {  	s10 =	sld [smem:$0x3F93];
	_ =	sdelay $0x3  }
0x33: {  	p0 =	seq.s32 s10, $0x1;
	s10 =	sld [smem:$0x3F95];
	_ =	sdelay $0x3  }
0x34: {  	[smem:$0x3F95] =	sst s10  }
0x35: {  	s10 =	sld [smem:$0x3F94];
	_ =	sdelay $0x3  }
0x36: {  	p1 =	seq.s32 s10, $0x1;
	s10 =	sld [smem:$0x3F95];
	_ =	sdelay $0x3  }
0x37: {  	[smem:$0x3F95] =	sst s10  }
0x38: {  	s10 =	sld [smem:$0x3F96]  }
0x39: {  	_ = 	snop;
	(pc) =	sbr.ind lr, $3  }
0x3a: {  	_ = 	snop  }
0x3b: {  	_ = 	snop  }
0x3c: {  	p2 =	seq.s32 s10, $0x1;
	s10 =	sld [smem:$0x3F95]  }
0x3d: {  	_ =	shalt  }
0x3e: {  	_ =	shalt  }
0x3f: {  	_ =	shalt  }
0x40: {  	_ =	shalt  }
0x41: {  	_ =	shalt  }
0x42: {  	_ =	shalt  }
0x43: {  	_ =	shalt  }
0x44: {  	_ =	shalt  }
0x45: {  	_ =	shalt  }
0x46: {  	_ =	shalt  }
0x47: {  	_ =	shalt  }
0x48: {  	_ =	shalt  }
0x49: {  	_ =	shalt  }
0x4a: {  	_ =	shalt  }
0x4b: {  	_ =	shalt  }
0x4c: {  	_ =	shalt  }
0x4d: {  	_ =	shalt  }
0x4e: {  	_ =	shalt  }
0x4f: {  	_ =	shalt  }
0x50: {  	_ =	shalt  }
0x51: {  	_ =	shalt  }
0x52: {  	_ =	shalt  }
0x53: {  	_ =	shalt  }
0x54: {  	_ =	shalt  }
0x55: {  	_ =	shalt  }
0x56: {  	_ =	shalt  }
0x57: {  	_ =	shalt  }
0x58: {  	_ =	shalt  }
0x59: {  	_ =	shalt  }
0x5a: {  	_ =	shalt  }
0x5b: {  	_ =	shalt  }
0x5c: {  	_ =	shalt  }
0x5d: {  	_ =	shalt  }
0x5e: {  	_ =	shalt  }
0x5f: {  	_ =	shalt  }
0x60: {  	_ =	shalt  }
0x61: {  	_ =	shalt  }
0x62: {  	_ =	shalt  }
0x63: {  	_ =	shalt  }
0x64: {  	_ =	shalt  }
0x65: {  	_ =	shalt  }
0x66: {  	_ =	shalt  }
0x67: {  	_ =	shalt  }
0x68: {  	_ =	shalt  }
0x69: {  	_ =	shalt  }
0x6a: {  	_ =	shalt  }
0x6b: {  	_ =	shalt  }
0x6c: {  	_ =	shalt  }
0x6d: {  	_ =	shalt  }
0x6e: {  	_ =	shalt  }
0x6f: {  	_ =	shalt  }
0x70: {  	_ =	shalt  }
0x71: {  	_ =	shalt  }
0x72: {  	_ =	shalt  }
0x73: {  	_ =	shalt  }
0x74: {  	_ =	shalt  }
0x75: {  	_ =	shalt  }
0x76: {  	_ =	shalt  }
0x77: {  	_ =	shalt  }
0x78: {  	_ =	shalt  }
0x79: {  	_ =	shalt  }
0x7a: {  	_ =	shalt  }
0x7b: {  	_ =	shalt  }
0x7c: {  	_ =	shalt  }
0x7d: {  	_ =	shalt  }
0x7e: {  	_ =	shalt  }
0x7f: {  	_ =	shalt  }
0x80: {  	_ =	shalt  }
0x81: {  	_ =	shalt  }
0x82: {  	_ =	shalt  }
0x83: {  	_ =	shalt  }
0x84: {  	_ =	shalt  }
0x85: {  	_ =	shalt  }
0x86: {  	_ =	shalt  }
0x87: {  	_ =	shalt  }
.Lfunc_end0:
.L_simem_size_0:
called_computation.9_lowered:
.L_overlay_start_0:
0x88: {  	s2 =	sld [smem:$0x3FD9]  }
0x89: {  	s3 =	sld [smem:$0x3FFE];
	_ =	sdelay $0x1  }
0x8a: {  	s1 =	srdreg.scid  }
0x8b: {  	s0 =	sand.u32 $0x1, s1  }
0x8c: {  	s14 =	sshll.u32 s0, $0xA;
	s2 =	sadd.s32 s3, s2  }
0x8d: {  	s2 =	sadd.s32 s2, s14  }
0x8e: {  	[smem:$0x3FA1] =	sst s2  }
0x8f: {  	_ = 	snop  }
0x90: {  	s2 =	sld [smem:$0x3FD0];
	_ =	sdelay $0x2  }
0x91: {  	s15 =	simm.s32 $0xD;
	s4 =	simm.s32 $0x10  }
0x92: {  	[smem:s4], [sflag:s15] =	dma.local [hbm:s2], $0x1  }
0x93: {  	_ =	swait.eq [sflag:s15], $0x1  }
0x94: {  	[sflag:s15] =	ssyncset.done $0x0  }
0x95: {  	[sflag:s15] =	ssyncadd.s32 $0xFFFFFFFF  }
0x96: {  	s16 =	sld [smem:$0x10];
	(tm) =	ssettm $0x1  }
0x97: {  	s17 =	sld [smem:$0x3FFB];
	_ =	sdelay $0x3  }
0x98: {  	_ =	strace s17  }
0x99: {  	s3 =	sld [smem:$0x3FFC];
	_ =	sdelay $0x3  }
0x9a: {  	_ =	strace s3  }
0x9b: {  	s3 =	sld [smem:$0x3FFD];
	_ =	sdelay $0x3  }
0x9c: {  	_ =	strace s3  }
0x9d: {  	_ =	strace $0x8FFFFFFF  }
0x9e: {  	s18 =	sld [smem:$0x3FDB];
	_ =	sdelay $0x1  }
0x9f: {  	s19 =	simm.s32 $_scs_section_size  }
0xa0: {  	s5 =	simm.s32 $_size__tile_overlayer_lowered;
	s6 =	simm.s32 $_tile_overlayer_lowered  }
0xa1: {  	s22 =	simm.s32 $0x1BFF;
	s21 =	sshll.u32 s6, $0x1;
	s3 =	sadd.s32 s19, s18  }
0xa2: {  	s7 =	simm.s32 $0x0;
	s20 =	sshll.u32 s5, $0x1;
	s5 =	sadd.s32 s21, s3  }
0xa3: {  	[timem:s7], [sflag:s22] =	dma.local [hbm:s5], s20  }
0xa4: {  	_ =	swait.ge [sflag:s22], s20  }
0xa5: {  	s4 =	ssub.s32 $0x0, s20;
	[sflag:s22] =	ssyncset.done $0x0  }
0xa6: {  	[sflag:s22] =	ssyncadd.s32 s4;
	_ =	sdelay $0x1  }
0xa7: {  	s23 =	simm.s32 $0x1B8B  }
0xa8: {  	_ =	swait.ge [sflag:s23], $0x1  }
0xa9: {  	[sflag:s23] =	ssyncset.done $0x0  }
0xaa: {  	s25 =	simm.s32 $0x1B8E;
	s24 =	sld [smem:$0x3FFE];
	[sflag:s23] =	ssyncadd.s32 $0xFFFFFFFF  }
0xab: {  	s26 =	simm.s32 $execute0_lowered;
	[smem:$0x3FD2] =	sst s25  }
0xac: {  	s5 =	sshll.u32 s26, $0x1;
	_ =	strace $0x8000005E;
	[dreg:$0x1] =	wrdreg $0xFFFFFFFF  }
0xad: {  	s28 =	simm.s32 $_size_execute0_lowered;
	s3 =	sadd.s32 s3, s5;
	[dreg:$0x0] =	wrdreg $0x0  }
0xae: {  	s5 =	sshll.u32 s28, $0x1;
	[dreg:$0x2] =	wrdreg s3  }
0xaf: {  	[dreg:$0x3] =	wrdreg s5  }
0xb0: {  	[dreg:$0x4] =	wrdreg $0xC0  }
0xb1: {  	_ =	task [dreg:s7], $0x5FFFF  }
0xb2: {  	[dreg:$0x1] =	wrdreg $0xFFFFFFFF  }
0xb3: {  	[dreg:$0x0] =	wrdreg $0x60  }
0xb4: {  	[dreg:$0x2] =	wrdreg s24  }
0xb5: {  	[dreg:$0x3] =	wrdreg s16  }
0xb6: {  	[dreg:$0x4] =	wrdreg $0x0  }
0xb7: {  	[dreg:$0x5] =	wrdreg $0x188000  }
0xb8: {  	[dreg:$0x6] =	wrdreg $0xA  }
0xb9: {  	_ =	task.clear_ibuf [dreg:s7], $0x7FFFF;
	_ =	strace $0x9000005E  }
0xba: {  	s29 =	simm.s32 $0xA;
	_ =	strace $0x80000060  }
0xbb: {  	_ =	swait.ge [sflag:s29], $0x1  }
0xbc: {  	[sflag:s29] =	ssyncadd.s32 $0xFFFFFFFF  }
0xbd: {  	_ =	strace $0x90000060  }
0xbe: {  	_ =	sfence  }
0xbf: {  	s30 =	sld [smem:$0x0];
	_ =	sdelay $0x2  }
0xc0: {  	s31 =	sshll.u32 s1, $0xD;
	s1 =	sshrl.u32 s1, $0x2  }
0xc1: {  	s3 =	sand.u32 $0x4000, s31;
	s1 =	sadd.s32 s1, s30  }
0xc2: {  	s0 =	sor.u32 s3, s0;
	s1 =	sshll.u32 s1, $0x11  }
0xc3: {  	s0 =	sor.u32 s1, s0  }
0xc4: {  	s0 =	sadd.s32 $0x8F2B, s0  }
0xc5: {  	[sflag:s0] =	ssyncadd.remote.s32 $0x1  }
0xc6: {  	_ =	sfence.sel $0xFFFF  }
0xc7: {  	[dreg:$0x0] =	wrdreg $0xFFFFFFFF;
	(pc) =	sbr.abs _section_cstart, $3  }
0xc8: {  	[dreg:$0x1] =	wrdreg $0xFFFFFFFF  }
0xc9: {  	_ =	task.clear_ibuf [dreg:s7], $0x2FFFF;
	_ =	strace $0x9FFFFFFF  }
0xca: {  	(tm) =	ssettm $0x7FFFFFFF  }
0xcb: {  	_ =	shalt  }
tec
execute0_lowered:
.L_overlay_start_1:
0x0: {  	(tag) =	ssettag $0x1  }
0x1: {  	s0 =	rddreg [dreg:$0x0];
	s9 =	stileid.u32  }
0x2: {  	s1 =	srdreg.scid;
	s23 =	rddreg [dreg:$0x1]  }
0x3: {  	s2 =	rddreg [dreg:$0x2];
	s5 =	smul.u32 $0x186A0, s9  }
0x4: {  	s3 =	rddreg [dreg:$0x3];
	s15 =	smul.u32 $0x1880, s9  }
0x5: {  	s4 =	simm.s32 $0x0;
	s28 =	simm.s32 $0x1DF00;
	s8 =	smul.u32 $0x30D40, s9  }
0x6: {  	s29 =	simm.s32 $0x1E2E8;
	s1 =	sand.u32 $0x1, s1;
	s12 =	smul.u32 $0x62000, s9  }
0x7: {  	s30 =	simm.s32 $0x3E8;
	[smem:$0x7FF] =	sst s4;
	s6 =	smul.u32 $0xC350, s1  }
0x8: {  	s31 =	simm.s32 $0x0;
	s7 =	smul.u32 $0x18800, s1;
	_ =	strace $0x8000005F  }
0x9: {  	s11 =	ssub.s32 $0x2, s1;
	s1 =	smul.u32 $0x186A0, s1;
	s16 =	sadd.s32 s8, s0  }
0xa: {  	s13 =	sshrl.u32 s11, $0x1;
	s14 =	sshrl.u32 s12, $0x2;
	s17 =	sadd.s32 $0x3E8, s15  }
0xb: {  	s12 =	sadd.s32 $0xBB8, s15;
	s5 =	sadd.s32 s6, s5;
	s7 =	sadd.s32 s15, s7  }
0xc: {  	s21 =	ssub.s32 s11, s13;
	s18 =	sshll.u32 s17, $0x4;
	s6 =	sadd.s32 s15, s3  }
0xd: {  	s25 =	sadd.s32 s17, s3;
	s11 =	sshll.u32 s12, $0x4;
	s12 =	sadd.s32 s12, s3  }
0xe: {  	s17 =	sadd.s32 $0x1388, s15;
	s1 =	sadd.s32 s1, s16;
	s24 =	sshrl.u32 s5, $0x3  }
0xf: {  	s10 =	sshll.u32 s7, $0x1;
	s5 =	sshrl.u32 s7, $0x3;
	s7 =	sadd.s32 s18, s2  }
0x10: {  	[dreg:$0x6] =	wrdreg s25;
	s11 =	sadd.s32 s11, s2;
	s18 =	sshll.u32 s17, $0x4  }
0x11: {  	s16 =	sadd.s32 s17, s3;
	s21 =	smax.u32 s21, $0x1;
	s25 =	simm.s32 $0x1A080  }
0x12: {  	s22 =	sadd.s32 s24, s0;
	s19 =	sadd.s32 s10, s0;
	s0 =	sadd.s32 s5, s0  }
0x13: {  	s5 =	sadd.s32 s14, s2;
	s10 =	sadd.s32 $0x7D0, s15;
	[dreg:$0x5] =	wrdreg s7  }
0x14: {  	s14 =	sadd.s32 $0xFA0, s15;
	s23 =	sadd.s32 s24, s23;
	s20 =	sshll.u32 s10, $0x4  }
0x15: {  	s10 =	sadd.s32 s10, s3;
	s13 =	sshll.u32 s14, $0x4;
	s14 =	sadd.s32 s14, s3  }
0x16: {  	s19 =	sadd.s32 $0xA1FE00, s19;
	s22 =	sadd.s32 $0x65200, s22;
	s9 =	sadd.s32 s20, s2  }
0x17: {  	s13 =	sadd.s32 s13, s2;
	s20 =	sadd.s32 $0x1498, s15;
	s15 =	sadd.s32 s18, s2  }
0x18: {  	s26 =	sshll.u32 s20, $0x4;
	s18 =	sadd.s32 s20, s3;
	s20 =	sadd.s32 $0xA81E00, s0  }
0x19: {  	v0 =	vimm.f32 $0.0e+00;
	s0 =	sadd.s32 $0xD2D200, s1;
	s17 =	sadd.s32 s26, s2;
	s26 =	simm.s32 $0x1  }
.LBB2_1:
0x1a: {  	s1 =	simm.s32 $0x0  }
.LBB2_2:
0x1b: {  	p0 =	sne.s32 s1, $0xF9C0  }
.Ltmp0:
0x1c: {  	_ = 	snop;
	(pc) =	sbr.rel @p0 .LBB2_2-.Ltmp0, $3  }
0x1d: {  	_ =	sdelay $0x1  }
0x1e: {  	s24 =	sshra.s32 s1, $0x2  }
0x1f: {  	s1 =	sadd.s32 $0x40, s1;
	[tilespmem:s24+$0x1A080] =	vst v0  }
0x20: {  	s1 =	simm.s32 $0x40;
	s24 =	simm.s32 $0x0  }
.LBB2_4:
0x21: {  	p0 =	sne.s32 s1, $0xF40;
	[tilespmem:s24+$0x1DF00] =	vst v0;
	s24 =	smov.u32 s1;
	s1 =	sadd.s32 $0x40, s1  }
.Ltmp1:
0x22: {  	(pc) =	sbr.rel @p0 .LBB2_4-.Ltmp1, $2  }
0x23: {  	_ =	sdelay $0x2  }
0x24: {  	s24 =	sshra.s32 s24, $0x2  }
0x25: {  	[tilespmem:s24+$0x1DF00] =	vst v0  }
0x26: {  	[tilespmem:$0x1E2D8] =	vst v0  }
0x27: {  	[spmem:s5] =	stream.linear.scatter [tilespmem:s25], [sflag:$0x1], $0x3E80, $0x38;
	[tilespmem:$0x1E6D0] =	vst v63  }
0x28: {  	_ =	swait.ge [sflag:s26], $0x3E80  }
0x29: {  	[sflag:s26] =	ssyncset.done $0x0  }
0x2a: {  	[sflag:s26] =	ssyncadd.s32 $0xFFFFC180  }
0x2b: {  	[spmem:s6] =	stream.linear.scatter [tilespmem:s28], [sflag:$0x1], $0x3E8, $0x38;
	[tilespmem:$0x1E6D0] =	vst v63  }
0x2c: {  	_ =	swait.ge [sflag:s26], $0x3E8  }
0x2d: {  	[sflag:s26] =	ssyncset.done $0x0  }
0x2e: {  	s1 =	rddreg [dreg:$0x5];
	[sflag:s26] =	ssyncadd.s32 $0xFFFFFC18  }
0x2f: {  	[spmem:s1] =	stream.linear.scatter [tilespmem:s25], [sflag:$0x1], $0x3E80, $0x38;
	[tilespmem:$0x1E6D0] =	vst v63  }
0x30: {  	_ =	swait.ge [sflag:s26], $0x3E80  }
0x31: {  	[sflag:s26] =	ssyncset.done $0x0  }
0x32: {  	s7 =	rddreg [dreg:$0x6];
	[sflag:s26] =	ssyncadd.s32 $0xFFFFC180  }
0x33: {  	[spmem:s7] =	stream.linear.scatter [tilespmem:s28], [sflag:$0x1], $0x3E8, $0x38;
	[tilespmem:$0x1E6D0] =	vst v63  }
0x34: {  	_ =	swait.ge [sflag:s26], $0x3E8  }
0x35: {  	[sflag:s26] =	ssyncset.done $0x0  }
0x36: {  	[sflag:s26] =	ssyncadd.s32 $0xFFFFFC18  }
0x37: {  	[spmem:s9] =	stream.linear.scatter [tilespmem:s25], [sflag:$0x1], $0x3E80, $0x38;
	[tilespmem:$0x1E6D0] =	vst v63  }
0x38: {  	_ =	swait.ge [sflag:s26], $0x3E80  }
0x39: {  	[sflag:s26] =	ssyncset.done $0x0  }
0x3a: {  	[sflag:s26] =	ssyncadd.s32 $0xFFFFC180  }
0x3b: {  	[spmem:s10] =	stream.linear.scatter [tilespmem:s28], [sflag:$0x1], $0x3E8, $0x38;
	[tilespmem:$0x1E6D0] =	vst v63  }
0x3c: {  	_ =	swait.ge [sflag:s26], $0x3E8  }
0x3d: {  	[sflag:s26] =	ssyncset.done $0x0  }
0x3e: {  	[sflag:s26] =	ssyncadd.s32 $0xFFFFFC18  }
0x3f: {  	[spmem:s11] =	stream.linear.scatter [tilespmem:s25], [sflag:$0x1], $0x3E80, $0x38;
	[tilespmem:$0x1E6D0] =	vst v63  }
0x40: {  	_ =	swait.ge [sflag:s26], $0x3E80  }
0x41: {  	[sflag:s26] =	ssyncset.done $0x0  }
0x42: {  	[sflag:s26] =	ssyncadd.s32 $0xFFFFC180  }
0x43: {  	[spmem:s12] =	stream.linear.scatter [tilespmem:s28], [sflag:$0x1], $0x3E8, $0x38;
	[tilespmem:$0x1E6D0] =	vst v63  }
0x44: {  	_ =	swait.ge [sflag:s26], $0x3E8  }
0x45: {  	[sflag:s26] =	ssyncset.done $0x0  }
0x46: {  	[sflag:s26] =	ssyncadd.s32 $0xFFFFFC18  }
0x47: {  	[spmem:s13] =	stream.linear.scatter [tilespmem:s25], [sflag:$0x1], $0x3E80, $0x38;
	[tilespmem:$0x1E6D0] =	vst v63  }
0x48: {  	_ =	swait.ge [sflag:s26], $0x3E80  }
0x49: {  	[sflag:s26] =	ssyncset.done $0x0  }
0x4a: {  	[sflag:s26] =	ssyncadd.s32 $0xFFFFC180  }
0x4b: {  	[spmem:s14] =	stream.linear.scatter [tilespmem:s28], [sflag:$0x1], $0x3E8, $0x38;
	[tilespmem:$0x1E6D0] =	vst v63  }
0x4c: {  	_ =	swait.ge [sflag:s26], $0x3E8  }
0x4d: {  	[sflag:s26] =	ssyncset.done $0x0  }
0x4e: {  	[sflag:s26] =	ssyncadd.s32 $0xFFFFFC18  }
0x4f: {  	[spmem:s15] =	stream.linear.scatter [tilespmem:s25], [sflag:$0x1], $0x3E80, $0x38;
	[tilespmem:$0x1E6D0] =	vst v63  }
0x50: {  	_ =	swait.ge [sflag:s26], $0x3E80  }
0x51: {  	[sflag:s26] =	ssyncset.done $0x0  }
0x52: {  	[sflag:s26] =	ssyncadd.s32 $0xFFFFC180  }
0x53: {  	[spmem:s16] =	stream.linear.scatter [tilespmem:s28], [sflag:$0x1], $0x3E8, $0x38;
	[tilespmem:$0x1E6D0] =	vst v63  }
0x54: {  	_ =	swait.ge [sflag:s26], $0x3E8  }
0x55: {  	[sflag:s26] =	ssyncset.done $0x0  }
0x56: {  	[sflag:s26] =	ssyncadd.s32 $0xFFFFFC18  }
0x57: {  	[spmem:s17] =	stream.linear.scatter [tilespmem:s25], [sflag:$0x1], $0x3E80, $0x38;
	[tilespmem:$0x1E6D0] =	vst v63  }
0x58: {  	_ =	swait.ge [sflag:s26], $0x3E80  }
0x59: {  	[sflag:s26] =	ssyncset.done $0x0  }
0x5a: {  	[sflag:s26] =	ssyncadd.s32 $0xFFFFC180  }
0x5b: {  	[spmem:s18] =	stream.linear.scatter [tilespmem:s28], [sflag:$0x1], $0x3E8, $0x38;
	[tilespmem:$0x1E6D0] =	vst v63  }
0x5c: {  	_ =	swait.ge [sflag:s26], $0x3E8  }
0x5d: {  	[sflag:s26] =	ssyncset.done $0x0  }
0x5e: {  	[sflag:s26] =	ssyncadd.s32 $0xFFFFFC18  }
0x5f: {  	[bflag:$0x0] =	sbarrier.arrive $0xFFFF  }
0x60: {  	[tilespmem:s25], [sflag:$0x1] =	stream.linear.gather [hbm4b:s0+s4], $0x3E80, $0x38;
	[tilespmem:$0x1E6D0] =	vst v63  }
0x61: {  	_ =	swait.ge [sflag:s26], $0x3E80  }
0x62: {  	[sflag:s26] =	ssyncset.done $0x0  }
0x63: {  	s8 =	sadd.s32 $0x0, s23;
	[sflag:s26] =	ssyncadd.s32 $0xFFFFC180  }
0x64: {  	[tilespmem:s28], [sflag:$0x1] =	stream.linear.gather [hbm4b:s8+s4], $0x3E8, $0x38;
	[tilespmem:$0x1E6D0] =	vst v63  }
0x65: {  	_ =	swait.ge [sflag:s26], $0x3E8  }
0x66: {  	[sflag:s26] =	ssyncset.done $0x0  }
0x67: {  	s24 =	sadd.s32 $0x0, s22;
	[sflag:s26] =	ssyncadd.s32 $0xFFFFFC18  }
0x68: {  	[tilespmem:s29], [sflag:$0x1] =	stream.linear.gather [hbm4b:s24+s4], $0x3E8, $0x38;
	[tilespmem:$0x1E6D0] =	vst v63  }
0x69: {  	_ =	swait.ge [sflag:s26], $0x3E8  }
0x6a: {  	[sflag:s26] =	ssyncset.done $0x0  }
0x6b: {  	[sflag:s26] =	ssyncadd.s32 $0xFFFFFC18  }
0x6c: {  	[spmem:s2] =	stream.indirect.scatter.add.f32 [tilespmem:s25], [sflag:$0x1], $0x10, s29, s30, $0xb8;
	[tilespmem:$0x1E6D0] =	vst v63  }
0x6d: {  	_ =	swait.ge [sflag:s26], $0x3E80  }
0x6e: {  	[sflag:s26] =	ssyncset.done $0x0  }
0x6f: {  	[sflag:s26] =	ssyncadd.s32 $0xFFFFC180  }
0x70: {  	[spmem:s3] =	stream.indirect.scatter.add.f32 [tilespmem:s28], [sflag:$0x1], $0x1, s29, s30, $0xb8;
	[tilespmem:$0x1E6D0] =	vst v63  }
0x71: {  	_ =	swait.ge [sflag:s26], $0x3E8  }
0x72: {  	s1 =	simm.s32 $0x7D;
	s24 =	smov.u32 s0;
	[sflag:s26] =	ssyncset.done $0x0  }
.LBB2_6:
0x73: {  	p0 =	sne.s32 s1, $0x17ED;
	[sflag:s26] =	ssyncadd.s32 $0xFFFFFC18;
	s24 =	sadd.s32 $0x7D0, s24  }
0x74: {  	[tilespmem:s25], [sflag:$0x1] =	stream.linear.gather [hbm4b:s24+s4], $0x3E80, $0x38;
	[tilespmem:$0x1E6D0] =	vst v63  }
0x75: {  	s7 =	smov.u32 s1;
	s1 =	sadd.s32 $0x7D, s1;
	_ =	swait.ge [sflag:s26], $0x3E80  }
0x76: {  	[sflag:s26] =	ssyncset.done $0x0  }
0x77: {  	s8 =	sadd.s32 s7, s23;
	[sflag:s26] =	ssyncadd.s32 $0xFFFFC180  }
0x78: {  	[tilespmem:s28], [sflag:$0x1] =	stream.linear.gather [hbm4b:s8+s4], $0x3E8, $0x38;
	[tilespmem:$0x1E6D0] =	vst v63  }
0x79: {  	_ =	swait.ge [sflag:s26], $0x3E8  }
0x7a: {  	[sflag:s26] =	ssyncset.done $0x0  }
0x7b: {  	s7 =	sadd.s32 s7, s22;
	[sflag:s26] =	ssyncadd.s32 $0xFFFFFC18  }
0x7c: {  	[tilespmem:s29], [sflag:$0x1] =	stream.linear.gather [hbm4b:s7+s4], $0x3E8, $0x38;
	[tilespmem:$0x1E6D0] =	vst v63  }
0x7d: {  	_ =	swait.ge [sflag:s26], $0x3E8  }
0x7e: {  	[sflag:s26] =	ssyncset.done $0x0  }
0x7f: {  	[sflag:s26] =	ssyncadd.s32 $0xFFFFFC18  }
0x80: {  	[spmem:s2] =	stream.indirect.scatter.add.f32 [tilespmem:s25], [sflag:$0x1], $0x10, s29, s30, $0xb8;
	[tilespmem:$0x1E6D0] =	vst v63  }
0x81: {  	_ =	swait.ge [sflag:s26], $0x3E80  }
.Ltmp2:
0x82: {  	[sflag:s26] =	ssyncset.done $0x0;
	(pc) =	sbr.rel @p0 .LBB2_6-.Ltmp2, $4  }
0x83: {  	[sflag:s26] =	ssyncadd.s32 $0xFFFFC180  }
0x84: {  	[spmem:s3] =	stream.indirect.scatter.add.f32 [tilespmem:s28], [sflag:$0x1], $0x1, s29, s30, $0xb8;
	[tilespmem:$0x1E6D0] =	vst v63  }
0x85: {  	_ =	swait.ge [sflag:s26], $0x3E8  }
0x86: {  	[sflag:s26] =	ssyncset.done $0x0  }
0x87: {  	s1 =	stileid.u32  }
0x88: {  	[sflag:s26] =	ssyncadd.s32 $0xFFFFFC18;
	s1 =	sshll.u32 s1, $0x6  }
0x89: {  	s7 =	sshrl.u32 s5, $0x3;
	[bflag:$0x0] =	sbarrier.arrive $0xFFFF;
	s1 =	sor.u32 $0x1C01, s1  }
0x8a: {  	[hbm:s19], [sflag:s1] =	dma.local [spmem:s7], $0x3100  }
0x8b: {  	s31 =	sadd.s32 $0x1, s31;
	_ =	swait.ge [sflag:s26], $0x3100  }
0x8c: {  	p0 =	sne.s32 s31, s21;
	[sflag:s26] =	ssyncset.done $0x0  }
.Ltmp3:
0x8d: {  	s24 =	sshrl.u32 s6, $0x3;
	[sflag:s26] =	ssyncadd.s32 $0xFFFFCF00;
	(pc) =	sbr.rel @p0 .LBB2_1-.Ltmp3, $4  }
0x8e: {  	[hbm:s20], [sflag:s1] =	dma.local [spmem:s24], $0x310  }
0x8f: {  	_ =	swait.ge [sflag:s26], $0x310  }
0x90: {  	[sflag:s26] =	ssyncset.done $0x0  }
0x91: {  	[sflag:s26] =	ssyncadd.s32 $0xFFFFFCF0  }
0x92: {  	_ =	sfence.sel $0x180000  }
0x93: {  	[bflag:$0x0] =	sbarrier.arrive $0xFFFF  }
0x94: {  	_ =	strace $0x9000005F  }
0x95: {  	s0 =	stileid.u32;
	[bflag:$0x2] =	sbarrier.arrive $0xFFFF  }
0x96: {  	p0 =	sne.s32 s0, $0x0;
	s0 =	rddreg [dreg:$0x4]  }
0x97: {  	s0 =	sadd.s32 @!p0 $0x100000, s0  }
0x98: {  	[sflag:s0] =	ssyncadd.tile.s32 @!p0 $0x1;
	_ =	shalt  }
.Lfunc_end2:
_tile_overlayer_lowered:
.L_overlay_start_2:
0x99: {  	(tag) =	ssettag $0x2  }
0x9a: {  	s0 =	rddreg [dreg:$0x0];
	s2 =	stileid.u32  }
0x9b: {  	s1 =	rddreg [dreg:$0x1];
	p0 =	sne.s32 s2, $0x0  }
0x9c: {  	s3 =	rddreg [dreg:$0x2];
	[bflag:$0x3] =	sbarrier.arrive $0xFFFF;
	s2 =	simm.s32 @!p0 $0x1C01  }
0x9d: {  	[timem:s3], [sflag:s2] =	dma.local @!p0 [hbm:s0], s1  }
0x9e: {  	s0 =	simm.s32 @!p0 $0x1  }
0x9f: {  	_ =	swait.ge @!p0 [sflag:s0], s1  }
0xa0: {  	s1 =	ssub.s32 @!p0 $0x0, s1;
	[sflag:s0] =	ssyncset.done @!p0 $0x0  }
0xa1: {  	[sflag:s0] =	ssyncadd.s32 @!p0 s1  }
0xa2: {  	[bflag:$0x3] =	sbarrier.arrive $0xFFFF  }
0xa3: {  	_ =	shalt  }

// kernel: kernel.43.cloned.1.call-start
scs
__scs_entry_jumppad:
0x0: {  	(pc) =	sbr.rel $0x88, $3  }
0x1: {  	(tag) =	ssettag $0x0;
	lr =	simm.s32 $0x1  }
0x2: {  	[smem:$0x3F7A] =	sst lr;
	_ =	strace $0xD0000000  }
0x3: {  	_ = 	snop  }
0x4: {  	_ = 	snop  }
0x5: {  	_ = 	snop  }
0x6: {  	_ = 	snop  }
0x7: {  	_ = 	snop  }
__scs_overlays_trampoline_lowered:
0x8: {  	[smem:$0x3F89] =	sst s0  }
0x9: {  	[smem:$0x3F8A] =	sst s1  }
0xa: {  	[smem:$0x3F8B] =	sst s2  }
0xb: {  	[smem:$0x3F8C] =	sst s3  }
0xc: {  	[smem:$0x3F8D] =	sst s4  }
0xd: {  	[smem:$0x3F8E] =	sst s5  }
0xe: {  	[smem:$0x3F8F] =	sst s6  }
0xf: {  	[smem:$0x3F90] =	sst s7  }
0x10: {  	[smem:$0x3F91] =	sst s8  }
0x11: {  	[smem:$0x3F92] =	sst s9;
	s0 =	simm.s32 @!p0 $0x0  }
0x12: {  	s1 =	sld [smem:$0x3F78];
	s0 =	simm.s32 @p0 $0x1  }
0x13: {  	[smem:$0x3F93] =	sst s0;
	s0 =	simm.s32 @!p1 $0x0  }
0x14: {  	s2 =	sld [smem:$0x3F77];
	s0 =	simm.s32 @p1 $0x1  }
0x15: {  	[smem:$0x3F94] =	sst s0;
	s0 =	simm.s32 @!p2 $0x0  }
0x16: {  	s3 =	sld [smem:$0x3FDB];
	s0 =	simm.s32 @p2 $0x1  }
0x17: {  	s4 =	simm.s32 $0x1BF5;
	[smem:$0x3F96] =	sst s0  }
0x18: {  	s0 =	sld [smem:$0x3F79];
	_ =	swait.ge [sflag:s4], $0x0  }
0x19: {  	s7 =	sld [smem:$0x3F7A]  }
0x1a: {  	s8 =	sadd.s32 $0xFFFFE003, lr  }
0x1b: {  	s9 =	sadd.s32 $0xFFFFFEF7, lr;
	s5 =	simm.s32 $0xFFFFFFFF;
	p2 =	slt.u32 s8, $0xFFFFF086  }
0x1c: {  	p1 =	slt.u32 s9, $0xF7A;
	s5 =	simm.s32 @!p2 $0x0  }
0x1d: {  	s5 =	simm.s32 @p1 $0x1;
	p0 =	seq.s32 s7, s2  }
0x1e: {  	s7 =	smul.u32 @!p0 $0xF7A, s2;
	p2 =	seq.s32 @!p0 s5, $0x0  }
0x1f: {  	s9 =	smul.u32 $0xF7A, s1;
	s8 =	simm.s32 @!p0 $0x1BF5;
	p2 =	por !p2, p0  }
0x20: {  	[sflag:s8] =	ssyncset.s32 @!p0 $0xFFFFF086;
	s6 =	sadd.s32 @!p0 s3, s7;
	s7 =	simm.s32 @!p0 $0x108  }
0x21: {  	s3 =	sadd.s32 s3, s9;
	s6 =	sadd.s32 @!p0 $0x88, s6;
	s7 =	simm.s32 @p2 $0x1082  }
0x22: {  	[simem:s7], [sflag:s8] =	dma.local @!p0 [hbm:s6], $0xF7A  }
0x23: {  	s9 =	sor.u32 $0xD0000000, s2;
	s6 =	simm.s32 $0x108;
	_ =	swait.ge @!p0 [sflag:s8], $0x0  }
0x24: {  	s3 =	sadd.s32 $0x88, s3;
	s6 =	simm.s32 @!p1 $0x1082;
	[sflag:s4] =	ssyncset.s32 $0xFFFFF086  }
0x25: {  	[simem:s6], [sflag:s4] =	dma.local [hbm:s3], $0xF7A  }
0x26: {  	[smem:$0x3F7A] =	sst s1;
	(tag) =	ssettag s2;
	_ =	strace s9  }
0x27: {  	s1 =	sld [smem:$0x3F8A]  }
0x28: {  	s2 =	sld [smem:$0x3F8B]  }
0x29: {  	s4 =	sld [smem:$0x3F8D]  }
0x2a: {  	p0 =	seq.s32 s5, $0x0;
	s5 =	sld [smem:$0x3F8E]  }
0x2b: {  	s6 =	sld [smem:$0x3F8F]  }
0x2c: {  	s7 =	sld [smem:$0x3F90]  }
0x2d: {  	s3 =	simm.s32 $0x108;
	s8 =	sld [smem:$0x3F91]  }
0x2e: {  	s3 =	simm.s32 @!p0 $0x1082;
	s9 =	sld [smem:$0x3F92]  }
0x2f: {  	lr =	sadd.s32 s0, s3;
	s0 =	sld [smem:$0x3F89]  }
0x30: {  	s3 =	sld [smem:$0x3F8C]  }
0x31: {  	[smem:$0x3F95] =	sst s10  }
0x32: {  	s10 =	sld [smem:$0x3F93];
	_ =	sdelay $0x3  }
0x33: {  	p0 =	seq.s32 s10, $0x1;
	s10 =	sld [smem:$0x3F95];
	_ =	sdelay $0x3  }
0x34: {  	[smem:$0x3F95] =	sst s10  }
0x35: {  	s10 =	sld [smem:$0x3F94];
	_ =	sdelay $0x3  }
0x36: {  	p1 =	seq.s32 s10, $0x1;
	s10 =	sld [smem:$0x3F95];
	_ =	sdelay $0x3  }
0x37: {  	[smem:$0x3F95] =	sst s10  }
0x38: {  	s10 =	sld [smem:$0x3F96]  }
0x39: {  	_ = 	snop;
	(pc) =	sbr.ind lr, $3  }
0x3a: {  	_ = 	snop  }
0x3b: {  	_ = 	snop  }
0x3c: {  	p2 =	seq.s32 s10, $0x1;
	s10 =	sld [smem:$0x3F95]  }
0x3d: {  	_ =	shalt  }
0x3e: {  	_ =	shalt  }
0x3f: {  	_ =	shalt  }
0x40: {  	_ =	shalt  }
0x41: {  	_ =	shalt  }
0x42: {  	_ =	shalt  }
0x43: {  	_ =	shalt  }
0x44: {  	_ =	shalt  }
0x45: {  	_ =	shalt  }
0x46: {  	_ =	shalt  }
0x47: {  	_ =	shalt  }
0x48: {  	_ =	shalt  }
0x49: {  	_ =	shalt  }
0x4a: {  	_ =	shalt  }
0x4b: {  	_ =	shalt  }
0x4c: {  	_ =	shalt  }
0x4d: {  	_ =	shalt  }
0x4e: {  	_ =	shalt  }
0x4f: {  	_ =	shalt  }
0x50: {  	_ =	shalt  }
0x51: {  	_ =	shalt  }
0x52: {  	_ =	shalt  }
0x53: {  	_ =	shalt  }
0x54: {  	_ =	shalt  }
0x55: {  	_ =	shalt  }
0x56: {  	_ =	shalt  }
0x57: {  	_ =	shalt  }
0x58: {  	_ =	shalt  }
0x59: {  	_ =	shalt  }
0x5a: {  	_ =	shalt  }
0x5b: {  	_ =	shalt  }
0x5c: {  	_ =	shalt  }
0x5d: {  	_ =	shalt  }
0x5e: {  	_ =	shalt  }
0x5f: {  	_ =	shalt  }
0x60: {  	_ =	shalt  }
0x61: {  	_ =	shalt  }
0x62: {  	_ =	shalt  }
0x63: {  	_ =	shalt  }
0x64: {  	_ =	shalt  }
0x65: {  	_ =	shalt  }
0x66: {  	_ =	shalt  }
0x67: {  	_ =	shalt  }
0x68: {  	_ =	shalt  }
0x69: {  	_ =	shalt  }
0x6a: {  	_ =	shalt  }
0x6b: {  	_ =	shalt  }
0x6c: {  	_ =	shalt  }
0x6d: {  	_ =	shalt  }
0x6e: {  	_ =	shalt  }
0x6f: {  	_ =	shalt  }
0x70: {  	_ =	shalt  }
0x71: {  	_ =	shalt  }
0x72: {  	_ =	shalt  }
0x73: {  	_ =	shalt  }
0x74: {  	_ =	shalt  }
0x75: {  	_ =	shalt  }
0x76: {  	_ =	shalt  }
0x77: {  	_ =	shalt  }
0x78: {  	_ =	shalt  }
0x79: {  	_ =	shalt  }
0x7a: {  	_ =	shalt  }
0x7b: {  	_ =	shalt  }
0x7c: {  	_ =	shalt  }
0x7d: {  	_ =	shalt  }
0x7e: {  	_ =	shalt  }
0x7f: {  	_ =	shalt  }
0x80: {  	_ =	shalt  }
0x81: {  	_ =	shalt  }
0x82: {  	_ =	shalt  }
0x83: {  	_ =	shalt  }
0x84: {  	_ =	shalt  }
0x85: {  	_ =	shalt  }
0x86: {  	_ =	shalt  }
0x87: {  	_ =	shalt  }
.Lfunc_end0:
.L_simem_size_0:
called_computation.10_lowered:
.L_overlay_start_0:
0x88: {  	s2 =	sld [smem:$0x3FD9]  }
0x89: {  	s3 =	sld [smem:$0x3FFE];
	_ =	sdelay $0x1  }
0x8a: {  	s1 =	srdreg.scid  }
0x8b: {  	s0 =	sand.u32 $0x1, s1  }
0x8c: {  	s15 =	sshll.u32 s0, $0xA;
	s2 =	sadd.s32 s3, s2  }
0x8d: {  	s2 =	sadd.s32 s2, s15  }
0x8e: {  	[smem:$0x3FA1] =	sst s2  }
0x8f: {  	_ = 	snop  }
0x90: {  	s2 =	sld [smem:$0x3FD0];
	_ =	sdelay $0x2  }
0x91: {  	s16 =	simm.s32 $0xD;
	s4 =	simm.s32 $0x10  }
0x92: {  	[smem:s4], [sflag:s16] =	dma.local [hbm:s2], $0x1  }
0x93: {  	_ =	swait.eq [sflag:s16], $0x1  }
0x94: {  	[sflag:s16] =	ssyncset.done $0x0  }
0x95: {  	[sflag:s16] =	ssyncadd.s32 $0xFFFFFFFF  }
0x96: {  	s17 =	sld [smem:$0x12];
	(tm) =	ssettm $0x1  }
0x97: {  	s18 =	sld [smem:$0x3FFB];
	_ =	sdelay $0x3  }
0x98: {  	_ =	strace s18  }
0x99: {  	s2 =	sld [smem:$0x3FFC];
	_ =	sdelay $0x3  }
0x9a: {  	_ =	strace s2  }
0x9b: {  	s2 =	sld [smem:$0x3FFD];
	_ =	sdelay $0x3  }
0x9c: {  	_ =	strace s2  }
0x9d: {  	_ =	strace $0x8FFFFFFF  }
0x9e: {  	s19 =	sld [smem:$0x3FDB];
	_ =	sdelay $0x1  }
0x9f: {  	s20 =	simm.s32 $_scs_section_size  }
0xa0: {  	s5 =	simm.s32 $_size__tile_overlayer_lowered;
	s6 =	simm.s32 $_tile_overlayer_lowered  }
0xa1: {  	s7 =	simm.s32 $0x1BFF;
	s21 =	sshll.u32 s6, $0x1;
	s4 =	sadd.s32 s20, s19  }
0xa2: {  	s22 =	simm.s32 $0x0;
	s5 =	sshll.u32 s5, $0x1;
	s6 =	sadd.s32 s21, s4  }
0xa3: {  	[timem:s22], [sflag:s7] =	dma.local [hbm:s6], s5  }
0xa4: {  	_ =	swait.ge [sflag:s7], s5  }
0xa5: {  	s5 =	ssub.s32 $0x0, s5;
	[sflag:s7] =	ssyncset.done $0x0  }
0xa6: {  	[sflag:s7] =	ssyncadd.s32 s5;
	_ =	sdelay $0x1  }
0xa7: {  	s23 =	simm.s32 $0x1B8B  }
0xa8: {  	_ =	swait.ge [sflag:s23], $0x1  }
0xa9: {  	[sflag:s23] =	ssyncset.done $0x0  }
0xaa: {  	[sflag:s23] =	ssyncadd.s32 $0xFFFFFFFF  }
0xab: {  	s5 =	sld [smem:$0x0]  }
0xac: {  	s6 =	sand.u32 $0xFFFFFFFE, s1  }
0xad: {  	p0 =	sne.s32 s1, s6  }
0xae: {  	s6 =	sshll.u32 @p0 s6, $0xE  }
0xaf: {  	s6 =	sadd.s32 @p0 $0x11B8D, s6;
	s7 =	sshll.u32 @p0 s5, $0x11  }
0xb0: {  	s6 =	sor.u32 @p0 s7, s6  }
0xb1: {  	[sflag:s6] =	ssyncadd.remote.s32 @p0 $0x1;
	_ =	sdelay $0x1  }
0xb2: {  	s6 =	simm.s32 @p0 $0x1B8D  }
0xb3: {  	_ =	swait.eq @p0 [sflag:s6], $0x1  }
0xb4: {  	[sflag:s6] =	ssyncadd.s32 @p0 $0xFFFFFFFF  }
0xb5: {  	s7 =	sshll.u32 @!p0 s1, $0xE  }
0xb6: {  	s7 =	sor.u32 @!p0 $0x4000, s7;
	s6 =	simm.s32 @!p0 $0x1B8D  }
0xb7: {  	s5 =	sshll.u32 @!p0 s5, $0x11;
	s7 =	sadd.s32 @!p0 $0x11B8D, s7;
	_ =	swait.eq @!p0 [sflag:s6], $0x1  }
0xb8: {  	s5 =	sor.u32 @!p0 s5, s7;
	[sflag:s6] =	ssyncadd.s32 @!p0 $0xFFFFFFFF  }
0xb9: {  	s25 =	simm.s32 $0x1B8E;
	s24 =	sld [smem:$0x3FFE];
	[sflag:s5] =	ssyncadd.remote.s32 @!p0 $0x1  }
0xba: {  	s26 =	simm.s32 $execute0_lowered;
	[smem:$0x3FD2] =	sst s25  }
0xbb: {  	s6 =	sshll.u32 s26, $0x1;
	_ =	strace $0x80000064;
	[dreg:$0x1] =	wrdreg $0xFFFFFFFF  }
0xbc: {  	s28 =	simm.s32 $_size_execute0_lowered;
	s4 =	sadd.s32 s4, s6;
	[dreg:$0x0] =	wrdreg $0x0  }
0xbd: {  	s6 =	sshll.u32 s28, $0x1;
	[dreg:$0x2] =	wrdreg s4  }
0xbe: {  	[dreg:$0x3] =	wrdreg s6  }
0xbf: {  	[dreg:$0x4] =	wrdreg $0xC0  }
0xc0: {  	_ =	task [dreg:s22], $0x5FFFF  }
0xc1: {  	[dreg:$0x1] =	wrdreg $0xFFFFFFFF  }
0xc2: {  	[dreg:$0x0] =	wrdreg $0x60  }
0xc3: {  	[dreg:$0x2] =	wrdreg s17  }
0xc4: {  	[dreg:$0x3] =	wrdreg s24  }
0xc5: {  	[dreg:$0x4] =	wrdreg $0xA  }
0xc6: {  	_ =	task.clear_ibuf [dreg:s22], $0x5FFFF;
	_ =	strace $0x90000064  }
0xc7: {  	s29 =	simm.s32 $0xA;
	_ =	strace $0x80000066  }
0xc8: {  	_ =	swait.ge [sflag:s29], $0x1  }
0xc9: {  	[sflag:s29] =	ssyncadd.s32 $0xFFFFFFFF  }
0xca: {  	_ =	strace $0x90000066  }
0xcb: {  	_ =	sfence  }
0xcc: {  	s30 =	sld [smem:$0x0];
	_ =	sdelay $0x2  }
0xcd: {  	s31 =	sshll.u32 s1, $0xD;
	s1 =	sshrl.u32 s1, $0x2  }
0xce: {  	s4 =	sand.u32 $0x4000, s31;
	s1 =	sadd.s32 s1, s30  }
0xcf: {  	s0 =	sor.u32 s4, s0;
	s1 =	sshll.u32 s1, $0x11  }
0xd0: {  	s0 =	sor.u32 s1, s0  }
0xd1: {  	s0 =	sadd.s32 $0x8F2B, s0  }
0xd2: {  	[sflag:s0] =	ssyncadd.remote.s32 $0x1  }
0xd3: {  	_ =	sfence.sel $0xFFFF  }
0xd4: {  	[dreg:$0x0] =	wrdreg $0xFFFFFFFF;
	(pc) =	sbr.abs _section_cstart, $3  }
0xd5: {  	[dreg:$0x1] =	wrdreg $0xFFFFFFFF  }
0xd6: {  	_ =	task.clear_ibuf [dreg:s22], $0x2FFFF;
	_ =	strace $0x9FFFFFFF  }
0xd7: {  	(tm) =	ssettm $0x7FFFFFFF  }
tec
execute0_lowered:
.L_overlay_start_1:
0x0: {  	(tag) =	ssettag $0x1  }
0x1: {  	s2 =	rddreg [dreg:$0x0]  }
0x2: {  	s4 =	rddreg [dreg:$0x1]  }
0x3: {  	s0 =	rddreg [dreg:$0x2];
	s1 =	stileid.u32  }
0x4: {  	s5 =	srdreg.scid;
	s3 =	simm.s32 $0x0;
	s6 =	smul.u32 $0x186A0, s1  }
0x5: {  	s10 =	simm.s32 $0x0;
	s5 =	sand.u32 $0x1, s5;
	s8 =	smul.u32 $0x30D40, s1  }
0x6: {  	[smem:$0x7FF] =	sst s3;
	s7 =	smul.u32 $0xC350, s5;
	s9 =	ssub.s32 $0x2, s5  }
0x7: {  	_ =	strace $0x80000065;
	s5 =	smul.u32 $0x186A0, s5;
	s31 =	sshrl.u32 s9, $0x1  }
0x8: {  	s8 =	sadd.s32 s8, s4;
	s6 =	sadd.s32 s7, s6;
	s7 =	ssub.s32 s9, s31  }
0x9: {  	s5 =	sadd.s32 s5, s8;
	s8 =	simm.s32 $0x3E8;
	s6 =	sshrl.u32 s6, $0x3  }
0xa: {  	s9 =	simm.s32 $0x1;
	s5 =	sadd.s32 $0x3A3400, s5;
	s6 =	sadd.s32 s6, s4  }
0xb: {  	s4 =	smax.u32 s7, $0x1;
	s7 =	simm.s32 $0x2;
	s6 =	sadd.s32 $0x65200, s6  }
.LBB2_1:
0xc: {  	s11 =	sadd.s32 $0x0, s6  }
0xd: {  	[tilespmem:s3], [sflag:$0x2] =	stream.linear.gather [hbm4b:s11+s3], $0x3E8, $0x38;
	[tilespmem:$0x4268] =	vst v63  }
0xe: {  	_ =	swait.ge [sflag:s7], $0x3E8  }
0xf: {  	[sflag:s7] =	ssyncset.done $0x0  }
0x10: {  	[sflag:s7] =	ssyncadd.s32 $0xFFFFFC18  }
0x11: {  	[tilespmem:s8], [sflag:$0x1] =	stream.indirect.gather [hbm4b:s2+s8], $0x10, s3, s8, $0xb8;
	[tilespmem:$0x4268] =	vst v63  }
0x12: {  	_ =	swait.ge [sflag:s9], $0x3E80  }
0x13: {  	[sflag:s9] =	ssyncset.done $0x0  }
0x14: {  	[sflag:s9] =	ssyncadd.s32 $0xFFFFC180  }
0x15: {  	[hbm4b:s5+s3] =	stream.linear.scatter [tilespmem:s8], [sflag:$0x2], $0x3E80, $0x38;
	[tilespmem:$0x4268] =	vst v63  }
0x16: {  	s12 =	simm.s32 $0x7D;
	_ =	swait.ge [sflag:s7], $0x3E80  }
0x17: {  	s13 =	simm.s32 $0xFA;
	s11 =	sadd.s32 $0x7D0, s5;
	[sflag:s7] =	ssyncset.done $0x0  }
.LBB2_2:
0x18: {  	s14 =	sadd.s32 s12, s6  }
0x19: {  	[sflag:s7] =	ssyncadd.s32 $0xFFFFC180;
	s12 =	smov.u32 s13;
	s15 =	sadd.s32 $0x7D, s13  }
0x1a: {  	[tilespmem:s3], [sflag:$0x2] =	stream.linear.gather [hbm4b:s14+s3], $0x3E8, $0x38;
	[tilespmem:$0x4268] =	vst v63  }
0x1b: {  	p0 =	sne.s32 s13, $0x17ED;
	_ =	swait.ge [sflag:s7], $0x3E8  }
0x1c: {  	[sflag:s7] =	ssyncset.done $0x0  }
0x1d: {  	[sflag:s7] =	ssyncadd.s32 $0xFFFFFC18  }
0x1e: {  	[tilespmem:s8], [sflag:$0x1] =	stream.indirect.gather [hbm4b:s2+s8], $0x10, s3, s8, $0xb8;
	[tilespmem:$0x4268] =	vst v63  }
0x1f: {  	_ =	swait.ge [sflag:s9], $0x3E80  }
.Ltmp0:
0x20: {  	[sflag:s9] =	ssyncset.done $0x0;
	(pc) =	sbr.rel @p0 .LBB2_2-.Ltmp0, $4  }
0x21: {  	[sflag:s9] =	ssyncadd.s32 $0xFFFFC180  }
0x22: {  	[hbm4b:s11+s3] =	stream.linear.scatter [tilespmem:s8], [sflag:$0x2], $0x3E80, $0x38;
	[tilespmem:$0x4268] =	vst v63  }
0x23: {  	_ =	swait.ge [sflag:s7], $0x3E80  }
0x24: {  	s13 =	smov.u32 s15;
	s11 =	sadd.s32 $0x7D0, s11;
	[sflag:s7] =	ssyncset.done $0x0  }
0x25: {  	s12 =	sadd.s32 s12, s6;
	[sflag:s7] =	ssyncadd.s32 $0xFFFFC180  }
0x26: {  	[tilespmem:s3], [sflag:$0x2] =	stream.linear.gather [hbm4b:s12+s3], $0x3E8, $0x38;
	[tilespmem:$0x4268] =	vst v63  }
0x27: {  	_ =	swait.ge [sflag:s7], $0x3E8  }
0x28: {  	[sflag:s7] =	ssyncset.done $0x0  }
0x29: {  	[sflag:s7] =	ssyncadd.s32 $0xFFFFFC18  }
0x2a: {  	[tilespmem:s8], [sflag:$0x1] =	stream.indirect.gather [hbm4b:s2+s8], $0x10, s3, s8, $0xb8;
	[tilespmem:$0x4268] =	vst v63  }
0x2b: {  	s10 =	sadd.s32 $0x1, s10;
	_ =	swait.ge [sflag:s9], $0x3E80  }
0x2c: {  	p0 =	sne.s32 s10, s4;
	[sflag:s9] =	ssyncset.done $0x0  }
.Ltmp1:
0x2d: {  	[sflag:s9] =	ssyncadd.s32 $0xFFFFC180;
	(pc) =	sbr.rel @p0 .LBB2_1-.Ltmp1, $4  }
0x2e: {  	[hbm4b:s11+s3] =	stream.linear.scatter [tilespmem:s8], [sflag:$0x2], $0x3E80, $0x38;
	[tilespmem:$0x4268] =	vst v63  }
0x2f: {  	_ =	swait.ge [sflag:s7], $0x3E80  }
0x30: {  	[sflag:s7] =	ssyncset.done $0x0  }
0x31: {  	[sflag:s7] =	ssyncadd.s32 $0xFFFFC180  }
0x32: {  	_ =	sfence.sel $0x180000  }
0x33: {  	[bflag:$0x0] =	sbarrier.arrive $0xFFFF  }
0x34: {  	p0 =	sne.s32 s1, $0x0;
	_ =	strace $0x90000065  }
0x35: {  	s0 =	sadd.s32 @!p0 $0x100000, s0;
	[bflag:$0x2] =	sbarrier.arrive $0xFFFF  }
0x36: {  	[sflag:s0] =	ssyncadd.tile.s32 @!p0 $0x1;
	_ =	shalt  }
.Lfunc_end2:
_tile_overlayer_lowered:
.L_overlay_start_2:
0x37: {  	(tag) =	ssettag $0x2  }
0x38: {  	s0 =	rddreg [dreg:$0x0];
	s2 =	stileid.u32  }
0x39: {  	s1 =	rddreg [dreg:$0x1];
	p0 =	sne.s32 s2, $0x0  }
0x3a: {  	s3 =	rddreg [dreg:$0x2];
	[bflag:$0x3] =	sbarrier.arrive $0xFFFF;
	s2 =	simm.s32 @!p0 $0x1C02  }
0x3b: {  	[timem:s3], [sflag:s2] =	dma.local @!p0 [hbm:s0], s1  }
0x3c: {  	s0 =	simm.s32 @!p0 $0x2  }
0x3d: {  	_ =	swait.ge @!p0 [sflag:s0], s1  }
0x3e: {  	s1 =	ssub.s32 @!p0 $0x0, s1;
	[sflag:s0] =	ssyncset.done @!p0 $0x0  }
0x3f: {  	[sflag:s0] =	ssyncadd.s32 @!p0 s1  }
0x40: {  	[bflag:$0x3] =	sbarrier.arrive $0xFFFF  }
0x41: {  	_ =	shalt  }

// kernel: kernel.46.cloned.1.call-start
scs
__scs_entry_jumppad:
0x0: {  	(pc) =	sbr.rel $0x88, $3  }
0x1: {  	(tag) =	ssettag $0x0;
	lr =	simm.s32 $0x1  }
0x2: {  	[smem:$0x3F7A] =	sst lr;
	_ =	strace $0xD0000000  }
0x3: {  	_ = 	snop  }
0x4: {  	_ = 	snop  }
0x5: {  	_ = 	snop  }
0x6: {  	_ = 	snop  }
0x7: {  	_ = 	snop  }
__scs_overlays_trampoline_lowered:
0x8: {  	[smem:$0x3F89] =	sst s0  }
0x9: {  	[smem:$0x3F8A] =	sst s1  }
0xa: {  	[smem:$0x3F8B] =	sst s2  }
0xb: {  	[smem:$0x3F8C] =	sst s3  }
0xc: {  	[smem:$0x3F8D] =	sst s4  }
0xd: {  	[smem:$0x3F8E] =	sst s5  }
0xe: {  	[smem:$0x3F8F] =	sst s6  }
0xf: {  	[smem:$0x3F90] =	sst s7  }
0x10: {  	[smem:$0x3F91] =	sst s8  }
0x11: {  	[smem:$0x3F92] =	sst s9;
	s0 =	simm.s32 @!p0 $0x0  }
0x12: {  	s1 =	sld [smem:$0x3F78];
	s0 =	simm.s32 @p0 $0x1  }
0x13: {  	[smem:$0x3F93] =	sst s0;
	s0 =	simm.s32 @!p1 $0x0  }
0x14: {  	s2 =	sld [smem:$0x3F77];
	s0 =	simm.s32 @p1 $0x1  }
0x15: {  	[smem:$0x3F94] =	sst s0;
	s0 =	simm.s32 @!p2 $0x0  }
0x16: {  	s3 =	sld [smem:$0x3FDB];
	s0 =	simm.s32 @p2 $0x1  }
0x17: {  	s4 =	simm.s32 $0x1BF5;
	[smem:$0x3F96] =	sst s0  }
0x18: {  	s0 =	sld [smem:$0x3F79];
	_ =	swait.ge [sflag:s4], $0x0  }
0x19: {  	s7 =	sld [smem:$0x3F7A]  }
0x1a: {  	s8 =	sadd.s32 $0xFFFFE003, lr  }
0x1b: {  	s9 =	sadd.s32 $0xFFFFFEF7, lr;
	s5 =	simm.s32 $0xFFFFFFFF;
	p2 =	slt.u32 s8, $0xFFFFF086  }
0x1c: {  	p1 =	slt.u32 s9, $0xF7A;
	s5 =	simm.s32 @!p2 $0x0  }
0x1d: {  	s5 =	simm.s32 @p1 $0x1;
	p0 =	seq.s32 s7, s2  }
0x1e: {  	s7 =	smul.u32 @!p0 $0xF7A, s2;
	p2 =	seq.s32 @!p0 s5, $0x0  }
0x1f: {  	s9 =	smul.u32 $0xF7A, s1;
	s8 =	simm.s32 @!p0 $0x1BF5;
	p2 =	por !p2, p0  }
0x20: {  	[sflag:s8] =	ssyncset.s32 @!p0 $0xFFFFF086;
	s6 =	sadd.s32 @!p0 s3, s7;
	s7 =	simm.s32 @!p0 $0x108  }
0x21: {  	s3 =	sadd.s32 s3, s9;
	s6 =	sadd.s32 @!p0 $0x88, s6;
	s7 =	simm.s32 @p2 $0x1082  }
0x22: {  	[simem:s7], [sflag:s8] =	dma.local @!p0 [hbm:s6], $0xF7A  }
0x23: {  	s9 =	sor.u32 $0xD0000000, s2;
	s6 =	simm.s32 $0x108;
	_ =	swait.ge @!p0 [sflag:s8], $0x0  }
0x24: {  	s3 =	sadd.s32 $0x88, s3;
	s6 =	simm.s32 @!p1 $0x1082;
	[sflag:s4] =	ssyncset.s32 $0xFFFFF086  }
0x25: {  	[simem:s6], [sflag:s4] =	dma.local [hbm:s3], $0xF7A  }
0x26: {  	[smem:$0x3F7A] =	sst s1;
	(tag) =	ssettag s2;
	_ =	strace s9  }
0x27: {  	s1 =	sld [smem:$0x3F8A]  }
0x28: {  	s2 =	sld [smem:$0x3F8B]  }
0x29: {  	s4 =	sld [smem:$0x3F8D]  }
0x2a: {  	p0 =	seq.s32 s5, $0x0;
	s5 =	sld [smem:$0x3F8E]  }
0x2b: {  	s6 =	sld [smem:$0x3F8F]  }
0x2c: {  	s7 =	sld [smem:$0x3F90]  }
0x2d: {  	s3 =	simm.s32 $0x108;
	s8 =	sld [smem:$0x3F91]  }
0x2e: {  	s3 =	simm.s32 @!p0 $0x1082;
	s9 =	sld [smem:$0x3F92]  }
0x2f: {  	lr =	sadd.s32 s0, s3;
	s0 =	sld [smem:$0x3F89]  }
0x30: {  	s3 =	sld [smem:$0x3F8C]  }
0x31: {  	[smem:$0x3F95] =	sst s10  }
0x32: {  	s10 =	sld [smem:$0x3F93];
	_ =	sdelay $0x3  }
0x33: {  	p0 =	seq.s32 s10, $0x1;
	s10 =	sld [smem:$0x3F95];
	_ =	sdelay $0x3  }
0x34: {  	[smem:$0x3F95] =	sst s10  }
0x35: {  	s10 =	sld [smem:$0x3F94];
	_ =	sdelay $0x3  }
0x36: {  	p1 =	seq.s32 s10, $0x1;
	s10 =	sld [smem:$0x3F95];
	_ =	sdelay $0x3  }
0x37: {  	[smem:$0x3F95] =	sst s10  }
0x38: {  	s10 =	sld [smem:$0x3F96]  }
0x39: {  	_ = 	snop;
	(pc) =	sbr.ind lr, $3  }
0x3a: {  	_ = 	snop  }
0x3b: {  	_ = 	snop  }
0x3c: {  	p2 =	seq.s32 s10, $0x1;
	s10 =	sld [smem:$0x3F95]  }
0x3d: {  	_ =	shalt  }
0x3e: {  	_ =	shalt  }
0x3f: {  	_ =	shalt  }
0x40: {  	_ =	shalt  }
0x41: {  	_ =	shalt  }
0x42: {  	_ =	shalt  }
0x43: {  	_ =	shalt  }
0x44: {  	_ =	shalt  }
0x45: {  	_ =	shalt  }
0x46: {  	_ =	shalt  }
0x47: {  	_ =	shalt  }
0x48: {  	_ =	shalt  }
0x49: {  	_ =	shalt  }
0x4a: {  	_ =	shalt  }
0x4b: {  	_ =	shalt  }
0x4c: {  	_ =	shalt  }
0x4d: {  	_ =	shalt  }
0x4e: {  	_ =	shalt  }
0x4f: {  	_ =	shalt  }
0x50: {  	_ =	shalt  }
0x51: {  	_ =	shalt  }
0x52: {  	_ =	shalt  }
0x53: {  	_ =	shalt  }
0x54: {  	_ =	shalt  }
0x55: {  	_ =	shalt  }
0x56: {  	_ =	shalt  }
0x57: {  	_ =	shalt  }
0x58: {  	_ =	shalt  }
0x59: {  	_ =	shalt  }
0x5a: {  	_ =	shalt  }
0x5b: {  	_ =	shalt  }
0x5c: {  	_ =	shalt  }
0x5d: {  	_ =	shalt  }
0x5e: {  	_ =	shalt  }
0x5f: {  	_ =	shalt  }
0x60: {  	_ =	shalt  }
0x61: {  	_ =	shalt  }
0x62: {  	_ =	shalt  }
0x63: {  	_ =	shalt  }
0x64: {  	_ =	shalt  }
0x65: {  	_ =	shalt  }
0x66: {  	_ =	shalt  }
0x67: {  	_ =	shalt  }
0x68: {  	_ =	shalt  }
0x69: {  	_ =	shalt  }
0x6a: {  	_ =	shalt  }
0x6b: {  	_ =	shalt  }
0x6c: {  	_ =	shalt  }
0x6d: {  	_ =	shalt  }
0x6e: {  	_ =	shalt  }
0x6f: {  	_ =	shalt  }
0x70: {  	_ =	shalt  }
0x71: {  	_ =	shalt  }
0x72: {  	_ =	shalt  }
0x73: {  	_ =	shalt  }
0x74: {  	_ =	shalt  }
0x75: {  	_ =	shalt  }
0x76: {  	_ =	shalt  }
0x77: {  	_ =	shalt  }
0x78: {  	_ =	shalt  }
0x79: {  	_ =	shalt  }
0x7a: {  	_ =	shalt  }
0x7b: {  	_ =	shalt  }
0x7c: {  	_ =	shalt  }
0x7d: {  	_ =	shalt  }
0x7e: {  	_ =	shalt  }
0x7f: {  	_ =	shalt  }
0x80: {  	_ =	shalt  }
0x81: {  	_ =	shalt  }
0x82: {  	_ =	shalt  }
0x83: {  	_ =	shalt  }
0x84: {  	_ =	shalt  }
0x85: {  	_ =	shalt  }
0x86: {  	_ =	shalt  }
0x87: {  	_ =	shalt  }
.Lfunc_end0:
.L_simem_size_0:
called_computation.11_lowered:
.L_overlay_start_0:
0x88: {  	s2 =	sld [smem:$0x3FD9]  }
0x89: {  	s3 =	sld [smem:$0x3FFE];
	_ =	sdelay $0x1  }
0x8a: {  	s1 =	srdreg.scid  }
0x8b: {  	s0 =	sand.u32 $0x1, s1  }
0x8c: {  	s17 =	sshll.u32 s0, $0xA;
	s2 =	sadd.s32 s3, s2  }
0x8d: {  	s2 =	sadd.s32 s2, s17  }
0x8e: {  	[smem:$0x3FA1] =	sst s2  }
0x8f: {  	_ = 	snop  }
0x90: {  	(tm) =	ssettm $0x1  }
0x91: {  	s18 =	sld [smem:$0x3FFB];
	_ =	sdelay $0x3  }
0x92: {  	_ =	strace s18  }
0x93: {  	s2 =	sld [smem:$0x3FFC];
	_ =	sdelay $0x3  }
0x94: {  	_ =	strace s2  }
0x95: {  	s2 =	sld [smem:$0x3FFD];
	_ =	sdelay $0x3  }
0x96: {  	_ =	strace s2  }
0x97: {  	_ =	strace $0x8FFFFFFF  }
0x98: {  	s19 =	sld [smem:$0x3FDB];
	_ =	sdelay $0x1  }
0x99: {  	s20 =	simm.s32 $_scs_section_size  }
0x9a: {  	s4 =	simm.s32 $_size__tile_overlayer_lowered;
	s5 =	simm.s32 $_tile_overlayer_lowered  }
0x9b: {  	s6 =	simm.s32 $0x1BFF;
	s21 =	sshll.u32 s5, $0x1;
	s3 =	sadd.s32 s20, s19  }
0x9c: {  	s22 =	simm.s32 $0x0;
	s4 =	sshll.u32 s4, $0x1;
	s5 =	sadd.s32 s21, s3  }
0x9d: {  	[timem:s22], [sflag:s6] =	dma.local [hbm:s5], s4  }
0x9e: {  	_ =	swait.ge [sflag:s6], s4  }
0x9f: {  	s4 =	ssub.s32 $0x0, s4;
	[sflag:s6] =	ssyncset.done $0x0  }
0xa0: {  	[sflag:s6] =	ssyncadd.s32 s4;
	_ =	sdelay $0x1  }
0xa1: {  	s23 =	simm.s32 $0x1B8B  }
0xa2: {  	_ =	swait.ge [sflag:s23], $0x1  }
0xa3: {  	[sflag:s23] =	ssyncset.done $0x0  }
0xa4: {  	[sflag:s23] =	ssyncadd.s32 $0xFFFFFFFF  }
0xa5: {  	s4 =	sld [smem:$0x0]  }
0xa6: {  	s5 =	sand.u32 $0xFFFFFFFE, s1  }
0xa7: {  	p0 =	sne.s32 s1, s5  }
0xa8: {  	s5 =	sshll.u32 @p0 s5, $0xE  }
0xa9: {  	s5 =	sadd.s32 @p0 $0x11B8D, s5;
	s6 =	sshll.u32 @p0 s4, $0x11  }
0xaa: {  	s5 =	sor.u32 @p0 s6, s5  }
0xab: {  	[sflag:s5] =	ssyncadd.remote.s32 @p0 $0x1;
	_ =	sdelay $0x1  }
0xac: {  	s5 =	simm.s32 @p0 $0x1B8D  }
0xad: {  	_ =	swait.eq @p0 [sflag:s5], $0x1  }
0xae: {  	[sflag:s5] =	ssyncadd.s32 @p0 $0xFFFFFFFF  }
0xaf: {  	s6 =	sshll.u32 @!p0 s1, $0xE  }
0xb0: {  	s6 =	sor.u32 @!p0 $0x4000, s6;
	s5 =	simm.s32 @!p0 $0x1B8D  }
0xb1: {  	s4 =	sshll.u32 @!p0 s4, $0x11;
	s6 =	sadd.s32 @!p0 $0x11B8D, s6;
	_ =	swait.eq @!p0 [sflag:s5], $0x1  }
0xb2: {  	s4 =	sor.u32 @!p0 s4, s6;
	[sflag:s5] =	ssyncadd.s32 @!p0 $0xFFFFFFFF  }
0xb3: {  	s25 =	simm.s32 $0x1B8E;
	s24 =	sld [smem:$0x3FFE];
	[sflag:s4] =	ssyncadd.remote.s32 @!p0 $0x1  }
0xb4: {  	s26 =	simm.s32 $execute0_lowered;
	[smem:$0x3FD2] =	sst s25  }
0xb5: {  	s5 =	sshll.u32 s26, $0x1;
	_ =	strace $0x80000061;
	[dreg:$0x1] =	wrdreg $0xFFFFFFFF  }
0xb6: {  	s28 =	simm.s32 $_size_execute0_lowered;
	s3 =	sadd.s32 s3, s5;
	[dreg:$0x0] =	wrdreg $0x0  }
0xb7: {  	s5 =	sshll.u32 s28, $0x1;
	[dreg:$0x2] =	wrdreg s3  }
0xb8: {  	[dreg:$0x3] =	wrdreg s5  }
0xb9: {  	[dreg:$0x4] =	wrdreg $0xC0  }
0xba: {  	_ =	task [dreg:s22], $0x5FFFF  }
0xbb: {  	[dreg:$0x1] =	wrdreg $0xFFFFFFFF  }
0xbc: {  	[dreg:$0x0] =	wrdreg $0x60  }
0xbd: {  	[dreg:$0x2] =	wrdreg s24  }
0xbe: {  	[dreg:$0x3] =	wrdreg $0x9  }
0xbf: {  	_ =	task.clear_ibuf [dreg:s22], $0x4FFFF;
	_ =	strace $0x90000061  }
0xc0: {  	s29 =	simm.s32 $0x9;
	_ =	strace $0x80000063  }
0xc1: {  	_ =	swait.ge [sflag:s29], $0x1  }
0xc2: {  	[sflag:s29] =	ssyncadd.s32 $0xFFFFFFFF  }
0xc3: {  	_ =	strace $0x90000063  }
0xc4: {  	_ =	sfence  }
0xc5: {  	s30 =	sld [smem:$0x0];
	_ =	sdelay $0x2  }
0xc6: {  	s31 =	sshll.u32 s1, $0xD;
	s1 =	sshrl.u32 s1, $0x2  }
0xc7: {  	s4 =	sand.u32 $0x4000, s31;
	s1 =	sadd.s32 s1, s30  }
0xc8: {  	s0 =	sor.u32 s4, s0;
	s1 =	sshll.u32 s1, $0x11  }
0xc9: {  	s0 =	sor.u32 s1, s0  }
0xca: {  	s0 =	sadd.s32 $0x8F2B, s0  }
0xcb: {  	[sflag:s0] =	ssyncadd.remote.s32 $0x1  }
0xcc: {  	_ =	sfence.sel $0xFFFF  }
0xcd: {  	[dreg:$0x0] =	wrdreg $0xFFFFFFFF;
	(pc) =	sbr.abs _section_cstart, $3  }
0xce: {  	[dreg:$0x1] =	wrdreg $0xFFFFFFFF  }
0xcf: {  	_ =	task.clear_ibuf [dreg:s22], $0x2FFFF;
	_ =	strace $0x9FFFFFFF  }
0xd0: {  	(tm) =	ssettm $0x7FFFFFFF  }
0xd1: {  	_ =	shalt  }
tec
execute0_lowered:
.L_overlay_start_1:
0x0: {  	(tag) =	ssettag $0x1  }
0x1: {  	s4 =	rddreg [dreg:$0x0]  }
0x2: {  	s0 =	rddreg [dreg:$0x1];
	s2 =	simm.s32 $0x0;
	s1 =	stileid.u32  }
0x3: {  	s3 =	srdreg.scid;
	s10 =	simm.s32 $0x0;
	s6 =	smul.u32 $0x186A0, s1  }
0x4: {  	[smem:$0x7FF] =	sst s2;
	s5 =	sand.u32 $0x1, s3;
	s8 =	smul.u32 $0x30D40, s1  }
0x5: {  	s3 =	sadd.s32 $0xC0EA00, s4;
	s7 =	smul.u32 $0xC350, s5;
	s9 =	ssub.s32 $0x2, s5  }
0x6: {  	_ =	strace $0x80000062;
	s5 =	smul.u32 $0x186A0, s5;
	s31 =	sshrl.u32 s9, $0x1  }
0x7: {  	s8 =	sadd.s32 s8, s4;
	s6 =	sadd.s32 s7, s6;
	s7 =	ssub.s32 s9, s31  }
0x8: {  	s5 =	sadd.s32 s5, s8;
	s8 =	simm.s32 $0x3E8;
	s6 =	sshrl.u32 s6, $0x3  }
0x9: {  	s9 =	simm.s32 $0x1;
	s5 =	sadd.s32 $0x96000, s5;
	s6 =	sadd.s32 s6, s4  }
0xa: {  	s4 =	smax.u32 s7, $0x1;
	s7 =	simm.s32 $0x2;
	s6 =	sadd.s32 $0x34400, s6  }
.LBB2_1:
0xb: {  	s11 =	sadd.s32 $0x0, s6  }
0xc: {  	[tilespmem:s2], [sflag:$0x2] =	stream.linear.gather [hbm4b:s11+s2], $0x3E8, $0x38;
	[tilespmem:$0x4268] =	vst v63  }
0xd: {  	_ =	swait.ge [sflag:s7], $0x3E8  }
0xe: {  	[sflag:s7] =	ssyncset.done $0x0  }
0xf: {  	[sflag:s7] =	ssyncadd.s32 $0xFFFFFC18  }
0x10: {  	[tilespmem:s8], [sflag:$0x1] =	stream.indirect.gather [hbm4b:s3+s8], $0x10, s2, s8, $0xb8;
	[tilespmem:$0x4268] =	vst v63  }
0x11: {  	_ =	swait.ge [sflag:s9], $0x3E80  }
0x12: {  	[sflag:s9] =	ssyncset.done $0x0  }
0x13: {  	[sflag:s9] =	ssyncadd.s32 $0xFFFFC180  }
0x14: {  	[hbm4b:s5+s2] =	stream.linear.scatter [tilespmem:s8], [sflag:$0x2], $0x3E80, $0x38;
	[tilespmem:$0x4268] =	vst v63  }
0x15: {  	s12 =	simm.s32 $0x7D;
	_ =	swait.ge [sflag:s7], $0x3E80  }
0x16: {  	s13 =	simm.s32 $0xFA;
	s11 =	sadd.s32 $0x7D0, s5;
	[sflag:s7] =	ssyncset.done $0x0  }
.LBB2_2:
0x17: {  	s14 =	sadd.s32 s12, s6  }
0x18: {  	[sflag:s7] =	ssyncadd.s32 $0xFFFFC180;
	s12 =	smov.u32 s13;
	s15 =	sadd.s32 $0x7D, s13  }
0x19: {  	[tilespmem:s2], [sflag:$0x2] =	stream.linear.gather [hbm4b:s14+s2], $0x3E8, $0x38;
	[tilespmem:$0x4268] =	vst v63  }
0x1a: {  	p0 =	sne.s32 s13, $0x17ED;
	_ =	swait.ge [sflag:s7], $0x3E8  }
0x1b: {  	[sflag:s7] =	ssyncset.done $0x0  }
0x1c: {  	[sflag:s7] =	ssyncadd.s32 $0xFFFFFC18  }
0x1d: {  	[tilespmem:s8], [sflag:$0x1] =	stream.indirect.gather [hbm4b:s3+s8], $0x10, s2, s8, $0xb8;
	[tilespmem:$0x4268] =	vst v63  }
0x1e: {  	_ =	swait.ge [sflag:s9], $0x3E80  }
.Ltmp0:
0x1f: {  	[sflag:s9] =	ssyncset.done $0x0;
	(pc) =	sbr.rel @p0 .LBB2_2-.Ltmp0, $4  }
0x20: {  	[sflag:s9] =	ssyncadd.s32 $0xFFFFC180  }
0x21: {  	[hbm4b:s11+s2] =	stream.linear.scatter [tilespmem:s8], [sflag:$0x2], $0x3E80, $0x38;
	[tilespmem:$0x4268] =	vst v63  }
0x22: {  	_ =	swait.ge [sflag:s7], $0x3E80  }
0x23: {  	s13 =	smov.u32 s15;
	s11 =	sadd.s32 $0x7D0, s11;
	[sflag:s7] =	ssyncset.done $0x0  }
0x24: {  	s12 =	sadd.s32 s12, s6;
	[sflag:s7] =	ssyncadd.s32 $0xFFFFC180  }
0x25: {  	[tilespmem:s2], [sflag:$0x2] =	stream.linear.gather [hbm4b:s12+s2], $0x3E8, $0x38;
	[tilespmem:$0x4268] =	vst v63  }
0x26: {  	_ =	swait.ge [sflag:s7], $0x3E8  }
0x27: {  	[sflag:s7] =	ssyncset.done $0x0  }
0x28: {  	[sflag:s7] =	ssyncadd.s32 $0xFFFFFC18  }
0x29: {  	[tilespmem:s8], [sflag:$0x1] =	stream.indirect.gather [hbm4b:s3+s8], $0x10, s2, s8, $0xb8;
	[tilespmem:$0x4268] =	vst v63  }
0x2a: {  	s10 =	sadd.s32 $0x1, s10;
	_ =	swait.ge [sflag:s9], $0x3E80  }
0x2b: {  	p0 =	sne.s32 s10, s4;
	[sflag:s9] =	ssyncset.done $0x0  }
.Ltmp1:
0x2c: {  	[sflag:s9] =	ssyncadd.s32 $0xFFFFC180;
	(pc) =	sbr.rel @p0 .LBB2_1-.Ltmp1, $4  }
0x2d: {  	[hbm4b:s11+s2] =	stream.linear.scatter [tilespmem:s8], [sflag:$0x2], $0x3E80, $0x38;
	[tilespmem:$0x4268] =	vst v63  }
0x2e: {  	_ =	swait.ge [sflag:s7], $0x3E80  }
0x2f: {  	[sflag:s7] =	ssyncset.done $0x0  }
0x30: {  	[sflag:s7] =	ssyncadd.s32 $0xFFFFC180  }
0x31: {  	_ =	sfence.sel $0x180000  }
0x32: {  	[bflag:$0x0] =	sbarrier.arrive $0xFFFF  }
0x33: {  	p0 =	sne.s32 s1, $0x0;
	_ =	strace $0x90000062  }
0x34: {  	s0 =	sadd.s32 @!p0 $0x100000, s0;
	[bflag:$0x2] =	sbarrier.arrive $0xFFFF  }
0x35: {  	[sflag:s0] =	ssyncadd.tile.s32 @!p0 $0x1;
	_ =	shalt  }
.Lfunc_end2:
_tile_overlayer_lowered:
.L_overlay_start_2:
0x36: {  	(tag) =	ssettag $0x2  }
0x37: {  	s0 =	rddreg [dreg:$0x0];
	s2 =	stileid.u32  }
0x38: {  	s1 =	rddreg [dreg:$0x1];
	p0 =	sne.s32 s2, $0x0  }
0x39: {  	s3 =	rddreg [dreg:$0x2];
	[bflag:$0x3] =	sbarrier.arrive $0xFFFF;
	s2 =	simm.s32 @!p0 $0x1C02  }
0x3a: {  	[timem:s3], [sflag:s2] =	dma.local @!p0 [hbm:s0], s1  }
0x3b: {  	s0 =	simm.s32 @!p0 $0x2  }
0x3c: {  	_ =	swait.ge @!p0 [sflag:s0], s1  }
0x3d: {  	s1 =	ssub.s32 @!p0 $0x0, s1;
	[sflag:s0] =	ssyncset.done @!p0 $0x0  }
0x3e: {  	[sflag:s0] =	ssyncadd.s32 @!p0 s1  }
0x3f: {  	[bflag:$0x3] =	sbarrier.arrive $0xFFFF  }
0x40: {  	_ =	shalt  }

// kernel: sparse-core-data-format-call.cloned.1.call-start
scs
called_computation_lowered:
.L_overlay_start_0:
0x0: {  	s2 =	sld [smem:$0x3FD9]  }
0x1: {  	s3 =	sld [smem:$0x3FFE];
	_ =	sdelay $0x1  }
0x2: {  	s1 =	srdreg.scid  }
0x3: {  	s0 =	sand.u32 $0x1, s1  }
0x4: {  	s15 =	sshll.u32 s0, $0xA;
	s2 =	sadd.s32 s3, s2  }
0x5: {  	s2 =	sadd.s32 s2, s15  }
0x6: {  	[smem:$0x3FA1] =	sst s2  }
0x7: {  	_ = 	snop  }
0x8: {  	s2 =	sld [smem:$0x3FD0];
	_ =	sdelay $0x2  }
0x9: {  	s16 =	simm.s32 $0xD;
	s4 =	simm.s32 $0x10  }
0xa: {  	[smem:s4], [sflag:s16] =	dma.local [hbm:s2], $0x1  }
0xb: {  	_ =	swait.eq [sflag:s16], $0x1  }
0xc: {  	[sflag:s16] =	ssyncset.done $0x0  }
0xd: {  	[sflag:s16] =	ssyncadd.s32 $0xFFFFFFFF  }
0xe: {  	s17 =	sld [smem:$0x12];
	(tm) =	ssettm $0x1  }
0xf: {  	s18 =	sld [smem:$0x3FFB];
	_ =	sdelay $0x3  }
0x10: {  	_ =	strace s18  }
0x11: {  	s3 =	sld [smem:$0x3FFC];
	_ =	sdelay $0x3  }
0x12: {  	_ =	strace s3  }
0x13: {  	s3 =	sld [smem:$0x3FFD];
	_ =	sdelay $0x3  }
0x14: {  	_ =	strace s3  }
0x15: {  	_ =	strace $0x8FFFFFFF  }
0x16: {  	s19 =	sld [smem:$0x3FDB];
	_ =	sdelay $0x1  }
0x17: {  	s20 =	simm.s32 $_scs_section_size  }
0x18: {  	s5 =	simm.s32 $_size__tile_overlayer_lowered;
	s6 =	simm.s32 $_tile_overlayer_lowered  }
0x19: {  	s23 =	simm.s32 $0x1BFF;
	s22 =	sshll.u32 s6, $0x1;
	s3 =	sadd.s32 s20, s19  }
0x1a: {  	s7 =	simm.s32 $0x0;
	s21 =	sshll.u32 s5, $0x1;
	s5 =	sadd.s32 s22, s3  }
0x1b: {  	[timem:s7], [sflag:s23] =	dma.local [hbm:s5], s21  }
0x1c: {  	_ =	swait.ge [sflag:s23], s21  }
0x1d: {  	s4 =	ssub.s32 $0x0, s21;
	[sflag:s23] =	ssyncset.done $0x0  }
0x1e: {  	[sflag:s23] =	ssyncadd.s32 s4;
	_ =	sdelay $0x1  }
0x1f: {  	s24 =	simm.s32 $0x1B8B  }
0x20: {  	_ =	swait.ge [sflag:s24], $0x1  }
0x21: {  	[sflag:s24] =	ssyncset.done $0x0  }
0x22: {  	s26 =	simm.s32 $0x1B8E;
	s25 =	sld [smem:$0x3FFE];
	[sflag:s24] =	ssyncadd.s32 $0xFFFFFFFF  }
0x23: {  	s27 =	simm.s32 $execute0_lowered;
	[smem:$0x3FD2] =	sst s26  }
0x24: {  	s5 =	sshll.u32 s27, $0x1;
	_ =	strace $0x80000067;
	[dreg:$0x1] =	wrdreg $0xFFFFFFFF  }
0x25: {  	s28 =	simm.s32 $_size_execute0_lowered;
	s3 =	sadd.s32 s3, s5;
	[dreg:$0x0] =	wrdreg $0x0  }
0x26: {  	s5 =	sshll.u32 s28, $0x1;
	[dreg:$0x2] =	wrdreg s3  }
0x27: {  	[dreg:$0x3] =	wrdreg s5  }
0x28: {  	[dreg:$0x4] =	wrdreg $0xC0  }
0x29: {  	_ =	task [dreg:s7], $0x5FFFF  }
0x2a: {  	[dreg:$0x1] =	wrdreg $0xFFFFFFFF  }
0x2b: {  	[dreg:$0x0] =	wrdreg $0x60  }
0x2c: {  	[dreg:$0x2] =	wrdreg s25  }
0x2d: {  	[dreg:$0x3] =	wrdreg s17  }
0x2e: {  	[dreg:$0x4] =	wrdreg $0x9  }
0x2f: {  	_ =	task.clear_ibuf [dreg:s7], $0x5FFFF;
	_ =	strace $0x90000067  }
0x30: {  	s29 =	simm.s32 $0x9;
	_ =	strace $0x80000069  }
0x31: {  	_ =	swait.ge [sflag:s29], $0x1  }
0x32: {  	[sflag:s29] =	ssyncadd.s32 $0xFFFFFFFF  }
0x33: {  	_ =	strace $0x90000069  }
0x34: {  	_ =	sfence  }
0x35: {  	s30 =	sld [smem:$0x0];
	_ =	sdelay $0x2  }
0x36: {  	s31 =	sshll.u32 s1, $0xD;
	s1 =	sshrl.u32 s1, $0x2  }
0x37: {  	s3 =	sand.u32 $0x4000, s31;
	s1 =	sadd.s32 s1, s30  }
0x38: {  	s0 =	sor.u32 s3, s0;
	s1 =	sshll.u32 s1, $0x11  }
0x39: {  	s0 =	sor.u32 s1, s0  }
0x3a: {  	s0 =	sadd.s32 $0x8F2B, s0  }
0x3b: {  	[sflag:s0] =	ssyncadd.remote.s32 $0x1  }
0x3c: {  	_ =	sfence.sel $0xFFFF  }
0x3d: {  	[dreg:$0x0] =	wrdreg $0xFFFFFFFF;
	(pc) =	sbr.abs _section_cstart, $3  }
0x3e: {  	[dreg:$0x1] =	wrdreg $0xFFFFFFFF  }
0x3f: {  	_ =	task.clear_ibuf [dreg:s7], $0x2FFFF;
	_ =	strace $0x9FFFFFFF  }
0x40: {  	(tm) =	ssettm $0x7FFFFFFF  }
0x41: {  	_ =	shalt  }
tec
execute0_lowered:
.L_overlay_start_1:
0x0: {  	(tag) =	ssettag $0x1  }
0x1: {  	s0 =	srdreg.scid  }
0x2: {  	s1 =	sshll.u32 s0, $0x4  }
0x3: {  	s6 =	rddreg [dreg:$0x0];
	s0 =	stileid.u32;
	s1 =	sand.u32 $0x10, s1  }
0x4: {  	s3 =	rddreg [dreg:$0x1];
	s1 =	sor.u32 s0, s1  }
0x5: {  	s7 =	simm.s32 $0x1;
	s8 =	simm.s32 $0x2;
	s2 =	sshll.u32 s1, $0x7  }
0x6: {  	s10 =	simm.s32 $0x0;
	s9 =	simm.s32 $0x0;
	s5 =	ssub.s32 $0x186A00, s2  }
.Ltmp0:
0x7: {  	s6 =	sadd.s32 $0x9BDC00, s6;
	s4 =	sand.u32 $0xF80, s5;
	(pc) =	sbr.rel .LBB1_1-.Ltmp0, $4  }
0x8: {  	s1 =	rddreg [dreg:$0x2];
	_ =	strace $0x80000068;
	p0 =	sne.s32 s4, $0x0  }
0x9: {  	s5 =	sshrl.u32 s5, $0xC;
	s4 =	simm.s32 $0x1;
	s7 =	simm.s32 @!p0 $0x0  }
0xa: {  	[sflag:s4] =	ssyncpa.u1 $0x0;
	p0 =	por $0x0, $0x0;
	s5 =	sadd.s32 s7, s5  }
0xb: {  	[sflag:s8] =	ssyncpa.u1 $0x0;
	s8 =	smov.u32 s2;
	s7 =	sadd.s32 $0x1, s5  }
.LBB1_4:
0xc: {  	[tilespmem:s20+$0xFFFFFFFA ss:$0x81] =	vst.msk $0xff, v4  }
0xd: {  	v4 =	vld.msk [tilespmem:s21+$0xFFFFFFF0], $0xff;
	_ =	sdelay $0x3  }
0xe: {  	[tilespmem:s18+$0xFFFFFFFB ss:$0x81] =	vst.msk $0xff, v3  }
0xf: {  	v3 =	vld.msk [tilespmem:s19+$0xFFFFFFF8], $0xff;
	[tilespmem:s20+$0xFFFFFFFB ss:$0x81] =	vst.msk $0xff, v4  }
0x10: {  	v4 =	vld.msk [tilespmem:s21+$0xFFFFFFF8], $0xff;
	_ =	sdelay $0x3  }
0x11: {  	v5 =	vld.msk [tilespmem:s17+$0x0], $0xff;
	[tilespmem:s18+$0xFFFFFFFC ss:$0x81] =	vst.msk $0xff, v3  }
0x12: {  	v3 =	vld.msk [tilespmem:s19+$0x0], $0xff;
	[tilespmem:s20+$0xFFFFFFFC ss:$0x81] =	vst.msk $0xff, v4  }
0x13: {  	v4 =	vld.msk [tilespmem:s21+$0x0], $0xff;
	_ =	sdelay $0x2  }
0x14: {  	[tilespmem:s16+$0xFFFFFFFD ss:$0x81] =	vst.msk $0xff, v5  }
0x15: {  	v5 =	vld.msk [tilespmem:s17+$0x8], $0xff;
	[tilespmem:s18+$0xFFFFFFFD ss:$0x81] =	vst.msk $0xff, v3  }
0x16: {  	v3 =	vld.msk [tilespmem:s19+$0x8], $0xff;
	[tilespmem:s20+$0xFFFFFFFD ss:$0x81] =	vst.msk $0xff, v4  }
0x17: {  	v4 =	vld.msk [tilespmem:s21+$0x8], $0xff;
	_ =	sdelay $0x1  }
0x18: {  	[tilespmem:s13+$0xFFFFFFFE ss:$0x81] =	vst.msk $0xff, v2  }
0x19: {  	v2 =	vld.msk [tilespmem:s15+$0x10], $0xff;
	[tilespmem:s16+$0xFFFFFFFE ss:$0x81] =	vst.msk $0xff, v5  }
0x1a: {  	v5 =	vld.msk [tilespmem:s17+$0x10], $0xff;
	[tilespmem:s18+$0xFFFFFFFE ss:$0x81] =	vst.msk $0xff, v3  }
0x1b: {  	v3 =	vld.msk [tilespmem:s19+$0x10], $0xff;
	[tilespmem:s20+$0xFFFFFFFE ss:$0x81] =	vst.msk $0xff, v4  }
0x1c: {  	s23 =	sshll.u32 s10, $0x3;
	v4 =	vld.msk [tilespmem:s21+$0x10], $0xff  }
0x1d: {  	[tilespmem:s12+$0xFFFFFFFF ss:$0x81] =	vst.msk $0xff, v1;
	s23 =	sand.u32 $0xFFFFFC00, s23  }
0x1e: {  	v1 =	vld.msk [tilespmem:s14+$0x18], $0xff;
	s27 =	sshrl.u32 s23, $0x9;
	[tilespmem:s13+$0xFFFFFFFF ss:$0x81] =	vst.msk $0xff, v2  }
0x1f: {  	s14 =	smulhi.u32 $0xA7C5AD, s27;
	v2 =	vld.msk [tilespmem:s15+$0x18], $0xff;
	[tilespmem:s16+$0xFFFFFFFF ss:$0x81] =	vst.msk $0xff, v5  }
0x20: {  	v61 =	vld.msk [tilespmem:s17+$0x18], $0xff;
	[tilespmem:s18+$0xFFFFFFFF ss:$0x81] =	vst.msk $0xff, v3  }
0x21: {  	s14 =	sshrl.u32 s14, $0x3;
	v62 =	vld.msk [tilespmem:s19+$0x18], $0xff;
	[tilespmem:s20+$0xFFFFFFFF ss:$0x81] =	vst.msk $0xff, v4  }
0x22: {  	[tilespmem:s11+$0x0 ss:$0x81] =	vst.msk $0xff, v0;
	s28 =	sand.u32 $0x7F, s10;
	s29 =	smul.u32 $0x186A00, s14;
	v63 =	vld.msk [tilespmem:s21+$0x18], $0xff  }
0x23: {  	s10 =	sor.u32 s28, s23;
	[tilespmem:s12+$0x0 ss:$0x81] =	vst.msk $0xff, v1  }
0x24: {  	s30 =	sand.u32 $0x7, s14;
	s10 =	ssub.s32 s10, s29;
	[tilespmem:s13+$0x0 ss:$0x81] =	vst.msk $0xff, v2  }
0x25: {  	s11 =	smul.u32 $0x30D40, s30;
	s31 =	sshrl.u32 s10, $0x3;
	[tilespmem:s16+$0x0 ss:$0x81] =	vst.msk $0xff, v61  }
0x26: {  	s12 =	sadd.s32 s3, s31;
	[tilespmem:s18+$0x0 ss:$0x81] =	vst.msk $0xff, v62  }
0x27: {  	s10 =	sand.u32 $0x7, s10;
	s11 =	sadd.s32 s11, s12;
	[tilespmem:s20+$0x0 ss:$0x81] =	vst.msk $0xff, v63  }
0x28: {  	[hbm4b:s11+s10] =	stream.linear.scatter [tilespmem:s22], [sflag:$0x2], $0x400, $0x20;
	[tilespmem:$0x1010] =	vst v63  }
.LBB1_5:
0x29: {  	s12 =	sadd.s32 $0x1000, s8  }
0x2a: {  	p2 =	sgt.s32 s12, $0x1869FF  }
0x2b: {  	s12 =	smov.u32 @p2 s2;
	p2 =	sne.s32 s9, s7  }
.Ltmp1:
0x2c: {  	p1 =	slt.u32 s9, $0x2;
	(pc) =	sbr.rel @!p2 .LBB1_6-.Ltmp1, $4  }
0x2d: {  	s11 =	simm.s32 @!p1 $0x2  }
0x2e: {  	s13 =	sadd.s32 $0x1, s9;
	_ =	swait.ge @!p1 [sflag:s11], $0x400  }
0x2f: {  	s10 =	smov.u32 s8;
	p0 =	por !p0, !p0;
	[sflag:s11] =	ssyncset.done @!p1 $0x0  }
0x30: {  	s9 =	smov.u32 s13;
	s8 =	smov.u32 s12;
	[sflag:s11] =	ssyncadd.s32 @!p1 $0xFFFFFC00  }
.LBB1_1:
0x31: {  	p1 =	sge.u32 s9, s5  }
0x32: {  	s11 =	sand.u32 @!p1 $0x1FFFFFF, s8  }
0x33: {  	s12 =	smulhi.u32 @!p1 $0x14F8B59, s11;
	_ =	sdelay $0x1  }
0x34: {  	s12 =	sshrl.u32 @!p1 s12, $0xD  }
0x35: {  	s12 =	smul.u32 @!p1 $0x186A00, s12;
	_ =	sdelay $0x1  }
0x36: {  	s31 =	sadd.s32 $0xFFFFFFFF, s9;
	s13 =	sxor.u32 @!p1 $0xFFFFFFFF, s9;
	s11 =	ssub.s32 @!p1 s11, s12  }
0x37: {  	s14 =	simm.s32 @!p1 $0x80;
	s13 =	sshll.u32 @!p1 s13, $0xA;
	s11 =	sshll.u32 @!p1 s11, $0x4  }
0x38: {  	s12 =	sand.u32 @!p1 $0x400, s13;
	s13 =	simm.s32 @!p1 $0x8;
	s11 =	sadd.s32 @!p1 s6, s11  }
0x39: {  	[tilespmem:s12], [sflag:$0x1] =	stream.strided.gather @!p1 [hbm4b:s11+s13], $0x400, s14, s13, $0x38;
	[tilespmem:$0x1010] =	vst v63  }
0x3a: {  	p1 =	sge.u32 s31, s5  }
.Ltmp2:
0x3b: {  	_ = 	snop;
	(pc) =	sbr.rel @p1 .LBB1_5-.Ltmp2, $1  }
0x3c: {  	_ =	sdelay $0x3  }
0x3d: {  	s11 =	simm.s32 $0x1  }
0x3e: {  	_ =	swait.ge [sflag:s4], $0x400;
	s11 =	simm.s32 @!p0 $0x0  }
0x3f: {  	[sflag:s4] =	ssyncset.done $0x0;
	s12 =	sshll.u32 s11, $0xA  }
0x40: {  	[sflag:s4] =	ssyncadd.s32 $0xFFFFFC00;
	s20 =	sor.u32 $0x20, s12  }
0x41: {  	v0 =	vld.msk [tilespmem:s20+$0xFFFFFFE0], $0xff  }
0x42: {  	s11 =	smul.u32 $0x1020, s11;
	_ =	sdelay $0x1  }
0x43: {  	s11 =	sshrl.u32 s11, $0x2  }
0x44: {  	s11 =	sor.u32 $0x807, s11  }
0x45: {  	[tilespmem:s11+$0xFFFFFFF9 ss:$0x81] =	vst.msk $0xff, v0  }
0x46: {  	v0 =	vld.msk [tilespmem:s20+$0xFFFFFFE8], $0xff  }
0x47: {  	s14 =	sadd.s32 $0x40, s20  }
0x48: {  	v1 =	vld.msk [tilespmem:s14+$0xFFFFFFE0], $0xff;
	_ =	sdelay $0x2  }
0x49: {  	[tilespmem:s11+$0xFFFFFFFA ss:$0x81] =	vst.msk $0xff, v0  }
0x4a: {  	s12 =	sadd.s32 $0x8, s11;
	v0 =	vld.msk [tilespmem:s20+$0xFFFFFFF0], $0xff  }
0x4b: {  	[tilespmem:s12+$0xFFFFFFF9 ss:$0x81] =	vst.msk $0xff, v1  }
0x4c: {  	v1 =	vld.msk [tilespmem:s14+$0xFFFFFFE8], $0xff  }
0x4d: {  	s15 =	sadd.s32 $0x40, s14  }
0x4e: {  	v2 =	vld.msk [tilespmem:s15+$0xFFFFFFE0], $0xff  }
0x4f: {  	[tilespmem:s11+$0xFFFFFFFB ss:$0x81] =	vst.msk $0xff, v0  }
0x50: {  	v0 =	vld.msk [tilespmem:s20+$0xFFFFFFF8], $0xff  }
0x51: {  	[tilespmem:s12+$0xFFFFFFFA ss:$0x81] =	vst.msk $0xff, v1  }
0x52: {  	s13 =	sadd.s32 $0x8, s12;
	v1 =	vld.msk [tilespmem:s14+$0xFFFFFFF0], $0xff  }
0x53: {  	[tilespmem:s13+$0xFFFFFFF9 ss:$0x81] =	vst.msk $0xff, v2  }
0x54: {  	s17 =	sadd.s32 $0x40, s15;
	v2 =	vld.msk [tilespmem:s15+$0xFFFFFFE8], $0xff  }
0x55: {  	[tilespmem:s11+$0xFFFFFFFC ss:$0x81] =	vst.msk $0xff, v0;
	v0 =	vld.msk [tilespmem:s17+$0xFFFFFFE0], $0xff  }
0x56: {  	v3 =	vld.msk [tilespmem:s20+$0x0], $0xff  }
0x57: {  	[tilespmem:s12+$0xFFFFFFFB ss:$0x81] =	vst.msk $0xff, v1  }
0x58: {  	v1 =	vld.msk [tilespmem:s14+$0xFFFFFFF8], $0xff  }
0x59: {  	s16 =	sadd.s32 $0x8, s13;
	[tilespmem:s13+$0xFFFFFFFA ss:$0x81] =	vst.msk $0xff, v2  }
0x5a: {  	v2 =	vld.msk [tilespmem:s15+$0xFFFFFFF0], $0xff;
	[tilespmem:s16+$0xFFFFFFF9 ss:$0x81] =	vst.msk $0xff, v0  }
0x5b: {  	v0 =	vld.msk [tilespmem:s17+$0xFFFFFFE8], $0xff;
	[tilespmem:s11+$0xFFFFFFFD ss:$0x81] =	vst.msk $0xff, v3  }
0x5c: {  	s19 =	sadd.s32 $0x40, s17;
	v3 =	vld.msk [tilespmem:s20+$0x8], $0xff  }
0x5d: {  	[tilespmem:s12+$0xFFFFFFFC ss:$0x81] =	vst.msk $0xff, v1;
	v1 =	vld.msk [tilespmem:s19+$0xFFFFFFE0], $0xff  }
0x5e: {  	v4 =	vld.msk [tilespmem:s14+$0x0], $0xff  }
0x5f: {  	[tilespmem:s13+$0xFFFFFFFB ss:$0x81] =	vst.msk $0xff, v2  }
0x60: {  	v2 =	vld.msk [tilespmem:s15+$0xFFFFFFF8], $0xff;
	[tilespmem:s16+$0xFFFFFFFA ss:$0x81] =	vst.msk $0xff, v0  }
0x61: {  	s18 =	sadd.s32 $0x8, s16;
	v0 =	vld.msk [tilespmem:s17+$0xFFFFFFF0], $0xff;
	[tilespmem:s11+$0xFFFFFFFE ss:$0x81] =	vst.msk $0xff, v3  }
0x62: {  	[tilespmem:s18+$0xFFFFFFF9 ss:$0x81] =	vst.msk $0xff, v1;
	v1 =	vld.msk [tilespmem:s20+$0x10], $0xff  }
0x63: {  	[tilespmem:s12+$0xFFFFFFFD ss:$0x81] =	vst.msk $0xff, v4;
	v3 =	vld.msk [tilespmem:s19+$0xFFFFFFE8], $0xff  }
0x64: {  	s21 =	sadd.s32 $0x40, s19;
	v4 =	vld.msk [tilespmem:s14+$0x8], $0xff  }
0x65: {  	[tilespmem:s13+$0xFFFFFFFC ss:$0x81] =	vst.msk $0xff, v2;
	v2 =	vld.msk [tilespmem:s21+$0xFFFFFFE0], $0xff  }
0x66: {  	v5 =	vld.msk [tilespmem:s15+$0x0], $0xff;
	[tilespmem:s16+$0xFFFFFFFB ss:$0x81] =	vst.msk $0xff, v0  }
0x67: {  	v6 =	vld.msk [tilespmem:s17+$0xFFFFFFF8], $0xff;
	[tilespmem:s11+$0xFFFFFFFF ss:$0x81] =	vst.msk $0xff, v1  }
0x68: {  	s22 =	sand.u32 $0x1, s9;
	[tilespmem:s18+$0xFFFFFFFA ss:$0x81] =	vst.msk $0xff, v3;
	v0 =	vld.msk [tilespmem:s20+$0x18], $0xff  }
0x69: {  	s22 =	smul.u32 $0x1020, s22;
	[tilespmem:s12+$0xFFFFFFFE ss:$0x81] =	vst.msk $0xff, v4;
	v3 =	vld.msk [tilespmem:s19+$0xFFFFFFF0], $0xff;
	s20 =	sadd.s32 $0x8, s18  }
0x6a: {  	v1 =	vld.msk [tilespmem:s14+$0x10], $0xff;
	[tilespmem:s20+$0xFFFFFFF9 ss:$0x81] =	vst.msk $0xff, v2  }
0x6b: {  	s22 =	sshrl.u32 s22, $0x2;
	[tilespmem:s13+$0xFFFFFFFD ss:$0x81] =	vst.msk $0xff, v5;
	v4 =	vld.msk [tilespmem:s21+$0xFFFFFFE8], $0xff  }
0x6c: {  	s23 =	simm.s32 $0x28;
	s22 =	sor.u32 $0x800, s22;
	s24 =	sadd.s32 $0x40, s21;
	v2 =	vld.msk [tilespmem:s15+$0x8], $0xff;
	[tilespmem:s16+$0xFFFFFFFC ss:$0x81] =	vst.msk $0xff, v6  }
.LBB1_3:
0x6d: {  	v5 =	vld.msk [tilespmem:s24+$0xFFFFFFE0], $0xff;
	[tilespmem:s11+$0x0 ss:$0x81] =	vst.msk $0xff, v0;
	s11 =	smov.u32 s12;
	s12 =	smov.u32 s13;
	s13 =	smov.u32 s16  }
0x6e: {  	s23 =	sadd.s32 $0x8, s23;
	s16 =	smov.u32 s18;
	[tilespmem:s18+$0xFFFFFFFB ss:$0x81] =	vst.msk $0xff, v3;
	v6 =	vld.msk [tilespmem:s17+$0x0], $0xff;
	s18 =	smov.u32 s20  }
0x6f: {  	p1 =	slt.u32 s23, $0x78;
	v7 =	vld.msk [tilespmem:s19+$0xFFFFFFF8], $0xff;
	[tilespmem:s11+$0xFFFFFFFF ss:$0x81] =	vst.msk $0xff, v1  }
.Ltmp3:
0x70: {  	[tilespmem:s20+$0xFFFFFFFA ss:$0x81] =	vst.msk $0xff, v4;
	v0 =	vld.msk [tilespmem:s14+$0x18], $0xff;
	s14 =	smov.u32 s15;
	s15 =	smov.u32 s17;
	(pc) =	sbr.rel @p1 .LBB1_3-.Ltmp3, $4  }
0x71: {  	s20 =	sadd.s32 $0x8, s20;
	s17 =	smov.u32 s19;
	s19 =	smov.u32 s21;
	v3 =	vld.msk [tilespmem:s21+$0xFFFFFFF0], $0xff;
	[tilespmem:s12+$0xFFFFFFFE ss:$0x81] =	vst.msk $0xff, v2  }
0x72: {  	s21 =	smov.u32 s24;
	[tilespmem:s20+$0xFFFFFFF9 ss:$0x81] =	vst.msk $0xff, v5;
	v1 =	vld.msk [tilespmem:s14+$0x10], $0xff  }
0x73: {  	v4 =	vld.msk [tilespmem:s24+$0xFFFFFFE8], $0xff;
	[tilespmem:s13+$0xFFFFFFFD ss:$0x81] =	vst.msk $0xff, v6  }
0x74: {  	s24 =	sadd.s32 $0x40, s24;
	[tilespmem:s16+$0xFFFFFFFC ss:$0x81] =	vst.msk $0xff, v7;
	v2 =	vld.msk [tilespmem:s15+$0x8], $0xff  }
.Ltmp4:
0x75: {  	_ = 	snop;
	(pc) =	sbr.rel .LBB1_4-.Ltmp4, $1  }
0x76: {  	_ =	sdelay $0x3  }
.LBB1_6:
0x77: {  	_ =	sfence.sel $0x180000  }
0x78: {  	s2 =	simm.s32 $0x1;
	[bflag:$0x0] =	sbarrier.arrive $0xFFFF  }
0x79: {  	s31 =	simm.s32 $0x2;
	[sflag:s2] =	ssyncpa.u1 $0x1  }
0x7a: {  	[sflag:s31] =	ssyncpa.u1 $0x1  }
0x7b: {  	p0 =	sne.s32 s0, $0x0;
	_ =	strace $0x90000068  }
0x7c: {  	s0 =	sadd.s32 @!p0 $0x100000, s1;
	[bflag:$0x2] =	sbarrier.arrive $0xFFFF  }
0x7d: {  	[sflag:s0] =	ssyncadd.tile.s32 @!p0 $0x1;
	_ =	shalt  }
.Lfunc_end1:
_tile_overlayer_lowered:
.L_overlay_start_2:
0x7e: {  	(tag) =	ssettag $0x2  }
0x7f: {  	s0 =	rddreg [dreg:$0x0];
	s2 =	stileid.u32  }
0x80: {  	s1 =	rddreg [dreg:$0x1];
	p0 =	sne.s32 s2, $0x0  }
0x81: {  	s3 =	rddreg [dreg:$0x2];
	[bflag:$0x3] =	sbarrier.arrive $0xFFFF;
	s2 =	simm.s32 @!p0 $0x1C01  }
0x82: {  	[timem:s3], [sflag:s2] =	dma.local @!p0 [hbm:s0], s1  }
0x83: {  	s0 =	simm.s32 @!p0 $0x1  }
0x84: {  	_ =	swait.ge @!p0 [sflag:s0], s1  }
0x85: {  	s1 =	ssub.s32 @!p0 $0x0, s1;
	[sflag:s0] =	ssyncset.done @!p0 $0x0  }
0x86: {  	[sflag:s0] =	ssyncadd.s32 @!p0 s1  }
0x87: {  	[bflag:$0x3] =	sbarrier.arrive $0xFFFF  }
0x88: {  	_ =	shalt  }

</sc_bundles>
